<compile_context>
chip_gen: v7x
topology: tpu7x:2x2x1
jax: 0.10.2.dev20260603
libtpu: 0.0.44.dev20260713+nightly
codegen_flags: <defaults>
</compile_context>

<pallas_src>
import jax
import jax.numpy as jnp
from jax import lax
from jax.experimental import pallas as pl
from jax.experimental.pallas import tpu as pltpu
from jax.experimental.pallas import tpu_sc as plsc

K = 8
BASE = 4
B = 128
L = 8192
NUM_BINS = BASE**K
NUM_WIN = L - K + 1
LANES = 16
NUM_WORKERS = 32
ROWS_PER_TILE = B // NUM_WORKERS

CHUNK = 257
NUM_CODE_VECS = 2 * CHUNK
HIST_PAD = 16 * CHUNK * 16 - NUM_BINS
HIST_SIZE = NUM_BINS + HIST_PAD
CHUNK_UNITS = [44, 44, 44, 44, 28, 28, 16, 8]
CHUNK_STARTS = [0, 44, 88, 132, 176, 204, 232, 248]
NUM_CHUNKS = len(CHUNK_UNITS)
TOK_PAD = 48
TOK_BUF = L + TOK_PAD
DUMMY_BIN = NUM_BINS


def _sc_body(inp_hbm, out_hbm, tok0_v, tok1_v, codes_v, hist_v, semt, *out_sems):
    c = lax.axis_index("c")
    s = lax.axis_index("s")
    wid = s * 2 + c

    lane = lax.iota(jnp.int32, LANES)
    ones = jnp.full((LANES,), 1.0, jnp.float32)
    zeros_f = jnp.zeros((LANES,), jnp.float32)
    zeros_i = jnp.zeros((LANES,), jnp.int32)

    base_a = lane * CHUNK
    base_b = base_a + 16 * CHUNK

    tok_bufs = [tok0_v, tok1_v]

    for tv in tok_bufs:
        for kk in range(TOK_PAD // LANES):
            tv[pl.ds(L + kk * LANES, LANES)] = zeros_i

    def zero_range(start, num_vecs16):
        def body(i, carry):
            base = start + i * (16 * LANES)
            for kk in range(16):
                hist_v[pl.ds(base + kk * LANES, LANES)] = zeros_f
            return carry

        lax.fori_loop(0, num_vecs16, body, 0)

    def init_code(tok_v, p0):
        g = [plsc.load_gather(tok_v, [p0 + j]) for j in range(K)]
        c01 = g[0] * 4 + g[1]
        c23 = g[2] * 4 + g[3]
        c45 = g[4] * 4 + g[5]
        c67 = g[6] * 4 + g[7]
        return (c01 * 16 + c23) * 256 + (c45 * 16 + c67)

    def compute_codes(tok_v):
        s_a0 = init_code(tok_v, base_a)
        s_b0 = init_code(tok_v, base_b)

        def roll(i, carry):
            s_a, s_b = carry
            codes_v[pl.ds(i * LANES, LANES)] = s_a
            p_b = base_b + i
            s_b_out = jnp.where(p_b < NUM_WIN, s_b, DUMMY_BIN)
            codes_v[pl.ds((CHUNK + i) * LANES, LANES)] = s_b_out
            t_a = plsc.load_gather(tok_v, [base_a + i + K])
            t_b = plsc.load_gather(tok_v, [p_b + K])
            s_a = ((s_a << 2) + t_a) & (NUM_BINS - 1)
            s_b = ((s_b << 2) + t_b) & (NUM_BINS - 1)
            return s_a, s_b

        lax.fori_loop(0, CHUNK, roll, (s_a0, s_b0))

    SC_UNROLL = 16

    def scatter():
        def body(i, carry):
            base = SC_UNROLL * i
            cds = [
                codes_v[pl.ds((base + u) * LANES, LANES)] for u in range(SC_UNROLL)
            ]
            for cd in cds:
                plsc.addupdate_scatter(hist_v, [cd], ones)
            return carry

        lax.fori_loop(0, NUM_CODE_VECS // SC_UNROLL, body, 0)
        tail = [
            codes_v[pl.ds(v * LANES, LANES)]
            for v in range(NUM_CODE_VECS - NUM_CODE_VECS % SC_UNROLL, NUM_CODE_VECS)
        ]
        for cd in tail:
            plsc.addupdate_scatter(hist_v, [cd], ones)

    out_cps = None
    tok_cp0 = pltpu.make_async_copy(
        inp_hbm.at[wid * ROWS_PER_TILE], tok0_v.at[pl.ds(0, L)], semt
    )
    tok_cp0.start()
    zero_range(0, HIST_SIZE // (16 * LANES))
    tok_cp0.wait()
    for r in range(ROWS_PER_TILE):
        row = wid * ROWS_PER_TILE + r
        compute_codes(tok_bufs[r % 2])
        tok_cp = None
        if r + 1 < ROWS_PER_TILE:
            tok_cp = pltpu.make_async_copy(
                inp_hbm.at[row + 1], tok_bufs[(r + 1) % 2].at[pl.ds(0, L)], semt
            )
            tok_cp.start()
        if out_cps is not None:
            for q in range(NUM_CHUNKS):
                out_cps[q].wait()
                extra = HIST_PAD // 256 if q == NUM_CHUNKS - 1 else 0
                zero_range(CHUNK_STARTS[q] * 256, CHUNK_UNITS[q] + extra)
        scatter()
        out_cps = []
        for q in range(NUM_CHUNKS):
            start = CHUNK_STARTS[q] * 256
            size = CHUNK_UNITS[q] * 256
            cp = pltpu.make_async_copy(
                hist_v.at[pl.ds(start, size)],
                out_hbm.at[row, pl.ds(start, size)],
                out_sems[q],
            )
            cp.start()
            out_cps.append(cp)
        if tok_cp is not None:
            tok_cp.wait()
    for q in range(NUM_CHUNKS):
        out_cps[q].wait()


@jax.jit
def kernel(input):
    tok = input.astype(jnp.int32)
    f = pl.kernel(
        _sc_body,
        mesh=plsc.VectorSubcoreMesh(core_axis_name="c", subcore_axis_name="s"),
        out_type=jax.ShapeDtypeStruct((B, NUM_BINS), jnp.float32),
        scratch_types=[
            pltpu.VMEM((TOK_BUF,), jnp.int32),
            pltpu.VMEM((TOK_BUF,), jnp.int32),
            pltpu.VMEM((NUM_CODE_VECS * LANES,), jnp.int32),
            pltpu.VMEM((HIST_SIZE,), jnp.float32),
        ]
        + [pltpu.SemaphoreType.DMA] * (1 + NUM_CHUNKS),
        compiler_params=pltpu.CompilerParams(needs_layout_passes=False),
    )
    return f(tok)

# --- scband reference (transcript-rebuilt; emitter-appended) ---
"""Pipeline reference for scband-kmer-frequency-encoder-51092930953916 (READ-ONLY COPY).

The authoritative reference and input builder live on the scoring server;
editing this copy changes nothing except your own understanding.
"""

import jax, jax.numpy as jnp
import numpy as np

K = 8
BASE = 4
LOG_COUNTS = False
BINARY = False


def setup_inputs(seed: int = 0) -> dict:
    key = jax.random.key(seed)
    inp = jax.random.randint(key, (128, 8192), 0, BASE, dtype=jnp.int64)
    return {"input": inp}


def count_k_mers(tokens, k, base):
    # tokens: int[B, L] with values in [0, base)
    B, L = tokens.shape
    num_windows = L - k + 1
    num_bins = base ** k
    # positional weights: most-significant digit first
    powers = (base ** jnp.arange(k - 1, -1, -1)).astype(tokens.dtype)  # [k]
    # sliding window gather: idx[i, j] = i + j
    win_idx = jnp.arange(num_windows)[:, None] + jnp.arange(k)[None, :]  # [W, k]
    windows = jnp.take(tokens, win_idx, axis=1)  # [B, W, k]
    codes = jnp.sum(windows * powers[None, None, :], axis=-1)  # [B, W]
    # scatter-add histogram per batch row
    counts = jnp.zeros((B, num_bins), dtype=jnp.int32)
    row_idx = jnp.broadcast_to(jnp.arange(B)[:, None], codes.shape)
    counts = counts.at[row_idx, codes].add(1)
    return counts


def reference(input):
    counts = count_k_mers(input, k=K, base=BASE).astype(jnp.float32)
    if LOG_COUNTS:
        counts = jnp.log(counts + 1.0)
    if BINARY:
        counts = (counts > 0).astype(jnp.float32)
    return counts

if __name__ == "__main__":
    import jax
    _d = setup_inputs()
    print(jax.jit(kernel)(*tuple(_d.values())))

</pallas_src>

<mosaic_0001>
#map = affine_map<(d0, d1) -> (0, 0)>
module attributes {stable_mosaic.version = 14 : i64} {
  func.func @_sc_body(%arg0: i32, %arg1: i32, %arg2: memref<128x8192xi32, #tpu.memory_space<hbm>>, %arg3: memref<128x65536xf32, #tpu.memory_space<hbm>>, %arg4: memref<8240xi32, #tpu.memory_space<vmem>>, %arg5: memref<8240xi32, #tpu.memory_space<vmem>>, %arg6: memref<8224xi32, #tpu.memory_space<vmem>>, %arg7: memref<65792xf32, #tpu.memory_space<vmem>>, %arg8: memref<!tpu.dma_semaphore, #tpu.memory_space<semaphore_mem>>, %arg9: memref<!tpu.dma_semaphore, #tpu.memory_space<semaphore_mem>>, %arg10: memref<!tpu.dma_semaphore, #tpu.memory_space<semaphore_mem>>, %arg11: memref<!tpu.dma_semaphore, #tpu.memory_space<semaphore_mem>>, %arg12: memref<!tpu.dma_semaphore, #tpu.memory_space<semaphore_mem>>, %arg13: memref<!tpu.dma_semaphore, #tpu.memory_space<semaphore_mem>>, %arg14: memref<!tpu.dma_semaphore, #tpu.memory_space<semaphore_mem>>, %arg15: memref<!tpu.dma_semaphore, #tpu.memory_space<semaphore_mem>>, %arg16: memref<!tpu.dma_semaphore, #tpu.memory_space<semaphore_mem>>) attributes {dimension_semantics = [#tpu.dimension_semantics<core_parallel>, #tpu.dimension_semantics<subcore_parallel>], iteration_bounds = array<i64: 2, 16>, scalar_prefetch = 0 : i64, scratch_operands = 13 : i64, tpu.core_type = #tpu.core_type<sc_vector_subcore>, window_params = [{transform_indices = #map}, {transform_indices = #map}]} {
    %mul3A = arith.constant 2 : i32
    %mul3A_0 = arith.muli %arg1, %mul3A : i32
    %add3A = arith.addi %mul3A_0, %arg0 : i32
    %iota3A = tpu.iota {dimensions = array<i32: 0>} : vector<16xi32>
    %broadcast_in_dim3A = arith.constant 1.000000e+00 : f32
    %broadcast_in_dim3A_1 = vector.broadcast %broadcast_in_dim3A : f32 to vector<16xf32>
    %broadcast_in_dim3A_2 = arith.constant 0.000000e+00 : f32
    %broadcast_in_dim3A_3 = vector.broadcast %broadcast_in_dim3A_2 : f32 to vector<16xf32>
    %broadcast_in_dim3A_4 = arith.constant 0 : i32
    %broadcast_in_dim3A_5 = vector.broadcast %broadcast_in_dim3A_4 : i32 to vector<16xi32>
    %mul3A_6 = arith.constant 257 : i32
    %mul3A_7 = vector.broadcast %mul3A_6 : i32 to vector<16xi32>
    %mul3A_8 = arith.muli %iota3A, %mul3A_7 : vector<16xi32>
    %add3A_9 = arith.constant 4112 : i32
    %add3A_10 = vector.broadcast %add3A_9 : i32 to vector<16xi32>
    %add3A_11 = arith.addi %mul3A_8, %add3A_10 : vector<16xi32>
    %swap3A = arith.constant 8192 : index
    %swap3A_12 = tpu.vector_load %arg4[%swap3A] {strides = array<i32>} : memref<8240xi32, #tpu.memory_space<vmem>>, vector<16xi32>,
    tpu.vector_store %arg4[%swap3A], %broadcast_in_dim3A_5 {strides = array<i32>} : memref<8240xi32, #tpu.memory_space<vmem>>, vector<16xi32>,
    %swap3A_13 = arith.constant 8208 : index
    %swap3A_14 = tpu.vector_load %arg4[%swap3A_13] {strides = array<i32>} : memref<8240xi32, #tpu.memory_space<vmem>>, vector<16xi32>,
    tpu.vector_store %arg4[%swap3A_13], %broadcast_in_dim3A_5 {strides = array<i32>} : memref<8240xi32, #tpu.memory_space<vmem>>, vector<16xi32>,
    %swap3A_15 = arith.constant 8224 : index
    %swap3A_16 = tpu.vector_load %arg4[%swap3A_15] {strides = array<i32>} : memref<8240xi32, #tpu.memory_space<vmem>>, vector<16xi32>,
    tpu.vector_store %arg4[%swap3A_15], %broadcast_in_dim3A_5 {strides = array<i32>} : memref<8240xi32, #tpu.memory_space<vmem>>, vector<16xi32>,
    %swap3A_17 = arith.constant 8192 : index
    %swap3A_18 = tpu.vector_load %arg5[%swap3A_17] {strides = array<i32>} : memref<8240xi32, #tpu.memory_space<vmem>>, vector<16xi32>,
    tpu.vector_store %arg5[%swap3A_17], %broadcast_in_dim3A_5 {strides = array<i32>} : memref<8240xi32, #tpu.memory_space<vmem>>, vector<16xi32>,
    %swap3A_19 = arith.constant 8208 : index
    %swap3A_20 = tpu.vector_load %arg5[%swap3A_19] {strides = array<i32>} : memref<8240xi32, #tpu.memory_space<vmem>>, vector<16xi32>,
    tpu.vector_store %arg5[%swap3A_19], %broadcast_in_dim3A_5 {strides = array<i32>} : memref<8240xi32, #tpu.memory_space<vmem>>, vector<16xi32>,
    %swap3A_21 = arith.constant 8224 : index
    %swap3A_22 = tpu.vector_load %arg5[%swap3A_21] {strides = array<i32>} : memref<8240xi32, #tpu.memory_space<vmem>>, vector<16xi32>,
    tpu.vector_store %arg5[%swap3A_21], %broadcast_in_dim3A_5 {strides = array<i32>} : memref<8240xi32, #tpu.memory_space<vmem>>, vector<16xi32>,
    %mul3A_23 = arith.constant 4 : i32
    %mul3A_24 = arith.muli %add3A, %mul3A_23 : i32
    %dma_start3A = arith.constant 0 : i32
    %dma_start3A_25 = tpu.memref_slice %arg4[%dma_start3A] : memref<8240xi32, #tpu.memory_space<vmem>> -> memref<8192xi32, #tpu.memory_space<vmem>>
    %dma_start3A_26 = arith.constant 0 : i32
    %dma_start3A_27 = tpu.memref_slice %arg2[%mul3A_24, %dma_start3A_26] : memref<128x8192xi32, #tpu.memory_space<hbm>> -> memref<1x8192xi32, #tpu.memory_space<hbm>>
    %dma_start3A_28 = tpu.memref_squeeze %dma_start3A_27 : memref<1x8192xi32, #tpu.memory_space<hbm>> -> memref<8192xi32, #tpu.memory_space<hbm>>
    %dma_start3A_29 = arith.constant 0 : i32
    %dma_start3A_30 = tpu.memref_slice %arg4[%dma_start3A_29] : memref<8240xi32, #tpu.memory_space<vmem>> -> memref<8192xi32, #tpu.memory_space<vmem>>
    %dma_start3A_31 = arith.constant 0 : i32
    %dma_start3A_32 = tpu.memref_slice %arg2[%mul3A_24, %dma_start3A_31] : memref<128x8192xi32, #tpu.memory_space<hbm>> -> memref<1x8192xi32, #tpu.memory_space<hbm>>
    %dma_start3A_33 = tpu.memref_squeeze %dma_start3A_32 : memref<1x8192xi32, #tpu.memory_space<hbm>> -> memref<8192xi32, #tpu.memory_space<hbm>>
    tpu.enqueue_dma source(%dma_start3A_33 : memref<8192xi32, #tpu.memory_space<hbm>>) target(%dma_start3A_30 : memref<8192xi32, #tpu.memory_space<vmem>>) target_semaphore(%arg8 : memref<!tpu.dma_semaphore, #tpu.memory_space<semaphore_mem>>)
    %scan3A = arith.constant 0 : i32
    %scan3A_34 = arith.constant 0 : i32
    %scan3A_35 = arith.constant 257 : i32
    %scan3A_36 = arith.addi %scan3A_34, %scan3A_35 : i32
    %scan3A_37 = arith.constant 1 : i32
    scf.for %scan3A_1456 = %scan3A_34 to %scan3A_36 step %scan3A_37  : i32 {
      %mul3A_1457 = arith.constant 256 : i32
      %mul3A_1458 = arith.muli %scan3A_1456, %mul3A_1457 : i32
      %add3A_1459 = arith.constant 0 : i32
      %add3A_1460 = arith.addi %add3A_1459, %mul3A_1458 : i32
      %add3A_1461 = arith.constant 0 : i32
      %add3A_1462 = arith.addi %add3A_1460, %add3A_1461 : i32
      %swap3A_1463 = arith.index_cast %add3A_1462 : i32 to index
      %swap3A_1464 = tpu.vector_load %arg7[%swap3A_1463] {strides = array<i32>} : memref<65792xf32, #tpu.memory_space<vmem>>, vector<16xf32>,
      tpu.vector_store %arg7[%swap3A_1463], %broadcast_in_dim3A_3 {strides = array<i32>} : memref<65792xf32, #tpu.memory_space<vmem>>, vector<16xf32>,
      %add3A_1465 = arith.constant 16 : i32
      %add3A_1466 = arith.addi %add3A_1460, %add3A_1465 : i32
      %swap3A_1467 = arith.index_cast %add3A_1466 : i32 to index
      %swap3A_1468 = tpu.vector_load %arg7[%swap3A_1467] {strides = array<i32>} : memref<65792xf32, #tpu.memory_space<vmem>>, vector<16xf32>,
      tpu.vector_store %arg7[%swap3A_1467], %broadcast_in_dim3A_3 {strides = array<i32>} : memref<65792xf32, #tpu.memory_space<vmem>>, vector<16xf32>,
      %add3A_1469 = arith.constant 32 : i32
      %add3A_1470 = arith.addi %add3A_1460, %add3A_1469 : i32
      %swap3A_1471 = arith.index_cast %add3A_1470 : i32 to index
      %swap3A_1472 = tpu.vector_load %arg7[%swap3A_1471] {strides = array<i32>} : memref<65792xf32, #tpu.memory_space<vmem>>, vector<16xf32>,
      tpu.vector_store %arg7[%swap3A_1471], %broadcast_in_dim3A_3 {strides = array<i32>} : memref<65792xf32, #tpu.memory_space<vmem>>, vector<16xf32>,
      %add3A_1473 = arith.constant 48 : i32
      %add3A_1474 = arith.addi %add3A_1460, %add3A_1473 : i32
      %swap3A_1475 = arith.index_cast %add3A_1474 : i32 to index
      %swap3A_1476 = tpu.vector_load %arg7[%swap3A_1475] {strides = array<i32>} : memref<65792xf32, #tpu.memory_space<vmem>>, vector<16xf32>,
      tpu.vector_store %arg7[%swap3A_1475], %broadcast_in_dim3A_3 {strides = array<i32>} : memref<65792xf32, #tpu.memory_space<vmem>>, vector<16xf32>,
      %add3A_1477 = arith.constant 64 : i32
      %add3A_1478 = arith.addi %add3A_1460, %add3A_1477 : i32
      %swap3A_1479 = arith.index_cast %add3A_1478 : i32 to index
      %swap3A_1480 = tpu.vector_load %arg7[%swap3A_1479] {strides = array<i32>} : memref<65792xf32, #tpu.memory_space<vmem>>, vector<16xf32>,
      tpu.vector_store %arg7[%swap3A_1479], %broadcast_in_dim3A_3 {strides = array<i32>} : memref<65792xf32, #tpu.memory_space<vmem>>, vector<16xf32>,
      %add3A_1481 = arith.constant 80 : i32
      %add3A_1482 = arith.addi %add3A_1460, %add3A_1481 : i32
      %swap3A_1483 = arith.index_cast %add3A_1482 : i32 to index
      %swap3A_1484 = tpu.vector_load %arg7[%swap3A_1483] {strides = array<i32>} : memref<65792xf32, #tpu.memory_space<vmem>>, vector<16xf32>,
      tpu.vector_store %arg7[%swap3A_1483], %broadcast_in_dim3A_3 {strides = array<i32>} : memref<65792xf32, #tpu.memory_space<vmem>>, vector<16xf32>,
      %add3A_1485 = arith.constant 96 : i32
      %add3A_1486 = arith.addi %add3A_1460, %add3A_1485 : i32
      %swap3A_1487 = arith.index_cast %add3A_1486 : i32 to index
      %swap3A_1488 = tpu.vector_load %arg7[%swap3A_1487] {strides = array<i32>} : memref<65792xf32, #tpu.memory_space<vmem>>, vector<16xf32>,
      tpu.vector_store %arg7[%swap3A_1487], %broadcast_in_dim3A_3 {strides = array<i32>} : memref<65792xf32, #tpu.memory_space<vmem>>, vector<16xf32>,
      %add3A_1489 = arith.constant 112 : i32
      %add3A_1490 = arith.addi %add3A_1460, %add3A_1489 : i32
      %swap3A_1491 = arith.index_cast %add3A_1490 : i32 to index
      %swap3A_1492 = tpu.vector_load %arg7[%swap3A_1491] {strides = array<i32>} : memref<65792xf32, #tpu.memory_space<vmem>>, vector<16xf32>,
      tpu.vector_store %arg7[%swap3A_1491], %broadcast_in_dim3A_3 {strides = array<i32>} : memref<65792xf32, #tpu.memory_space<vmem>>, vector<16xf32>,
      %add3A_1493 = arith.constant 128 : i32
      %add3A_1494 = arith.addi %add3A_1460, %add3A_1493 : i32
      %swap3A_1495 = arith.index_cast %add3A_1494 : i32 to index
      %swap3A_1496 = tpu.vector_load %arg7[%swap3A_1495] {strides = array<i32>} : memref<65792xf32, #tpu.memory_space<vmem>>, vector<16xf32>,
      tpu.vector_store %arg7[%swap3A_1495], %broadcast_in_dim3A_3 {strides = array<i32>} : memref<65792xf32, #tpu.memory_space<vmem>>, vector<16xf32>,
      %add3A_1497 = arith.constant 144 : i32
      %add3A_1498 = arith.addi %add3A_1460, %add3A_1497 : i32
      %swap3A_1499 = arith.index_cast %add3A_1498 : i32 to index
      %swap3A_1500 = tpu.vector_load %arg7[%swap3A_1499] {strides = array<i32>} : memref<65792xf32, #tpu.memory_space<vmem>>, vector<16xf32>,
      tpu.vector_store %arg7[%swap3A_1499], %broadcast_in_dim3A_3 {strides = array<i32>} : memref<65792xf32, #tpu.memory_space<vmem>>, vector<16xf32>,
      %add3A_1501 = arith.constant 160 : i32
      %add3A_1502 = arith.addi %add3A_1460, %add3A_1501 : i32
      %swap3A_1503 = arith.index_cast %add3A_1502 : i32 to index
      %swap3A_1504 = tpu.vector_load %arg7[%swap3A_1503] {strides = array<i32>} : memref<65792xf32, #tpu.memory_space<vmem>>, vector<16xf32>,
      tpu.vector_store %arg7[%swap3A_1503], %broadcast_in_dim3A_3 {strides = array<i32>} : memref<65792xf32, #tpu.memory_space<vmem>>, vector<16xf32>,
      %add3A_1505 = arith.constant 176 : i32
      %add3A_1506 = arith.addi %add3A_1460, %add3A_1505 : i32
      %swap3A_1507 = arith.index_cast %add3A_1506 : i32 to index
      %swap3A_1508 = tpu.vector_load %arg7[%swap3A_1507] {strides = array<i32>} : memref<65792xf32, #tpu.memory_space<vmem>>, vector<16xf32>,
      tpu.vector_store %arg7[%swap3A_1507], %broadcast_in_dim3A_3 {strides = array<i32>} : memref<65792xf32, #tpu.memory_space<vmem>>, vector<16xf32>,
      %add3A_1509 = arith.constant 192 : i32
      %add3A_1510 = arith.addi %add3A_1460, %add3A_1509 : i32
      %swap3A_1511 = arith.index_cast %add3A_1510 : i32 to index
      %swap3A_1512 = tpu.vector_load %arg7[%swap3A_1511] {strides = array<i32>} : memref<65792xf32, #tpu.memory_space<vmem>>, vector<16xf32>,
      tpu.vector_store %arg7[%swap3A_1511], %broadcast_in_dim3A_3 {strides = array<i32>} : memref<65792xf32, #tpu.memory_space<vmem>>, vector<16xf32>,
      %add3A_1513 = arith.constant 208 : i32
      %add3A_1514 = arith.addi %add3A_1460, %add3A_1513 : i32
      %swap3A_1515 = arith.index_cast %add3A_1514 : i32 to index
      %swap3A_1516 = tpu.vector_load %arg7[%swap3A_1515] {strides = array<i32>} : memref<65792xf32, #tpu.memory_space<vmem>>, vector<16xf32>,
      tpu.vector_store %arg7[%swap3A_1515], %broadcast_in_dim3A_3 {strides = array<i32>} : memref<65792xf32, #tpu.memory_space<vmem>>, vector<16xf32>,
      %add3A_1517 = arith.constant 224 : i32
      %add3A_1518 = arith.addi %add3A_1460, %add3A_1517 : i32
      %swap3A_1519 = arith.index_cast %add3A_1518 : i32 to index
      %swap3A_1520 = tpu.vector_load %arg7[%swap3A_1519] {strides = array<i32>} : memref<65792xf32, #tpu.memory_space<vmem>>, vector<16xf32>,
      tpu.vector_store %arg7[%swap3A_1519], %broadcast_in_dim3A_3 {strides = array<i32>} : memref<65792xf32, #tpu.memory_space<vmem>>, vector<16xf32>,
      %add3A_1521 = arith.constant 240 : i32
      %add3A_1522 = arith.addi %add3A_1460, %add3A_1521 : i32
      %swap3A_1523 = arith.index_cast %add3A_1522 : i32 to index
      %swap3A_1524 = tpu.vector_load %arg7[%swap3A_1523] {strides = array<i32>} : memref<65792xf32, #tpu.memory_space<vmem>>, vector<16xf32>,
      tpu.vector_store %arg7[%swap3A_1523], %broadcast_in_dim3A_3 {strides = array<i32>} : memref<65792xf32, #tpu.memory_space<vmem>>, vector<16xf32>,
    }
    %scan3A_38 = arith.constant 257 : i32
    %dma_wait3A = arith.constant 0 : i32
    %dma_wait3A_39 = tpu.memref_slice %arg4[%dma_wait3A] : memref<8240xi32, #tpu.memory_space<vmem>> -> memref<8192xi32, #tpu.memory_space<vmem>>
    %dma_wait3A_40 = arith.constant 0 : i32
    %dma_wait3A_41 = tpu.memref_slice %arg2[%mul3A_24, %dma_wait3A_40] : memref<128x8192xi32, #tpu.memory_space<hbm>> -> memref<1x8192xi32, #tpu.memory_space<hbm>>
    %dma_wait3A_42 = tpu.memref_squeeze %dma_wait3A_41 : memref<1x8192xi32, #tpu.memory_space<hbm>> -> memref<8192xi32, #tpu.memory_space<hbm>>
    %dma_wait3A_43 = arith.constant 0 : i32
    %dma_wait3A_44 = tpu.memref_slice %arg4[%dma_wait3A_43] : memref<8240xi32, #tpu.memory_space<vmem>> -> memref<8192xi32, #tpu.memory_space<vmem>>
    %dma_wait3A_45 = arith.constant 0 : i32
    %dma_wait3A_46 = tpu.memref_slice %arg2[%mul3A_24, %dma_wait3A_45] : memref<128x8192xi32, #tpu.memory_space<hbm>> -> memref<1x8192xi32, #tpu.memory_space<hbm>>
    %dma_wait3A_47 = tpu.memref_squeeze %dma_wait3A_46 : memref<1x8192xi32, #tpu.memory_space<hbm>> -> memref<8192xi32, #tpu.memory_space<hbm>>
    tpu.wait_dma2 semaphore(%arg8 : memref<!tpu.dma_semaphore, #tpu.memory_space<semaphore_mem>>) src(%dma_wait3A_47 : memref<8192xi32, #tpu.memory_space<hbm>>) dst(%dma_wait3A_44 : memref<8192xi32, #tpu.memory_space<vmem>>)
    %mul3A_48 = arith.constant 4 : i32
    %mul3A_49 = arith.muli %add3A, %mul3A_48 : i32
    %add3A_50 = arith.constant 0 : i32
    %add3A_51 = arith.addi %mul3A_49, %add3A_50 : i32
    %add3A_52 = arith.constant 0 : i32
    %add3A_53 = vector.broadcast %add3A_52 : i32 to vector<16xi32>
    %add3A_54 = arith.addi %mul3A_8, %add3A_53 : vector<16xi32>
    %gather3A = tpu.vector_load_idx %arg4[%add3A_54] : memref<8240xi32, #tpu.memory_space<vmem>>[vector<16xi32>], vector<16xi32>,
    %add3A_55 = arith.constant 1 : i32
    %add3A_56 = vector.broadcast %add3A_55 : i32 to vector<16xi32>
    %add3A_57 = arith.addi %mul3A_8, %add3A_56 : vector<16xi32>
    %gather3A_58 = tpu.vector_load_idx %arg4[%add3A_57] : memref<8240xi32, #tpu.memory_space<vmem>>[vector<16xi32>], vector<16xi32>,
    %add3A_59 = arith.constant 2 : i32
    %add3A_60 = vector.broadcast %add3A_59 : i32 to vector<16xi32>
    %add3A_61 = arith.addi %mul3A_8, %add3A_60 : vector<16xi32>
    %gather3A_62 = tpu.vector_load_idx %arg4[%add3A_61] : memref<8240xi32, #tpu.memory_space<vmem>>[vector<16xi32>], vector<16xi32>,
    %add3A_63 = arith.constant 3 : i32
    %add3A_64 = vector.broadcast %add3A_63 : i32 to vector<16xi32>
    %add3A_65 = arith.addi %mul3A_8, %add3A_64 : vector<16xi32>
    %gather3A_66 = tpu.vector_load_idx %arg4[%add3A_65] : memref<8240xi32, #tpu.memory_space<vmem>>[vector<16xi32>], vector<16xi32>,
    %add3A_67 = arith.constant 4 : i32
    %add3A_68 = vector.broadcast %add3A_67 : i32 to vector<16xi32>
    %add3A_69 = arith.addi %mul3A_8, %add3A_68 : vector<16xi32>
    %gather3A_70 = tpu.vector_load_idx %arg4[%add3A_69] : memref<8240xi32, #tpu.memory_space<vmem>>[vector<16xi32>], vector<16xi32>,
    %add3A_71 = arith.constant 5 : i32
    %add3A_72 = vector.broadcast %add3A_71 : i32 to vector<16xi32>
    %add3A_73 = arith.addi %mul3A_8, %add3A_72 : vector<16xi32>
    %gather3A_74 = tpu.vector_load_idx %arg4[%add3A_73] : memref<8240xi32, #tpu.memory_space<vmem>>[vector<16xi32>], vector<16xi32>,
    %add3A_75 = arith.constant 6 : i32
    %add3A_76 = vector.broadcast %add3A_75 : i32 to vector<16xi32>
    %add3A_77 = arith.addi %mul3A_8, %add3A_76 : vector<16xi32>
    %gather3A_78 = tpu.vector_load_idx %arg4[%add3A_77] : memref<8240xi32, #tpu.memory_space<vmem>>[vector<16xi32>], vector<16xi32>,
    %add3A_79 = arith.constant 7 : i32
    %add3A_80 = vector.broadcast %add3A_79 : i32 to vector<16xi32>
    %add3A_81 = arith.addi %mul3A_8, %add3A_80 : vector<16xi32>
    %gather3A_82 = tpu.vector_load_idx %arg4[%add3A_81] : memref<8240xi32, #tpu.memory_space<vmem>>[vector<16xi32>], vector<16xi32>,
    %mul3A_83 = arith.constant 4 : i32
    %mul3A_84 = vector.broadcast %mul3A_83 : i32 to vector<16xi32>
    %mul3A_85 = arith.muli %gather3A, %mul3A_84 : vector<16xi32>
    %add3A_86 = arith.addi %mul3A_85, %gather3A_58 : vector<16xi32>
    %mul3A_87 = arith.constant 4 : i32
    %mul3A_88 = vector.broadcast %mul3A_87 : i32 to vector<16xi32>
    %mul3A_89 = arith.muli %gather3A_62, %mul3A_88 : vector<16xi32>
    %add3A_90 = arith.addi %mul3A_89, %gather3A_66 : vector<16xi32>
    %mul3A_91 = arith.constant 4 : i32
    %mul3A_92 = vector.broadcast %mul3A_91 : i32 to vector<16xi32>
    %mul3A_93 = arith.muli %gather3A_70, %mul3A_92 : vector<16xi32>
    %add3A_94 = arith.addi %mul3A_93, %gather3A_74 : vector<16xi32>
    %mul3A_95 = arith.constant 4 : i32
    %mul3A_96 = vector.broadcast %mul3A_95 : i32 to vector<16xi32>
    %mul3A_97 = arith.muli %gather3A_78, %mul3A_96 : vector<16xi32>
    %add3A_98 = arith.addi %mul3A_97, %gather3A_82 : vector<16xi32>
    %mul3A_99 = arith.constant 16 : i32
    %mul3A_100 = vector.broadcast %mul3A_99 : i32 to vector<16xi32>
    %mul3A_101 = arith.muli %add3A_86, %mul3A_100 : vector<16xi32>
    %add3A_102 = arith.addi %mul3A_101, %add3A_90 : vector<16xi32>
    %mul3A_103 = arith.constant 256 : i32
    %mul3A_104 = vector.broadcast %mul3A_103 : i32 to vector<16xi32>
    %mul3A_105 = arith.muli %add3A_102, %mul3A_104 : vector<16xi32>
    %mul3A_106 = arith.constant 16 : i32
    %mul3A_107 = vector.broadcast %mul3A_106 : i32 to vector<16xi32>
    %mul3A_108 = arith.muli %add3A_94, %mul3A_107 : vector<16xi32>
    %add3A_109 = arith.addi %mul3A_108, %add3A_98 : vector<16xi32>
    %add3A_110 = arith.addi %mul3A_105, %add3A_109 : vector<16xi32>
    %add3A_111 = arith.constant 0 : i32
    %add3A_112 = vector.broadcast %add3A_111 : i32 to vector<16xi32>
    %add3A_113 = arith.addi %add3A_11, %add3A_112 : vector<16xi32>
    %gather3A_114 = tpu.vector_load_idx %arg4[%add3A_113] : memref<8240xi32, #tpu.memory_space<vmem>>[vector<16xi32>], vector<16xi32>,
    %add3A_115 = arith.constant 1 : i32
    %add3A_116 = vector.broadcast %add3A_115 : i32 to vector<16xi32>
    %add3A_117 = arith.addi %add3A_11, %add3A_116 : vector<16xi32>
    %gather3A_118 = tpu.vector_load_idx %arg4[%add3A_117] : memref<8240xi32, #tpu.memory_space<vmem>>[vector<16xi32>], vector<16xi32>,
    %add3A_119 = arith.constant 2 : i32
    %add3A_120 = vector.broadcast %add3A_119 : i32 to vector<16xi32>
    %add3A_121 = arith.addi %add3A_11, %add3A_120 : vector<16xi32>
    %gather3A_122 = tpu.vector_load_idx %arg4[%add3A_121] : memref<8240xi32, #tpu.memory_space<vmem>>[vector<16xi32>], vector<16xi32>,
    %add3A_123 = arith.constant 3 : i32
    %add3A_124 = vector.broadcast %add3A_123 : i32 to vector<16xi32>
    %add3A_125 = arith.addi %add3A_11, %add3A_124 : vector<16xi32>
    %gather3A_126 = tpu.vector_load_idx %arg4[%add3A_125] : memref<8240xi32, #tpu.memory_space<vmem>>[vector<16xi32>], vector<16xi32>,
    %add3A_127 = arith.constant 4 : i32
    %add3A_128 = vector.broadcast %add3A_127 : i32 to vector<16xi32>
    %add3A_129 = arith.addi %add3A_11, %add3A_128 : vector<16xi32>
    %gather3A_130 = tpu.vector_load_idx %arg4[%add3A_129] : memref<8240xi32, #tpu.memory_space<vmem>>[vector<16xi32>], vector<16xi32>,
    %add3A_131 = arith.constant 5 : i32
    %add3A_132 = vector.broadcast %add3A_131 : i32 to vector<16xi32>
    %add3A_133 = arith.addi %add3A_11, %add3A_132 : vector<16xi32>
    %gather3A_134 = tpu.vector_load_idx %arg4[%add3A_133] : memref<8240xi32, #tpu.memory_space<vmem>>[vector<16xi32>], vector<16xi32>,
    %add3A_135 = arith.constant 6 : i32
    %add3A_136 = vector.broadcast %add3A_135 : i32 to vector<16xi32>
    %add3A_137 = arith.addi %add3A_11, %add3A_136 : vector<16xi32>
    %gather3A_138 = tpu.vector_load_idx %arg4[%add3A_137] : memref<8240xi32, #tpu.memory_space<vmem>>[vector<16xi32>], vector<16xi32>,
    %add3A_139 = arith.constant 7 : i32
    %add3A_140 = vector.broadcast %add3A_139 : i32 to vector<16xi32>
    %add3A_141 = arith.addi %add3A_11, %add3A_140 : vector<16xi32>
    %gather3A_142 = tpu.vector_load_idx %arg4[%add3A_141] : memref<8240xi32, #tpu.memory_space<vmem>>[vector<16xi32>], vector<16xi32>,
    %mul3A_143 = arith.constant 4 : i32
    %mul3A_144 = vector.broadcast %mul3A_143 : i32 to vector<16xi32>
    %mul3A_145 = arith.muli %gather3A_114, %mul3A_144 : vector<16xi32>
    %add3A_146 = arith.addi %mul3A_145, %gather3A_118 : vector<16xi32>
    %mul3A_147 = arith.constant 4 : i32
    %mul3A_148 = vector.broadcast %mul3A_147 : i32 to vector<16xi32>
    %mul3A_149 = arith.muli %gather3A_122, %mul3A_148 : vector<16xi32>
    %add3A_150 = arith.addi %mul3A_149, %gather3A_126 : vector<16xi32>
    %mul3A_151 = arith.constant 4 : i32
    %mul3A_152 = vector.broadcast %mul3A_151 : i32 to vector<16xi32>
    %mul3A_153 = arith.muli %gather3A_130, %mul3A_152 : vector<16xi32>
    %add3A_154 = arith.addi %mul3A_153, %gather3A_134 : vector<16xi32>
    %mul3A_155 = arith.constant 4 : i32
    %mul3A_156 = vector.broadcast %mul3A_155 : i32 to vector<16xi32>
    %mul3A_157 = arith.muli %gather3A_138, %mul3A_156 : vector<16xi32>
    %add3A_158 = arith.addi %mul3A_157, %gather3A_142 : vector<16xi32>
    %mul3A_159 = arith.constant 16 : i32
    %mul3A_160 = vector.broadcast %mul3A_159 : i32 to vector<16xi32>
    %mul3A_161 = arith.muli %add3A_146, %mul3A_160 : vector<16xi32>
    %add3A_162 = arith.addi %mul3A_161, %add3A_150 : vector<16xi32>
    %mul3A_163 = arith.constant 256 : i32
    %mul3A_164 = vector.broadcast %mul3A_163 : i32 to vector<16xi32>
    %mul3A_165 = arith.muli %add3A_162, %mul3A_164 : vector<16xi32>
    %mul3A_166 = arith.constant 16 : i32
    %mul3A_167 = vector.broadcast %mul3A_166 : i32 to vector<16xi32>
    %mul3A_168 = arith.muli %add3A_154, %mul3A_167 : vector<16xi32>
    %add3A_169 = arith.addi %mul3A_168, %add3A_158 : vector<16xi32>
    %add3A_170 = arith.addi %mul3A_165, %add3A_169 : vector<16xi32>
    %scan3A_171 = arith.constant 0 : i32
    %scan3A_172 = arith.constant 257 : i32
    %scan3A_173 = arith.addi %scan3A_171, %scan3A_172 : i32
    %scan3A_174 = arith.constant 1 : i32
    %scan3A_175:2 = scf.for %scan3A_1456 = %scan3A_171 to %scan3A_173 step %scan3A_174 iter_args(%scan3A_1457 = %add3A_110, %scan3A_1458 = %add3A_170) -> (vector<16xi32>, vector<16xi32>)  : i32 {
      %mul3A_1459 = arith.constant 16 : i32
      %mul3A_1460 = arith.muli %scan3A_1456, %mul3A_1459 : i32
      %swap3A_1461 = arith.index_cast %mul3A_1460 : i32 to index
      %swap3A_1462 = tpu.vector_load %arg6[%swap3A_1461] {strides = array<i32>} : memref<8224xi32, #tpu.memory_space<vmem>>, vector<16xi32>,
      tpu.vector_store %arg6[%swap3A_1461], %scan3A_1457 {strides = array<i32>} : memref<8224xi32, #tpu.memory_space<vmem>>, vector<16xi32>,
      %add3A_1463 = vector.broadcast %scan3A_1456 : i32 to vector<16xi32>
      %add3A_1464 = arith.addi %add3A_11, %add3A_1463 : vector<16xi32>
      %lt3A = arith.constant 8185 : i32
      %lt3A_1465 = vector.broadcast %lt3A : i32 to vector<16xi32>
      %lt3A_1466 = arith.cmpi slt, %add3A_1464, %lt3A_1465 : vector<16xi32>
      %jit3A = arith.constant 65536 : i32
      %broadcast_in_dim3A_1467 = vector.broadcast %jit3A : i32 to vector<16xi32>
      %select_n3A = arith.select %lt3A_1466, %scan3A_1458, %broadcast_in_dim3A_1467 : vector<16xi1>, vector<16xi32>
      %add3A_1468 = arith.constant 257 : i32
      %add3A_1469 = arith.addi %add3A_1468, %scan3A_1456 : i32
      %mul3A_1470 = arith.constant 16 : i32
      %mul3A_1471 = arith.muli %add3A_1469, %mul3A_1470 : i32
      %swap3A_1472 = arith.index_cast %mul3A_1471 : i32 to index
      %swap3A_1473 = tpu.vector_load %arg6[%swap3A_1472] {strides = array<i32>} : memref<8224xi32, #tpu.memory_space<vmem>>, vector<16xi32>,
      tpu.vector_store %arg6[%swap3A_1472], %select_n3A {strides = array<i32>} : memref<8224xi32, #tpu.memory_space<vmem>>, vector<16xi32>,
      %add3A_1474 = vector.broadcast %scan3A_1456 : i32 to vector<16xi32>
      %add3A_1475 = arith.addi %mul3A_8, %add3A_1474 : vector<16xi32>
      %add3A_1476 = arith.constant 8 : i32
      %add3A_1477 = vector.broadcast %add3A_1476 : i32 to vector<16xi32>
      %add3A_1478 = arith.addi %add3A_1475, %add3A_1477 : vector<16xi32>
      %gather3A_1479 = tpu.vector_load_idx %arg4[%add3A_1478] : memref<8240xi32, #tpu.memory_space<vmem>>[vector<16xi32>], vector<16xi32>,
      %add3A_1480 = arith.constant 8 : i32
      %add3A_1481 = vector.broadcast %add3A_1480 : i32 to vector<16xi32>
      %add3A_1482 = arith.addi %add3A_1464, %add3A_1481 : vector<16xi32>
      %gather3A_1483 = tpu.vector_load_idx %arg4[%add3A_1482] : memref<8240xi32, #tpu.memory_space<vmem>>[vector<16xi32>], vector<16xi32>,
      %shift_left3A = arith.constant 2 : i32
      %shift_left3A_1484 = vector.broadcast %shift_left3A : i32 to vector<16xi32>
      %shift_left3A_1485 = arith.shli %scan3A_1457, %shift_left3A_1484 : vector<16xi32>
      %add3A_1486 = arith.addi %shift_left3A_1485, %gather3A_1479 : vector<16xi32>
      %and3A = arith.constant 65535 : i32
      %and3A_1487 = vector.broadcast %and3A : i32 to vector<16xi32>
      %and3A_1488 = arith.andi %add3A_1486, %and3A_1487 : vector<16xi32>
      %shift_left3A_1489 = arith.constant 2 : i32
      %shift_left3A_1490 = vector.broadcast %shift_left3A_1489 : i32 to vector<16xi32>
      %shift_left3A_1491 = arith.shli %scan3A_1458, %shift_left3A_1490 : vector<16xi32>
      %add3A_1492 = arith.addi %shift_left3A_1491, %gather3A_1483 : vector<16xi32>
      %and3A_1493 = arith.constant 65535 : i32
      %and3A_1494 = vector.broadcast %and3A_1493 : i32 to vector<16xi32>
      %and3A_1495 = arith.andi %add3A_1492, %and3A_1494 : vector<16xi32>
      scf.yield %and3A_1488, %and3A_1495 : vector<16xi32>, vector<16xi32>
    }
    %scan3A_176 = arith.constant 257 : i32
    %add3A_177 = arith.constant 1 : i32
    %add3A_178 = arith.addi %add3A_51, %add3A_177 : i32
    %dma_start3A_179 = arith.constant 0 : i32
    %dma_start3A_180 = tpu.memref_slice %arg5[%dma_start3A_179] : memref<8240xi32, #tpu.memory_space<vmem>> -> memref<8192xi32, #tpu.memory_space<vmem>>
    %dma_start3A_181 = arith.constant 0 : i32
    %dma_start3A_182 = tpu.memref_slice %arg2[%add3A_178, %dma_start3A_181] : memref<128x8192xi32, #tpu.memory_space<hbm>> -> memref<1x8192xi32, #tpu.memory_space<hbm>>
    %dma_start3A_183 = tpu.memref_squeeze %dma_start3A_182 : memref<1x8192xi32, #tpu.memory_space<hbm>> -> memref<8192xi32, #tpu.memory_space<hbm>>
    %dma_start3A_184 = arith.constant 0 : i32
    %dma_start3A_185 = tpu.memref_slice %arg5[%dma_start3A_184] : memref<8240xi32, #tpu.memory_space<vmem>> -> memref<8192xi32, #tpu.memory_space<vmem>>
    %dma_start3A_186 = arith.constant 0 : i32
    %dma_start3A_187 = tpu.memref_slice %arg2[%add3A_178, %dma_start3A_186] : memref<128x8192xi32, #tpu.memory_space<hbm>> -> memref<1x8192xi32, #tpu.memory_space<hbm>>
    %dma_start3A_188 = tpu.memref_squeeze %dma_start3A_187 : memref<1x8192xi32, #tpu.memory_space<hbm>> -> memref<8192xi32, #tpu.memory_space<hbm>>
    tpu.enqueue_dma source(%dma_start3A_188 : memref<8192xi32, #tpu.memory_space<hbm>>) target(%dma_start3A_185 : memref<8192xi32, #tpu.memory_space<vmem>>) target_semaphore(%arg8 : memref<!tpu.dma_semaphore, #tpu.memory_space<semaphore_mem>>)
    %scan3A_189 = arith.constant 0 : i32
    %scan3A_190 = arith.constant 0 : i32
    %scan3A_191 = arith.constant 32 : i32
    %scan3A_192 = arith.addi %scan3A_190, %scan3A_191 : i32
    %scan3A_193 = arith.constant 1 : i32
    scf.for %scan3A_1456 = %scan3A_190 to %scan3A_192 step %scan3A_193  : i32 {
      %mul3A_1457 = arith.constant 16 : i32
      %mul3A_1458 = arith.muli %mul3A_1457, %scan3A_1456 : i32
      %add3A_1459 = arith.constant 0 : i32
      %add3A_1460 = arith.addi %mul3A_1458, %add3A_1459 : i32
      %mul3A_1461 = arith.constant 16 : i32
      %mul3A_1462 = arith.muli %add3A_1460, %mul3A_1461 : i32
      %get3A_1463 = arith.index_cast %mul3A_1462 : i32 to index
      %get3A_1464 = tpu.vector_load %arg6[%get3A_1463] {strides = array<i32>} : memref<8224xi32, #tpu.memory_space<vmem>>, vector<16xi32>,
      %add3A_1465 = arith.constant 1 : i32
      %add3A_1466 = arith.addi %mul3A_1458, %add3A_1465 : i32
      %mul3A_1467 = arith.constant 16 : i32
      %mul3A_1468 = arith.muli %add3A_1466, %mul3A_1467 : i32
      %get3A_1469 = arith.index_cast %mul3A_1468 : i32 to index
      %get3A_1470 = tpu.vector_load %arg6[%get3A_1469] {strides = array<i32>} : memref<8224xi32, #tpu.memory_space<vmem>>, vector<16xi32>,
      %add3A_1471 = arith.constant 2 : i32
      %add3A_1472 = arith.addi %mul3A_1458, %add3A_1471 : i32
      %mul3A_1473 = arith.constant 16 : i32
      %mul3A_1474 = arith.muli %add3A_1472, %mul3A_1473 : i32
      %get3A_1475 = arith.index_cast %mul3A_1474 : i32 to index
      %get3A_1476 = tpu.vector_load %arg6[%get3A_1475] {strides = array<i32>} : memref<8224xi32, #tpu.memory_space<vmem>>, vector<16xi32>,
      %add3A_1477 = arith.constant 3 : i32
      %add3A_1478 = arith.addi %mul3A_1458, %add3A_1477 : i32
      %mul3A_1479 = arith.constant 16 : i32
      %mul3A_1480 = arith.muli %add3A_1478, %mul3A_1479 : i32
      %get3A_1481 = arith.index_cast %mul3A_1480 : i32 to index
      %get3A_1482 = tpu.vector_load %arg6[%get3A_1481] {strides = array<i32>} : memref<8224xi32, #tpu.memory_space<vmem>>, vector<16xi32>,
      %add3A_1483 = arith.constant 4 : i32
      %add3A_1484 = arith.addi %mul3A_1458, %add3A_1483 : i32
      %mul3A_1485 = arith.constant 16 : i32
      %mul3A_1486 = arith.muli %add3A_1484, %mul3A_1485 : i32
      %get3A_1487 = arith.index_cast %mul3A_1486 : i32 to index
      %get3A_1488 = tpu.vector_load %arg6[%get3A_1487] {strides = array<i32>} : memref<8224xi32, #tpu.memory_space<vmem>>, vector<16xi32>,
      %add3A_1489 = arith.constant 5 : i32
      %add3A_1490 = arith.addi %mul3A_1458, %add3A_1489 : i32
      %mul3A_1491 = arith.constant 16 : i32
      %mul3A_1492 = arith.muli %add3A_1490, %mul3A_1491 : i32
      %get3A_1493 = arith.index_cast %mul3A_1492 : i32 to index
      %get3A_1494 = tpu.vector_load %arg6[%get3A_1493] {strides = array<i32>} : memref<8224xi32, #tpu.memory_space<vmem>>, vector<16xi32>,
      %add3A_1495 = arith.constant 6 : i32
      %add3A_1496 = arith.addi %mul3A_1458, %add3A_1495 : i32
      %mul3A_1497 = arith.constant 16 : i32
      %mul3A_1498 = arith.muli %add3A_1496, %mul3A_1497 : i32
      %get3A_1499 = arith.index_cast %mul3A_1498 : i32 to index
      %get3A_1500 = tpu.vector_load %arg6[%get3A_1499] {strides = array<i32>} : memref<8224xi32, #tpu.memory_space<vmem>>, vector<16xi32>,
      %add3A_1501 = arith.constant 7 : i32
      %add3A_1502 = arith.addi %mul3A_1458, %add3A_1501 : i32
      %mul3A_1503 = arith.constant 16 : i32
      %mul3A_1504 = arith.muli %add3A_1502, %mul3A_1503 : i32
      %get3A_1505 = arith.index_cast %mul3A_1504 : i32 to index
      %get3A_1506 = tpu.vector_load %arg6[%get3A_1505] {strides = array<i32>} : memref<8224xi32, #tpu.memory_space<vmem>>, vector<16xi32>,
      %add3A_1507 = arith.constant 8 : i32
      %add3A_1508 = arith.addi %mul3A_1458, %add3A_1507 : i32
      %mul3A_1509 = arith.constant 16 : i32
      %mul3A_1510 = arith.muli %add3A_1508, %mul3A_1509 : i32
      %get3A_1511 = arith.index_cast %mul3A_1510 : i32 to index
      %get3A_1512 = tpu.vector_load %arg6[%get3A_1511] {strides = array<i32>} : memref<8224xi32, #tpu.memory_space<vmem>>, vector<16xi32>,
      %add3A_1513 = arith.constant 9 : i32
      %add3A_1514 = arith.addi %mul3A_1458, %add3A_1513 : i32
      %mul3A_1515 = arith.constant 16 : i32
      %mul3A_1516 = arith.muli %add3A_1514, %mul3A_1515 : i32
      %get3A_1517 = arith.index_cast %mul3A_1516 : i32 to index
      %get3A_1518 = tpu.vector_load %arg6[%get3A_1517] {strides = array<i32>} : memref<8224xi32, #tpu.memory_space<vmem>>, vector<16xi32>,
      %add3A_1519 = arith.constant 10 : i32
      %add3A_1520 = arith.addi %mul3A_1458, %add3A_1519 : i32
      %mul3A_1521 = arith.constant 16 : i32
      %mul3A_1522 = arith.muli %add3A_1520, %mul3A_1521 : i32
      %get3A_1523 = arith.index_cast %mul3A_1522 : i32 to index
      %get3A_1524 = tpu.vector_load %arg6[%get3A_1523] {strides = array<i32>} : memref<8224xi32, #tpu.memory_space<vmem>>, vector<16xi32>,
      %add3A_1525 = arith.constant 11 : i32
      %add3A_1526 = arith.addi %mul3A_1458, %add3A_1525 : i32
      %mul3A_1527 = arith.constant 16 : i32
      %mul3A_1528 = arith.muli %add3A_1526, %mul3A_1527 : i32
      %get3A_1529 = arith.index_cast %mul3A_1528 : i32 to index
      %get3A_1530 = tpu.vector_load %arg6[%get3A_1529] {strides = array<i32>} : memref<8224xi32, #tpu.memory_space<vmem>>, vector<16xi32>,
      %add3A_1531 = arith.constant 12 : i32
      %add3A_1532 = arith.addi %mul3A_1458, %add3A_1531 : i32
      %mul3A_1533 = arith.constant 16 : i32
      %mul3A_1534 = arith.muli %add3A_1532, %mul3A_1533 : i32
      %get3A_1535 = arith.index_cast %mul3A_1534 : i32 to index
      %get3A_1536 = tpu.vector_load %arg6[%get3A_1535] {strides = array<i32>} : memref<8224xi32, #tpu.memory_space<vmem>>, vector<16xi32>,
      %add3A_1537 = arith.constant 13 : i32
      %add3A_1538 = arith.addi %mul3A_1458, %add3A_1537 : i32
      %mul3A_1539 = arith.constant 16 : i32
      %mul3A_1540 = arith.muli %add3A_1538, %mul3A_1539 : i32
      %get3A_1541 = arith.index_cast %mul3A_1540 : i32 to index
      %get3A_1542 = tpu.vector_load %arg6[%get3A_1541] {strides = array<i32>} : memref<8224xi32, #tpu.memory_space<vmem>>, vector<16xi32>,
      %add3A_1543 = arith.constant 14 : i32
      %add3A_1544 = arith.addi %mul3A_1458, %add3A_1543 : i32
      %mul3A_1545 = arith.constant 16 : i32
      %mul3A_1546 = arith.muli %add3A_1544, %mul3A_1545 : i32
      %get3A_1547 = arith.index_cast %mul3A_1546 : i32 to index
      %get3A_1548 = tpu.vector_load %arg6[%get3A_1547] {strides = array<i32>} : memref<8224xi32, #tpu.memory_space<vmem>>, vector<16xi32>,
      %add3A_1549 = arith.constant 15 : i32
      %add3A_1550 = arith.addi %mul3A_1458, %add3A_1549 : i32
      %mul3A_1551 = arith.constant 16 : i32
      %mul3A_1552 = arith.muli %add3A_1550, %mul3A_1551 : i32
      %get3A_1553 = arith.index_cast %mul3A_1552 : i32 to index
      %get3A_1554 = tpu.vector_load %arg6[%get3A_1553] {strides = array<i32>} : memref<8224xi32, #tpu.memory_space<vmem>>, vector<16xi32>,
      tpu.vector_store_idx %arg7[%get3A_1464], %broadcast_in_dim3A_1 {add = true} : memref<65792xf32, #tpu.memory_space<vmem>>[vector<16xi32>], vector<16xf32>,
      tpu.vector_store_idx %arg7[%get3A_1470], %broadcast_in_dim3A_1 {add = true} : memref<65792xf32, #tpu.memory_space<vmem>>[vector<16xi32>], vector<16xf32>,
      tpu.vector_store_idx %arg7[%get3A_1476], %broadcast_in_dim3A_1 {add = true} : memref<65792xf32, #tpu.memory_space<vmem>>[vector<16xi32>], vector<16xf32>,
      tpu.vector_store_idx %arg7[%get3A_1482], %broadcast_in_dim3A_1 {add = true} : memref<65792xf32, #tpu.memory_space<vmem>>[vector<16xi32>], vector<16xf32>,
      tpu.vector_store_idx %arg7[%get3A_1488], %broadcast_in_dim3A_1 {add = true} : memref<65792xf32, #tpu.memory_space<vmem>>[vector<16xi32>], vector<16xf32>,
      tpu.vector_store_idx %arg7[%get3A_1494], %broadcast_in_dim3A_1 {add = true} : memref<65792xf32, #tpu.memory_space<vmem>>[vector<16xi32>], vector<16xf32>,
      tpu.vector_store_idx %arg7[%get3A_1500], %broadcast_in_dim3A_1 {add = true} : memref<65792xf32, #tpu.memory_space<vmem>>[vector<16xi32>], vector<16xf32>,
      tpu.vector_store_idx %arg7[%get3A_1506], %broadcast_in_dim3A_1 {add = true} : memref<65792xf32, #tpu.memory_space<vmem>>[vector<16xi32>], vector<16xf32>,
      tpu.vector_store_idx %arg7[%get3A_1512], %broadcast_in_dim3A_1 {add = true} : memref<65792xf32, #tpu.memory_space<vmem>>[vector<16xi32>], vector<16xf32>,
      tpu.vector_store_idx %arg7[%get3A_1518], %broadcast_in_dim3A_1 {add = true} : memref<65792xf32, #tpu.memory_space<vmem>>[vector<16xi32>], vector<16xf32>,
      tpu.vector_store_idx %arg7[%get3A_1524], %broadcast_in_dim3A_1 {add = true} : memref<65792xf32, #tpu.memory_space<vmem>>[vector<16xi32>], vector<16xf32>,
      tpu.vector_store_idx %arg7[%get3A_1530], %broadcast_in_dim3A_1 {add = true} : memref<65792xf32, #tpu.memory_space<vmem>>[vector<16xi32>], vector<16xf32>,
      tpu.vector_store_idx %arg7[%get3A_1536], %broadcast_in_dim3A_1 {add = true} : memref<65792xf32, #tpu.memory_space<vmem>>[vector<16xi32>], vector<16xf32>,
      tpu.vector_store_idx %arg7[%get3A_1542], %broadcast_in_dim3A_1 {add = true} : memref<65792xf32, #tpu.memory_space<vmem>>[vector<16xi32>], vector<16xf32>,
      tpu.vector_store_idx %arg7[%get3A_1548], %broadcast_in_dim3A_1 {add = true} : memref<65792xf32, #tpu.memory_space<vmem>>[vector<16xi32>], vector<16xf32>,
      tpu.vector_store_idx %arg7[%get3A_1554], %broadcast_in_dim3A_1 {add = true} : memref<65792xf32, #tpu.memory_space<vmem>>[vector<16xi32>], vector<16xf32>,
    }
    %scan3A_194 = arith.constant 32 : i32
    %get3A = arith.constant 8192 : index
    %get3A_195 = tpu.vector_load %arg6[%get3A] {strides = array<i32>} : memref<8224xi32, #tpu.memory_space<vmem>>, vector<16xi32>,
    %get3A_196 = arith.constant 8208 : index
    %get3A_197 = tpu.vector_load %arg6[%get3A_196] {strides = array<i32>} : memref<8224xi32, #tpu.memory_space<vmem>>, vector<16xi32>,
    tpu.vector_store_idx %arg7[%get3A_195], %broadcast_in_dim3A_1 {add = true} : memref<65792xf32, #tpu.memory_space<vmem>>[vector<16xi32>], vector<16xf32>,
    tpu.vector_store_idx %arg7[%get3A_197], %broadcast_in_dim3A_1 {add = true} : memref<65792xf32, #tpu.memory_space<vmem>>[vector<16xi32>], vector<16xf32>,
    %dma_start3A_198 = arith.constant 0 : i32
    %dma_start3A_199 = tpu.memref_slice %arg7[%dma_start3A_198] : memref<65792xf32, #tpu.memory_space<vmem>> -> memref<11264xf32, #tpu.memory_space<vmem>>
    %dma_start3A_200 = arith.constant 0 : i32
    %dma_start3A_201 = tpu.memref_slice %arg3[%add3A_51, %dma_start3A_200] : memref<128x65536xf32, #tpu.memory_space<hbm>> -> memref<1x11264xf32, #tpu.memory_space<hbm>>
    %dma_start3A_202 = tpu.memref_squeeze %dma_start3A_201 : memref<1x11264xf32, #tpu.memory_space<hbm>> -> memref<11264xf32, #tpu.memory_space<hbm>>
    %dma_start3A_203 = arith.constant 0 : i32
    %dma_start3A_204 = tpu.memref_slice %arg3[%add3A_51, %dma_start3A_203] : memref<128x65536xf32, #tpu.memory_space<hbm>> -> memref<1x11264xf32, #tpu.memory_space<hbm>>
    %dma_start3A_205 = tpu.memref_squeeze %dma_start3A_204 : memref<1x11264xf32, #tpu.memory_space<hbm>> -> memref<11264xf32, #tpu.memory_space<hbm>>
    %dma_start3A_206 = arith.constant 0 : i32
    %dma_start3A_207 = tpu.memref_slice %arg7[%dma_start3A_206] : memref<65792xf32, #tpu.memory_space<vmem>> -> memref<11264xf32, #tpu.memory_space<vmem>>
    tpu.enqueue_dma source(%dma_start3A_207 : memref<11264xf32, #tpu.memory_space<vmem>>) target(%dma_start3A_205 : memref<11264xf32, #tpu.memory_space<hbm>>) target_semaphore(%arg9 : memref<!tpu.dma_semaphore, #tpu.memory_space<semaphore_mem>>)
    %dma_start3A_208 = arith.constant 11264 : i32
    %dma_start3A_209 = tpu.memref_slice %arg7[%dma_start3A_208] : memref<65792xf32, #tpu.memory_space<vmem>> -> memref<11264xf32, #tpu.memory_space<vmem>>
    %dma_start3A_210 = arith.constant 11264 : i32
    %dma_start3A_211 = tpu.memref_slice %arg3[%add3A_51, %dma_start3A_210] : memref<128x65536xf32, #tpu.memory_space<hbm>> -> memref<1x11264xf32, #tpu.memory_space<hbm>>
    %dma_start3A_212 = tpu.memref_squeeze %dma_start3A_211 : memref<1x11264xf32, #tpu.memory_space<hbm>> -> memref<11264xf32, #tpu.memory_space<hbm>>
    %dma_start3A_213 = arith.constant 11264 : i32
    %dma_start3A_214 = tpu.memref_slice %arg3[%add3A_51, %dma_start3A_213] : memref<128x65536xf32, #tpu.memory_space<hbm>> -> memref<1x11264xf32, #tpu.memory_space<hbm>>
    %dma_start3A_215 = tpu.memref_squeeze %dma_start3A_214 : memref<1x11264xf32, #tpu.memory_space<hbm>> -> memref<11264xf32, #tpu.memory_space<hbm>>
    %dma_start3A_216 = arith.constant 11264 : i32
    %dma_start3A_217 = tpu.memref_slice %arg7[%dma_start3A_216] : memref<65792xf32, #tpu.memory_space<vmem>> -> memref<11264xf32, #tpu.memory_space<vmem>>
    tpu.enqueue_dma source(%dma_start3A_217 : memref<11264xf32, #tpu.memory_space<vmem>>) target(%dma_start3A_215 : memref<11264xf32, #tpu.memory_space<hbm>>) target_semaphore(%arg10 : memref<!tpu.dma_semaphore, #tpu.memory_space<semaphore_mem>>)
    %dma_start3A_218 = arith.constant 22528 : i32
    %dma_start3A_219 = tpu.memref_slice %arg7[%dma_start3A_218] : memref<65792xf32, #tpu.memory_space<vmem>> -> memref<11264xf32, #tpu.memory_space<vmem>>
    %dma_start3A_220 = arith.constant 22528 : i32
    %dma_start3A_221 = tpu.memref_slice %arg3[%add3A_51, %dma_start3A_220] : memref<128x65536xf32, #tpu.memory_space<hbm>> -> memref<1x11264xf32, #tpu.memory_space<hbm>>
    %dma_start3A_222 = tpu.memref_squeeze %dma_start3A_221 : memref<1x11264xf32, #tpu.memory_space<hbm>> -> memref<11264xf32, #tpu.memory_space<hbm>>
    %dma_start3A_223 = arith.constant 22528 : i32
    %dma_start3A_224 = tpu.memref_slice %arg3[%add3A_51, %dma_start3A_223] : memref<128x65536xf32, #tpu.memory_space<hbm>> -> memref<1x11264xf32, #tpu.memory_space<hbm>>
    %dma_start3A_225 = tpu.memref_squeeze %dma_start3A_224 : memref<1x11264xf32, #tpu.memory_space<hbm>> -> memref<11264xf32, #tpu.memory_space<hbm>>
    %dma_start3A_226 = arith.constant 22528 : i32
    %dma_start3A_227 = tpu.memref_slice %arg7[%dma_start3A_226] : memref<65792xf32, #tpu.memory_space<vmem>> -> memref<11264xf32, #tpu.memory_space<vmem>>
    tpu.enqueue_dma source(%dma_start3A_227 : memref<11264xf32, #tpu.memory_space<vmem>>) target(%dma_start3A_225 : memref<11264xf32, #tpu.memory_space<hbm>>) target_semaphore(%arg11 : memref<!tpu.dma_semaphore, #tpu.memory_space<semaphore_mem>>)
    %dma_start3A_228 = arith.constant 33792 : i32
    %dma_start3A_229 = tpu.memref_slice %arg7[%dma_start3A_228] : memref<65792xf32, #tpu.memory_space<vmem>> -> memref<11264xf32, #tpu.memory_space<vmem>>
    %dma_start3A_230 = arith.constant 33792 : i32
    %dma_start3A_231 = tpu.memref_slice %arg3[%add3A_51, %dma_start3A_230] : memref<128x65536xf32, #tpu.memory_space<hbm>> -> memref<1x11264xf32, #tpu.memory_space<hbm>>
    %dma_start3A_232 = tpu.memref_squeeze %dma_start3A_231 : memref<1x11264xf32, #tpu.memory_space<hbm>> -> memref<11264xf32, #tpu.memory_space<hbm>>
    %dma_start3A_233 = arith.constant 33792 : i32
    %dma_start3A_234 = tpu.memref_slice %arg3[%add3A_51, %dma_start3A_233] : memref<128x65536xf32, #tpu.memory_space<hbm>> -> memref<1x11264xf32, #tpu.memory_space<hbm>>
    %dma_start3A_235 = tpu.memref_squeeze %dma_start3A_234 : memref<1x11264xf32, #tpu.memory_space<hbm>> -> memref<11264xf32, #tpu.memory_space<hbm>>
    %dma_start3A_236 = arith.constant 33792 : i32
    %dma_start3A_237 = tpu.memref_slice %arg7[%dma_start3A_236] : memref<65792xf32, #tpu.memory_space<vmem>> -> memref<11264xf32, #tpu.memory_space<vmem>>
    tpu.enqueue_dma source(%dma_start3A_237 : memref<11264xf32, #tpu.memory_space<vmem>>) target(%dma_start3A_235 : memref<11264xf32, #tpu.memory_space<hbm>>) target_semaphore(%arg12 : memref<!tpu.dma_semaphore, #tpu.memory_space<semaphore_mem>>)
    %dma_start3A_238 = arith.constant 45056 : i32
    %dma_start3A_239 = tpu.memref_slice %arg7[%dma_start3A_238] : memref<65792xf32, #tpu.memory_space<vmem>> -> memref<7168xf32, #tpu.memory_space<vmem>>
    %dma_start3A_240 = arith.constant 45056 : i32
    %dma_start3A_241 = tpu.memref_slice %arg3[%add3A_51, %dma_start3A_240] : memref<128x65536xf32, #tpu.memory_space<hbm>> -> memref<1x7168xf32, #tpu.memory_space<hbm>>
    %dma_start3A_242 = tpu.memref_squeeze %dma_start3A_241 : memref<1x7168xf32, #tpu.memory_space<hbm>> -> memref<7168xf32, #tpu.memory_space<hbm>>
    %dma_start3A_243 = arith.constant 45056 : i32
    %dma_start3A_244 = tpu.memref_slice %arg3[%add3A_51, %dma_start3A_243] : memref<128x65536xf32, #tpu.memory_space<hbm>> -> memref<1x7168xf32, #tpu.memory_space<hbm>>
    %dma_start3A_245 = tpu.memref_squeeze %dma_start3A_244 : memref<1x7168xf32, #tpu.memory_space<hbm>> -> memref<7168xf32, #tpu.memory_space<hbm>>
    %dma_start3A_246 = arith.constant 45056 : i32
    %dma_start3A_247 = tpu.memref_slice %arg7[%dma_start3A_246] : memref<65792xf32, #tpu.memory_space<vmem>> -> memref<7168xf32, #tpu.memory_space<vmem>>
    tpu.enqueue_dma source(%dma_start3A_247 : memref<7168xf32, #tpu.memory_space<vmem>>) target(%dma_start3A_245 : memref<7168xf32, #tpu.memory_space<hbm>>) target_semaphore(%arg13 : memref<!tpu.dma_semaphore, #tpu.memory_space<semaphore_mem>>)
    %dma_start3A_248 = arith.constant 52224 : i32
    %dma_start3A_249 = tpu.memref_slice %arg7[%dma_start3A_248] : memref<65792xf32, #tpu.memory_space<vmem>> -> memref<7168xf32, #tpu.memory_space<vmem>>
    %dma_start3A_250 = arith.constant 52224 : i32
    %dma_start3A_251 = tpu.memref_slice %arg3[%add3A_51, %dma_start3A_250] : memref<128x65536xf32, #tpu.memory_space<hbm>> -> memref<1x7168xf32, #tpu.memory_space<hbm>>
    %dma_start3A_252 = tpu.memref_squeeze %dma_start3A_251 : memref<1x7168xf32, #tpu.memory_space<hbm>> -> memref<7168xf32, #tpu.memory_space<hbm>>
    %dma_start3A_253 = arith.constant 52224 : i32
    %dma_start3A_254 = tpu.memref_slice %arg3[%add3A_51, %dma_start3A_253] : memref<128x65536xf32, #tpu.memory_space<hbm>> -> memref<1x7168xf32, #tpu.memory_space<hbm>>
    %dma_start3A_255 = tpu.memref_squeeze %dma_start3A_254 : memref<1x7168xf32, #tpu.memory_space<hbm>> -> memref<7168xf32, #tpu.memory_space<hbm>>
    %dma_start3A_256 = arith.constant 52224 : i32
    %dma_start3A_257 = tpu.memref_slice %arg7[%dma_start3A_256] : memref<65792xf32, #tpu.memory_space<vmem>> -> memref<7168xf32, #tpu.memory_space<vmem>>
    tpu.enqueue_dma source(%dma_start3A_257 : memref<7168xf32, #tpu.memory_space<vmem>>) target(%dma_start3A_255 : memref<7168xf32, #tpu.memory_space<hbm>>) target_semaphore(%arg14 : memref<!tpu.dma_semaphore, #tpu.memory_space<semaphore_mem>>)
    %dma_start3A_258 = arith.constant 59392 : i32
    %dma_start3A_259 = tpu.memref_slice %arg7[%dma_start3A_258] : memref<65792xf32, #tpu.memory_space<vmem>> -> memref<4096xf32, #tpu.memory_space<vmem>>
    %dma_start3A_260 = arith.constant 59392 : i32
    %dma_start3A_261 = tpu.memref_slice %arg3[%add3A_51, %dma_start3A_260] : memref<128x65536xf32, #tpu.memory_space<hbm>> -> memref<1x4096xf32, #tpu.memory_space<hbm>>
    %dma_start3A_262 = tpu.memref_squeeze %dma_start3A_261 : memref<1x4096xf32, #tpu.memory_space<hbm>> -> memref<4096xf32, #tpu.memory_space<hbm>>
    %dma_start3A_263 = arith.constant 59392 : i32
    %dma_start3A_264 = tpu.memref_slice %arg3[%add3A_51, %dma_start3A_263] : memref<128x65536xf32, #tpu.memory_space<hbm>> -> memref<1x4096xf32, #tpu.memory_space<hbm>>
    %dma_start3A_265 = tpu.memref_squeeze %dma_start3A_264 : memref<1x4096xf32, #tpu.memory_space<hbm>> -> memref<4096xf32, #tpu.memory_space<hbm>>
    %dma_start3A_266 = arith.constant 59392 : i32
    %dma_start3A_267 = tpu.memref_slice %arg7[%dma_start3A_266] : memref<65792xf32, #tpu.memory_space<vmem>> -> memref<4096xf32, #tpu.memory_space<vmem>>
    tpu.enqueue_dma source(%dma_start3A_267 : memref<4096xf32, #tpu.memory_space<vmem>>) target(%dma_start3A_265 : memref<4096xf32, #tpu.memory_space<hbm>>) target_semaphore(%arg15 : memref<!tpu.dma_semaphore, #tpu.memory_space<semaphore_mem>>)
    %dma_start3A_268 = arith.constant 63488 : i32
    %dma_start3A_269 = tpu.memref_slice %arg7[%dma_start3A_268] : memref<65792xf32, #tpu.memory_space<vmem>> -> memref<2048xf32, #tpu.memory_space<vmem>>
    %dma_start3A_270 = arith.constant 63488 : i32
    %dma_start3A_271 = tpu.memref_slice %arg3[%add3A_51, %dma_start3A_270] : memref<128x65536xf32, #tpu.memory_space<hbm>> -> memref<1x2048xf32, #tpu.memory_space<hbm>>
    %dma_start3A_272 = tpu.memref_squeeze %dma_start3A_271 : memref<1x2048xf32, #tpu.memory_space<hbm>> -> memref<2048xf32, #tpu.memory_space<hbm>>
    %dma_start3A_273 = arith.constant 63488 : i32
    %dma_start3A_274 = tpu.memref_slice %arg3[%add3A_51, %dma_start3A_273] : memref<128x65536xf32, #tpu.memory_space<hbm>> -> memref<1x2048xf32, #tpu.memory_space<hbm>>
    %dma_start3A_275 = tpu.memref_squeeze %dma_start3A_274 : memref<1x2048xf32, #tpu.memory_space<hbm>> -> memref<2048xf32, #tpu.memory_space<hbm>>
    %dma_start3A_276 = arith.constant 63488 : i32
    %dma_start3A_277 = tpu.memref_slice %arg7[%dma_start3A_276] : memref<65792xf32, #tpu.memory_space<vmem>> -> memref<2048xf32, #tpu.memory_space<vmem>>
    tpu.enqueue_dma source(%dma_start3A_277 : memref<2048xf32, #tpu.memory_space<vmem>>) target(%dma_start3A_275 : memref<2048xf32, #tpu.memory_space<hbm>>) target_semaphore(%arg16 : memref<!tpu.dma_semaphore, #tpu.memory_space<semaphore_mem>>)
    %dma_wait3A_278 = arith.constant 0 : i32
    %dma_wait3A_279 = tpu.memref_slice %arg5[%dma_wait3A_278] : memref<8240xi32, #tpu.memory_space<vmem>> -> memref<8192xi32, #tpu.memory_space<vmem>>
    %dma_wait3A_280 = arith.constant 0 : i32
    %dma_wait3A_281 = tpu.memref_slice %arg2[%add3A_178, %dma_wait3A_280] : memref<128x8192xi32, #tpu.memory_space<hbm>> -> memref<1x8192xi32, #tpu.memory_space<hbm>>
    %dma_wait3A_282 = tpu.memref_squeeze %dma_wait3A_281 : memref<1x8192xi32, #tpu.memory_space<hbm>> -> memref<8192xi32, #tpu.memory_space<hbm>>
    %dma_wait3A_283 = arith.constant 0 : i32
    %dma_wait3A_284 = tpu.memref_slice %arg5[%dma_wait3A_283] : memref<8240xi32, #tpu.memory_space<vmem>> -> memref<8192xi32, #tpu.memory_space<vmem>>
    %dma_wait3A_285 = arith.constant 0 : i32
    %dma_wait3A_286 = tpu.memref_slice %arg2[%add3A_178, %dma_wait3A_285] : memref<128x8192xi32, #tpu.memory_space<hbm>> -> memref<1x8192xi32, #tpu.memory_space<hbm>>
    %dma_wait3A_287 = tpu.memref_squeeze %dma_wait3A_286 : memref<1x8192xi32, #tpu.memory_space<hbm>> -> memref<8192xi32, #tpu.memory_space<hbm>>
    tpu.wait_dma2 semaphore(%arg8 : memref<!tpu.dma_semaphore, #tpu.memory_space<semaphore_mem>>) src(%dma_wait3A_287 : memref<8192xi32, #tpu.memory_space<hbm>>) dst(%dma_wait3A_284 : memref<8192xi32, #tpu.memory_space<vmem>>)
    %mul3A_288 = arith.constant 4 : i32
    %mul3A_289 = arith.muli %add3A, %mul3A_288 : i32
    %add3A_290 = arith.constant 1 : i32
    %add3A_291 = arith.addi %mul3A_289, %add3A_290 : i32
    %add3A_292 = arith.constant 0 : i32
    %add3A_293 = vector.broadcast %add3A_292 : i32 to vector<16xi32>
    %add3A_294 = arith.addi %mul3A_8, %add3A_293 : vector<16xi32>
    %gather3A_295 = tpu.vector_load_idx %arg5[%add3A_294] : memref<8240xi32, #tpu.memory_space<vmem>>[vector<16xi32>], vector<16xi32>,
    %add3A_296 = arith.constant 1 : i32
    %add3A_297 = vector.broadcast %add3A_296 : i32 to vector<16xi32>
    %add3A_298 = arith.addi %mul3A_8, %add3A_297 : vector<16xi32>
    %gather3A_299 = tpu.vector_load_idx %arg5[%add3A_298] : memref<8240xi32, #tpu.memory_space<vmem>>[vector<16xi32>], vector<16xi32>,
    %add3A_300 = arith.constant 2 : i32
    %add3A_301 = vector.broadcast %add3A_300 : i32 to vector<16xi32>
    %add3A_302 = arith.addi %mul3A_8, %add3A_301 : vector<16xi32>
    %gather3A_303 = tpu.vector_load_idx %arg5[%add3A_302] : memref<8240xi32, #tpu.memory_space<vmem>>[vector<16xi32>], vector<16xi32>,
    %add3A_304 = arith.constant 3 : i32
    %add3A_305 = vector.broadcast %add3A_304 : i32 to vector<16xi32>
    %add3A_306 = arith.addi %mul3A_8, %add3A_305 : vector<16xi32>
    %gather3A_307 = tpu.vector_load_idx %arg5[%add3A_306] : memref<8240xi32, #tpu.memory_space<vmem>>[vector<16xi32>], vector<16xi32>,
    %add3A_308 = arith.constant 4 : i32
    %add3A_309 = vector.broadcast %add3A_308 : i32 to vector<16xi32>
    %add3A_310 = arith.addi %mul3A_8, %add3A_309 : vector<16xi32>
    %gather3A_311 = tpu.vector_load_idx %arg5[%add3A_310] : memref<8240xi32, #tpu.memory_space<vmem>>[vector<16xi32>], vector<16xi32>,
    %add3A_312 = arith.constant 5 : i32
    %add3A_313 = vector.broadcast %add3A_312 : i32 to vector<16xi32>
    %add3A_314 = arith.addi %mul3A_8, %add3A_313 : vector<16xi32>
    %gather3A_315 = tpu.vector_load_idx %arg5[%add3A_314] : memref<8240xi32, #tpu.memory_space<vmem>>[vector<16xi32>], vector<16xi32>,
    %add3A_316 = arith.constant 6 : i32
    %add3A_317 = vector.broadcast %add3A_316 : i32 to vector<16xi32>
    %add3A_318 = arith.addi %mul3A_8, %add3A_317 : vector<16xi32>
    %gather3A_319 = tpu.vector_load_idx %arg5[%add3A_318] : memref<8240xi32, #tpu.memory_space<vmem>>[vector<16xi32>], vector<16xi32>,
    %add3A_320 = arith.constant 7 : i32
    %add3A_321 = vector.broadcast %add3A_320 : i32 to vector<16xi32>
    %add3A_322 = arith.addi %mul3A_8, %add3A_321 : vector<16xi32>
    %gather3A_323 = tpu.vector_load_idx %arg5[%add3A_322] : memref<8240xi32, #tpu.memory_space<vmem>>[vector<16xi32>], vector<16xi32>,
    %mul3A_324 = arith.constant 4 : i32
    %mul3A_325 = vector.broadcast %mul3A_324 : i32 to vector<16xi32>
    %mul3A_326 = arith.muli %gather3A_295, %mul3A_325 : vector<16xi32>
    %add3A_327 = arith.addi %mul3A_326, %gather3A_299 : vector<16xi32>
    %mul3A_328 = arith.constant 4 : i32
    %mul3A_329 = vector.broadcast %mul3A_328 : i32 to vector<16xi32>
    %mul3A_330 = arith.muli %gather3A_303, %mul3A_329 : vector<16xi32>
    %add3A_331 = arith.addi %mul3A_330, %gather3A_307 : vector<16xi32>
    %mul3A_332 = arith.constant 4 : i32
    %mul3A_333 = vector.broadcast %mul3A_332 : i32 to vector<16xi32>
    %mul3A_334 = arith.muli %gather3A_311, %mul3A_333 : vector<16xi32>
    %add3A_335 = arith.addi %mul3A_334, %gather3A_315 : vector<16xi32>
    %mul3A_336 = arith.constant 4 : i32
    %mul3A_337 = vector.broadcast %mul3A_336 : i32 to vector<16xi32>
    %mul3A_338 = arith.muli %gather3A_319, %mul3A_337 : vector<16xi32>
    %add3A_339 = arith.addi %mul3A_338, %gather3A_323 : vector<16xi32>
    %mul3A_340 = arith.constant 16 : i32
    %mul3A_341 = vector.broadcast %mul3A_340 : i32 to vector<16xi32>
    %mul3A_342 = arith.muli %add3A_327, %mul3A_341 : vector<16xi32>
    %add3A_343 = arith.addi %mul3A_342, %add3A_331 : vector<16xi32>
    %mul3A_344 = arith.constant 256 : i32
    %mul3A_345 = vector.broadcast %mul3A_344 : i32 to vector<16xi32>
    %mul3A_346 = arith.muli %add3A_343, %mul3A_345 : vector<16xi32>
    %mul3A_347 = arith.constant 16 : i32
    %mul3A_348 = vector.broadcast %mul3A_347 : i32 to vector<16xi32>
    %mul3A_349 = arith.muli %add3A_335, %mul3A_348 : vector<16xi32>
    %add3A_350 = arith.addi %mul3A_349, %add3A_339 : vector<16xi32>
    %add3A_351 = arith.addi %mul3A_346, %add3A_350 : vector<16xi32>
    %add3A_352 = arith.constant 0 : i32
    %add3A_353 = vector.broadcast %add3A_352 : i32 to vector<16xi32>
    %add3A_354 = arith.addi %add3A_11, %add3A_353 : vector<16xi32>
    %gather3A_355 = tpu.vector_load_idx %arg5[%add3A_354] : memref<8240xi32, #tpu.memory_space<vmem>>[vector<16xi32>], vector<16xi32>,
    %add3A_356 = arith.constant 1 : i32
    %add3A_357 = vector.broadcast %add3A_356 : i32 to vector<16xi32>
    %add3A_358 = arith.addi %add3A_11, %add3A_357 : vector<16xi32>
    %gather3A_359 = tpu.vector_load_idx %arg5[%add3A_358] : memref<8240xi32, #tpu.memory_space<vmem>>[vector<16xi32>], vector<16xi32>,
    %add3A_360 = arith.constant 2 : i32
    %add3A_361 = vector.broadcast %add3A_360 : i32 to vector<16xi32>
    %add3A_362 = arith.addi %add3A_11, %add3A_361 : vector<16xi32>
    %gather3A_363 = tpu.vector_load_idx %arg5[%add3A_362] : memref<8240xi32, #tpu.memory_space<vmem>>[vector<16xi32>], vector<16xi32>,
    %add3A_364 = arith.constant 3 : i32
    %add3A_365 = vector.broadcast %add3A_364 : i32 to vector<16xi32>
    %add3A_366 = arith.addi %add3A_11, %add3A_365 : vector<16xi32>
    %gather3A_367 = tpu.vector_load_idx %arg5[%add3A_366] : memref<8240xi32, #tpu.memory_space<vmem>>[vector<16xi32>], vector<16xi32>,
    %add3A_368 = arith.constant 4 : i32
    %add3A_369 = vector.broadcast %add3A_368 : i32 to vector<16xi32>
    %add3A_370 = arith.addi %add3A_11, %add3A_369 : vector<16xi32>
    %gather3A_371 = tpu.vector_load_idx %arg5[%add3A_370] : memref<8240xi32, #tpu.memory_space<vmem>>[vector<16xi32>], vector<16xi32>,
    %add3A_372 = arith.constant 5 : i32
    %add3A_373 = vector.broadcast %add3A_372 : i32 to vector<16xi32>
    %add3A_374 = arith.addi %add3A_11, %add3A_373 : vector<16xi32>
    %gather3A_375 = tpu.vector_load_idx %arg5[%add3A_374] : memref<8240xi32, #tpu.memory_space<vmem>>[vector<16xi32>], vector<16xi32>,
    %add3A_376 = arith.constant 6 : i32
    %add3A_377 = vector.broadcast %add3A_376 : i32 to vector<16xi32>
    %add3A_378 = arith.addi %add3A_11, %add3A_377 : vector<16xi32>
    %gather3A_379 = tpu.vector_load_idx %arg5[%add3A_378] : memref<8240xi32, #tpu.memory_space<vmem>>[vector<16xi32>], vector<16xi32>,
    %add3A_380 = arith.constant 7 : i32
    %add3A_381 = vector.broadcast %add3A_380 : i32 to vector<16xi32>
    %add3A_382 = arith.addi %add3A_11, %add3A_381 : vector<16xi32>
    %gather3A_383 = tpu.vector_load_idx %arg5[%add3A_382] : memref<8240xi32, #tpu.memory_space<vmem>>[vector<16xi32>], vector<16xi32>,
    %mul3A_384 = arith.constant 4 : i32
    %mul3A_385 = vector.broadcast %mul3A_384 : i32 to vector<16xi32>
    %mul3A_386 = arith.muli %gather3A_355, %mul3A_385 : vector<16xi32>
    %add3A_387 = arith.addi %mul3A_386, %gather3A_359 : vector<16xi32>
    %mul3A_388 = arith.constant 4 : i32
    %mul3A_389 = vector.broadcast %mul3A_388 : i32 to vector<16xi32>
    %mul3A_390 = arith.muli %gather3A_363, %mul3A_389 : vector<16xi32>
    %add3A_391 = arith.addi %mul3A_390, %gather3A_367 : vector<16xi32>
    %mul3A_392 = arith.constant 4 : i32
    %mul3A_393 = vector.broadcast %mul3A_392 : i32 to vector<16xi32>
    %mul3A_394 = arith.muli %gather3A_371, %mul3A_393 : vector<16xi32>
    %add3A_395 = arith.addi %mul3A_394, %gather3A_375 : vector<16xi32>
    %mul3A_396 = arith.constant 4 : i32
    %mul3A_397 = vector.broadcast %mul3A_396 : i32 to vector<16xi32>
    %mul3A_398 = arith.muli %gather3A_379, %mul3A_397 : vector<16xi32>
    %add3A_399 = arith.addi %mul3A_398, %gather3A_383 : vector<16xi32>
    %mul3A_400 = arith.constant 16 : i32
    %mul3A_401 = vector.broadcast %mul3A_400 : i32 to vector<16xi32>
    %mul3A_402 = arith.muli %add3A_387, %mul3A_401 : vector<16xi32>
    %add3A_403 = arith.addi %mul3A_402, %add3A_391 : vector<16xi32>
    %mul3A_404 = arith.constant 256 : i32
    %mul3A_405 = vector.broadcast %mul3A_404 : i32 to vector<16xi32>
    %mul3A_406 = arith.muli %add3A_403, %mul3A_405 : vector<16xi32>
    %mul3A_407 = arith.constant 16 : i32
    %mul3A_408 = vector.broadcast %mul3A_407 : i32 to vector<16xi32>
    %mul3A_409 = arith.muli %add3A_395, %mul3A_408 : vector<16xi32>
    %add3A_410 = arith.addi %mul3A_409, %add3A_399 : vector<16xi32>
    %add3A_411 = arith.addi %mul3A_406, %add3A_410 : vector<16xi32>
    %scan3A_412 = arith.constant 0 : i32
    %scan3A_413 = arith.constant 257 : i32
    %scan3A_414 = arith.addi %scan3A_412, %scan3A_413 : i32
    %scan3A_415 = arith.constant 1 : i32
    %scan3A_416:2 = scf.for %scan3A_1456 = %scan3A_412 to %scan3A_414 step %scan3A_415 iter_args(%scan3A_1457 = %add3A_351, %scan3A_1458 = %add3A_411) -> (vector<16xi32>, vector<16xi32>)  : i32 {
      %mul3A_1459 = arith.constant 16 : i32
      %mul3A_1460 = arith.muli %scan3A_1456, %mul3A_1459 : i32
      %swap3A_1461 = arith.index_cast %mul3A_1460 : i32 to index
      %swap3A_1462 = tpu.vector_load %arg6[%swap3A_1461] {strides = array<i32>} : memref<8224xi32, #tpu.memory_space<vmem>>, vector<16xi32>,
      tpu.vector_store %arg6[%swap3A_1461], %scan3A_1457 {strides = array<i32>} : memref<8224xi32, #tpu.memory_space<vmem>>, vector<16xi32>,
      %add3A_1463 = vector.broadcast %scan3A_1456 : i32 to vector<16xi32>
      %add3A_1464 = arith.addi %add3A_11, %add3A_1463 : vector<16xi32>
      %lt3A = arith.constant 8185 : i32
      %lt3A_1465 = vector.broadcast %lt3A : i32 to vector<16xi32>
      %lt3A_1466 = arith.cmpi slt, %add3A_1464, %lt3A_1465 : vector<16xi32>
      %jit3A = arith.constant 65536 : i32
      %broadcast_in_dim3A_1467 = vector.broadcast %jit3A : i32 to vector<16xi32>
      %select_n3A = arith.select %lt3A_1466, %scan3A_1458, %broadcast_in_dim3A_1467 : vector<16xi1>, vector<16xi32>
      %add3A_1468 = arith.constant 257 : i32
      %add3A_1469 = arith.addi %add3A_1468, %scan3A_1456 : i32
      %mul3A_1470 = arith.constant 16 : i32
      %mul3A_1471 = arith.muli %add3A_1469, %mul3A_1470 : i32
      %swap3A_1472 = arith.index_cast %mul3A_1471 : i32 to index
      %swap3A_1473 = tpu.vector_load %arg6[%swap3A_1472] {strides = array<i32>} : memref<8224xi32, #tpu.memory_space<vmem>>, vector<16xi32>,
      tpu.vector_store %arg6[%swap3A_1472], %select_n3A {strides = array<i32>} : memref<8224xi32, #tpu.memory_space<vmem>>, vector<16xi32>,
      %add3A_1474 = vector.broadcast %scan3A_1456 : i32 to vector<16xi32>
      %add3A_1475 = arith.addi %mul3A_8, %add3A_1474 : vector<16xi32>
      %add3A_1476 = arith.constant 8 : i32
      %add3A_1477 = vector.broadcast %add3A_1476 : i32 to vector<16xi32>
      %add3A_1478 = arith.addi %add3A_1475, %add3A_1477 : vector<16xi32>
      %gather3A_1479 = tpu.vector_load_idx %arg5[%add3A_1478] : memref<8240xi32, #tpu.memory_space<vmem>>[vector<16xi32>], vector<16xi32>,
      %add3A_1480 = arith.constant 8 : i32
      %add3A_1481 = vector.broadcast %add3A_1480 : i32 to vector<16xi32>
      %add3A_1482 = arith.addi %add3A_1464, %add3A_1481 : vector<16xi32>
      %gather3A_1483 = tpu.vector_load_idx %arg5[%add3A_1482] : memref<8240xi32, #tpu.memory_space<vmem>>[vector<16xi32>], vector<16xi32>,
      %shift_left3A = arith.constant 2 : i32
      %shift_left3A_1484 = vector.broadcast %shift_left3A : i32 to vector<16xi32>
      %shift_left3A_1485 = arith.shli %scan3A_1457, %shift_left3A_1484 : vector<16xi32>
      %add3A_1486 = arith.addi %shift_left3A_1485, %gather3A_1479 : vector<16xi32>
      %and3A = arith.constant 65535 : i32
      %and3A_1487 = vector.broadcast %and3A : i32 to vector<16xi32>
      %and3A_1488 = arith.andi %add3A_1486, %and3A_1487 : vector<16xi32>
      %shift_left3A_1489 = arith.constant 2 : i32
      %shift_left3A_1490 = vector.broadcast %shift_left3A_1489 : i32 to vector<16xi32>
      %shift_left3A_1491 = arith.shli %scan3A_1458, %shift_left3A_1490 : vector<16xi32>
      %add3A_1492 = arith.addi %shift_left3A_1491, %gather3A_1483 : vector<16xi32>
      %and3A_1493 = arith.constant 65535 : i32
      %and3A_1494 = vector.broadcast %and3A_1493 : i32 to vector<16xi32>
      %and3A_1495 = arith.andi %add3A_1492, %and3A_1494 : vector<16xi32>
      scf.yield %and3A_1488, %and3A_1495 : vector<16xi32>, vector<16xi32>
    }
    %scan3A_417 = arith.constant 257 : i32
    %add3A_418 = arith.constant 1 : i32
    %add3A_419 = arith.addi %add3A_291, %add3A_418 : i32
    %dma_start3A_420 = arith.constant 0 : i32
    %dma_start3A_421 = tpu.memref_slice %arg4[%dma_start3A_420] : memref<8240xi32, #tpu.memory_space<vmem>> -> memref<8192xi32, #tpu.memory_space<vmem>>
    %dma_start3A_422 = arith.constant 0 : i32
    %dma_start3A_423 = tpu.memref_slice %arg2[%add3A_419, %dma_start3A_422] : memref<128x8192xi32, #tpu.memory_space<hbm>> -> memref<1x8192xi32, #tpu.memory_space<hbm>>
    %dma_start3A_424 = tpu.memref_squeeze %dma_start3A_423 : memref<1x8192xi32, #tpu.memory_space<hbm>> -> memref<8192xi32, #tpu.memory_space<hbm>>
    %dma_start3A_425 = arith.constant 0 : i32
    %dma_start3A_426 = tpu.memref_slice %arg4[%dma_start3A_425] : memref<8240xi32, #tpu.memory_space<vmem>> -> memref<8192xi32, #tpu.memory_space<vmem>>
    %dma_start3A_427 = arith.constant 0 : i32
    %dma_start3A_428 = tpu.memref_slice %arg2[%add3A_419, %dma_start3A_427] : memref<128x8192xi32, #tpu.memory_space<hbm>> -> memref<1x8192xi32, #tpu.memory_space<hbm>>
    %dma_start3A_429 = tpu.memref_squeeze %dma_start3A_428 : memref<1x8192xi32, #tpu.memory_space<hbm>> -> memref<8192xi32, #tpu.memory_space<hbm>>
    tpu.enqueue_dma source(%dma_start3A_429 : memref<8192xi32, #tpu.memory_space<hbm>>) target(%dma_start3A_426 : memref<8192xi32, #tpu.memory_space<vmem>>) target_semaphore(%arg8 : memref<!tpu.dma_semaphore, #tpu.memory_space<semaphore_mem>>)
    %dma_wait3A_430 = arith.constant 0 : i32
    %dma_wait3A_431 = tpu.memref_slice %arg7[%dma_wait3A_430] : memref<65792xf32, #tpu.memory_space<vmem>> -> memref<11264xf32, #tpu.memory_space<vmem>>
    %dma_wait3A_432 = arith.constant 0 : i32
    %dma_wait3A_433 = tpu.memref_slice %arg3[%add3A_51, %dma_wait3A_432] : memref<128x65536xf32, #tpu.memory_space<hbm>> -> memref<1x11264xf32, #tpu.memory_space<hbm>>
    %dma_wait3A_434 = tpu.memref_squeeze %dma_wait3A_433 : memref<1x11264xf32, #tpu.memory_space<hbm>> -> memref<11264xf32, #tpu.memory_space<hbm>>
    %dma_wait3A_435 = arith.constant 0 : i32
    %dma_wait3A_436 = tpu.memref_slice %arg3[%add3A_51, %dma_wait3A_435] : memref<128x65536xf32, #tpu.memory_space<hbm>> -> memref<1x11264xf32, #tpu.memory_space<hbm>>
    %dma_wait3A_437 = tpu.memref_squeeze %dma_wait3A_436 : memref<1x11264xf32, #tpu.memory_space<hbm>> -> memref<11264xf32, #tpu.memory_space<hbm>>
    %dma_wait3A_438 = arith.constant 0 : i32
    %dma_wait3A_439 = tpu.memref_slice %arg7[%dma_wait3A_438] : memref<65792xf32, #tpu.memory_space<vmem>> -> memref<11264xf32, #tpu.memory_space<vmem>>
    tpu.wait_dma2 semaphore(%arg9 : memref<!tpu.dma_semaphore, #tpu.memory_space<semaphore_mem>>) src(%dma_wait3A_439 : memref<11264xf32, #tpu.memory_space<vmem>>) dst(%dma_wait3A_437 : memref<11264xf32, #tpu.memory_space<hbm>>)
    %scan3A_440 = arith.constant 0 : i32
    %scan3A_441 = arith.constant 0 : i32
    %scan3A_442 = arith.constant 44 : i32
    %scan3A_443 = arith.addi %scan3A_441, %scan3A_442 : i32
    %scan3A_444 = arith.constant 1 : i32
    scf.for %scan3A_1456 = %scan3A_441 to %scan3A_443 step %scan3A_444  : i32 {
      %mul3A_1457 = arith.constant 256 : i32
      %mul3A_1458 = arith.muli %scan3A_1456, %mul3A_1457 : i32
      %add3A_1459 = arith.constant 0 : i32
      %add3A_1460 = arith.addi %add3A_1459, %mul3A_1458 : i32
      %add3A_1461 = arith.constant 0 : i32
      %add3A_1462 = arith.addi %add3A_1460, %add3A_1461 : i32
      %swap3A_1463 = arith.index_cast %add3A_1462 : i32 to index
      %swap3A_1464 = tpu.vector_load %arg7[%swap3A_1463] {strides = array<i32>} : memref<65792xf32, #tpu.memory_space<vmem>>, vector<16xf32>,
      tpu.vector_store %arg7[%swap3A_1463], %broadcast_in_dim3A_3 {strides = array<i32>} : memref<65792xf32, #tpu.memory_space<vmem>>, vector<16xf32>,
      %add3A_1465 = arith.constant 16 : i32
      %add3A_1466 = arith.addi %add3A_1460, %add3A_1465 : i32
      %swap3A_1467 = arith.index_cast %add3A_1466 : i32 to index
      %swap3A_1468 = tpu.vector_load %arg7[%swap3A_1467] {strides = array<i32>} : memref<65792xf32, #tpu.memory_space<vmem>>, vector<16xf32>,
      tpu.vector_store %arg7[%swap3A_1467], %broadcast_in_dim3A_3 {strides = array<i32>} : memref<65792xf32, #tpu.memory_space<vmem>>, vector<16xf32>,
      %add3A_1469 = arith.constant 32 : i32
      %add3A_1470 = arith.addi %add3A_1460, %add3A_1469 : i32
      %swap3A_1471 = arith.index_cast %add3A_1470 : i32 to index
      %swap3A_1472 = tpu.vector_load %arg7[%swap3A_1471] {strides = array<i32>} : memref<65792xf32, #tpu.memory_space<vmem>>, vector<16xf32>,
      tpu.vector_store %arg7[%swap3A_1471], %broadcast_in_dim3A_3 {strides = array<i32>} : memref<65792xf32, #tpu.memory_space<vmem>>, vector<16xf32>,
      %add3A_1473 = arith.constant 48 : i32
      %add3A_1474 = arith.addi %add3A_1460, %add3A_1473 : i32
      %swap3A_1475 = arith.index_cast %add3A_1474 : i32 to index
      %swap3A_1476 = tpu.vector_load %arg7[%swap3A_1475] {strides = array<i32>} : memref<65792xf32, #tpu.memory_space<vmem>>, vector<16xf32>,
      tpu.vector_store %arg7[%swap3A_1475], %broadcast_in_dim3A_3 {strides = array<i32>} : memref<65792xf32, #tpu.memory_space<vmem>>, vector<16xf32>,
      %add3A_1477 = arith.constant 64 : i32
      %add3A_1478 = arith.addi %add3A_1460, %add3A_1477 : i32
      %swap3A_1479 = arith.index_cast %add3A_1478 : i32 to index
      %swap3A_1480 = tpu.vector_load %arg7[%swap3A_1479] {strides = array<i32>} : memref<65792xf32, #tpu.memory_space<vmem>>, vector<16xf32>,
      tpu.vector_store %arg7[%swap3A_1479], %broadcast_in_dim3A_3 {strides = array<i32>} : memref<65792xf32, #tpu.memory_space<vmem>>, vector<16xf32>,
      %add3A_1481 = arith.constant 80 : i32
      %add3A_1482 = arith.addi %add3A_1460, %add3A_1481 : i32
      %swap3A_1483 = arith.index_cast %add3A_1482 : i32 to index
      %swap3A_1484 = tpu.vector_load %arg7[%swap3A_1483] {strides = array<i32>} : memref<65792xf32, #tpu.memory_space<vmem>>, vector<16xf32>,
      tpu.vector_store %arg7[%swap3A_1483], %broadcast_in_dim3A_3 {strides = array<i32>} : memref<65792xf32, #tpu.memory_space<vmem>>, vector<16xf32>,
      %add3A_1485 = arith.constant 96 : i32
      %add3A_1486 = arith.addi %add3A_1460, %add3A_1485 : i32
      %swap3A_1487 = arith.index_cast %add3A_1486 : i32 to index
      %swap3A_1488 = tpu.vector_load %arg7[%swap3A_1487] {strides = array<i32>} : memref<65792xf32, #tpu.memory_space<vmem>>, vector<16xf32>,
      tpu.vector_store %arg7[%swap3A_1487], %broadcast_in_dim3A_3 {strides = array<i32>} : memref<65792xf32, #tpu.memory_space<vmem>>, vector<16xf32>,
      %add3A_1489 = arith.constant 112 : i32
      %add3A_1490 = arith.addi %add3A_1460, %add3A_1489 : i32
      %swap3A_1491 = arith.index_cast %add3A_1490 : i32 to index
      %swap3A_1492 = tpu.vector_load %arg7[%swap3A_1491] {strides = array<i32>} : memref<65792xf32, #tpu.memory_space<vmem>>, vector<16xf32>,
      tpu.vector_store %arg7[%swap3A_1491], %broadcast_in_dim3A_3 {strides = array<i32>} : memref<65792xf32, #tpu.memory_space<vmem>>, vector<16xf32>,
      %add3A_1493 = arith.constant 128 : i32
      %add3A_1494 = arith.addi %add3A_1460, %add3A_1493 : i32
      %swap3A_1495 = arith.index_cast %add3A_1494 : i32 to index
      %swap3A_1496 = tpu.vector_load %arg7[%swap3A_1495] {strides = array<i32>} : memref<65792xf32, #tpu.memory_space<vmem>>, vector<16xf32>,
      tpu.vector_store %arg7[%swap3A_1495], %broadcast_in_dim3A_3 {strides = array<i32>} : memref<65792xf32, #tpu.memory_space<vmem>>, vector<16xf32>,
      %add3A_1497 = arith.constant 144 : i32
      %add3A_1498 = arith.addi %add3A_1460, %add3A_1497 : i32
      %swap3A_1499 = arith.index_cast %add3A_1498 : i32 to index
      %swap3A_1500 = tpu.vector_load %arg7[%swap3A_1499] {strides = array<i32>} : memref<65792xf32, #tpu.memory_space<vmem>>, vector<16xf32>,
      tpu.vector_store %arg7[%swap3A_1499], %broadcast_in_dim3A_3 {strides = array<i32>} : memref<65792xf32, #tpu.memory_space<vmem>>, vector<16xf32>,
      %add3A_1501 = arith.constant 160 : i32
      %add3A_1502 = arith.addi %add3A_1460, %add3A_1501 : i32
      %swap3A_1503 = arith.index_cast %add3A_1502 : i32 to index
      %swap3A_1504 = tpu.vector_load %arg7[%swap3A_1503] {strides = array<i32>} : memref<65792xf32, #tpu.memory_space<vmem>>, vector<16xf32>,
      tpu.vector_store %arg7[%swap3A_1503], %broadcast_in_dim3A_3 {strides = array<i32>} : memref<65792xf32, #tpu.memory_space<vmem>>, vector<16xf32>,
      %add3A_1505 = arith.constant 176 : i32
      %add3A_1506 = arith.addi %add3A_1460, %add3A_1505 : i32
      %swap3A_1507 = arith.index_cast %add3A_1506 : i32 to index
      %swap3A_1508 = tpu.vector_load %arg7[%swap3A_1507] {strides = array<i32>} : memref<65792xf32, #tpu.memory_space<vmem>>, vector<16xf32>,
      tpu.vector_store %arg7[%swap3A_1507], %broadcast_in_dim3A_3 {strides = array<i32>} : memref<65792xf32, #tpu.memory_space<vmem>>, vector<16xf32>,
      %add3A_1509 = arith.constant 192 : i32
      %add3A_1510 = arith.addi %add3A_1460, %add3A_1509 : i32
      %swap3A_1511 = arith.index_cast %add3A_1510 : i32 to index
      %swap3A_1512 = tpu.vector_load %arg7[%swap3A_1511] {strides = array<i32>} : memref<65792xf32, #tpu.memory_space<vmem>>, vector<16xf32>,
      tpu.vector_store %arg7[%swap3A_1511], %broadcast_in_dim3A_3 {strides = array<i32>} : memref<65792xf32, #tpu.memory_space<vmem>>, vector<16xf32>,
      %add3A_1513 = arith.constant 208 : i32
      %add3A_1514 = arith.addi %add3A_1460, %add3A_1513 : i32
      %swap3A_1515 = arith.index_cast %add3A_1514 : i32 to index
      %swap3A_1516 = tpu.vector_load %arg7[%swap3A_1515] {strides = array<i32>} : memref<65792xf32, #tpu.memory_space<vmem>>, vector<16xf32>,
      tpu.vector_store %arg7[%swap3A_1515], %broadcast_in_dim3A_3 {strides = array<i32>} : memref<65792xf32, #tpu.memory_space<vmem>>, vector<16xf32>,
      %add3A_1517 = arith.constant 224 : i32
      %add3A_1518 = arith.addi %add3A_1460, %add3A_1517 : i32
      %swap3A_1519 = arith.index_cast %add3A_1518 : i32 to index
      %swap3A_1520 = tpu.vector_load %arg7[%swap3A_1519] {strides = array<i32>} : memref<65792xf32, #tpu.memory_space<vmem>>, vector<16xf32>,
      tpu.vector_store %arg7[%swap3A_1519], %broadcast_in_dim3A_3 {strides = array<i32>} : memref<65792xf32, #tpu.memory_space<vmem>>, vector<16xf32>,
      %add3A_1521 = arith.constant 240 : i32
      %add3A_1522 = arith.addi %add3A_1460, %add3A_1521 : i32
      %swap3A_1523 = arith.index_cast %add3A_1522 : i32 to index
      %swap3A_1524 = tpu.vector_load %arg7[%swap3A_1523] {strides = array<i32>} : memref<65792xf32, #tpu.memory_space<vmem>>, vector<16xf32>,
      tpu.vector_store %arg7[%swap3A_1523], %broadcast_in_dim3A_3 {strides = array<i32>} : memref<65792xf32, #tpu.memory_space<vmem>>, vector<16xf32>,
    }
    %scan3A_445 = arith.constant 44 : i32
    %dma_wait3A_446 = arith.constant 11264 : i32
    %dma_wait3A_447 = tpu.memref_slice %arg7[%dma_wait3A_446] : memref<65792xf32, #tpu.memory_space<vmem>> -> memref<11264xf32, #tpu.memory_space<vmem>>
    %dma_wait3A_448 = arith.constant 11264 : i32
    %dma_wait3A_449 = tpu.memref_slice %arg3[%add3A_51, %dma_wait3A_448] : memref<128x65536xf32, #tpu.memory_space<hbm>> -> memref<1x11264xf32, #tpu.memory_space<hbm>>
    %dma_wait3A_450 = tpu.memref_squeeze %dma_wait3A_449 : memref<1x11264xf32, #tpu.memory_space<hbm>> -> memref<11264xf32, #tpu.memory_space<hbm>>
    %dma_wait3A_451 = arith.constant 11264 : i32
    %dma_wait3A_452 = tpu.memref_slice %arg3[%add3A_51, %dma_wait3A_451] : memref<128x65536xf32, #tpu.memory_space<hbm>> -> memref<1x11264xf32, #tpu.memory_space<hbm>>
    %dma_wait3A_453 = tpu.memref_squeeze %dma_wait3A_452 : memref<1x11264xf32, #tpu.memory_space<hbm>> -> memref<11264xf32, #tpu.memory_space<hbm>>
    %dma_wait3A_454 = arith.constant 11264 : i32
    %dma_wait3A_455 = tpu.memref_slice %arg7[%dma_wait3A_454] : memref<65792xf32, #tpu.memory_space<vmem>> -> memref<11264xf32, #tpu.memory_space<vmem>>
    tpu.wait_dma2 semaphore(%arg10 : memref<!tpu.dma_semaphore, #tpu.memory_space<semaphore_mem>>) src(%dma_wait3A_455 : memref<11264xf32, #tpu.memory_space<vmem>>) dst(%dma_wait3A_453 : memref<11264xf32, #tpu.memory_space<hbm>>)
    %scan3A_456 = arith.constant 0 : i32
    %scan3A_457 = arith.constant 0 : i32
    %scan3A_458 = arith.constant 44 : i32
    %scan3A_459 = arith.addi %scan3A_457, %scan3A_458 : i32
    %scan3A_460 = arith.constant 1 : i32
    scf.for %scan3A_1456 = %scan3A_457 to %scan3A_459 step %scan3A_460  : i32 {
      %mul3A_1457 = arith.constant 256 : i32
      %mul3A_1458 = arith.muli %scan3A_1456, %mul3A_1457 : i32
      %add3A_1459 = arith.constant 11264 : i32
      %add3A_1460 = arith.addi %add3A_1459, %mul3A_1458 : i32
      %add3A_1461 = arith.constant 0 : i32
      %add3A_1462 = arith.addi %add3A_1460, %add3A_1461 : i32
      %swap3A_1463 = arith.index_cast %add3A_1462 : i32 to index
      %swap3A_1464 = tpu.vector_load %arg7[%swap3A_1463] {strides = array<i32>} : memref<65792xf32, #tpu.memory_space<vmem>>, vector<16xf32>,
      tpu.vector_store %arg7[%swap3A_1463], %broadcast_in_dim3A_3 {strides = array<i32>} : memref<65792xf32, #tpu.memory_space<vmem>>, vector<16xf32>,
      %add3A_1465 = arith.constant 16 : i32
      %add3A_1466 = arith.addi %add3A_1460, %add3A_1465 : i32
      %swap3A_1467 = arith.index_cast %add3A_1466 : i32 to index
      %swap3A_1468 = tpu.vector_load %arg7[%swap3A_1467] {strides = array<i32>} : memref<65792xf32, #tpu.memory_space<vmem>>, vector<16xf32>,
      tpu.vector_store %arg7[%swap3A_1467], %broadcast_in_dim3A_3 {strides = array<i32>} : memref<65792xf32, #tpu.memory_space<vmem>>, vector<16xf32>,
      %add3A_1469 = arith.constant 32 : i32
      %add3A_1470 = arith.addi %add3A_1460, %add3A_1469 : i32
      %swap3A_1471 = arith.index_cast %add3A_1470 : i32 to index
      %swap3A_1472 = tpu.vector_load %arg7[%swap3A_1471] {strides = array<i32>} : memref<65792xf32, #tpu.memory_space<vmem>>, vector<16xf32>,
      tpu.vector_store %arg7[%swap3A_1471], %broadcast_in_dim3A_3 {strides = array<i32>} : memref<65792xf32, #tpu.memory_space<vmem>>, vector<16xf32>,
      %add3A_1473 = arith.constant 48 : i32
      %add3A_1474 = arith.addi %add3A_1460, %add3A_1473 : i32
      %swap3A_1475 = arith.index_cast %add3A_1474 : i32 to index
      %swap3A_1476 = tpu.vector_load %arg7[%swap3A_1475] {strides = array<i32>} : memref<65792xf32, #tpu.memory_space<vmem>>, vector<16xf32>,
      tpu.vector_store %arg7[%swap3A_1475], %broadcast_in_dim3A_3 {strides = array<i32>} : memref<65792xf32, #tpu.memory_space<vmem>>, vector<16xf32>,
      %add3A_1477 = arith.constant 64 : i32
      %add3A_1478 = arith.addi %add3A_1460, %add3A_1477 : i32
      %swap3A_1479 = arith.index_cast %add3A_1478 : i32 to index
      %swap3A_1480 = tpu.vector_load %arg7[%swap3A_1479] {strides = array<i32>} : memref<65792xf32, #tpu.memory_space<vmem>>, vector<16xf32>,
      tpu.vector_store %arg7[%swap3A_1479], %broadcast_in_dim3A_3 {strides = array<i32>} : memref<65792xf32, #tpu.memory_space<vmem>>, vector<16xf32>,
      %add3A_1481 = arith.constant 80 : i32
      %add3A_1482 = arith.addi %add3A_1460, %add3A_1481 : i32
      %swap3A_1483 = arith.index_cast %add3A_1482 : i32 to index
      %swap3A_1484 = tpu.vector_load %arg7[%swap3A_1483] {strides = array<i32>} : memref<65792xf32, #tpu.memory_space<vmem>>, vector<16xf32>,
      tpu.vector_store %arg7[%swap3A_1483], %broadcast_in_dim3A_3 {strides = array<i32>} : memref<65792xf32, #tpu.memory_space<vmem>>, vector<16xf32>,
      %add3A_1485 = arith.constant 96 : i32
      %add3A_1486 = arith.addi %add3A_1460, %add3A_1485 : i32
      %swap3A_1487 = arith.index_cast %add3A_1486 : i32 to index
      %swap3A_1488 = tpu.vector_load %arg7[%swap3A_1487] {strides = array<i32>} : memref<65792xf32, #tpu.memory_space<vmem>>, vector<16xf32>,
      tpu.vector_store %arg7[%swap3A_1487], %broadcast_in_dim3A_3 {strides = array<i32>} : memref<65792xf32, #tpu.memory_space<vmem>>, vector<16xf32>,
      %add3A_1489 = arith.constant 112 : i32
      %add3A_1490 = arith.addi %add3A_1460, %add3A_1489 : i32
      %swap3A_1491 = arith.index_cast %add3A_1490 : i32 to index
      %swap3A_1492 = tpu.vector_load %arg7[%swap3A_1491] {strides = array<i32>} : memref<65792xf32, #tpu.memory_space<vmem>>, vector<16xf32>,
      tpu.vector_store %arg7[%swap3A_1491], %broadcast_in_dim3A_3 {strides = array<i32>} : memref<65792xf32, #tpu.memory_space<vmem>>, vector<16xf32>,
      %add3A_1493 = arith.constant 128 : i32
      %add3A_1494 = arith.addi %add3A_1460, %add3A_1493 : i32
      %swap3A_1495 = arith.index_cast %add3A_1494 : i32 to index
      %swap3A_1496 = tpu.vector_load %arg7[%swap3A_1495] {strides = array<i32>} : memref<65792xf32, #tpu.memory_space<vmem>>, vector<16xf32>,
      tpu.vector_store %arg7[%swap3A_1495], %broadcast_in_dim3A_3 {strides = array<i32>} : memref<65792xf32, #tpu.memory_space<vmem>>, vector<16xf32>,
      %add3A_1497 = arith.constant 144 : i32
      %add3A_1498 = arith.addi %add3A_1460, %add3A_1497 : i32
      %swap3A_1499 = arith.index_cast %add3A_1498 : i32 to index
      %swap3A_1500 = tpu.vector_load %arg7[%swap3A_1499] {strides = array<i32>} : memref<65792xf32, #tpu.memory_space<vmem>>, vector<16xf32>,
      tpu.vector_store %arg7[%swap3A_1499], %broadcast_in_dim3A_3 {strides = array<i32>} : memref<65792xf32, #tpu.memory_space<vmem>>, vector<16xf32>,
      %add3A_1501 = arith.constant 160 : i32
      %add3A_1502 = arith.addi %add3A_1460, %add3A_1501 : i32
      %swap3A_1503 = arith.index_cast %add3A_1502 : i32 to index
      %swap3A_1504 = tpu.vector_load %arg7[%swap3A_1503] {strides = array<i32>} : memref<65792xf32, #tpu.memory_space<vmem>>, vector<16xf32>,
      tpu.vector_store %arg7[%swap3A_1503], %broadcast_in_dim3A_3 {strides = array<i32>} : memref<65792xf32, #tpu.memory_space<vmem>>, vector<16xf32>,
      %add3A_1505 = arith.constant 176 : i32
      %add3A_1506 = arith.addi %add3A_1460, %add3A_1505 : i32
      %swap3A_1507 = arith.index_cast %add3A_1506 : i32 to index
      %swap3A_1508 = tpu.vector_load %arg7[%swap3A_1507] {strides = array<i32>} : memref<65792xf32, #tpu.memory_space<vmem>>, vector<16xf32>,
      tpu.vector_store %arg7[%swap3A_1507], %broadcast_in_dim3A_3 {strides = array<i32>} : memref<65792xf32, #tpu.memory_space<vmem>>, vector<16xf32>,
      %add3A_1509 = arith.constant 192 : i32
      %add3A_1510 = arith.addi %add3A_1460, %add3A_1509 : i32
      %swap3A_1511 = arith.index_cast %add3A_1510 : i32 to index
      %swap3A_1512 = tpu.vector_load %arg7[%swap3A_1511] {strides = array<i32>} : memref<65792xf32, #tpu.memory_space<vmem>>, vector<16xf32>,
      tpu.vector_store %arg7[%swap3A_1511], %broadcast_in_dim3A_3 {strides = array<i32>} : memref<65792xf32, #tpu.memory_space<vmem>>, vector<16xf32>,
      %add3A_1513 = arith.constant 208 : i32
      %add3A_1514 = arith.addi %add3A_1460, %add3A_1513 : i32
      %swap3A_1515 = arith.index_cast %add3A_1514 : i32 to index
      %swap3A_1516 = tpu.vector_load %arg7[%swap3A_1515] {strides = array<i32>} : memref<65792xf32, #tpu.memory_space<vmem>>, vector<16xf32>,
      tpu.vector_store %arg7[%swap3A_1515], %broadcast_in_dim3A_3 {strides = array<i32>} : memref<65792xf32, #tpu.memory_space<vmem>>, vector<16xf32>,
      %add3A_1517 = arith.constant 224 : i32
      %add3A_1518 = arith.addi %add3A_1460, %add3A_1517 : i32
      %swap3A_1519 = arith.index_cast %add3A_1518 : i32 to index
      %swap3A_1520 = tpu.vector_load %arg7[%swap3A_1519] {strides = array<i32>} : memref<65792xf32, #tpu.memory_space<vmem>>, vector<16xf32>,
      tpu.vector_store %arg7[%swap3A_1519], %broadcast_in_dim3A_3 {strides = array<i32>} : memref<65792xf32, #tpu.memory_space<vmem>>, vector<16xf32>,
      %add3A_1521 = arith.constant 240 : i32
      %add3A_1522 = arith.addi %add3A_1460, %add3A_1521 : i32
      %swap3A_1523 = arith.index_cast %add3A_1522 : i32 to index
      %swap3A_1524 = tpu.vector_load %arg7[%swap3A_1523] {strides = array<i32>} : memref<65792xf32, #tpu.memory_space<vmem>>, vector<16xf32>,
      tpu.vector_store %arg7[%swap3A_1523], %broadcast_in_dim3A_3 {strides = array<i32>} : memref<65792xf32, #tpu.memory_space<vmem>>, vector<16xf32>,
    }
    %scan3A_461 = arith.constant 44 : i32
    %dma_wait3A_462 = arith.constant 22528 : i32
    %dma_wait3A_463 = tpu.memref_slice %arg7[%dma_wait3A_462] : memref<65792xf32, #tpu.memory_space<vmem>> -> memref<11264xf32, #tpu.memory_space<vmem>>
    %dma_wait3A_464 = arith.constant 22528 : i32
    %dma_wait3A_465 = tpu.memref_slice %arg3[%add3A_51, %dma_wait3A_464] : memref<128x65536xf32, #tpu.memory_space<hbm>> -> memref<1x11264xf32, #tpu.memory_space<hbm>>
    %dma_wait3A_466 = tpu.memref_squeeze %dma_wait3A_465 : memref<1x11264xf32, #tpu.memory_space<hbm>> -> memref<11264xf32, #tpu.memory_space<hbm>>
    %dma_wait3A_467 = arith.constant 22528 : i32
    %dma_wait3A_468 = tpu.memref_slice %arg3[%add3A_51, %dma_wait3A_467] : memref<128x65536xf32, #tpu.memory_space<hbm>> -> memref<1x11264xf32, #tpu.memory_space<hbm>>
    %dma_wait3A_469 = tpu.memref_squeeze %dma_wait3A_468 : memref<1x11264xf32, #tpu.memory_space<hbm>> -> memref<11264xf32, #tpu.memory_space<hbm>>
    %dma_wait3A_470 = arith.constant 22528 : i32
    %dma_wait3A_471 = tpu.memref_slice %arg7[%dma_wait3A_470] : memref<65792xf32, #tpu.memory_space<vmem>> -> memref<11264xf32, #tpu.memory_space<vmem>>
    tpu.wait_dma2 semaphore(%arg11 : memref<!tpu.dma_semaphore, #tpu.memory_space<semaphore_mem>>) src(%dma_wait3A_471 : memref<11264xf32, #tpu.memory_space<vmem>>) dst(%dma_wait3A_469 : memref<11264xf32, #tpu.memory_space<hbm>>)
    %scan3A_472 = arith.constant 0 : i32
    %scan3A_473 = arith.constant 0 : i32
    %scan3A_474 = arith.constant 44 : i32
    %scan3A_475 = arith.addi %scan3A_473, %scan3A_474 : i32
    %scan3A_476 = arith.constant 1 : i32
    scf.for %scan3A_1456 = %scan3A_473 to %scan3A_475 step %scan3A_476  : i32 {
      %mul3A_1457 = arith.constant 256 : i32
      %mul3A_1458 = arith.muli %scan3A_1456, %mul3A_1457 : i32
      %add3A_1459 = arith.constant 22528 : i32
      %add3A_1460 = arith.addi %add3A_1459, %mul3A_1458 : i32
      %add3A_1461 = arith.constant 0 : i32
      %add3A_1462 = arith.addi %add3A_1460, %add3A_1461 : i32
      %swap3A_1463 = arith.index_cast %add3A_1462 : i32 to index
      %swap3A_1464 = tpu.vector_load %arg7[%swap3A_1463] {strides = array<i32>} : memref<65792xf32, #tpu.memory_space<vmem>>, vector<16xf32>,
      tpu.vector_store %arg7[%swap3A_1463], %broadcast_in_dim3A_3 {strides = array<i32>} : memref<65792xf32, #tpu.memory_space<vmem>>, vector<16xf32>,
      %add3A_1465 = arith.constant 16 : i32
      %add3A_1466 = arith.addi %add3A_1460, %add3A_1465 : i32
      %swap3A_1467 = arith.index_cast %add3A_1466 : i32 to index
      %swap3A_1468 = tpu.vector_load %arg7[%swap3A_1467] {strides = array<i32>} : memref<65792xf32, #tpu.memory_space<vmem>>, vector<16xf32>,
      tpu.vector_store %arg7[%swap3A_1467], %broadcast_in_dim3A_3 {strides = array<i32>} : memref<65792xf32, #tpu.memory_space<vmem>>, vector<16xf32>,
      %add3A_1469 = arith.constant 32 : i32
      %add3A_1470 = arith.addi %add3A_1460, %add3A_1469 : i32
      %swap3A_1471 = arith.index_cast %add3A_1470 : i32 to index
      %swap3A_1472 = tpu.vector_load %arg7[%swap3A_1471] {strides = array<i32>} : memref<65792xf32, #tpu.memory_space<vmem>>, vector<16xf32>,
      tpu.vector_store %arg7[%swap3A_1471], %broadcast_in_dim3A_3 {strides = array<i32>} : memref<65792xf32, #tpu.memory_space<vmem>>, vector<16xf32>,
      %add3A_1473 = arith.constant 48 : i32
      %add3A_1474 = arith.addi %add3A_1460, %add3A_1473 : i32
      %swap3A_1475 = arith.index_cast %add3A_1474 : i32 to index
      %swap3A_1476 = tpu.vector_load %arg7[%swap3A_1475] {strides = array<i32>} : memref<65792xf32, #tpu.memory_space<vmem>>, vector<16xf32>,
      tpu.vector_store %arg7[%swap3A_1475], %broadcast_in_dim3A_3 {strides = array<i32>} : memref<65792xf32, #tpu.memory_space<vmem>>, vector<16xf32>,
      %add3A_1477 = arith.constant 64 : i32
      %add3A_1478 = arith.addi %add3A_1460, %add3A_1477 : i32
      %swap3A_1479 = arith.index_cast %add3A_1478 : i32 to index
      %swap3A_1480 = tpu.vector_load %arg7[%swap3A_1479] {strides = array<i32>} : memref<65792xf32, #tpu.memory_space<vmem>>, vector<16xf32>,
      tpu.vector_store %arg7[%swap3A_1479], %broadcast_in_dim3A_3 {strides = array<i32>} : memref<65792xf32, #tpu.memory_space<vmem>>, vector<16xf32>,
      %add3A_1481 = arith.constant 80 : i32
      %add3A_1482 = arith.addi %add3A_1460, %add3A_1481 : i32
      %swap3A_1483 = arith.index_cast %add3A_1482 : i32 to index
      %swap3A_1484 = tpu.vector_load %arg7[%swap3A_1483] {strides = array<i32>} : memref<65792xf32, #tpu.memory_space<vmem>>, vector<16xf32>,
      tpu.vector_store %arg7[%swap3A_1483], %broadcast_in_dim3A_3 {strides = array<i32>} : memref<65792xf32, #tpu.memory_space<vmem>>, vector<16xf32>,
      %add3A_1485 = arith.constant 96 : i32
      %add3A_1486 = arith.addi %add3A_1460, %add3A_1485 : i32
      %swap3A_1487 = arith.index_cast %add3A_1486 : i32 to index
      %swap3A_1488 = tpu.vector_load %arg7[%swap3A_1487] {strides = array<i32>} : memref<65792xf32, #tpu.memory_space<vmem>>, vector<16xf32>,
      tpu.vector_store %arg7[%swap3A_1487], %broadcast_in_dim3A_3 {strides = array<i32>} : memref<65792xf32, #tpu.memory_space<vmem>>, vector<16xf32>,
      %add3A_1489 = arith.constant 112 : i32
      %add3A_1490 = arith.addi %add3A_1460, %add3A_1489 : i32
      %swap3A_1491 = arith.index_cast %add3A_1490 : i32 to index
      %swap3A_1492 = tpu.vector_load %arg7[%swap3A_1491] {strides = array<i32>} : memref<65792xf32, #tpu.memory_space<vmem>>, vector<16xf32>,
      tpu.vector_store %arg7[%swap3A_1491], %broadcast_in_dim3A_3 {strides = array<i32>} : memref<65792xf32, #tpu.memory_space<vmem>>, vector<16xf32>,
      %add3A_1493 = arith.constant 128 : i32
      %add3A_1494 = arith.addi %add3A_1460, %add3A_1493 : i32
      %swap3A_1495 = arith.index_cast %add3A_1494 : i32 to index
      %swap3A_1496 = tpu.vector_load %arg7[%swap3A_1495] {strides = array<i32>} : memref<65792xf32, #tpu.memory_space<vmem>>, vector<16xf32>,
      tpu.vector_store %arg7[%swap3A_1495], %broadcast_in_dim3A_3 {strides = array<i32>} : memref<65792xf32, #tpu.memory_space<vmem>>, vector<16xf32>,
      %add3A_1497 = arith.constant 144 : i32
      %add3A_1498 = arith.addi %add3A_1460, %add3A_1497 : i32
      %swap3A_1499 = arith.index_cast %add3A_1498 : i32 to index
      %swap3A_1500 = tpu.vector_load %arg7[%swap3A_1499] {strides = array<i32>} : memref<65792xf32, #tpu.memory_space<vmem>>, vector<16xf32>,
      tpu.vector_store %arg7[%swap3A_1499], %broadcast_in_dim3A_3 {strides = array<i32>} : memref<65792xf32, #tpu.memory_space<vmem>>, vector<16xf32>,
      %add3A_1501 = arith.constant 160 : i32
      %add3A_1502 = arith.addi %add3A_1460, %add3A_1501 : i32
      %swap3A_1503 = arith.index_cast %add3A_1502 : i32 to index
      %swap3A_1504 = tpu.vector_load %arg7[%swap3A_1503] {strides = array<i32>} : memref<65792xf32, #tpu.memory_space<vmem>>, vector<16xf32>,
      tpu.vector_store %arg7[%swap3A_1503], %broadcast_in_dim3A_3 {strides = array<i32>} : memref<65792xf32, #tpu.memory_space<vmem>>, vector<16xf32>,
      %add3A_1505 = arith.constant 176 : i32
      %add3A_1506 = arith.addi %add3A_1460, %add3A_1505 : i32
      %swap3A_1507 = arith.index_cast %add3A_1506 : i32 to index
      %swap3A_1508 = tpu.vector_load %arg7[%swap3A_1507] {strides = array<i32>} : memref<65792xf32, #tpu.memory_space<vmem>>, vector<16xf32>,
      tpu.vector_store %arg7[%swap3A_1507], %broadcast_in_dim3A_3 {strides = array<i32>} : memref<65792xf32, #tpu.memory_space<vmem>>, vector<16xf32>,
      %add3A_1509 = arith.constant 192 : i32
      %add3A_1510 = arith.addi %add3A_1460, %add3A_1509 : i32
      %swap3A_1511 = arith.index_cast %add3A_1510 : i32 to index
      %swap3A_1512 = tpu.vector_load %arg7[%swap3A_1511] {strides = array<i32>} : memref<65792xf32, #tpu.memory_space<vmem>>, vector<16xf32>,
      tpu.vector_store %arg7[%swap3A_1511], %broadcast_in_dim3A_3 {strides = array<i32>} : memref<65792xf32, #tpu.memory_space<vmem>>, vector<16xf32>,
      %add3A_1513 = arith.constant 208 : i32
      %add3A_1514 = arith.addi %add3A_1460, %add3A_1513 : i32
      %swap3A_1515 = arith.index_cast %add3A_1514 : i32 to index
      %swap3A_1516 = tpu.vector_load %arg7[%swap3A_1515] {strides = array<i32>} : memref<65792xf32, #tpu.memory_space<vmem>>, vector<16xf32>,
      tpu.vector_store %arg7[%swap3A_1515], %broadcast_in_dim3A_3 {strides = array<i32>} : memref<65792xf32, #tpu.memory_space<vmem>>, vector<16xf32>,
      %add3A_1517 = arith.constant 224 : i32
      %add3A_1518 = arith.addi %add3A_1460, %add3A_1517 : i32
      %swap3A_1519 = arith.index_cast %add3A_1518 : i32 to index
      %swap3A_1520 = tpu.vector_load %arg7[%swap3A_1519] {strides = array<i32>} : memref<65792xf32, #tpu.memory_space<vmem>>, vector<16xf32>,
      tpu.vector_store %arg7[%swap3A_1519], %broadcast_in_dim3A_3 {strides = array<i32>} : memref<65792xf32, #tpu.memory_space<vmem>>, vector<16xf32>,
      %add3A_1521 = arith.constant 240 : i32
      %add3A_1522 = arith.addi %add3A_1460, %add3A_1521 : i32
      %swap3A_1523 = arith.index_cast %add3A_1522 : i32 to index
      %swap3A_1524 = tpu.vector_load %arg7[%swap3A_1523] {strides = array<i32>} : memref<65792xf32, #tpu.memory_space<vmem>>, vector<16xf32>,
      tpu.vector_store %arg7[%swap3A_1523], %broadcast_in_dim3A_3 {strides = array<i32>} : memref<65792xf32, #tpu.memory_space<vmem>>, vector<16xf32>,
    }
    %scan3A_477 = arith.constant 44 : i32
    %dma_wait3A_478 = arith.constant 33792 : i32
    %dma_wait3A_479 = tpu.memref_slice %arg7[%dma_wait3A_478] : memref<65792xf32, #tpu.memory_space<vmem>> -> memref<11264xf32, #tpu.memory_space<vmem>>
    %dma_wait3A_480 = arith.constant 33792 : i32
    %dma_wait3A_481 = tpu.memref_slice %arg3[%add3A_51, %dma_wait3A_480] : memref<128x65536xf32, #tpu.memory_space<hbm>> -> memref<1x11264xf32, #tpu.memory_space<hbm>>
    %dma_wait3A_482 = tpu.memref_squeeze %dma_wait3A_481 : memref<1x11264xf32, #tpu.memory_space<hbm>> -> memref<11264xf32, #tpu.memory_space<hbm>>
    %dma_wait3A_483 = arith.constant 33792 : i32
    %dma_wait3A_484 = tpu.memref_slice %arg3[%add3A_51, %dma_wait3A_483] : memref<128x65536xf32, #tpu.memory_space<hbm>> -> memref<1x11264xf32, #tpu.memory_space<hbm>>
    %dma_wait3A_485 = tpu.memref_squeeze %dma_wait3A_484 : memref<1x11264xf32, #tpu.memory_space<hbm>> -> memref<11264xf32, #tpu.memory_space<hbm>>
    %dma_wait3A_486 = arith.constant 33792 : i32
    %dma_wait3A_487 = tpu.memref_slice %arg7[%dma_wait3A_486] : memref<65792xf32, #tpu.memory_space<vmem>> -> memref<11264xf32, #tpu.memory_space<vmem>>
    tpu.wait_dma2 semaphore(%arg12 : memref<!tpu.dma_semaphore, #tpu.memory_space<semaphore_mem>>) src(%dma_wait3A_487 : memref<11264xf32, #tpu.memory_space<vmem>>) dst(%dma_wait3A_485 : memref<11264xf32, #tpu.memory_space<hbm>>)
    %scan3A_488 = arith.constant 0 : i32
    %scan3A_489 = arith.constant 0 : i32
    %scan3A_490 = arith.constant 44 : i32
    %scan3A_491 = arith.addi %scan3A_489, %scan3A_490 : i32
    %scan3A_492 = arith.constant 1 : i32
    scf.for %scan3A_1456 = %scan3A_489 to %scan3A_491 step %scan3A_492  : i32 {
      %mul3A_1457 = arith.constant 256 : i32
      %mul3A_1458 = arith.muli %scan3A_1456, %mul3A_1457 : i32
      %add3A_1459 = arith.constant 33792 : i32
      %add3A_1460 = arith.addi %add3A_1459, %mul3A_1458 : i32
      %add3A_1461 = arith.constant 0 : i32
      %add3A_1462 = arith.addi %add3A_1460, %add3A_1461 : i32
      %swap3A_1463 = arith.index_cast %add3A_1462 : i32 to index
      %swap3A_1464 = tpu.vector_load %arg7[%swap3A_1463] {strides = array<i32>} : memref<65792xf32, #tpu.memory_space<vmem>>, vector<16xf32>,
      tpu.vector_store %arg7[%swap3A_1463], %broadcast_in_dim3A_3 {strides = array<i32>} : memref<65792xf32, #tpu.memory_space<vmem>>, vector<16xf32>,
      %add3A_1465 = arith.constant 16 : i32
      %add3A_1466 = arith.addi %add3A_1460, %add3A_1465 : i32
      %swap3A_1467 = arith.index_cast %add3A_1466 : i32 to index
      %swap3A_1468 = tpu.vector_load %arg7[%swap3A_1467] {strides = array<i32>} : memref<65792xf32, #tpu.memory_space<vmem>>, vector<16xf32>,
      tpu.vector_store %arg7[%swap3A_1467], %broadcast_in_dim3A_3 {strides = array<i32>} : memref<65792xf32, #tpu.memory_space<vmem>>, vector<16xf32>,
      %add3A_1469 = arith.constant 32 : i32
      %add3A_1470 = arith.addi %add3A_1460, %add3A_1469 : i32
      %swap3A_1471 = arith.index_cast %add3A_1470 : i32 to index
      %swap3A_1472 = tpu.vector_load %arg7[%swap3A_1471] {strides = array<i32>} : memref<65792xf32, #tpu.memory_space<vmem>>, vector<16xf32>,
      tpu.vector_store %arg7[%swap3A_1471], %broadcast_in_dim3A_3 {strides = array<i32>} : memref<65792xf32, #tpu.memory_space<vmem>>, vector<16xf32>,
      %add3A_1473 = arith.constant 48 : i32
      %add3A_1474 = arith.addi %add3A_1460, %add3A_1473 : i32
      %swap3A_1475 = arith.index_cast %add3A_1474 : i32 to index
      %swap3A_1476 = tpu.vector_load %arg7[%swap3A_1475] {strides = array<i32>} : memref<65792xf32, #tpu.memory_space<vmem>>, vector<16xf32>,
      tpu.vector_store %arg7[%swap3A_1475], %broadcast_in_dim3A_3 {strides = array<i32>} : memref<65792xf32, #tpu.memory_space<vmem>>, vector<16xf32>,
      %add3A_1477 = arith.constant 64 : i32
      %add3A_1478 = arith.addi %add3A_1460, %add3A_1477 : i32
      %swap3A_1479 = arith.index_cast %add3A_1478 : i32 to index
      %swap3A_1480 = tpu.vector_load %arg7[%swap3A_1479] {strides = array<i32>} : memref<65792xf32, #tpu.memory_space<vmem>>, vector<16xf32>,
      tpu.vector_store %arg7[%swap3A_1479], %broadcast_in_dim3A_3 {strides = array<i32>} : memref<65792xf32, #tpu.memory_space<vmem>>, vector<16xf32>,
      %add3A_1481 = arith.constant 80 : i32
      %add3A_1482 = arith.addi %add3A_1460, %add3A_1481 : i32
      %swap3A_1483 = arith.index_cast %add3A_1482 : i32 to index
      %swap3A_1484 = tpu.vector_load %arg7[%swap3A_1483] {strides = array<i32>} : memref<65792xf32, #tpu.memory_space<vmem>>, vector<16xf32>,
      tpu.vector_store %arg7[%swap3A_1483], %broadcast_in_dim3A_3 {strides = array<i32>} : memref<65792xf32, #tpu.memory_space<vmem>>, vector<16xf32>,
      %add3A_1485 = arith.constant 96 : i32
      %add3A_1486 = arith.addi %add3A_1460, %add3A_1485 : i32
      %swap3A_1487 = arith.index_cast %add3A_1486 : i32 to index
      %swap3A_1488 = tpu.vector_load %arg7[%swap3A_1487] {strides = array<i32>} : memref<65792xf32, #tpu.memory_space<vmem>>, vector<16xf32>,
      tpu.vector_store %arg7[%swap3A_1487], %broadcast_in_dim3A_3 {strides = array<i32>} : memref<65792xf32, #tpu.memory_space<vmem>>, vector<16xf32>,
      %add3A_1489 = arith.constant 112 : i32
      %add3A_1490 = arith.addi %add3A_1460, %add3A_1489 : i32
      %swap3A_1491 = arith.index_cast %add3A_1490 : i32 to index
      %swap3A_1492 = tpu.vector_load %arg7[%swap3A_1491] {strides = array<i32>} : memref<65792xf32, #tpu.memory_space<vmem>>, vector<16xf32>,
      tpu.vector_store %arg7[%swap3A_1491], %broadcast_in_dim3A_3 {strides = array<i32>} : memref<65792xf32, #tpu.memory_space<vmem>>, vector<16xf32>,
      %add3A_1493 = arith.constant 128 : i32
      %add3A_1494 = arith.addi %add3A_1460, %add3A_1493 : i32
      %swap3A_1495 = arith.index_cast %add3A_1494 : i32 to index
      %swap3A_1496 = tpu.vector_load %arg7[%swap3A_1495] {strides = array<i32>} : memref<65792xf32, #tpu.memory_space<vmem>>, vector<16xf32>,
      tpu.vector_store %arg7[%swap3A_1495], %broadcast_in_dim3A_3 {strides = array<i32>} : memref<65792xf32, #tpu.memory_space<vmem>>, vector<16xf32>,
      %add3A_1497 = arith.constant 144 : i32
      %add3A_1498 = arith.addi %add3A_1460, %add3A_1497 : i32
      %swap3A_1499 = arith.index_cast %add3A_1498 : i32 to index
      %swap3A_1500 = tpu.vector_load %arg7[%swap3A_1499] {strides = array<i32>} : memref<65792xf32, #tpu.memory_space<vmem>>, vector<16xf32>,
      tpu.vector_store %arg7[%swap3A_1499], %broadcast_in_dim3A_3 {strides = array<i32>} : memref<65792xf32, #tpu.memory_space<vmem>>, vector<16xf32>,
      %add3A_1501 = arith.constant 160 : i32
      %add3A_1502 = arith.addi %add3A_1460, %add3A_1501 : i32
      %swap3A_1503 = arith.index_cast %add3A_1502 : i32 to index
      %swap3A_1504 = tpu.vector_load %arg7[%swap3A_1503] {strides = array<i32>} : memref<65792xf32, #tpu.memory_space<vmem>>, vector<16xf32>,
      tpu.vector_store %arg7[%swap3A_1503], %broadcast_in_dim3A_3 {strides = array<i32>} : memref<65792xf32, #tpu.memory_space<vmem>>, vector<16xf32>,
      %add3A_1505 = arith.constant 176 : i32
      %add3A_1506 = arith.addi %add3A_1460, %add3A_1505 : i32
      %swap3A_1507 = arith.index_cast %add3A_1506 : i32 to index
      %swap3A_1508 = tpu.vector_load %arg7[%swap3A_1507] {strides = array<i32>} : memref<65792xf32, #tpu.memory_space<vmem>>, vector<16xf32>,
      tpu.vector_store %arg7[%swap3A_1507], %broadcast_in_dim3A_3 {strides = array<i32>} : memref<65792xf32, #tpu.memory_space<vmem>>, vector<16xf32>,
      %add3A_1509 = arith.constant 192 : i32
      %add3A_1510 = arith.addi %add3A_1460, %add3A_1509 : i32
      %swap3A_1511 = arith.index_cast %add3A_1510 : i32 to index
      %swap3A_1512 = tpu.vector_load %arg7[%swap3A_1511] {strides = array<i32>} : memref<65792xf32, #tpu.memory_space<vmem>>, vector<16xf32>,
      tpu.vector_store %arg7[%swap3A_1511], %broadcast_in_dim3A_3 {strides = array<i32>} : memref<65792xf32, #tpu.memory_space<vmem>>, vector<16xf32>,
      %add3A_1513 = arith.constant 208 : i32
      %add3A_1514 = arith.addi %add3A_1460, %add3A_1513 : i32
      %swap3A_1515 = arith.index_cast %add3A_1514 : i32 to index
      %swap3A_1516 = tpu.vector_load %arg7[%swap3A_1515] {strides = array<i32>} : memref<65792xf32, #tpu.memory_space<vmem>>, vector<16xf32>,
      tpu.vector_store %arg7[%swap3A_1515], %broadcast_in_dim3A_3 {strides = array<i32>} : memref<65792xf32, #tpu.memory_space<vmem>>, vector<16xf32>,
      %add3A_1517 = arith.constant 224 : i32
      %add3A_1518 = arith.addi %add3A_1460, %add3A_1517 : i32
      %swap3A_1519 = arith.index_cast %add3A_1518 : i32 to index
      %swap3A_1520 = tpu.vector_load %arg7[%swap3A_1519] {strides = array<i32>} : memref<65792xf32, #tpu.memory_space<vmem>>, vector<16xf32>,
      tpu.vector_store %arg7[%swap3A_1519], %broadcast_in_dim3A_3 {strides = array<i32>} : memref<65792xf32, #tpu.memory_space<vmem>>, vector<16xf32>,
      %add3A_1521 = arith.constant 240 : i32
      %add3A_1522 = arith.addi %add3A_1460, %add3A_1521 : i32
      %swap3A_1523 = arith.index_cast %add3A_1522 : i32 to index
      %swap3A_1524 = tpu.vector_load %arg7[%swap3A_1523] {strides = array<i32>} : memref<65792xf32, #tpu.memory_space<vmem>>, vector<16xf32>,
      tpu.vector_store %arg7[%swap3A_1523], %broadcast_in_dim3A_3 {strides = array<i32>} : memref<65792xf32, #tpu.memory_space<vmem>>, vector<16xf32>,
    }
    %scan3A_493 = arith.constant 44 : i32
    %dma_wait3A_494 = arith.constant 45056 : i32
    %dma_wait3A_495 = tpu.memref_slice %arg7[%dma_wait3A_494] : memref<65792xf32, #tpu.memory_space<vmem>> -> memref<7168xf32, #tpu.memory_space<vmem>>
    %dma_wait3A_496 = arith.constant 45056 : i32
    %dma_wait3A_497 = tpu.memref_slice %arg3[%add3A_51, %dma_wait3A_496] : memref<128x65536xf32, #tpu.memory_space<hbm>> -> memref<1x7168xf32, #tpu.memory_space<hbm>>
    %dma_wait3A_498 = tpu.memref_squeeze %dma_wait3A_497 : memref<1x7168xf32, #tpu.memory_space<hbm>> -> memref<7168xf32, #tpu.memory_space<hbm>>
    %dma_wait3A_499 = arith.constant 45056 : i32
    %dma_wait3A_500 = tpu.memref_slice %arg3[%add3A_51, %dma_wait3A_499] : memref<128x65536xf32, #tpu.memory_space<hbm>> -> memref<1x7168xf32, #tpu.memory_space<hbm>>
    %dma_wait3A_501 = tpu.memref_squeeze %dma_wait3A_500 : memref<1x7168xf32, #tpu.memory_space<hbm>> -> memref<7168xf32, #tpu.memory_space<hbm>>
    %dma_wait3A_502 = arith.constant 45056 : i32
    %dma_wait3A_503 = tpu.memref_slice %arg7[%dma_wait3A_502] : memref<65792xf32, #tpu.memory_space<vmem>> -> memref<7168xf32, #tpu.memory_space<vmem>>
    tpu.wait_dma2 semaphore(%arg13 : memref<!tpu.dma_semaphore, #tpu.memory_space<semaphore_mem>>) src(%dma_wait3A_503 : memref<7168xf32, #tpu.memory_space<vmem>>) dst(%dma_wait3A_501 : memref<7168xf32, #tpu.memory_space<hbm>>)
    %scan3A_504 = arith.constant 0 : i32
    %scan3A_505 = arith.constant 0 : i32
    %scan3A_506 = arith.constant 28 : i32
    %scan3A_507 = arith.addi %scan3A_505, %scan3A_506 : i32
    %scan3A_508 = arith.constant 1 : i32
    scf.for %scan3A_1456 = %scan3A_505 to %scan3A_507 step %scan3A_508  : i32 {
      %mul3A_1457 = arith.constant 256 : i32
      %mul3A_1458 = arith.muli %scan3A_1456, %mul3A_1457 : i32
      %add3A_1459 = arith.constant 45056 : i32
      %add3A_1460 = arith.addi %add3A_1459, %mul3A_1458 : i32
      %add3A_1461 = arith.constant 0 : i32
      %add3A_1462 = arith.addi %add3A_1460, %add3A_1461 : i32
      %swap3A_1463 = arith.index_cast %add3A_1462 : i32 to index
      %swap3A_1464 = tpu.vector_load %arg7[%swap3A_1463] {strides = array<i32>} : memref<65792xf32, #tpu.memory_space<vmem>>, vector<16xf32>,
      tpu.vector_store %arg7[%swap3A_1463], %broadcast_in_dim3A_3 {strides = array<i32>} : memref<65792xf32, #tpu.memory_space<vmem>>, vector<16xf32>,
      %add3A_1465 = arith.constant 16 : i32
      %add3A_1466 = arith.addi %add3A_1460, %add3A_1465 : i32
      %swap3A_1467 = arith.index_cast %add3A_1466 : i32 to index
      %swap3A_1468 = tpu.vector_load %arg7[%swap3A_1467] {strides = array<i32>} : memref<65792xf32, #tpu.memory_space<vmem>>, vector<16xf32>,
      tpu.vector_store %arg7[%swap3A_1467], %broadcast_in_dim3A_3 {strides = array<i32>} : memref<65792xf32, #tpu.memory_space<vmem>>, vector<16xf32>,
      %add3A_1469 = arith.constant 32 : i32
      %add3A_1470 = arith.addi %add3A_1460, %add3A_1469 : i32
      %swap3A_1471 = arith.index_cast %add3A_1470 : i32 to index
      %swap3A_1472 = tpu.vector_load %arg7[%swap3A_1471] {strides = array<i32>} : memref<65792xf32, #tpu.memory_space<vmem>>, vector<16xf32>,
      tpu.vector_store %arg7[%swap3A_1471], %broadcast_in_dim3A_3 {strides = array<i32>} : memref<65792xf32, #tpu.memory_space<vmem>>, vector<16xf32>,
      %add3A_1473 = arith.constant 48 : i32
      %add3A_1474 = arith.addi %add3A_1460, %add3A_1473 : i32
      %swap3A_1475 = arith.index_cast %add3A_1474 : i32 to index
      %swap3A_1476 = tpu.vector_load %arg7[%swap3A_1475] {strides = array<i32>} : memref<65792xf32, #tpu.memory_space<vmem>>, vector<16xf32>,
      tpu.vector_store %arg7[%swap3A_1475], %broadcast_in_dim3A_3 {strides = array<i32>} : memref<65792xf32, #tpu.memory_space<vmem>>, vector<16xf32>,
      %add3A_1477 = arith.constant 64 : i32
      %add3A_1478 = arith.addi %add3A_1460, %add3A_1477 : i32
      %swap3A_1479 = arith.index_cast %add3A_1478 : i32 to index
      %swap3A_1480 = tpu.vector_load %arg7[%swap3A_1479] {strides = array<i32>} : memref<65792xf32, #tpu.memory_space<vmem>>, vector<16xf32>,
      tpu.vector_store %arg7[%swap3A_1479], %broadcast_in_dim3A_3 {strides = array<i32>} : memref<65792xf32, #tpu.memory_space<vmem>>, vector<16xf32>,
      %add3A_1481 = arith.constant 80 : i32
      %add3A_1482 = arith.addi %add3A_1460, %add3A_1481 : i32
      %swap3A_1483 = arith.index_cast %add3A_1482 : i32 to index
      %swap3A_1484 = tpu.vector_load %arg7[%swap3A_1483] {strides = array<i32>} : memref<65792xf32, #tpu.memory_space<vmem>>, vector<16xf32>,
      tpu.vector_store %arg7[%swap3A_1483], %broadcast_in_dim3A_3 {strides = array<i32>} : memref<65792xf32, #tpu.memory_space<vmem>>, vector<16xf32>,
      %add3A_1485 = arith.constant 96 : i32
      %add3A_1486 = arith.addi %add3A_1460, %add3A_1485 : i32
      %swap3A_1487 = arith.index_cast %add3A_1486 : i32 to index
      %swap3A_1488 = tpu.vector_load %arg7[%swap3A_1487] {strides = array<i32>} : memref<65792xf32, #tpu.memory_space<vmem>>, vector<16xf32>,
      tpu.vector_store %arg7[%swap3A_1487], %broadcast_in_dim3A_3 {strides = array<i32>} : memref<65792xf32, #tpu.memory_space<vmem>>, vector<16xf32>,
      %add3A_1489 = arith.constant 112 : i32
      %add3A_1490 = arith.addi %add3A_1460, %add3A_1489 : i32
      %swap3A_1491 = arith.index_cast %add3A_1490 : i32 to index
      %swap3A_1492 = tpu.vector_load %arg7[%swap3A_1491] {strides = array<i32>} : memref<65792xf32, #tpu.memory_space<vmem>>, vector<16xf32>,
      tpu.vector_store %arg7[%swap3A_1491], %broadcast_in_dim3A_3 {strides = array<i32>} : memref<65792xf32, #tpu.memory_space<vmem>>, vector<16xf32>,
      %add3A_1493 = arith.constant 128 : i32
      %add3A_1494 = arith.addi %add3A_1460, %add3A_1493 : i32
      %swap3A_1495 = arith.index_cast %add3A_1494 : i32 to index
      %swap3A_1496 = tpu.vector_load %arg7[%swap3A_1495] {strides = array<i32>} : memref<65792xf32, #tpu.memory_space<vmem>>, vector<16xf32>,
      tpu.vector_store %arg7[%swap3A_1495], %broadcast_in_dim3A_3 {strides = array<i32>} : memref<65792xf32, #tpu.memory_space<vmem>>, vector<16xf32>,
      %add3A_1497 = arith.constant 144 : i32
      %add3A_1498 = arith.addi %add3A_1460, %add3A_1497 : i32
      %swap3A_1499 = arith.index_cast %add3A_1498 : i32 to index
      %swap3A_1500 = tpu.vector_load %arg7[%swap3A_1499] {strides = array<i32>} : memref<65792xf32, #tpu.memory_space<vmem>>, vector<16xf32>,
      tpu.vector_store %arg7[%swap3A_1499], %broadcast_in_dim3A_3 {strides = array<i32>} : memref<65792xf32, #tpu.memory_space<vmem>>, vector<16xf32>,
      %add3A_1501 = arith.constant 160 : i32
      %add3A_1502 = arith.addi %add3A_1460, %add3A_1501 : i32
      %swap3A_1503 = arith.index_cast %add3A_1502 : i32 to index
      %swap3A_1504 = tpu.vector_load %arg7[%swap3A_1503] {strides = array<i32>} : memref<65792xf32, #tpu.memory_space<vmem>>, vector<16xf32>,
      tpu.vector_store %arg7[%swap3A_1503], %broadcast_in_dim3A_3 {strides = array<i32>} : memref<65792xf32, #tpu.memory_space<vmem>>, vector<16xf32>,
      %add3A_1505 = arith.constant 176 : i32
      %add3A_1506 = arith.addi %add3A_1460, %add3A_1505 : i32
      %swap3A_1507 = arith.index_cast %add3A_1506 : i32 to index
      %swap3A_1508 = tpu.vector_load %arg7[%swap3A_1507] {strides = array<i32>} : memref<65792xf32, #tpu.memory_space<vmem>>, vector<16xf32>,
      tpu.vector_store %arg7[%swap3A_1507], %broadcast_in_dim3A_3 {strides = array<i32>} : memref<65792xf32, #tpu.memory_space<vmem>>, vector<16xf32>,
      %add3A_1509 = arith.constant 192 : i32
      %add3A_1510 = arith.addi %add3A_1460, %add3A_1509 : i32
      %swap3A_1511 = arith.index_cast %add3A_1510 : i32 to index
      %swap3A_1512 = tpu.vector_load %arg7[%swap3A_1511] {strides = array<i32>} : memref<65792xf32, #tpu.memory_space<vmem>>, vector<16xf32>,
      tpu.vector_store %arg7[%swap3A_1511], %broadcast_in_dim3A_3 {strides = array<i32>} : memref<65792xf32, #tpu.memory_space<vmem>>, vector<16xf32>,
      %add3A_1513 = arith.constant 208 : i32
      %add3A_1514 = arith.addi %add3A_1460, %add3A_1513 : i32
      %swap3A_1515 = arith.index_cast %add3A_1514 : i32 to index
      %swap3A_1516 = tpu.vector_load %arg7[%swap3A_1515] {strides = array<i32>} : memref<65792xf32, #tpu.memory_space<vmem>>, vector<16xf32>,
      tpu.vector_store %arg7[%swap3A_1515], %broadcast_in_dim3A_3 {strides = array<i32>} : memref<65792xf32, #tpu.memory_space<vmem>>, vector<16xf32>,
      %add3A_1517 = arith.constant 224 : i32
      %add3A_1518 = arith.addi %add3A_1460, %add3A_1517 : i32
      %swap3A_1519 = arith.index_cast %add3A_1518 : i32 to index
      %swap3A_1520 = tpu.vector_load %arg7[%swap3A_1519] {strides = array<i32>} : memref<65792xf32, #tpu.memory_space<vmem>>, vector<16xf32>,
      tpu.vector_store %arg7[%swap3A_1519], %broadcast_in_dim3A_3 {strides = array<i32>} : memref<65792xf32, #tpu.memory_space<vmem>>, vector<16xf32>,
      %add3A_1521 = arith.constant 240 : i32
      %add3A_1522 = arith.addi %add3A_1460, %add3A_1521 : i32
      %swap3A_1523 = arith.index_cast %add3A_1522 : i32 to index
      %swap3A_1524 = tpu.vector_load %arg7[%swap3A_1523] {strides = array<i32>} : memref<65792xf32, #tpu.memory_space<vmem>>, vector<16xf32>,
      tpu.vector_store %arg7[%swap3A_1523], %broadcast_in_dim3A_3 {strides = array<i32>} : memref<65792xf32, #tpu.memory_space<vmem>>, vector<16xf32>,
    }
    %scan3A_509 = arith.constant 28 : i32
    %dma_wait3A_510 = arith.constant 52224 : i32
    %dma_wait3A_511 = tpu.memref_slice %arg7[%dma_wait3A_510] : memref<65792xf32, #tpu.memory_space<vmem>> -> memref<7168xf32, #tpu.memory_space<vmem>>
    %dma_wait3A_512 = arith.constant 52224 : i32
    %dma_wait3A_513 = tpu.memref_slice %arg3[%add3A_51, %dma_wait3A_512] : memref<128x65536xf32, #tpu.memory_space<hbm>> -> memref<1x7168xf32, #tpu.memory_space<hbm>>
    %dma_wait3A_514 = tpu.memref_squeeze %dma_wait3A_513 : memref<1x7168xf32, #tpu.memory_space<hbm>> -> memref<7168xf32, #tpu.memory_space<hbm>>
    %dma_wait3A_515 = arith.constant 52224 : i32
    %dma_wait3A_516 = tpu.memref_slice %arg3[%add3A_51, %dma_wait3A_515] : memref<128x65536xf32, #tpu.memory_space<hbm>> -> memref<1x7168xf32, #tpu.memory_space<hbm>>
    %dma_wait3A_517 = tpu.memref_squeeze %dma_wait3A_516 : memref<1x7168xf32, #tpu.memory_space<hbm>> -> memref<7168xf32, #tpu.memory_space<hbm>>
    %dma_wait3A_518 = arith.constant 52224 : i32
    %dma_wait3A_519 = tpu.memref_slice %arg7[%dma_wait3A_518] : memref<65792xf32, #tpu.memory_space<vmem>> -> memref<7168xf32, #tpu.memory_space<vmem>>
    tpu.wait_dma2 semaphore(%arg14 : memref<!tpu.dma_semaphore, #tpu.memory_space<semaphore_mem>>) src(%dma_wait3A_519 : memref<7168xf32, #tpu.memory_space<vmem>>) dst(%dma_wait3A_517 : memref<7168xf32, #tpu.memory_space<hbm>>)
    %scan3A_520 = arith.constant 0 : i32
    %scan3A_521 = arith.constant 0 : i32
    %scan3A_522 = arith.constant 28 : i32
    %scan3A_523 = arith.addi %scan3A_521, %scan3A_522 : i32
    %scan3A_524 = arith.constant 1 : i32
    scf.for %scan3A_1456 = %scan3A_521 to %scan3A_523 step %scan3A_524  : i32 {
      %mul3A_1457 = arith.constant 256 : i32
      %mul3A_1458 = arith.muli %scan3A_1456, %mul3A_1457 : i32
      %add3A_1459 = arith.constant 52224 : i32
      %add3A_1460 = arith.addi %add3A_1459, %mul3A_1458 : i32
      %add3A_1461 = arith.constant 0 : i32
      %add3A_1462 = arith.addi %add3A_1460, %add3A_1461 : i32
      %swap3A_1463 = arith.index_cast %add3A_1462 : i32 to index
      %swap3A_1464 = tpu.vector_load %arg7[%swap3A_1463] {strides = array<i32>} : memref<65792xf32, #tpu.memory_space<vmem>>, vector<16xf32>,
      tpu.vector_store %arg7[%swap3A_1463], %broadcast_in_dim3A_3 {strides = array<i32>} : memref<65792xf32, #tpu.memory_space<vmem>>, vector<16xf32>,
      %add3A_1465 = arith.constant 16 : i32
      %add3A_1466 = arith.addi %add3A_1460, %add3A_1465 : i32
      %swap3A_1467 = arith.index_cast %add3A_1466 : i32 to index
      %swap3A_1468 = tpu.vector_load %arg7[%swap3A_1467] {strides = array<i32>} : memref<65792xf32, #tpu.memory_space<vmem>>, vector<16xf32>,
      tpu.vector_store %arg7[%swap3A_1467], %broadcast_in_dim3A_3 {strides = array<i32>} : memref<65792xf32, #tpu.memory_space<vmem>>, vector<16xf32>,
      %add3A_1469 = arith.constant 32 : i32
      %add3A_1470 = arith.addi %add3A_1460, %add3A_1469 : i32
      %swap3A_1471 = arith.index_cast %add3A_1470 : i32 to index
      %swap3A_1472 = tpu.vector_load %arg7[%swap3A_1471] {strides = array<i32>} : memref<65792xf32, #tpu.memory_space<vmem>>, vector<16xf32>,
      tpu.vector_store %arg7[%swap3A_1471], %broadcast_in_dim3A_3 {strides = array<i32>} : memref<65792xf32, #tpu.memory_space<vmem>>, vector<16xf32>,
      %add3A_1473 = arith.constant 48 : i32
      %add3A_1474 = arith.addi %add3A_1460, %add3A_1473 : i32
      %swap3A_1475 = arith.index_cast %add3A_1474 : i32 to index
      %swap3A_1476 = tpu.vector_load %arg7[%swap3A_1475] {strides = array<i32>} : memref<65792xf32, #tpu.memory_space<vmem>>, vector<16xf32>,
      tpu.vector_store %arg7[%swap3A_1475], %broadcast_in_dim3A_3 {strides = array<i32>} : memref<65792xf32, #tpu.memory_space<vmem>>, vector<16xf32>,
      %add3A_1477 = arith.constant 64 : i32
      %add3A_1478 = arith.addi %add3A_1460, %add3A_1477 : i32
      %swap3A_1479 = arith.index_cast %add3A_1478 : i32 to index
      %swap3A_1480 = tpu.vector_load %arg7[%swap3A_1479] {strides = array<i32>} : memref<65792xf32, #tpu.memory_space<vmem>>, vector<16xf32>,
      tpu.vector_store %arg7[%swap3A_1479], %broadcast_in_dim3A_3 {strides = array<i32>} : memref<65792xf32, #tpu.memory_space<vmem>>, vector<16xf32>,
      %add3A_1481 = arith.constant 80 : i32
      %add3A_1482 = arith.addi %add3A_1460, %add3A_1481 : i32
      %swap3A_1483 = arith.index_cast %add3A_1482 : i32 to index
      %swap3A_1484 = tpu.vector_load %arg7[%swap3A_1483] {strides = array<i32>} : memref<65792xf32, #tpu.memory_space<vmem>>, vector<16xf32>,
      tpu.vector_store %arg7[%swap3A_1483], %broadcast_in_dim3A_3 {strides = array<i32>} : memref<65792xf32, #tpu.memory_space<vmem>>, vector<16xf32>,
      %add3A_1485 = arith.constant 96 : i32
      %add3A_1486 = arith.addi %add3A_1460, %add3A_1485 : i32
      %swap3A_1487 = arith.index_cast %add3A_1486 : i32 to index
      %swap3A_1488 = tpu.vector_load %arg7[%swap3A_1487] {strides = array<i32>} : memref<65792xf32, #tpu.memory_space<vmem>>, vector<16xf32>,
      tpu.vector_store %arg7[%swap3A_1487], %broadcast_in_dim3A_3 {strides = array<i32>} : memref<65792xf32, #tpu.memory_space<vmem>>, vector<16xf32>,
      %add3A_1489 = arith.constant 112 : i32
      %add3A_1490 = arith.addi %add3A_1460, %add3A_1489 : i32
      %swap3A_1491 = arith.index_cast %add3A_1490 : i32 to index
      %swap3A_1492 = tpu.vector_load %arg7[%swap3A_1491] {strides = array<i32>} : memref<65792xf32, #tpu.memory_space<vmem>>, vector<16xf32>,
      tpu.vector_store %arg7[%swap3A_1491], %broadcast_in_dim3A_3 {strides = array<i32>} : memref<65792xf32, #tpu.memory_space<vmem>>, vector<16xf32>,
      %add3A_1493 = arith.constant 128 : i32
      %add3A_1494 = arith.addi %add3A_1460, %add3A_1493 : i32
      %swap3A_1495 = arith.index_cast %add3A_1494 : i32 to index
      %swap3A_1496 = tpu.vector_load %arg7[%swap3A_1495] {strides = array<i32>} : memref<65792xf32, #tpu.memory_space<vmem>>, vector<16xf32>,
      tpu.vector_store %arg7[%swap3A_1495], %broadcast_in_dim3A_3 {strides = array<i32>} : memref<65792xf32, #tpu.memory_space<vmem>>, vector<16xf32>,
      %add3A_1497 = arith.constant 144 : i32
      %add3A_1498 = arith.addi %add3A_1460, %add3A_1497 : i32
      %swap3A_1499 = arith.index_cast %add3A_1498 : i32 to index
      %swap3A_1500 = tpu.vector_load %arg7[%swap3A_1499] {strides = array<i32>} : memref<65792xf32, #tpu.memory_space<vmem>>, vector<16xf32>,
      tpu.vector_store %arg7[%swap3A_1499], %broadcast_in_dim3A_3 {strides = array<i32>} : memref<65792xf32, #tpu.memory_space<vmem>>, vector<16xf32>,
      %add3A_1501 = arith.constant 160 : i32
      %add3A_1502 = arith.addi %add3A_1460, %add3A_1501 : i32
      %swap3A_1503 = arith.index_cast %add3A_1502 : i32 to index
      %swap3A_1504 = tpu.vector_load %arg7[%swap3A_1503] {strides = array<i32>} : memref<65792xf32, #tpu.memory_space<vmem>>, vector<16xf32>,
      tpu.vector_store %arg7[%swap3A_1503], %broadcast_in_dim3A_3 {strides = array<i32>} : memref<65792xf32, #tpu.memory_space<vmem>>, vector<16xf32>,
      %add3A_1505 = arith.constant 176 : i32
      %add3A_1506 = arith.addi %add3A_1460, %add3A_1505 : i32
      %swap3A_1507 = arith.index_cast %add3A_1506 : i32 to index
      %swap3A_1508 = tpu.vector_load %arg7[%swap3A_1507] {strides = array<i32>} : memref<65792xf32, #tpu.memory_space<vmem>>, vector<16xf32>,
      tpu.vector_store %arg7[%swap3A_1507], %broadcast_in_dim3A_3 {strides = array<i32>} : memref<65792xf32, #tpu.memory_space<vmem>>, vector<16xf32>,
      %add3A_1509 = arith.constant 192 : i32
      %add3A_1510 = arith.addi %add3A_1460, %add3A_1509 : i32
      %swap3A_1511 = arith.index_cast %add3A_1510 : i32 to index
      %swap3A_1512 = tpu.vector_load %arg7[%swap3A_1511] {strides = array<i32>} : memref<65792xf32, #tpu.memory_space<vmem>>, vector<16xf32>,
      tpu.vector_store %arg7[%swap3A_1511], %broadcast_in_dim3A_3 {strides = array<i32>} : memref<65792xf32, #tpu.memory_space<vmem>>, vector<16xf32>,
      %add3A_1513 = arith.constant 208 : i32
      %add3A_1514 = arith.addi %add3A_1460, %add3A_1513 : i32
      %swap3A_1515 = arith.index_cast %add3A_1514 : i32 to index
      %swap3A_1516 = tpu.vector_load %arg7[%swap3A_1515] {strides = array<i32>} : memref<65792xf32, #tpu.memory_space<vmem>>, vector<16xf32>,
      tpu.vector_store %arg7[%swap3A_1515], %broadcast_in_dim3A_3 {strides = array<i32>} : memref<65792xf32, #tpu.memory_space<vmem>>, vector<16xf32>,
      %add3A_1517 = arith.constant 224 : i32
      %add3A_1518 = arith.addi %add3A_1460, %add3A_1517 : i32
      %swap3A_1519 = arith.index_cast %add3A_1518 : i32 to index
      %swap3A_1520 = tpu.vector_load %arg7[%swap3A_1519] {strides = array<i32>} : memref<65792xf32, #tpu.memory_space<vmem>>, vector<16xf32>,
      tpu.vector_store %arg7[%swap3A_1519], %broadcast_in_dim3A_3 {strides = array<i32>} : memref<65792xf32, #tpu.memory_space<vmem>>, vector<16xf32>,
      %add3A_1521 = arith.constant 240 : i32
      %add3A_1522 = arith.addi %add3A_1460, %add3A_1521 : i32
      %swap3A_1523 = arith.index_cast %add3A_1522 : i32 to index
      %swap3A_1524 = tpu.vector_load %arg7[%swap3A_1523] {strides = array<i32>} : memref<65792xf32, #tpu.memory_space<vmem>>, vector<16xf32>,
      tpu.vector_store %arg7[%swap3A_1523], %broadcast_in_dim3A_3 {strides = array<i32>} : memref<65792xf32, #tpu.memory_space<vmem>>, vector<16xf32>,
    }
    %scan3A_525 = arith.constant 28 : i32
    %dma_wait3A_526 = arith.constant 59392 : i32
    %dma_wait3A_527 = tpu.memref_slice %arg7[%dma_wait3A_526] : memref<65792xf32, #tpu.memory_space<vmem>> -> memref<4096xf32, #tpu.memory_space<vmem>>
    %dma_wait3A_528 = arith.constant 59392 : i32
    %dma_wait3A_529 = tpu.memref_slice %arg3[%add3A_51, %dma_wait3A_528] : memref<128x65536xf32, #tpu.memory_space<hbm>> -> memref<1x4096xf32, #tpu.memory_space<hbm>>
    %dma_wait3A_530 = tpu.memref_squeeze %dma_wait3A_529 : memref<1x4096xf32, #tpu.memory_space<hbm>> -> memref<4096xf32, #tpu.memory_space<hbm>>
    %dma_wait3A_531 = arith.constant 59392 : i32
    %dma_wait3A_532 = tpu.memref_slice %arg3[%add3A_51, %dma_wait3A_531] : memref<128x65536xf32, #tpu.memory_space<hbm>> -> memref<1x4096xf32, #tpu.memory_space<hbm>>
    %dma_wait3A_533 = tpu.memref_squeeze %dma_wait3A_532 : memref<1x4096xf32, #tpu.memory_space<hbm>> -> memref<4096xf32, #tpu.memory_space<hbm>>
    %dma_wait3A_534 = arith.constant 59392 : i32
    %dma_wait3A_535 = tpu.memref_slice %arg7[%dma_wait3A_534] : memref<65792xf32, #tpu.memory_space<vmem>> -> memref<4096xf32, #tpu.memory_space<vmem>>
    tpu.wait_dma2 semaphore(%arg15 : memref<!tpu.dma_semaphore, #tpu.memory_space<semaphore_mem>>) src(%dma_wait3A_535 : memref<4096xf32, #tpu.memory_space<vmem>>) dst(%dma_wait3A_533 : memref<4096xf32, #tpu.memory_space<hbm>>)
    %scan3A_536 = arith.constant 0 : i32
    %scan3A_537 = arith.constant 0 : i32
    %scan3A_538 = arith.constant 16 : i32
    %scan3A_539 = arith.addi %scan3A_537, %scan3A_538 : i32
    %scan3A_540 = arith.constant 1 : i32
    scf.for %scan3A_1456 = %scan3A_537 to %scan3A_539 step %scan3A_540  : i32 {
      %mul3A_1457 = arith.constant 256 : i32
      %mul3A_1458 = arith.muli %scan3A_1456, %mul3A_1457 : i32
      %add3A_1459 = arith.constant 59392 : i32
      %add3A_1460 = arith.addi %add3A_1459, %mul3A_1458 : i32
      %add3A_1461 = arith.constant 0 : i32
      %add3A_1462 = arith.addi %add3A_1460, %add3A_1461 : i32
      %swap3A_1463 = arith.index_cast %add3A_1462 : i32 to index
      %swap3A_1464 = tpu.vector_load %arg7[%swap3A_1463] {strides = array<i32>} : memref<65792xf32, #tpu.memory_space<vmem>>, vector<16xf32>,
      tpu.vector_store %arg7[%swap3A_1463], %broadcast_in_dim3A_3 {strides = array<i32>} : memref<65792xf32, #tpu.memory_space<vmem>>, vector<16xf32>,
      %add3A_1465 = arith.constant 16 : i32
      %add3A_1466 = arith.addi %add3A_1460, %add3A_1465 : i32
      %swap3A_1467 = arith.index_cast %add3A_1466 : i32 to index
      %swap3A_1468 = tpu.vector_load %arg7[%swap3A_1467] {strides = array<i32>} : memref<65792xf32, #tpu.memory_space<vmem>>, vector<16xf32>,
      tpu.vector_store %arg7[%swap3A_1467], %broadcast_in_dim3A_3 {strides = array<i32>} : memref<65792xf32, #tpu.memory_space<vmem>>, vector<16xf32>,
      %add3A_1469 = arith.constant 32 : i32
      %add3A_1470 = arith.addi %add3A_1460, %add3A_1469 : i32
      %swap3A_1471 = arith.index_cast %add3A_1470 : i32 to index
      %swap3A_1472 = tpu.vector_load %arg7[%swap3A_1471] {strides = array<i32>} : memref<65792xf32, #tpu.memory_space<vmem>>, vector<16xf32>,
      tpu.vector_store %arg7[%swap3A_1471], %broadcast_in_dim3A_3 {strides = array<i32>} : memref<65792xf32, #tpu.memory_space<vmem>>, vector<16xf32>,
      %add3A_1473 = arith.constant 48 : i32
      %add3A_1474 = arith.addi %add3A_1460, %add3A_1473 : i32
      %swap3A_1475 = arith.index_cast %add3A_1474 : i32 to index
      %swap3A_1476 = tpu.vector_load %arg7[%swap3A_1475] {strides = array<i32>} : memref<65792xf32, #tpu.memory_space<vmem>>, vector<16xf32>,
      tpu.vector_store %arg7[%swap3A_1475], %broadcast_in_dim3A_3 {strides = array<i32>} : memref<65792xf32, #tpu.memory_space<vmem>>, vector<16xf32>,
      %add3A_1477 = arith.constant 64 : i32
      %add3A_1478 = arith.addi %add3A_1460, %add3A_1477 : i32
      %swap3A_1479 = arith.index_cast %add3A_1478 : i32 to index
      %swap3A_1480 = tpu.vector_load %arg7[%swap3A_1479] {strides = array<i32>} : memref<65792xf32, #tpu.memory_space<vmem>>, vector<16xf32>,
      tpu.vector_store %arg7[%swap3A_1479], %broadcast_in_dim3A_3 {strides = array<i32>} : memref<65792xf32, #tpu.memory_space<vmem>>, vector<16xf32>,
      %add3A_1481 = arith.constant 80 : i32
      %add3A_1482 = arith.addi %add3A_1460, %add3A_1481 : i32
      %swap3A_1483 = arith.index_cast %add3A_1482 : i32 to index
      %swap3A_1484 = tpu.vector_load %arg7[%swap3A_1483] {strides = array<i32>} : memref<65792xf32, #tpu.memory_space<vmem>>, vector<16xf32>,
      tpu.vector_store %arg7[%swap3A_1483], %broadcast_in_dim3A_3 {strides = array<i32>} : memref<65792xf32, #tpu.memory_space<vmem>>, vector<16xf32>,
      %add3A_1485 = arith.constant 96 : i32
      %add3A_1486 = arith.addi %add3A_1460, %add3A_1485 : i32
      %swap3A_1487 = arith.index_cast %add3A_1486 : i32 to index
      %swap3A_1488 = tpu.vector_load %arg7[%swap3A_1487] {strides = array<i32>} : memref<65792xf32, #tpu.memory_space<vmem>>, vector<16xf32>,
      tpu.vector_store %arg7[%swap3A_1487], %broadcast_in_dim3A_3 {strides = array<i32>} : memref<65792xf32, #tpu.memory_space<vmem>>, vector<16xf32>,
      %add3A_1489 = arith.constant 112 : i32
      %add3A_1490 = arith.addi %add3A_1460, %add3A_1489 : i32
      %swap3A_1491 = arith.index_cast %add3A_1490 : i32 to index
      %swap3A_1492 = tpu.vector_load %arg7[%swap3A_1491] {strides = array<i32>} : memref<65792xf32, #tpu.memory_space<vmem>>, vector<16xf32>,
      tpu.vector_store %arg7[%swap3A_1491], %broadcast_in_dim3A_3 {strides = array<i32>} : memref<65792xf32, #tpu.memory_space<vmem>>, vector<16xf32>,
      %add3A_1493 = arith.constant 128 : i32
      %add3A_1494 = arith.addi %add3A_1460, %add3A_1493 : i32
      %swap3A_1495 = arith.index_cast %add3A_1494 : i32 to index
      %swap3A_1496 = tpu.vector_load %arg7[%swap3A_1495] {strides = array<i32>} : memref<65792xf32, #tpu.memory_space<vmem>>, vector<16xf32>,
      tpu.vector_store %arg7[%swap3A_1495], %broadcast_in_dim3A_3 {strides = array<i32>} : memref<65792xf32, #tpu.memory_space<vmem>>, vector<16xf32>,
      %add3A_1497 = arith.constant 144 : i32
      %add3A_1498 = arith.addi %add3A_1460, %add3A_1497 : i32
      %swap3A_1499 = arith.index_cast %add3A_1498 : i32 to index
      %swap3A_1500 = tpu.vector_load %arg7[%swap3A_1499] {strides = array<i32>} : memref<65792xf32, #tpu.memory_space<vmem>>, vector<16xf32>,
      tpu.vector_store %arg7[%swap3A_1499], %broadcast_in_dim3A_3 {strides = array<i32>} : memref<65792xf32, #tpu.memory_space<vmem>>, vector<16xf32>,
      %add3A_1501 = arith.constant 160 : i32
      %add3A_1502 = arith.addi %add3A_1460, %add3A_1501 : i32
      %swap3A_1503 = arith.index_cast %add3A_1502 : i32 to index
      %swap3A_1504 = tpu.vector_load %arg7[%swap3A_1503] {strides = array<i32>} : memref<65792xf32, #tpu.memory_space<vmem>>, vector<16xf32>,
      tpu.vector_store %arg7[%swap3A_1503], %broadcast_in_dim3A_3 {strides = array<i32>} : memref<65792xf32, #tpu.memory_space<vmem>>, vector<16xf32>,
      %add3A_1505 = arith.constant 176 : i32
      %add3A_1506 = arith.addi %add3A_1460, %add3A_1505 : i32
      %swap3A_1507 = arith.index_cast %add3A_1506 : i32 to index
      %swap3A_1508 = tpu.vector_load %arg7[%swap3A_1507] {strides = array<i32>} : memref<65792xf32, #tpu.memory_space<vmem>>, vector<16xf32>,
      tpu.vector_store %arg7[%swap3A_1507], %broadcast_in_dim3A_3 {strides = array<i32>} : memref<65792xf32, #tpu.memory_space<vmem>>, vector<16xf32>,
      %add3A_1509 = arith.constant 192 : i32
      %add3A_1510 = arith.addi %add3A_1460, %add3A_1509 : i32
      %swap3A_1511 = arith.index_cast %add3A_1510 : i32 to index
      %swap3A_1512 = tpu.vector_load %arg7[%swap3A_1511] {strides = array<i32>} : memref<65792xf32, #tpu.memory_space<vmem>>, vector<16xf32>,
      tpu.vector_store %arg7[%swap3A_1511], %broadcast_in_dim3A_3 {strides = array<i32>} : memref<65792xf32, #tpu.memory_space<vmem>>, vector<16xf32>,
      %add3A_1513 = arith.constant 208 : i32
      %add3A_1514 = arith.addi %add3A_1460, %add3A_1513 : i32
      %swap3A_1515 = arith.index_cast %add3A_1514 : i32 to index
      %swap3A_1516 = tpu.vector_load %arg7[%swap3A_1515] {strides = array<i32>} : memref<65792xf32, #tpu.memory_space<vmem>>, vector<16xf32>,
      tpu.vector_store %arg7[%swap3A_1515], %broadcast_in_dim3A_3 {strides = array<i32>} : memref<65792xf32, #tpu.memory_space<vmem>>, vector<16xf32>,
      %add3A_1517 = arith.constant 224 : i32
      %add3A_1518 = arith.addi %add3A_1460, %add3A_1517 : i32
      %swap3A_1519 = arith.index_cast %add3A_1518 : i32 to index
      %swap3A_1520 = tpu.vector_load %arg7[%swap3A_1519] {strides = array<i32>} : memref<65792xf32, #tpu.memory_space<vmem>>, vector<16xf32>,
      tpu.vector_store %arg7[%swap3A_1519], %broadcast_in_dim3A_3 {strides = array<i32>} : memref<65792xf32, #tpu.memory_space<vmem>>, vector<16xf32>,
      %add3A_1521 = arith.constant 240 : i32
      %add3A_1522 = arith.addi %add3A_1460, %add3A_1521 : i32
      %swap3A_1523 = arith.index_cast %add3A_1522 : i32 to index
      %swap3A_1524 = tpu.vector_load %arg7[%swap3A_1523] {strides = array<i32>} : memref<65792xf32, #tpu.memory_space<vmem>>, vector<16xf32>,
      tpu.vector_store %arg7[%swap3A_1523], %broadcast_in_dim3A_3 {strides = array<i32>} : memref<65792xf32, #tpu.memory_space<vmem>>, vector<16xf32>,
    }
    %scan3A_541 = arith.constant 16 : i32
    %dma_wait3A_542 = arith.constant 63488 : i32
    %dma_wait3A_543 = tpu.memref_slice %arg7[%dma_wait3A_542] : memref<65792xf32, #tpu.memory_space<vmem>> -> memref<2048xf32, #tpu.memory_space<vmem>>
    %dma_wait3A_544 = arith.constant 63488 : i32
    %dma_wait3A_545 = tpu.memref_slice %arg3[%add3A_51, %dma_wait3A_544] : memref<128x65536xf32, #tpu.memory_space<hbm>> -> memref<1x2048xf32, #tpu.memory_space<hbm>>
    %dma_wait3A_546 = tpu.memref_squeeze %dma_wait3A_545 : memref<1x2048xf32, #tpu.memory_space<hbm>> -> memref<2048xf32, #tpu.memory_space<hbm>>
    %dma_wait3A_547 = arith.constant 63488 : i32
    %dma_wait3A_548 = tpu.memref_slice %arg3[%add3A_51, %dma_wait3A_547] : memref<128x65536xf32, #tpu.memory_space<hbm>> -> memref<1x2048xf32, #tpu.memory_space<hbm>>
    %dma_wait3A_549 = tpu.memref_squeeze %dma_wait3A_548 : memref<1x2048xf32, #tpu.memory_space<hbm>> -> memref<2048xf32, #tpu.memory_space<hbm>>
    %dma_wait3A_550 = arith.constant 63488 : i32
    %dma_wait3A_551 = tpu.memref_slice %arg7[%dma_wait3A_550] : memref<65792xf32, #tpu.memory_space<vmem>> -> memref<2048xf32, #tpu.memory_space<vmem>>
    tpu.wait_dma2 semaphore(%arg16 : memref<!tpu.dma_semaphore, #tpu.memory_space<semaphore_mem>>) src(%dma_wait3A_551 : memref<2048xf32, #tpu.memory_space<vmem>>) dst(%dma_wait3A_549 : memref<2048xf32, #tpu.memory_space<hbm>>)
    %scan3A_552 = arith.constant 0 : i32
    %scan3A_553 = arith.constant 0 : i32
    %scan3A_554 = arith.constant 9 : i32
    %scan3A_555 = arith.addi %scan3A_553, %scan3A_554 : i32
    %scan3A_556 = arith.constant 1 : i32
    scf.for %scan3A_1456 = %scan3A_553 to %scan3A_555 step %scan3A_556  : i32 {
      %mul3A_1457 = arith.constant 256 : i32
      %mul3A_1458 = arith.muli %scan3A_1456, %mul3A_1457 : i32
      %add3A_1459 = arith.constant 63488 : i32
      %add3A_1460 = arith.addi %add3A_1459, %mul3A_1458 : i32
      %add3A_1461 = arith.constant 0 : i32
      %add3A_1462 = arith.addi %add3A_1460, %add3A_1461 : i32
      %swap3A_1463 = arith.index_cast %add3A_1462 : i32 to index
      %swap3A_1464 = tpu.vector_load %arg7[%swap3A_1463] {strides = array<i32>} : memref<65792xf32, #tpu.memory_space<vmem>>, vector<16xf32>,
      tpu.vector_store %arg7[%swap3A_1463], %broadcast_in_dim3A_3 {strides = array<i32>} : memref<65792xf32, #tpu.memory_space<vmem>>, vector<16xf32>,
      %add3A_1465 = arith.constant 16 : i32
      %add3A_1466 = arith.addi %add3A_1460, %add3A_1465 : i32
      %swap3A_1467 = arith.index_cast %add3A_1466 : i32 to index
      %swap3A_1468 = tpu.vector_load %arg7[%swap3A_1467] {strides = array<i32>} : memref<65792xf32, #tpu.memory_space<vmem>>, vector<16xf32>,
      tpu.vector_store %arg7[%swap3A_1467], %broadcast_in_dim3A_3 {strides = array<i32>} : memref<65792xf32, #tpu.memory_space<vmem>>, vector<16xf32>,
      %add3A_1469 = arith.constant 32 : i32
      %add3A_1470 = arith.addi %add3A_1460, %add3A_1469 : i32
      %swap3A_1471 = arith.index_cast %add3A_1470 : i32 to index
      %swap3A_1472 = tpu.vector_load %arg7[%swap3A_1471] {strides = array<i32>} : memref<65792xf32, #tpu.memory_space<vmem>>, vector<16xf32>,
      tpu.vector_store %arg7[%swap3A_1471], %broadcast_in_dim3A_3 {strides = array<i32>} : memref<65792xf32, #tpu.memory_space<vmem>>, vector<16xf32>,
      %add3A_1473 = arith.constant 48 : i32
      %add3A_1474 = arith.addi %add3A_1460, %add3A_1473 : i32
      %swap3A_1475 = arith.index_cast %add3A_1474 : i32 to index
      %swap3A_1476 = tpu.vector_load %arg7[%swap3A_1475] {strides = array<i32>} : memref<65792xf32, #tpu.memory_space<vmem>>, vector<16xf32>,
      tpu.vector_store %arg7[%swap3A_1475], %broadcast_in_dim3A_3 {strides = array<i32>} : memref<65792xf32, #tpu.memory_space<vmem>>, vector<16xf32>,
      %add3A_1477 = arith.constant 64 : i32
      %add3A_1478 = arith.addi %add3A_1460, %add3A_1477 : i32
      %swap3A_1479 = arith.index_cast %add3A_1478 : i32 to index
      %swap3A_1480 = tpu.vector_load %arg7[%swap3A_1479] {strides = array<i32>} : memref<65792xf32, #tpu.memory_space<vmem>>, vector<16xf32>,
      tpu.vector_store %arg7[%swap3A_1479], %broadcast_in_dim3A_3 {strides = array<i32>} : memref<65792xf32, #tpu.memory_space<vmem>>, vector<16xf32>,
      %add3A_1481 = arith.constant 80 : i32
      %add3A_1482 = arith.addi %add3A_1460, %add3A_1481 : i32
      %swap3A_1483 = arith.index_cast %add3A_1482 : i32 to index
      %swap3A_1484 = tpu.vector_load %arg7[%swap3A_1483] {strides = array<i32>} : memref<65792xf32, #tpu.memory_space<vmem>>, vector<16xf32>,
      tpu.vector_store %arg7[%swap3A_1483], %broadcast_in_dim3A_3 {strides = array<i32>} : memref<65792xf32, #tpu.memory_space<vmem>>, vector<16xf32>,
      %add3A_1485 = arith.constant 96 : i32
      %add3A_1486 = arith.addi %add3A_1460, %add3A_1485 : i32
      %swap3A_1487 = arith.index_cast %add3A_1486 : i32 to index
      %swap3A_1488 = tpu.vector_load %arg7[%swap3A_1487] {strides = array<i32>} : memref<65792xf32, #tpu.memory_space<vmem>>, vector<16xf32>,
      tpu.vector_store %arg7[%swap3A_1487], %broadcast_in_dim3A_3 {strides = array<i32>} : memref<65792xf32, #tpu.memory_space<vmem>>, vector<16xf32>,
      %add3A_1489 = arith.constant 112 : i32
      %add3A_1490 = arith.addi %add3A_1460, %add3A_1489 : i32
      %swap3A_1491 = arith.index_cast %add3A_1490 : i32 to index
      %swap3A_1492 = tpu.vector_load %arg7[%swap3A_1491] {strides = array<i32>} : memref<65792xf32, #tpu.memory_space<vmem>>, vector<16xf32>,
      tpu.vector_store %arg7[%swap3A_1491], %broadcast_in_dim3A_3 {strides = array<i32>} : memref<65792xf32, #tpu.memory_space<vmem>>, vector<16xf32>,
      %add3A_1493 = arith.constant 128 : i32
      %add3A_1494 = arith.addi %add3A_1460, %add3A_1493 : i32
      %swap3A_1495 = arith.index_cast %add3A_1494 : i32 to index
      %swap3A_1496 = tpu.vector_load %arg7[%swap3A_1495] {strides = array<i32>} : memref<65792xf32, #tpu.memory_space<vmem>>, vector<16xf32>,
      tpu.vector_store %arg7[%swap3A_1495], %broadcast_in_dim3A_3 {strides = array<i32>} : memref<65792xf32, #tpu.memory_space<vmem>>, vector<16xf32>,
      %add3A_1497 = arith.constant 144 : i32
      %add3A_1498 = arith.addi %add3A_1460, %add3A_1497 : i32
      %swap3A_1499 = arith.index_cast %add3A_1498 : i32 to index
      %swap3A_1500 = tpu.vector_load %arg7[%swap3A_1499] {strides = array<i32>} : memref<65792xf32, #tpu.memory_space<vmem>>, vector<16xf32>,
      tpu.vector_store %arg7[%swap3A_1499], %broadcast_in_dim3A_3 {strides = array<i32>} : memref<65792xf32, #tpu.memory_space<vmem>>, vector<16xf32>,
      %add3A_1501 = arith.constant 160 : i32
      %add3A_1502 = arith.addi %add3A_1460, %add3A_1501 : i32
      %swap3A_1503 = arith.index_cast %add3A_1502 : i32 to index
      %swap3A_1504 = tpu.vector_load %arg7[%swap3A_1503] {strides = array<i32>} : memref<65792xf32, #tpu.memory_space<vmem>>, vector<16xf32>,
      tpu.vector_store %arg7[%swap3A_1503], %broadcast_in_dim3A_3 {strides = array<i32>} : memref<65792xf32, #tpu.memory_space<vmem>>, vector<16xf32>,
      %add3A_1505 = arith.constant 176 : i32
      %add3A_1506 = arith.addi %add3A_1460, %add3A_1505 : i32
      %swap3A_1507 = arith.index_cast %add3A_1506 : i32 to index
      %swap3A_1508 = tpu.vector_load %arg7[%swap3A_1507] {strides = array<i32>} : memref<65792xf32, #tpu.memory_space<vmem>>, vector<16xf32>,
      tpu.vector_store %arg7[%swap3A_1507], %broadcast_in_dim3A_3 {strides = array<i32>} : memref<65792xf32, #tpu.memory_space<vmem>>, vector<16xf32>,
      %add3A_1509 = arith.constant 192 : i32
      %add3A_1510 = arith.addi %add3A_1460, %add3A_1509 : i32
      %swap3A_1511 = arith.index_cast %add3A_1510 : i32 to index
      %swap3A_1512 = tpu.vector_load %arg7[%swap3A_1511] {strides = array<i32>} : memref<65792xf32, #tpu.memory_space<vmem>>, vector<16xf32>,
      tpu.vector_store %arg7[%swap3A_1511], %broadcast_in_dim3A_3 {strides = array<i32>} : memref<65792xf32, #tpu.memory_space<vmem>>, vector<16xf32>,
      %add3A_1513 = arith.constant 208 : i32
      %add3A_1514 = arith.addi %add3A_1460, %add3A_1513 : i32
      %swap3A_1515 = arith.index_cast %add3A_1514 : i32 to index
      %swap3A_1516 = tpu.vector_load %arg7[%swap3A_1515] {strides = array<i32>} : memref<65792xf32, #tpu.memory_space<vmem>>, vector<16xf32>,
      tpu.vector_store %arg7[%swap3A_1515], %broadcast_in_dim3A_3 {strides = array<i32>} : memref<65792xf32, #tpu.memory_space<vmem>>, vector<16xf32>,
      %add3A_1517 = arith.constant 224 : i32
      %add3A_1518 = arith.addi %add3A_1460, %add3A_1517 : i32
      %swap3A_1519 = arith.index_cast %add3A_1518 : i32 to index
      %swap3A_1520 = tpu.vector_load %arg7[%swap3A_1519] {strides = array<i32>} : memref<65792xf32, #tpu.memory_space<vmem>>, vector<16xf32>,
      tpu.vector_store %arg7[%swap3A_1519], %broadcast_in_dim3A_3 {strides = array<i32>} : memref<65792xf32, #tpu.memory_space<vmem>>, vector<16xf32>,
      %add3A_1521 = arith.constant 240 : i32
      %add3A_1522 = arith.addi %add3A_1460, %add3A_1521 : i32
      %swap3A_1523 = arith.index_cast %add3A_1522 : i32 to index
      %swap3A_1524 = tpu.vector_load %arg7[%swap3A_1523] {strides = array<i32>} : memref<65792xf32, #tpu.memory_space<vmem>>, vector<16xf32>,
      tpu.vector_store %arg7[%swap3A_1523], %broadcast_in_dim3A_3 {strides = array<i32>} : memref<65792xf32, #tpu.memory_space<vmem>>, vector<16xf32>,
    }
    %scan3A_557 = arith.constant 9 : i32
    %scan3A_558 = arith.constant 0 : i32
    %scan3A_559 = arith.constant 0 : i32
    %scan3A_560 = arith.constant 32 : i32
    %scan3A_561 = arith.addi %scan3A_559, %scan3A_560 : i32
    %scan3A_562 = arith.constant 1 : i32
    scf.for %scan3A_1456 = %scan3A_559 to %scan3A_561 step %scan3A_562  : i32 {
      %mul3A_1457 = arith.constant 16 : i32
      %mul3A_1458 = arith.muli %mul3A_1457, %scan3A_1456 : i32
      %add3A_1459 = arith.constant 0 : i32
      %add3A_1460 = arith.addi %mul3A_1458, %add3A_1459 : i32
      %mul3A_1461 = arith.constant 16 : i32
      %mul3A_1462 = arith.muli %add3A_1460, %mul3A_1461 : i32
      %get3A_1463 = arith.index_cast %mul3A_1462 : i32 to index
      %get3A_1464 = tpu.vector_load %arg6[%get3A_1463] {strides = array<i32>} : memref<8224xi32, #tpu.memory_space<vmem>>, vector<16xi32>,
      %add3A_1465 = arith.constant 1 : i32
      %add3A_1466 = arith.addi %mul3A_1458, %add3A_1465 : i32
      %mul3A_1467 = arith.constant 16 : i32
      %mul3A_1468 = arith.muli %add3A_1466, %mul3A_1467 : i32
      %get3A_1469 = arith.index_cast %mul3A_1468 : i32 to index
      %get3A_1470 = tpu.vector_load %arg6[%get3A_1469] {strides = array<i32>} : memref<8224xi32, #tpu.memory_space<vmem>>, vector<16xi32>,
      %add3A_1471 = arith.constant 2 : i32
      %add3A_1472 = arith.addi %mul3A_1458, %add3A_1471 : i32
      %mul3A_1473 = arith.constant 16 : i32
      %mul3A_1474 = arith.muli %add3A_1472, %mul3A_1473 : i32
      %get3A_1475 = arith.index_cast %mul3A_1474 : i32 to index
      %get3A_1476 = tpu.vector_load %arg6[%get3A_1475] {strides = array<i32>} : memref<8224xi32, #tpu.memory_space<vmem>>, vector<16xi32>,
      %add3A_1477 = arith.constant 3 : i32
      %add3A_1478 = arith.addi %mul3A_1458, %add3A_1477 : i32
      %mul3A_1479 = arith.constant 16 : i32
      %mul3A_1480 = arith.muli %add3A_1478, %mul3A_1479 : i32
      %get3A_1481 = arith.index_cast %mul3A_1480 : i32 to index
      %get3A_1482 = tpu.vector_load %arg6[%get3A_1481] {strides = array<i32>} : memref<8224xi32, #tpu.memory_space<vmem>>, vector<16xi32>,
      %add3A_1483 = arith.constant 4 : i32
      %add3A_1484 = arith.addi %mul3A_1458, %add3A_1483 : i32
      %mul3A_1485 = arith.constant 16 : i32
      %mul3A_1486 = arith.muli %add3A_1484, %mul3A_1485 : i32
      %get3A_1487 = arith.index_cast %mul3A_1486 : i32 to index
      %get3A_1488 = tpu.vector_load %arg6[%get3A_1487] {strides = array<i32>} : memref<8224xi32, #tpu.memory_space<vmem>>, vector<16xi32>,
      %add3A_1489 = arith.constant 5 : i32
      %add3A_1490 = arith.addi %mul3A_1458, %add3A_1489 : i32
      %mul3A_1491 = arith.constant 16 : i32
      %mul3A_1492 = arith.muli %add3A_1490, %mul3A_1491 : i32
      %get3A_1493 = arith.index_cast %mul3A_1492 : i32 to index
      %get3A_1494 = tpu.vector_load %arg6[%get3A_1493] {strides = array<i32>} : memref<8224xi32, #tpu.memory_space<vmem>>, vector<16xi32>,
      %add3A_1495 = arith.constant 6 : i32
      %add3A_1496 = arith.addi %mul3A_1458, %add3A_1495 : i32
      %mul3A_1497 = arith.constant 16 : i32
      %mul3A_1498 = arith.muli %add3A_1496, %mul3A_1497 : i32
      %get3A_1499 = arith.index_cast %mul3A_1498 : i32 to index
      %get3A_1500 = tpu.vector_load %arg6[%get3A_1499] {strides = array<i32>} : memref<8224xi32, #tpu.memory_space<vmem>>, vector<16xi32>,
      %add3A_1501 = arith.constant 7 : i32
      %add3A_1502 = arith.addi %mul3A_1458, %add3A_1501 : i32
      %mul3A_1503 = arith.constant 16 : i32
      %mul3A_1504 = arith.muli %add3A_1502, %mul3A_1503 : i32
      %get3A_1505 = arith.index_cast %mul3A_1504 : i32 to index
      %get3A_1506 = tpu.vector_load %arg6[%get3A_1505] {strides = array<i32>} : memref<8224xi32, #tpu.memory_space<vmem>>, vector<16xi32>,
      %add3A_1507 = arith.constant 8 : i32
      %add3A_1508 = arith.addi %mul3A_1458, %add3A_1507 : i32
      %mul3A_1509 = arith.constant 16 : i32
      %mul3A_1510 = arith.muli %add3A_1508, %mul3A_1509 : i32
      %get3A_1511 = arith.index_cast %mul3A_1510 : i32 to index
      %get3A_1512 = tpu.vector_load %arg6[%get3A_1511] {strides = array<i32>} : memref<8224xi32, #tpu.memory_space<vmem>>, vector<16xi32>,
      %add3A_1513 = arith.constant 9 : i32
      %add3A_1514 = arith.addi %mul3A_1458, %add3A_1513 : i32
      %mul3A_1515 = arith.constant 16 : i32
      %mul3A_1516 = arith.muli %add3A_1514, %mul3A_1515 : i32
      %get3A_1517 = arith.index_cast %mul3A_1516 : i32 to index
      %get3A_1518 = tpu.vector_load %arg6[%get3A_1517] {strides = array<i32>} : memref<8224xi32, #tpu.memory_space<vmem>>, vector<16xi32>,
      %add3A_1519 = arith.constant 10 : i32
      %add3A_1520 = arith.addi %mul3A_1458, %add3A_1519 : i32
      %mul3A_1521 = arith.constant 16 : i32
      %mul3A_1522 = arith.muli %add3A_1520, %mul3A_1521 : i32
      %get3A_1523 = arith.index_cast %mul3A_1522 : i32 to index
      %get3A_1524 = tpu.vector_load %arg6[%get3A_1523] {strides = array<i32>} : memref<8224xi32, #tpu.memory_space<vmem>>, vector<16xi32>,
      %add3A_1525 = arith.constant 11 : i32
      %add3A_1526 = arith.addi %mul3A_1458, %add3A_1525 : i32
      %mul3A_1527 = arith.constant 16 : i32
      %mul3A_1528 = arith.muli %add3A_1526, %mul3A_1527 : i32
      %get3A_1529 = arith.index_cast %mul3A_1528 : i32 to index
      %get3A_1530 = tpu.vector_load %arg6[%get3A_1529] {strides = array<i32>} : memref<8224xi32, #tpu.memory_space<vmem>>, vector<16xi32>,
      %add3A_1531 = arith.constant 12 : i32
      %add3A_1532 = arith.addi %mul3A_1458, %add3A_1531 : i32
      %mul3A_1533 = arith.constant 16 : i32
      %mul3A_1534 = arith.muli %add3A_1532, %mul3A_1533 : i32
      %get3A_1535 = arith.index_cast %mul3A_1534 : i32 to index
      %get3A_1536 = tpu.vector_load %arg6[%get3A_1535] {strides = array<i32>} : memref<8224xi32, #tpu.memory_space<vmem>>, vector<16xi32>,
      %add3A_1537 = arith.constant 13 : i32
      %add3A_1538 = arith.addi %mul3A_1458, %add3A_1537 : i32
      %mul3A_1539 = arith.constant 16 : i32
      %mul3A_1540 = arith.muli %add3A_1538, %mul3A_1539 : i32
      %get3A_1541 = arith.index_cast %mul3A_1540 : i32 to index
      %get3A_1542 = tpu.vector_load %arg6[%get3A_1541] {strides = array<i32>} : memref<8224xi32, #tpu.memory_space<vmem>>, vector<16xi32>,
      %add3A_1543 = arith.constant 14 : i32
      %add3A_1544 = arith.addi %mul3A_1458, %add3A_1543 : i32
      %mul3A_1545 = arith.constant 16 : i32
      %mul3A_1546 = arith.muli %add3A_1544, %mul3A_1545 : i32
      %get3A_1547 = arith.index_cast %mul3A_1546 : i32 to index
      %get3A_1548 = tpu.vector_load %arg6[%get3A_1547] {strides = array<i32>} : memref<8224xi32, #tpu.memory_space<vmem>>, vector<16xi32>,
      %add3A_1549 = arith.constant 15 : i32
      %add3A_1550 = arith.addi %mul3A_1458, %add3A_1549 : i32
      %mul3A_1551 = arith.constant 16 : i32
      %mul3A_1552 = arith.muli %add3A_1550, %mul3A_1551 : i32
      %get3A_1553 = arith.index_cast %mul3A_1552 : i32 to index
      %get3A_1554 = tpu.vector_load %arg6[%get3A_1553] {strides = array<i32>} : memref<8224xi32, #tpu.memory_space<vmem>>, vector<16xi32>,
      tpu.vector_store_idx %arg7[%get3A_1464], %broadcast_in_dim3A_1 {add = true} : memref<65792xf32, #tpu.memory_space<vmem>>[vector<16xi32>], vector<16xf32>,
      tpu.vector_store_idx %arg7[%get3A_1470], %broadcast_in_dim3A_1 {add = true} : memref<65792xf32, #tpu.memory_space<vmem>>[vector<16xi32>], vector<16xf32>,
      tpu.vector_store_idx %arg7[%get3A_1476], %broadcast_in_dim3A_1 {add = true} : memref<65792xf32, #tpu.memory_space<vmem>>[vector<16xi32>], vector<16xf32>,
      tpu.vector_store_idx %arg7[%get3A_1482], %broadcast_in_dim3A_1 {add = true} : memref<65792xf32, #tpu.memory_space<vmem>>[vector<16xi32>], vector<16xf32>,
      tpu.vector_store_idx %arg7[%get3A_1488], %broadcast_in_dim3A_1 {add = true} : memref<65792xf32, #tpu.memory_space<vmem>>[vector<16xi32>], vector<16xf32>,
      tpu.vector_store_idx %arg7[%get3A_1494], %broadcast_in_dim3A_1 {add = true} : memref<65792xf32, #tpu.memory_space<vmem>>[vector<16xi32>], vector<16xf32>,
      tpu.vector_store_idx %arg7[%get3A_1500], %broadcast_in_dim3A_1 {add = true} : memref<65792xf32, #tpu.memory_space<vmem>>[vector<16xi32>], vector<16xf32>,
      tpu.vector_store_idx %arg7[%get3A_1506], %broadcast_in_dim3A_1 {add = true} : memref<65792xf32, #tpu.memory_space<vmem>>[vector<16xi32>], vector<16xf32>,
      tpu.vector_store_idx %arg7[%get3A_1512], %broadcast_in_dim3A_1 {add = true} : memref<65792xf32, #tpu.memory_space<vmem>>[vector<16xi32>], vector<16xf32>,
      tpu.vector_store_idx %arg7[%get3A_1518], %broadcast_in_dim3A_1 {add = true} : memref<65792xf32, #tpu.memory_space<vmem>>[vector<16xi32>], vector<16xf32>,
      tpu.vector_store_idx %arg7[%get3A_1524], %broadcast_in_dim3A_1 {add = true} : memref<65792xf32, #tpu.memory_space<vmem>>[vector<16xi32>], vector<16xf32>,
      tpu.vector_store_idx %arg7[%get3A_1530], %broadcast_in_dim3A_1 {add = true} : memref<65792xf32, #tpu.memory_space<vmem>>[vector<16xi32>], vector<16xf32>,
      tpu.vector_store_idx %arg7[%get3A_1536], %broadcast_in_dim3A_1 {add = true} : memref<65792xf32, #tpu.memory_space<vmem>>[vector<16xi32>], vector<16xf32>,
      tpu.vector_store_idx %arg7[%get3A_1542], %broadcast_in_dim3A_1 {add = true} : memref<65792xf32, #tpu.memory_space<vmem>>[vector<16xi32>], vector<16xf32>,
      tpu.vector_store_idx %arg7[%get3A_1548], %broadcast_in_dim3A_1 {add = true} : memref<65792xf32, #tpu.memory_space<vmem>>[vector<16xi32>], vector<16xf32>,
      tpu.vector_store_idx %arg7[%get3A_1554], %broadcast_in_dim3A_1 {add = true} : memref<65792xf32, #tpu.memory_space<vmem>>[vector<16xi32>], vector<16xf32>,
    }
    %scan3A_563 = arith.constant 32 : i32
    %get3A_564 = arith.constant 8192 : index
    %get3A_565 = tpu.vector_load %arg6[%get3A_564] {strides = array<i32>} : memref<8224xi32, #tpu.memory_space<vmem>>, vector<16xi32>,
    %get3A_566 = arith.constant 8208 : index
    %get3A_567 = tpu.vector_load %arg6[%get3A_566] {strides = array<i32>} : memref<8224xi32, #tpu.memory_space<vmem>>, vector<16xi32>,
    tpu.vector_store_idx %arg7[%get3A_565], %broadcast_in_dim3A_1 {add = true} : memref<65792xf32, #tpu.memory_space<vmem>>[vector<16xi32>], vector<16xf32>,
    tpu.vector_store_idx %arg7[%get3A_567], %broadcast_in_dim3A_1 {add = true} : memref<65792xf32, #tpu.memory_space<vmem>>[vector<16xi32>], vector<16xf32>,
    %dma_start3A_568 = arith.constant 0 : i32
    %dma_start3A_569 = tpu.memref_slice %arg7[%dma_start3A_568] : memref<65792xf32, #tpu.memory_space<vmem>> -> memref<11264xf32, #tpu.memory_space<vmem>>
    %dma_start3A_570 = arith.constant 0 : i32
    %dma_start3A_571 = tpu.memref_slice %arg3[%add3A_291, %dma_start3A_570] : memref<128x65536xf32, #tpu.memory_space<hbm>> -> memref<1x11264xf32, #tpu.memory_space<hbm>>
    %dma_start3A_572 = tpu.memref_squeeze %dma_start3A_571 : memref<1x11264xf32, #tpu.memory_space<hbm>> -> memref<11264xf32, #tpu.memory_space<hbm>>
    %dma_start3A_573 = arith.constant 0 : i32
    %dma_start3A_574 = tpu.memref_slice %arg3[%add3A_291, %dma_start3A_573] : memref<128x65536xf32, #tpu.memory_space<hbm>> -> memref<1x11264xf32, #tpu.memory_space<hbm>>
    %dma_start3A_575 = tpu.memref_squeeze %dma_start3A_574 : memref<1x11264xf32, #tpu.memory_space<hbm>> -> memref<11264xf32, #tpu.memory_space<hbm>>
    %dma_start3A_576 = arith.constant 0 : i32
    %dma_start3A_577 = tpu.memref_slice %arg7[%dma_start3A_576] : memref<65792xf32, #tpu.memory_space<vmem>> -> memref<11264xf32, #tpu.memory_space<vmem>>
    tpu.enqueue_dma source(%dma_start3A_577 : memref<11264xf32, #tpu.memory_space<vmem>>) target(%dma_start3A_575 : memref<11264xf32, #tpu.memory_space<hbm>>) target_semaphore(%arg9 : memref<!tpu.dma_semaphore, #tpu.memory_space<semaphore_mem>>)
    %dma_start3A_578 = arith.constant 11264 : i32
    %dma_start3A_579 = tpu.memref_slice %arg7[%dma_start3A_578] : memref<65792xf32, #tpu.memory_space<vmem>> -> memref<11264xf32, #tpu.memory_space<vmem>>
    %dma_start3A_580 = arith.constant 11264 : i32
    %dma_start3A_581 = tpu.memref_slice %arg3[%add3A_291, %dma_start3A_580] : memref<128x65536xf32, #tpu.memory_space<hbm>> -> memref<1x11264xf32, #tpu.memory_space<hbm>>
    %dma_start3A_582 = tpu.memref_squeeze %dma_start3A_581 : memref<1x11264xf32, #tpu.memory_space<hbm>> -> memref<11264xf32, #tpu.memory_space<hbm>>
    %dma_start3A_583 = arith.constant 11264 : i32
    %dma_start3A_584 = tpu.memref_slice %arg3[%add3A_291, %dma_start3A_583] : memref<128x65536xf32, #tpu.memory_space<hbm>> -> memref<1x11264xf32, #tpu.memory_space<hbm>>
    %dma_start3A_585 = tpu.memref_squeeze %dma_start3A_584 : memref<1x11264xf32, #tpu.memory_space<hbm>> -> memref<11264xf32, #tpu.memory_space<hbm>>
    %dma_start3A_586 = arith.constant 11264 : i32
    %dma_start3A_587 = tpu.memref_slice %arg7[%dma_start3A_586] : memref<65792xf32, #tpu.memory_space<vmem>> -> memref<11264xf32, #tpu.memory_space<vmem>>
    tpu.enqueue_dma source(%dma_start3A_587 : memref<11264xf32, #tpu.memory_space<vmem>>) target(%dma_start3A_585 : memref<11264xf32, #tpu.memory_space<hbm>>) target_semaphore(%arg10 : memref<!tpu.dma_semaphore, #tpu.memory_space<semaphore_mem>>)
    %dma_start3A_588 = arith.constant 22528 : i32
    %dma_start3A_589 = tpu.memref_slice %arg7[%dma_start3A_588] : memref<65792xf32, #tpu.memory_space<vmem>> -> memref<11264xf32, #tpu.memory_space<vmem>>
    %dma_start3A_590 = arith.constant 22528 : i32
    %dma_start3A_591 = tpu.memref_slice %arg3[%add3A_291, %dma_start3A_590] : memref<128x65536xf32, #tpu.memory_space<hbm>> -> memref<1x11264xf32, #tpu.memory_space<hbm>>
    %dma_start3A_592 = tpu.memref_squeeze %dma_start3A_591 : memref<1x11264xf32, #tpu.memory_space<hbm>> -> memref<11264xf32, #tpu.memory_space<hbm>>
    %dma_start3A_593 = arith.constant 22528 : i32
    %dma_start3A_594 = tpu.memref_slice %arg3[%add3A_291, %dma_start3A_593] : memref<128x65536xf32, #tpu.memory_space<hbm>> -> memref<1x11264xf32, #tpu.memory_space<hbm>>
    %dma_start3A_595 = tpu.memref_squeeze %dma_start3A_594 : memref<1x11264xf32, #tpu.memory_space<hbm>> -> memref<11264xf32, #tpu.memory_space<hbm>>
    %dma_start3A_596 = arith.constant 22528 : i32
    %dma_start3A_597 = tpu.memref_slice %arg7[%dma_start3A_596] : memref<65792xf32, #tpu.memory_space<vmem>> -> memref<11264xf32, #tpu.memory_space<vmem>>
    tpu.enqueue_dma source(%dma_start3A_597 : memref<11264xf32, #tpu.memory_space<vmem>>) target(%dma_start3A_595 : memref<11264xf32, #tpu.memory_space<hbm>>) target_semaphore(%arg11 : memref<!tpu.dma_semaphore, #tpu.memory_space<semaphore_mem>>)
    %dma_start3A_598 = arith.constant 33792 : i32
    %dma_start3A_599 = tpu.memref_slice %arg7[%dma_start3A_598] : memref<65792xf32, #tpu.memory_space<vmem>> -> memref<11264xf32, #tpu.memory_space<vmem>>
    %dma_start3A_600 = arith.constant 33792 : i32
    %dma_start3A_601 = tpu.memref_slice %arg3[%add3A_291, %dma_start3A_600] : memref<128x65536xf32, #tpu.memory_space<hbm>> -> memref<1x11264xf32, #tpu.memory_space<hbm>>
    %dma_start3A_602 = tpu.memref_squeeze %dma_start3A_601 : memref<1x11264xf32, #tpu.memory_space<hbm>> -> memref<11264xf32, #tpu.memory_space<hbm>>
    %dma_start3A_603 = arith.constant 33792 : i32
    %dma_start3A_604 = tpu.memref_slice %arg3[%add3A_291, %dma_start3A_603] : memref<128x65536xf32, #tpu.memory_space<hbm>> -> memref<1x11264xf32, #tpu.memory_space<hbm>>
    %dma_start3A_605 = tpu.memref_squeeze %dma_start3A_604 : memref<1x11264xf32, #tpu.memory_space<hbm>> -> memref<11264xf32, #tpu.memory_space<hbm>>
    %dma_start3A_606 = arith.constant 33792 : i32
    %dma_start3A_607 = tpu.memref_slice %arg7[%dma_start3A_606] : memref<65792xf32, #tpu.memory_space<vmem>> -> memref<11264xf32, #tpu.memory_space<vmem>>
    tpu.enqueue_dma source(%dma_start3A_607 : memref<11264xf32, #tpu.memory_space<vmem>>) target(%dma_start3A_605 : memref<11264xf32, #tpu.memory_space<hbm>>) target_semaphore(%arg12 : memref<!tpu.dma_semaphore, #tpu.memory_space<semaphore_mem>>)
    %dma_start3A_608 = arith.constant 45056 : i32
    %dma_start3A_609 = tpu.memref_slice %arg7[%dma_start3A_608] : memref<65792xf32, #tpu.memory_space<vmem>> -> memref<7168xf32, #tpu.memory_space<vmem>>
    %dma_start3A_610 = arith.constant 45056 : i32
    %dma_start3A_611 = tpu.memref_slice %arg3[%add3A_291, %dma_start3A_610] : memref<128x65536xf32, #tpu.memory_space<hbm>> -> memref<1x7168xf32, #tpu.memory_space<hbm>>
    %dma_start3A_612 = tpu.memref_squeeze %dma_start3A_611 : memref<1x7168xf32, #tpu.memory_space<hbm>> -> memref<7168xf32, #tpu.memory_space<hbm>>
    %dma_start3A_613 = arith.constant 45056 : i32
    %dma_start3A_614 = tpu.memref_slice %arg3[%add3A_291, %dma_start3A_613] : memref<128x65536xf32, #tpu.memory_space<hbm>> -> memref<1x7168xf32, #tpu.memory_space<hbm>>
    %dma_start3A_615 = tpu.memref_squeeze %dma_start3A_614 : memref<1x7168xf32, #tpu.memory_space<hbm>> -> memref<7168xf32, #tpu.memory_space<hbm>>
    %dma_start3A_616 = arith.constant 45056 : i32
    %dma_start3A_617 = tpu.memref_slice %arg7[%dma_start3A_616] : memref<65792xf32, #tpu.memory_space<vmem>> -> memref<7168xf32, #tpu.memory_space<vmem>>
    tpu.enqueue_dma source(%dma_start3A_617 : memref<7168xf32, #tpu.memory_space<vmem>>) target(%dma_start3A_615 : memref<7168xf32, #tpu.memory_space<hbm>>) target_semaphore(%arg13 : memref<!tpu.dma_semaphore, #tpu.memory_space<semaphore_mem>>)
    %dma_start3A_618 = arith.constant 52224 : i32
    %dma_start3A_619 = tpu.memref_slice %arg7[%dma_start3A_618] : memref<65792xf32, #tpu.memory_space<vmem>> -> memref<7168xf32, #tpu.memory_space<vmem>>
    %dma_start3A_620 = arith.constant 52224 : i32
    %dma_start3A_621 = tpu.memref_slice %arg3[%add3A_291, %dma_start3A_620] : memref<128x65536xf32, #tpu.memory_space<hbm>> -> memref<1x7168xf32, #tpu.memory_space<hbm>>
    %dma_start3A_622 = tpu.memref_squeeze %dma_start3A_621 : memref<1x7168xf32, #tpu.memory_space<hbm>> -> memref<7168xf32, #tpu.memory_space<hbm>>
    %dma_start3A_623 = arith.constant 52224 : i32
    %dma_start3A_624 = tpu.memref_slice %arg3[%add3A_291, %dma_start3A_623] : memref<128x65536xf32, #tpu.memory_space<hbm>> -> memref<1x7168xf32, #tpu.memory_space<hbm>>
    %dma_start3A_625 = tpu.memref_squeeze %dma_start3A_624 : memref<1x7168xf32, #tpu.memory_space<hbm>> -> memref<7168xf32, #tpu.memory_space<hbm>>
    %dma_start3A_626 = arith.constant 52224 : i32
    %dma_start3A_627 = tpu.memref_slice %arg7[%dma_start3A_626] : memref<65792xf32, #tpu.memory_space<vmem>> -> memref<7168xf32, #tpu.memory_space<vmem>>
    tpu.enqueue_dma source(%dma_start3A_627 : memref<7168xf32, #tpu.memory_space<vmem>>) target(%dma_start3A_625 : memref<7168xf32, #tpu.memory_space<hbm>>) target_semaphore(%arg14 : memref<!tpu.dma_semaphore, #tpu.memory_space<semaphore_mem>>)
    %dma_start3A_628 = arith.constant 59392 : i32
    %dma_start3A_629 = tpu.memref_slice %arg7[%dma_start3A_628] : memref<65792xf32, #tpu.memory_space<vmem>> -> memref<4096xf32, #tpu.memory_space<vmem>>
    %dma_start3A_630 = arith.constant 59392 : i32
    %dma_start3A_631 = tpu.memref_slice %arg3[%add3A_291, %dma_start3A_630] : memref<128x65536xf32, #tpu.memory_space<hbm>> -> memref<1x4096xf32, #tpu.memory_space<hbm>>
    %dma_start3A_632 = tpu.memref_squeeze %dma_start3A_631 : memref<1x4096xf32, #tpu.memory_space<hbm>> -> memref<4096xf32, #tpu.memory_space<hbm>>
    %dma_start3A_633 = arith.constant 59392 : i32
    %dma_start3A_634 = tpu.memref_slice %arg3[%add3A_291, %dma_start3A_633] : memref<128x65536xf32, #tpu.memory_space<hbm>> -> memref<1x4096xf32, #tpu.memory_space<hbm>>
    %dma_start3A_635 = tpu.memref_squeeze %dma_start3A_634 : memref<1x4096xf32, #tpu.memory_space<hbm>> -> memref<4096xf32, #tpu.memory_space<hbm>>
    %dma_start3A_636 = arith.constant 59392 : i32
    %dma_start3A_637 = tpu.memref_slice %arg7[%dma_start3A_636] : memref<65792xf32, #tpu.memory_space<vmem>> -> memref<4096xf32, #tpu.memory_space<vmem>>
    tpu.enqueue_dma source(%dma_start3A_637 : memref<4096xf32, #tpu.memory_space<vmem>>) target(%dma_start3A_635 : memref<4096xf32, #tpu.memory_space<hbm>>) target_semaphore(%arg15 : memref<!tpu.dma_semaphore, #tpu.memory_space<semaphore_mem>>)
    %dma_start3A_638 = arith.constant 63488 : i32
    %dma_start3A_639 = tpu.memref_slice %arg7[%dma_start3A_638] : memref<65792xf32, #tpu.memory_space<vmem>> -> memref<2048xf32, #tpu.memory_space<vmem>>
    %dma_start3A_640 = arith.constant 63488 : i32
    %dma_start3A_641 = tpu.memref_slice %arg3[%add3A_291, %dma_start3A_640] : memref<128x65536xf32, #tpu.memory_space<hbm>> -> memref<1x2048xf32, #tpu.memory_space<hbm>>
    %dma_start3A_642 = tpu.memref_squeeze %dma_start3A_641 : memref<1x2048xf32, #tpu.memory_space<hbm>> -> memref<2048xf32, #tpu.memory_space<hbm>>
    %dma_start3A_643 = arith.constant 63488 : i32
    %dma_start3A_644 = tpu.memref_slice %arg3[%add3A_291, %dma_start3A_643] : memref<128x65536xf32, #tpu.memory_space<hbm>> -> memref<1x2048xf32, #tpu.memory_space<hbm>>
    %dma_start3A_645 = tpu.memref_squeeze %dma_start3A_644 : memref<1x2048xf32, #tpu.memory_space<hbm>> -> memref<2048xf32, #tpu.memory_space<hbm>>
    %dma_start3A_646 = arith.constant 63488 : i32
    %dma_start3A_647 = tpu.memref_slice %arg7[%dma_start3A_646] : memref<65792xf32, #tpu.memory_space<vmem>> -> memref<2048xf32, #tpu.memory_space<vmem>>
    tpu.enqueue_dma source(%dma_start3A_647 : memref<2048xf32, #tpu.memory_space<vmem>>) target(%dma_start3A_645 : memref<2048xf32, #tpu.memory_space<hbm>>) target_semaphore(%arg16 : memref<!tpu.dma_semaphore, #tpu.memory_space<semaphore_mem>>)
    %dma_wait3A_648 = arith.constant 0 : i32
    %dma_wait3A_649 = tpu.memref_slice %arg4[%dma_wait3A_648] : memref<8240xi32, #tpu.memory_space<vmem>> -> memref<8192xi32, #tpu.memory_space<vmem>>
    %dma_wait3A_650 = arith.constant 0 : i32
    %dma_wait3A_651 = tpu.memref_slice %arg2[%add3A_419, %dma_wait3A_650] : memref<128x8192xi32, #tpu.memory_space<hbm>> -> memref<1x8192xi32, #tpu.memory_space<hbm>>
    %dma_wait3A_652 = tpu.memref_squeeze %dma_wait3A_651 : memref<1x8192xi32, #tpu.memory_space<hbm>> -> memref<8192xi32, #tpu.memory_space<hbm>>
    %dma_wait3A_653 = arith.constant 0 : i32
    %dma_wait3A_654 = tpu.memref_slice %arg4[%dma_wait3A_653] : memref<8240xi32, #tpu.memory_space<vmem>> -> memref<8192xi32, #tpu.memory_space<vmem>>
    %dma_wait3A_655 = arith.constant 0 : i32
    %dma_wait3A_656 = tpu.memref_slice %arg2[%add3A_419, %dma_wait3A_655] : memref<128x8192xi32, #tpu.memory_space<hbm>> -> memref<1x8192xi32, #tpu.memory_space<hbm>>
    %dma_wait3A_657 = tpu.memref_squeeze %dma_wait3A_656 : memref<1x8192xi32, #tpu.memory_space<hbm>> -> memref<8192xi32, #tpu.memory_space<hbm>>
    tpu.wait_dma2 semaphore(%arg8 : memref<!tpu.dma_semaphore, #tpu.memory_space<semaphore_mem>>) src(%dma_wait3A_657 : memref<8192xi32, #tpu.memory_space<hbm>>) dst(%dma_wait3A_654 : memref<8192xi32, #tpu.memory_space<vmem>>)
    %mul3A_658 = arith.constant 4 : i32
    %mul3A_659 = arith.muli %add3A, %mul3A_658 : i32
    %add3A_660 = arith.constant 2 : i32
    %add3A_661 = arith.addi %mul3A_659, %add3A_660 : i32
    %add3A_662 = arith.constant 0 : i32
    %add3A_663 = vector.broadcast %add3A_662 : i32 to vector<16xi32>
    %add3A_664 = arith.addi %mul3A_8, %add3A_663 : vector<16xi32>
    %gather3A_665 = tpu.vector_load_idx %arg4[%add3A_664] : memref<8240xi32, #tpu.memory_space<vmem>>[vector<16xi32>], vector<16xi32>,
    %add3A_666 = arith.constant 1 : i32
    %add3A_667 = vector.broadcast %add3A_666 : i32 to vector<16xi32>
    %add3A_668 = arith.addi %mul3A_8, %add3A_667 : vector<16xi32>
    %gather3A_669 = tpu.vector_load_idx %arg4[%add3A_668] : memref<8240xi32, #tpu.memory_space<vmem>>[vector<16xi32>], vector<16xi32>,
    %add3A_670 = arith.constant 2 : i32
    %add3A_671 = vector.broadcast %add3A_670 : i32 to vector<16xi32>
    %add3A_672 = arith.addi %mul3A_8, %add3A_671 : vector<16xi32>
    %gather3A_673 = tpu.vector_load_idx %arg4[%add3A_672] : memref<8240xi32, #tpu.memory_space<vmem>>[vector<16xi32>], vector<16xi32>,
    %add3A_674 = arith.constant 3 : i32
    %add3A_675 = vector.broadcast %add3A_674 : i32 to vector<16xi32>
    %add3A_676 = arith.addi %mul3A_8, %add3A_675 : vector<16xi32>
    %gather3A_677 = tpu.vector_load_idx %arg4[%add3A_676] : memref<8240xi32, #tpu.memory_space<vmem>>[vector<16xi32>], vector<16xi32>,
    %add3A_678 = arith.constant 4 : i32
    %add3A_679 = vector.broadcast %add3A_678 : i32 to vector<16xi32>
    %add3A_680 = arith.addi %mul3A_8, %add3A_679 : vector<16xi32>
    %gather3A_681 = tpu.vector_load_idx %arg4[%add3A_680] : memref<8240xi32, #tpu.memory_space<vmem>>[vector<16xi32>], vector<16xi32>,
    %add3A_682 = arith.constant 5 : i32
    %add3A_683 = vector.broadcast %add3A_682 : i32 to vector<16xi32>
    %add3A_684 = arith.addi %mul3A_8, %add3A_683 : vector<16xi32>
    %gather3A_685 = tpu.vector_load_idx %arg4[%add3A_684] : memref<8240xi32, #tpu.memory_space<vmem>>[vector<16xi32>], vector<16xi32>,
    %add3A_686 = arith.constant 6 : i32
    %add3A_687 = vector.broadcast %add3A_686 : i32 to vector<16xi32>
    %add3A_688 = arith.addi %mul3A_8, %add3A_687 : vector<16xi32>
    %gather3A_689 = tpu.vector_load_idx %arg4[%add3A_688] : memref<8240xi32, #tpu.memory_space<vmem>>[vector<16xi32>], vector<16xi32>,
    %add3A_690 = arith.constant 7 : i32
    %add3A_691 = vector.broadcast %add3A_690 : i32 to vector<16xi32>
    %add3A_692 = arith.addi %mul3A_8, %add3A_691 : vector<16xi32>
    %gather3A_693 = tpu.vector_load_idx %arg4[%add3A_692] : memref<8240xi32, #tpu.memory_space<vmem>>[vector<16xi32>], vector<16xi32>,
    %mul3A_694 = arith.constant 4 : i32
    %mul3A_695 = vector.broadcast %mul3A_694 : i32 to vector<16xi32>
    %mul3A_696 = arith.muli %gather3A_665, %mul3A_695 : vector<16xi32>
    %add3A_697 = arith.addi %mul3A_696, %gather3A_669 : vector<16xi32>
    %mul3A_698 = arith.constant 4 : i32
    %mul3A_699 = vector.broadcast %mul3A_698 : i32 to vector<16xi32>
    %mul3A_700 = arith.muli %gather3A_673, %mul3A_699 : vector<16xi32>
    %add3A_701 = arith.addi %mul3A_700, %gather3A_677 : vector<16xi32>
    %mul3A_702 = arith.constant 4 : i32
    %mul3A_703 = vector.broadcast %mul3A_702 : i32 to vector<16xi32>
    %mul3A_704 = arith.muli %gather3A_681, %mul3A_703 : vector<16xi32>
    %add3A_705 = arith.addi %mul3A_704, %gather3A_685 : vector<16xi32>
    %mul3A_706 = arith.constant 4 : i32
    %mul3A_707 = vector.broadcast %mul3A_706 : i32 to vector<16xi32>
    %mul3A_708 = arith.muli %gather3A_689, %mul3A_707 : vector<16xi32>
    %add3A_709 = arith.addi %mul3A_708, %gather3A_693 : vector<16xi32>
    %mul3A_710 = arith.constant 16 : i32
    %mul3A_711 = vector.broadcast %mul3A_710 : i32 to vector<16xi32>
    %mul3A_712 = arith.muli %add3A_697, %mul3A_711 : vector<16xi32>
    %add3A_713 = arith.addi %mul3A_712, %add3A_701 : vector<16xi32>
    %mul3A_714 = arith.constant 256 : i32
    %mul3A_715 = vector.broadcast %mul3A_714 : i32 to vector<16xi32>
    %mul3A_716 = arith.muli %add3A_713, %mul3A_715 : vector<16xi32>
    %mul3A_717 = arith.constant 16 : i32
    %mul3A_718 = vector.broadcast %mul3A_717 : i32 to vector<16xi32>
    %mul3A_719 = arith.muli %add3A_705, %mul3A_718 : vector<16xi32>
    %add3A_720 = arith.addi %mul3A_719, %add3A_709 : vector<16xi32>
    %add3A_721 = arith.addi %mul3A_716, %add3A_720 : vector<16xi32>
    %add3A_722 = arith.constant 0 : i32
    %add3A_723 = vector.broadcast %add3A_722 : i32 to vector<16xi32>
    %add3A_724 = arith.addi %add3A_11, %add3A_723 : vector<16xi32>
    %gather3A_725 = tpu.vector_load_idx %arg4[%add3A_724] : memref<8240xi32, #tpu.memory_space<vmem>>[vector<16xi32>], vector<16xi32>,
    %add3A_726 = arith.constant 1 : i32
    %add3A_727 = vector.broadcast %add3A_726 : i32 to vector<16xi32>
    %add3A_728 = arith.addi %add3A_11, %add3A_727 : vector<16xi32>
    %gather3A_729 = tpu.vector_load_idx %arg4[%add3A_728] : memref<8240xi32, #tpu.memory_space<vmem>>[vector<16xi32>], vector<16xi32>,
    %add3A_730 = arith.constant 2 : i32
    %add3A_731 = vector.broadcast %add3A_730 : i32 to vector<16xi32>
    %add3A_732 = arith.addi %add3A_11, %add3A_731 : vector<16xi32>
    %gather3A_733 = tpu.vector_load_idx %arg4[%add3A_732] : memref<8240xi32, #tpu.memory_space<vmem>>[vector<16xi32>], vector<16xi32>,
    %add3A_734 = arith.constant 3 : i32
    %add3A_735 = vector.broadcast %add3A_734 : i32 to vector<16xi32>
    %add3A_736 = arith.addi %add3A_11, %add3A_735 : vector<16xi32>
    %gather3A_737 = tpu.vector_load_idx %arg4[%add3A_736] : memref<8240xi32, #tpu.memory_space<vmem>>[vector<16xi32>], vector<16xi32>,
    %add3A_738 = arith.constant 4 : i32
    %add3A_739 = vector.broadcast %add3A_738 : i32 to vector<16xi32>
    %add3A_740 = arith.addi %add3A_11, %add3A_739 : vector<16xi32>
    %gather3A_741 = tpu.vector_load_idx %arg4[%add3A_740] : memref<8240xi32, #tpu.memory_space<vmem>>[vector<16xi32>], vector<16xi32>,
    %add3A_742 = arith.constant 5 : i32
    %add3A_743 = vector.broadcast %add3A_742 : i32 to vector<16xi32>
    %add3A_744 = arith.addi %add3A_11, %add3A_743 : vector<16xi32>
    %gather3A_745 = tpu.vector_load_idx %arg4[%add3A_744] : memref<8240xi32, #tpu.memory_space<vmem>>[vector<16xi32>], vector<16xi32>,
    %add3A_746 = arith.constant 6 : i32
    %add3A_747 = vector.broadcast %add3A_746 : i32 to vector<16xi32>
    %add3A_748 = arith.addi %add3A_11, %add3A_747 : vector<16xi32>
    %gather3A_749 = tpu.vector_load_idx %arg4[%add3A_748] : memref<8240xi32, #tpu.memory_space<vmem>>[vector<16xi32>], vector<16xi32>,
    %add3A_750 = arith.constant 7 : i32
    %add3A_751 = vector.broadcast %add3A_750 : i32 to vector<16xi32>
    %add3A_752 = arith.addi %add3A_11, %add3A_751 : vector<16xi32>
    %gather3A_753 = tpu.vector_load_idx %arg4[%add3A_752] : memref<8240xi32, #tpu.memory_space<vmem>>[vector<16xi32>], vector<16xi32>,
    %mul3A_754 = arith.constant 4 : i32
    %mul3A_755 = vector.broadcast %mul3A_754 : i32 to vector<16xi32>
    %mul3A_756 = arith.muli %gather3A_725, %mul3A_755 : vector<16xi32>
    %add3A_757 = arith.addi %mul3A_756, %gather3A_729 : vector<16xi32>
    %mul3A_758 = arith.constant 4 : i32
    %mul3A_759 = vector.broadcast %mul3A_758 : i32 to vector<16xi32>
    %mul3A_760 = arith.muli %gather3A_733, %mul3A_759 : vector<16xi32>
    %add3A_761 = arith.addi %mul3A_760, %gather3A_737 : vector<16xi32>
    %mul3A_762 = arith.constant 4 : i32
    %mul3A_763 = vector.broadcast %mul3A_762 : i32 to vector<16xi32>
    %mul3A_764 = arith.muli %gather3A_741, %mul3A_763 : vector<16xi32>
    %add3A_765 = arith.addi %mul3A_764, %gather3A_745 : vector<16xi32>
    %mul3A_766 = arith.constant 4 : i32
    %mul3A_767 = vector.broadcast %mul3A_766 : i32 to vector<16xi32>
    %mul3A_768 = arith.muli %gather3A_749, %mul3A_767 : vector<16xi32>
    %add3A_769 = arith.addi %mul3A_768, %gather3A_753 : vector<16xi32>
    %mul3A_770 = arith.constant 16 : i32
    %mul3A_771 = vector.broadcast %mul3A_770 : i32 to vector<16xi32>
    %mul3A_772 = arith.muli %add3A_757, %mul3A_771 : vector<16xi32>
    %add3A_773 = arith.addi %mul3A_772, %add3A_761 : vector<16xi32>
    %mul3A_774 = arith.constant 256 : i32
    %mul3A_775 = vector.broadcast %mul3A_774 : i32 to vector<16xi32>
    %mul3A_776 = arith.muli %add3A_773, %mul3A_775 : vector<16xi32>
    %mul3A_777 = arith.constant 16 : i32
    %mul3A_778 = vector.broadcast %mul3A_777 : i32 to vector<16xi32>
    %mul3A_779 = arith.muli %add3A_765, %mul3A_778 : vector<16xi32>
    %add3A_780 = arith.addi %mul3A_779, %add3A_769 : vector<16xi32>
    %add3A_781 = arith.addi %mul3A_776, %add3A_780 : vector<16xi32>
    %scan3A_782 = arith.constant 0 : i32
    %scan3A_783 = arith.constant 257 : i32
    %scan3A_784 = arith.addi %scan3A_782, %scan3A_783 : i32
    %scan3A_785 = arith.constant 1 : i32
    %scan3A_786:2 = scf.for %scan3A_1456 = %scan3A_782 to %scan3A_784 step %scan3A_785 iter_args(%scan3A_1457 = %add3A_721, %scan3A_1458 = %add3A_781) -> (vector<16xi32>, vector<16xi32>)  : i32 {
      %mul3A_1459 = arith.constant 16 : i32
      %mul3A_1460 = arith.muli %scan3A_1456, %mul3A_1459 : i32
      %swap3A_1461 = arith.index_cast %mul3A_1460 : i32 to index
      %swap3A_1462 = tpu.vector_load %arg6[%swap3A_1461] {strides = array<i32>} : memref<8224xi32, #tpu.memory_space<vmem>>, vector<16xi32>,
      tpu.vector_store %arg6[%swap3A_1461], %scan3A_1457 {strides = array<i32>} : memref<8224xi32, #tpu.memory_space<vmem>>, vector<16xi32>,
      %add3A_1463 = vector.broadcast %scan3A_1456 : i32 to vector<16xi32>
      %add3A_1464 = arith.addi %add3A_11, %add3A_1463 : vector<16xi32>
      %lt3A = arith.constant 8185 : i32
      %lt3A_1465 = vector.broadcast %lt3A : i32 to vector<16xi32>
      %lt3A_1466 = arith.cmpi slt, %add3A_1464, %lt3A_1465 : vector<16xi32>
      %jit3A = arith.constant 65536 : i32
      %broadcast_in_dim3A_1467 = vector.broadcast %jit3A : i32 to vector<16xi32>
      %select_n3A = arith.select %lt3A_1466, %scan3A_1458, %broadcast_in_dim3A_1467 : vector<16xi1>, vector<16xi32>
      %add3A_1468 = arith.constant 257 : i32
      %add3A_1469 = arith.addi %add3A_1468, %scan3A_1456 : i32
      %mul3A_1470 = arith.constant 16 : i32
      %mul3A_1471 = arith.muli %add3A_1469, %mul3A_1470 : i32
      %swap3A_1472 = arith.index_cast %mul3A_1471 : i32 to index
      %swap3A_1473 = tpu.vector_load %arg6[%swap3A_1472] {strides = array<i32>} : memref<8224xi32, #tpu.memory_space<vmem>>, vector<16xi32>,
      tpu.vector_store %arg6[%swap3A_1472], %select_n3A {strides = array<i32>} : memref<8224xi32, #tpu.memory_space<vmem>>, vector<16xi32>,
      %add3A_1474 = vector.broadcast %scan3A_1456 : i32 to vector<16xi32>
      %add3A_1475 = arith.addi %mul3A_8, %add3A_1474 : vector<16xi32>
      %add3A_1476 = arith.constant 8 : i32
      %add3A_1477 = vector.broadcast %add3A_1476 : i32 to vector<16xi32>
      %add3A_1478 = arith.addi %add3A_1475, %add3A_1477 : vector<16xi32>
      %gather3A_1479 = tpu.vector_load_idx %arg4[%add3A_1478] : memref<8240xi32, #tpu.memory_space<vmem>>[vector<16xi32>], vector<16xi32>,
      %add3A_1480 = arith.constant 8 : i32
      %add3A_1481 = vector.broadcast %add3A_1480 : i32 to vector<16xi32>
      %add3A_1482 = arith.addi %add3A_1464, %add3A_1481 : vector<16xi32>
      %gather3A_1483 = tpu.vector_load_idx %arg4[%add3A_1482] : memref<8240xi32, #tpu.memory_space<vmem>>[vector<16xi32>], vector<16xi32>,
      %shift_left3A = arith.constant 2 : i32
      %shift_left3A_1484 = vector.broadcast %shift_left3A : i32 to vector<16xi32>
      %shift_left3A_1485 = arith.shli %scan3A_1457, %shift_left3A_1484 : vector<16xi32>
      %add3A_1486 = arith.addi %shift_left3A_1485, %gather3A_1479 : vector<16xi32>
      %and3A = arith.constant 65535 : i32
      %and3A_1487 = vector.broadcast %and3A : i32 to vector<16xi32>
      %and3A_1488 = arith.andi %add3A_1486, %and3A_1487 : vector<16xi32>
      %shift_left3A_1489 = arith.constant 2 : i32
      %shift_left3A_1490 = vector.broadcast %shift_left3A_1489 : i32 to vector<16xi32>
      %shift_left3A_1491 = arith.shli %scan3A_1458, %shift_left3A_1490 : vector<16xi32>
      %add3A_1492 = arith.addi %shift_left3A_1491, %gather3A_1483 : vector<16xi32>
      %and3A_1493 = arith.constant 65535 : i32
      %and3A_1494 = vector.broadcast %and3A_1493 : i32 to vector<16xi32>
      %and3A_1495 = arith.andi %add3A_1492, %and3A_1494 : vector<16xi32>
      scf.yield %and3A_1488, %and3A_1495 : vector<16xi32>, vector<16xi32>
    }
    %scan3A_787 = arith.constant 257 : i32
    %add3A_788 = arith.constant 1 : i32
    %add3A_789 = arith.addi %add3A_661, %add3A_788 : i32
    %dma_start3A_790 = arith.constant 0 : i32
    %dma_start3A_791 = tpu.memref_slice %arg5[%dma_start3A_790] : memref<8240xi32, #tpu.memory_space<vmem>> -> memref<8192xi32, #tpu.memory_space<vmem>>
    %dma_start3A_792 = arith.constant 0 : i32
    %dma_start3A_793 = tpu.memref_slice %arg2[%add3A_789, %dma_start3A_792] : memref<128x8192xi32, #tpu.memory_space<hbm>> -> memref<1x8192xi32, #tpu.memory_space<hbm>>
    %dma_start3A_794 = tpu.memref_squeeze %dma_start3A_793 : memref<1x8192xi32, #tpu.memory_space<hbm>> -> memref<8192xi32, #tpu.memory_space<hbm>>
    %dma_start3A_795 = arith.constant 0 : i32
    %dma_start3A_796 = tpu.memref_slice %arg5[%dma_start3A_795] : memref<8240xi32, #tpu.memory_space<vmem>> -> memref<8192xi32, #tpu.memory_space<vmem>>
    %dma_start3A_797 = arith.constant 0 : i32
    %dma_start3A_798 = tpu.memref_slice %arg2[%add3A_789, %dma_start3A_797] : memref<128x8192xi32, #tpu.memory_space<hbm>> -> memref<1x8192xi32, #tpu.memory_space<hbm>>
    %dma_start3A_799 = tpu.memref_squeeze %dma_start3A_798 : memref<1x8192xi32, #tpu.memory_space<hbm>> -> memref<8192xi32, #tpu.memory_space<hbm>>
    tpu.enqueue_dma source(%dma_start3A_799 : memref<8192xi32, #tpu.memory_space<hbm>>) target(%dma_start3A_796 : memref<8192xi32, #tpu.memory_space<vmem>>) target_semaphore(%arg8 : memref<!tpu.dma_semaphore, #tpu.memory_space<semaphore_mem>>)
    %dma_wait3A_800 = arith.constant 0 : i32
    %dma_wait3A_801 = tpu.memref_slice %arg7[%dma_wait3A_800] : memref<65792xf32, #tpu.memory_space<vmem>> -> memref<11264xf32, #tpu.memory_space<vmem>>
    %dma_wait3A_802 = arith.constant 0 : i32
    %dma_wait3A_803 = tpu.memref_slice %arg3[%add3A_291, %dma_wait3A_802] : memref<128x65536xf32, #tpu.memory_space<hbm>> -> memref<1x11264xf32, #tpu.memory_space<hbm>>
    %dma_wait3A_804 = tpu.memref_squeeze %dma_wait3A_803 : memref<1x11264xf32, #tpu.memory_space<hbm>> -> memref<11264xf32, #tpu.memory_space<hbm>>
    %dma_wait3A_805 = arith.constant 0 : i32
    %dma_wait3A_806 = tpu.memref_slice %arg3[%add3A_291, %dma_wait3A_805] : memref<128x65536xf32, #tpu.memory_space<hbm>> -> memref<1x11264xf32, #tpu.memory_space<hbm>>
    %dma_wait3A_807 = tpu.memref_squeeze %dma_wait3A_806 : memref<1x11264xf32, #tpu.memory_space<hbm>> -> memref<11264xf32, #tpu.memory_space<hbm>>
    %dma_wait3A_808 = arith.constant 0 : i32
    %dma_wait3A_809 = tpu.memref_slice %arg7[%dma_wait3A_808] : memref<65792xf32, #tpu.memory_space<vmem>> -> memref<11264xf32, #tpu.memory_space<vmem>>
    tpu.wait_dma2 semaphore(%arg9 : memref<!tpu.dma_semaphore, #tpu.memory_space<semaphore_mem>>) src(%dma_wait3A_809 : memref<11264xf32, #tpu.memory_space<vmem>>) dst(%dma_wait3A_807 : memref<11264xf32, #tpu.memory_space<hbm>>)
    %scan3A_810 = arith.constant 0 : i32
    %scan3A_811 = arith.constant 0 : i32
    %scan3A_812 = arith.constant 44 : i32
    %scan3A_813 = arith.addi %scan3A_811, %scan3A_812 : i32
    %scan3A_814 = arith.constant 1 : i32
    scf.for %scan3A_1456 = %scan3A_811 to %scan3A_813 step %scan3A_814  : i32 {
      %mul3A_1457 = arith.constant 256 : i32
      %mul3A_1458 = arith.muli %scan3A_1456, %mul3A_1457 : i32
      %add3A_1459 = arith.constant 0 : i32
      %add3A_1460 = arith.addi %add3A_1459, %mul3A_1458 : i32
      %add3A_1461 = arith.constant 0 : i32
      %add3A_1462 = arith.addi %add3A_1460, %add3A_1461 : i32
      %swap3A_1463 = arith.index_cast %add3A_1462 : i32 to index
      %swap3A_1464 = tpu.vector_load %arg7[%swap3A_1463] {strides = array<i32>} : memref<65792xf32, #tpu.memory_space<vmem>>, vector<16xf32>,
      tpu.vector_store %arg7[%swap3A_1463], %broadcast_in_dim3A_3 {strides = array<i32>} : memref<65792xf32, #tpu.memory_space<vmem>>, vector<16xf32>,
      %add3A_1465 = arith.constant 16 : i32
      %add3A_1466 = arith.addi %add3A_1460, %add3A_1465 : i32
      %swap3A_1467 = arith.index_cast %add3A_1466 : i32 to index
      %swap3A_1468 = tpu.vector_load %arg7[%swap3A_1467] {strides = array<i32>} : memref<65792xf32, #tpu.memory_space<vmem>>, vector<16xf32>,
      tpu.vector_store %arg7[%swap3A_1467], %broadcast_in_dim3A_3 {strides = array<i32>} : memref<65792xf32, #tpu.memory_space<vmem>>, vector<16xf32>,
      %add3A_1469 = arith.constant 32 : i32
      %add3A_1470 = arith.addi %add3A_1460, %add3A_1469 : i32
      %swap3A_1471 = arith.index_cast %add3A_1470 : i32 to index
      %swap3A_1472 = tpu.vector_load %arg7[%swap3A_1471] {strides = array<i32>} : memref<65792xf32, #tpu.memory_space<vmem>>, vector<16xf32>,
      tpu.vector_store %arg7[%swap3A_1471], %broadcast_in_dim3A_3 {strides = array<i32>} : memref<65792xf32, #tpu.memory_space<vmem>>, vector<16xf32>,
      %add3A_1473 = arith.constant 48 : i32
      %add3A_1474 = arith.addi %add3A_1460, %add3A_1473 : i32
      %swap3A_1475 = arith.index_cast %add3A_1474 : i32 to index
      %swap3A_1476 = tpu.vector_load %arg7[%swap3A_1475] {strides = array<i32>} : memref<65792xf32, #tpu.memory_space<vmem>>, vector<16xf32>,
      tpu.vector_store %arg7[%swap3A_1475], %broadcast_in_dim3A_3 {strides = array<i32>} : memref<65792xf32, #tpu.memory_space<vmem>>, vector<16xf32>,
      %add3A_1477 = arith.constant 64 : i32
      %add3A_1478 = arith.addi %add3A_1460, %add3A_1477 : i32
      %swap3A_1479 = arith.index_cast %add3A_1478 : i32 to index
      %swap3A_1480 = tpu.vector_load %arg7[%swap3A_1479] {strides = array<i32>} : memref<65792xf32, #tpu.memory_space<vmem>>, vector<16xf32>,
      tpu.vector_store %arg7[%swap3A_1479], %broadcast_in_dim3A_3 {strides = array<i32>} : memref<65792xf32, #tpu.memory_space<vmem>>, vector<16xf32>,
      %add3A_1481 = arith.constant 80 : i32
      %add3A_1482 = arith.addi %add3A_1460, %add3A_1481 : i32
      %swap3A_1483 = arith.index_cast %add3A_1482 : i32 to index
      %swap3A_1484 = tpu.vector_load %arg7[%swap3A_1483] {strides = array<i32>} : memref<65792xf32, #tpu.memory_space<vmem>>, vector<16xf32>,
      tpu.vector_store %arg7[%swap3A_1483], %broadcast_in_dim3A_3 {strides = array<i32>} : memref<65792xf32, #tpu.memory_space<vmem>>, vector<16xf32>,
      %add3A_1485 = arith.constant 96 : i32
      %add3A_1486 = arith.addi %add3A_1460, %add3A_1485 : i32
      %swap3A_1487 = arith.index_cast %add3A_1486 : i32 to index
      %swap3A_1488 = tpu.vector_load %arg7[%swap3A_1487] {strides = array<i32>} : memref<65792xf32, #tpu.memory_space<vmem>>, vector<16xf32>,
      tpu.vector_store %arg7[%swap3A_1487], %broadcast_in_dim3A_3 {strides = array<i32>} : memref<65792xf32, #tpu.memory_space<vmem>>, vector<16xf32>,
      %add3A_1489 = arith.constant 112 : i32
      %add3A_1490 = arith.addi %add3A_1460, %add3A_1489 : i32
      %swap3A_1491 = arith.index_cast %add3A_1490 : i32 to index
      %swap3A_1492 = tpu.vector_load %arg7[%swap3A_1491] {strides = array<i32>} : memref<65792xf32, #tpu.memory_space<vmem>>, vector<16xf32>,
      tpu.vector_store %arg7[%swap3A_1491], %broadcast_in_dim3A_3 {strides = array<i32>} : memref<65792xf32, #tpu.memory_space<vmem>>, vector<16xf32>,
      %add3A_1493 = arith.constant 128 : i32
      %add3A_1494 = arith.addi %add3A_1460, %add3A_1493 : i32
      %swap3A_1495 = arith.index_cast %add3A_1494 : i32 to index
      %swap3A_1496 = tpu.vector_load %arg7[%swap3A_1495] {strides = array<i32>} : memref<65792xf32, #tpu.memory_space<vmem>>, vector<16xf32>,
      tpu.vector_store %arg7[%swap3A_1495], %broadcast_in_dim3A_3 {strides = array<i32>} : memref<65792xf32, #tpu.memory_space<vmem>>, vector<16xf32>,
      %add3A_1497 = arith.constant 144 : i32
      %add3A_1498 = arith.addi %add3A_1460, %add3A_1497 : i32
      %swap3A_1499 = arith.index_cast %add3A_1498 : i32 to index
      %swap3A_1500 = tpu.vector_load %arg7[%swap3A_1499] {strides = array<i32>} : memref<65792xf32, #tpu.memory_space<vmem>>, vector<16xf32>,
      tpu.vector_store %arg7[%swap3A_1499], %broadcast_in_dim3A_3 {strides = array<i32>} : memref<65792xf32, #tpu.memory_space<vmem>>, vector<16xf32>,
      %add3A_1501 = arith.constant 160 : i32
      %add3A_1502 = arith.addi %add3A_1460, %add3A_1501 : i32
      %swap3A_1503 = arith.index_cast %add3A_1502 : i32 to index
      %swap3A_1504 = tpu.vector_load %arg7[%swap3A_1503] {strides = array<i32>} : memref<65792xf32, #tpu.memory_space<vmem>>, vector<16xf32>,
      tpu.vector_store %arg7[%swap3A_1503], %broadcast_in_dim3A_3 {strides = array<i32>} : memref<65792xf32, #tpu.memory_space<vmem>>, vector<16xf32>,
      %add3A_1505 = arith.constant 176 : i32
      %add3A_1506 = arith.addi %add3A_1460, %add3A_1505 : i32
      %swap3A_1507 = arith.index_cast %add3A_1506 : i32 to index
      %swap3A_1508 = tpu.vector_load %arg7[%swap3A_1507] {strides = array<i32>} : memref<65792xf32, #tpu.memory_space<vmem>>, vector<16xf32>,
      tpu.vector_store %arg7[%swap3A_1507], %broadcast_in_dim3A_3 {strides = array<i32>} : memref<65792xf32, #tpu.memory_space<vmem>>, vector<16xf32>,
      %add3A_1509 = arith.constant 192 : i32
      %add3A_1510 = arith.addi %add3A_1460, %add3A_1509 : i32
      %swap3A_1511 = arith.index_cast %add3A_1510 : i32 to index
      %swap3A_1512 = tpu.vector_load %arg7[%swap3A_1511] {strides = array<i32>} : memref<65792xf32, #tpu.memory_space<vmem>>, vector<16xf32>,
      tpu.vector_store %arg7[%swap3A_1511], %broadcast_in_dim3A_3 {strides = array<i32>} : memref<65792xf32, #tpu.memory_space<vmem>>, vector<16xf32>,
      %add3A_1513 = arith.constant 208 : i32
      %add3A_1514 = arith.addi %add3A_1460, %add3A_1513 : i32
      %swap3A_1515 = arith.index_cast %add3A_1514 : i32 to index
      %swap3A_1516 = tpu.vector_load %arg7[%swap3A_1515] {strides = array<i32>} : memref<65792xf32, #tpu.memory_space<vmem>>, vector<16xf32>,
      tpu.vector_store %arg7[%swap3A_1515], %broadcast_in_dim3A_3 {strides = array<i32>} : memref<65792xf32, #tpu.memory_space<vmem>>, vector<16xf32>,
      %add3A_1517 = arith.constant 224 : i32
      %add3A_1518 = arith.addi %add3A_1460, %add3A_1517 : i32
      %swap3A_1519 = arith.index_cast %add3A_1518 : i32 to index
      %swap3A_1520 = tpu.vector_load %arg7[%swap3A_1519] {strides = array<i32>} : memref<65792xf32, #tpu.memory_space<vmem>>, vector<16xf32>,
      tpu.vector_store %arg7[%swap3A_1519], %broadcast_in_dim3A_3 {strides = array<i32>} : memref<65792xf32, #tpu.memory_space<vmem>>, vector<16xf32>,
      %add3A_1521 = arith.constant 240 : i32
      %add3A_1522 = arith.addi %add3A_1460, %add3A_1521 : i32
      %swap3A_1523 = arith.index_cast %add3A_1522 : i32 to index
      %swap3A_1524 = tpu.vector_load %arg7[%swap3A_1523] {strides = array<i32>} : memref<65792xf32, #tpu.memory_space<vmem>>, vector<16xf32>,
      tpu.vector_store %arg7[%swap3A_1523], %broadcast_in_dim3A_3 {strides = array<i32>} : memref<65792xf32, #tpu.memory_space<vmem>>, vector<16xf32>,
    }
    %scan3A_815 = arith.constant 44 : i32
    %dma_wait3A_816 = arith.constant 11264 : i32
    %dma_wait3A_817 = tpu.memref_slice %arg7[%dma_wait3A_816] : memref<65792xf32, #tpu.memory_space<vmem>> -> memref<11264xf32, #tpu.memory_space<vmem>>
    %dma_wait3A_818 = arith.constant 11264 : i32
    %dma_wait3A_819 = tpu.memref_slice %arg3[%add3A_291, %dma_wait3A_818] : memref<128x65536xf32, #tpu.memory_space<hbm>> -> memref<1x11264xf32, #tpu.memory_space<hbm>>
    %dma_wait3A_820 = tpu.memref_squeeze %dma_wait3A_819 : memref<1x11264xf32, #tpu.memory_space<hbm>> -> memref<11264xf32, #tpu.memory_space<hbm>>
    %dma_wait3A_821 = arith.constant 11264 : i32
    %dma_wait3A_822 = tpu.memref_slice %arg3[%add3A_291, %dma_wait3A_821] : memref<128x65536xf32, #tpu.memory_space<hbm>> -> memref<1x11264xf32, #tpu.memory_space<hbm>>
    %dma_wait3A_823 = tpu.memref_squeeze %dma_wait3A_822 : memref<1x11264xf32, #tpu.memory_space<hbm>> -> memref<11264xf32, #tpu.memory_space<hbm>>
    %dma_wait3A_824 = arith.constant 11264 : i32
    %dma_wait3A_825 = tpu.memref_slice %arg7[%dma_wait3A_824] : memref<65792xf32, #tpu.memory_space<vmem>> -> memref<11264xf32, #tpu.memory_space<vmem>>
    tpu.wait_dma2 semaphore(%arg10 : memref<!tpu.dma_semaphore, #tpu.memory_space<semaphore_mem>>) src(%dma_wait3A_825 : memref<11264xf32, #tpu.memory_space<vmem>>) dst(%dma_wait3A_823 : memref<11264xf32, #tpu.memory_space<hbm>>)
    %scan3A_826 = arith.constant 0 : i32
    %scan3A_827 = arith.constant 0 : i32
    %scan3A_828 = arith.constant 44 : i32
    %scan3A_829 = arith.addi %scan3A_827, %scan3A_828 : i32
    %scan3A_830 = arith.constant 1 : i32
    scf.for %scan3A_1456 = %scan3A_827 to %scan3A_829 step %scan3A_830  : i32 {
      %mul3A_1457 = arith.constant 256 : i32
      %mul3A_1458 = arith.muli %scan3A_1456, %mul3A_1457 : i32
      %add3A_1459 = arith.constant 11264 : i32
      %add3A_1460 = arith.addi %add3A_1459, %mul3A_1458 : i32
      %add3A_1461 = arith.constant 0 : i32
      %add3A_1462 = arith.addi %add3A_1460, %add3A_1461 : i32
      %swap3A_1463 = arith.index_cast %add3A_1462 : i32 to index
      %swap3A_1464 = tpu.vector_load %arg7[%swap3A_1463] {strides = array<i32>} : memref<65792xf32, #tpu.memory_space<vmem>>, vector<16xf32>,
      tpu.vector_store %arg7[%swap3A_1463], %broadcast_in_dim3A_3 {strides = array<i32>} : memref<65792xf32, #tpu.memory_space<vmem>>, vector<16xf32>,
      %add3A_1465 = arith.constant 16 : i32
      %add3A_1466 = arith.addi %add3A_1460, %add3A_1465 : i32
      %swap3A_1467 = arith.index_cast %add3A_1466 : i32 to index
      %swap3A_1468 = tpu.vector_load %arg7[%swap3A_1467] {strides = array<i32>} : memref<65792xf32, #tpu.memory_space<vmem>>, vector<16xf32>,
      tpu.vector_store %arg7[%swap3A_1467], %broadcast_in_dim3A_3 {strides = array<i32>} : memref<65792xf32, #tpu.memory_space<vmem>>, vector<16xf32>,
      %add3A_1469 = arith.constant 32 : i32
      %add3A_1470 = arith.addi %add3A_1460, %add3A_1469 : i32
      %swap3A_1471 = arith.index_cast %add3A_1470 : i32 to index
      %swap3A_1472 = tpu.vector_load %arg7[%swap3A_1471] {strides = array<i32>} : memref<65792xf32, #tpu.memory_space<vmem>>, vector<16xf32>,
      tpu.vector_store %arg7[%swap3A_1471], %broadcast_in_dim3A_3 {strides = array<i32>} : memref<65792xf32, #tpu.memory_space<vmem>>, vector<16xf32>,
      %add3A_1473 = arith.constant 48 : i32
      %add3A_1474 = arith.addi %add3A_1460, %add3A_1473 : i32
      %swap3A_1475 = arith.index_cast %add3A_1474 : i32 to index
      %swap3A_1476 = tpu.vector_load %arg7[%swap3A_1475] {strides = array<i32>} : memref<65792xf32, #tpu.memory_space<vmem>>, vector<16xf32>,
      tpu.vector_store %arg7[%swap3A_1475], %broadcast_in_dim3A_3 {strides = array<i32>} : memref<65792xf32, #tpu.memory_space<vmem>>, vector<16xf32>,
      %add3A_1477 = arith.constant 64 : i32
      %add3A_1478 = arith.addi %add3A_1460, %add3A_1477 : i32
      %swap3A_1479 = arith.index_cast %add3A_1478 : i32 to index
      %swap3A_1480 = tpu.vector_load %arg7[%swap3A_1479] {strides = array<i32>} : memref<65792xf32, #tpu.memory_space<vmem>>, vector<16xf32>,
      tpu.vector_store %arg7[%swap3A_1479], %broadcast_in_dim3A_3 {strides = array<i32>} : memref<65792xf32, #tpu.memory_space<vmem>>, vector<16xf32>,
      %add3A_1481 = arith.constant 80 : i32
      %add3A_1482 = arith.addi %add3A_1460, %add3A_1481 : i32
      %swap3A_1483 = arith.index_cast %add3A_1482 : i32 to index
      %swap3A_1484 = tpu.vector_load %arg7[%swap3A_1483] {strides = array<i32>} : memref<65792xf32, #tpu.memory_space<vmem>>, vector<16xf32>,
      tpu.vector_store %arg7[%swap3A_1483], %broadcast_in_dim3A_3 {strides = array<i32>} : memref<65792xf32, #tpu.memory_space<vmem>>, vector<16xf32>,
      %add3A_1485 = arith.constant 96 : i32
      %add3A_1486 = arith.addi %add3A_1460, %add3A_1485 : i32
      %swap3A_1487 = arith.index_cast %add3A_1486 : i32 to index
      %swap3A_1488 = tpu.vector_load %arg7[%swap3A_1487] {strides = array<i32>} : memref<65792xf32, #tpu.memory_space<vmem>>, vector<16xf32>,
      tpu.vector_store %arg7[%swap3A_1487], %broadcast_in_dim3A_3 {strides = array<i32>} : memref<65792xf32, #tpu.memory_space<vmem>>, vector<16xf32>,
      %add3A_1489 = arith.constant 112 : i32
      %add3A_1490 = arith.addi %add3A_1460, %add3A_1489 : i32
      %swap3A_1491 = arith.index_cast %add3A_1490 : i32 to index
      %swap3A_1492 = tpu.vector_load %arg7[%swap3A_1491] {strides = array<i32>} : memref<65792xf32, #tpu.memory_space<vmem>>, vector<16xf32>,
      tpu.vector_store %arg7[%swap3A_1491], %broadcast_in_dim3A_3 {strides = array<i32>} : memref<65792xf32, #tpu.memory_space<vmem>>, vector<16xf32>,
      %add3A_1493 = arith.constant 128 : i32
      %add3A_1494 = arith.addi %add3A_1460, %add3A_1493 : i32
      %swap3A_1495 = arith.index_cast %add3A_1494 : i32 to index
      %swap3A_1496 = tpu.vector_load %arg7[%swap3A_1495] {strides = array<i32>} : memref<65792xf32, #tpu.memory_space<vmem>>, vector<16xf32>,
      tpu.vector_store %arg7[%swap3A_1495], %broadcast_in_dim3A_3 {strides = array<i32>} : memref<65792xf32, #tpu.memory_space<vmem>>, vector<16xf32>,
      %add3A_1497 = arith.constant 144 : i32
      %add3A_1498 = arith.addi %add3A_1460, %add3A_1497 : i32
      %swap3A_1499 = arith.index_cast %add3A_1498 : i32 to index
      %swap3A_1500 = tpu.vector_load %arg7[%swap3A_1499] {strides = array<i32>} : memref<65792xf32, #tpu.memory_space<vmem>>, vector<16xf32>,
      tpu.vector_store %arg7[%swap3A_1499], %broadcast_in_dim3A_3 {strides = array<i32>} : memref<65792xf32, #tpu.memory_space<vmem>>, vector<16xf32>,
      %add3A_1501 = arith.constant 160 : i32
      %add3A_1502 = arith.addi %add3A_1460, %add3A_1501 : i32
      %swap3A_1503 = arith.index_cast %add3A_1502 : i32 to index
      %swap3A_1504 = tpu.vector_load %arg7[%swap3A_1503] {strides = array<i32>} : memref<65792xf32, #tpu.memory_space<vmem>>, vector<16xf32>,
      tpu.vector_store %arg7[%swap3A_1503], %broadcast_in_dim3A_3 {strides = array<i32>} : memref<65792xf32, #tpu.memory_space<vmem>>, vector<16xf32>,
      %add3A_1505 = arith.constant 176 : i32
      %add3A_1506 = arith.addi %add3A_1460, %add3A_1505 : i32
      %swap3A_1507 = arith.index_cast %add3A_1506 : i32 to index
      %swap3A_1508 = tpu.vector_load %arg7[%swap3A_1507] {strides = array<i32>} : memref<65792xf32, #tpu.memory_space<vmem>>, vector<16xf32>,
      tpu.vector_store %arg7[%swap3A_1507], %broadcast_in_dim3A_3 {strides = array<i32>} : memref<65792xf32, #tpu.memory_space<vmem>>, vector<16xf32>,
      %add3A_1509 = arith.constant 192 : i32
      %add3A_1510 = arith.addi %add3A_1460, %add3A_1509 : i32
      %swap3A_1511 = arith.index_cast %add3A_1510 : i32 to index
      %swap3A_1512 = tpu.vector_load %arg7[%swap3A_1511] {strides = array<i32>} : memref<65792xf32, #tpu.memory_space<vmem>>, vector<16xf32>,
      tpu.vector_store %arg7[%swap3A_1511], %broadcast_in_dim3A_3 {strides = array<i32>} : memref<65792xf32, #tpu.memory_space<vmem>>, vector<16xf32>,
      %add3A_1513 = arith.constant 208 : i32
      %add3A_1514 = arith.addi %add3A_1460, %add3A_1513 : i32
      %swap3A_1515 = arith.index_cast %add3A_1514 : i32 to index
      %swap3A_1516 = tpu.vector_load %arg7[%swap3A_1515] {strides = array<i32>} : memref<65792xf32, #tpu.memory_space<vmem>>, vector<16xf32>,
      tpu.vector_store %arg7[%swap3A_1515], %broadcast_in_dim3A_3 {strides = array<i32>} : memref<65792xf32, #tpu.memory_space<vmem>>, vector<16xf32>,
      %add3A_1517 = arith.constant 224 : i32
      %add3A_1518 = arith.addi %add3A_1460, %add3A_1517 : i32
      %swap3A_1519 = arith.index_cast %add3A_1518 : i32 to index
      %swap3A_1520 = tpu.vector_load %arg7[%swap3A_1519] {strides = array<i32>} : memref<65792xf32, #tpu.memory_space<vmem>>, vector<16xf32>,
      tpu.vector_store %arg7[%swap3A_1519], %broadcast_in_dim3A_3 {strides = array<i32>} : memref<65792xf32, #tpu.memory_space<vmem>>, vector<16xf32>,
      %add3A_1521 = arith.constant 240 : i32
      %add3A_1522 = arith.addi %add3A_1460, %add3A_1521 : i32
      %swap3A_1523 = arith.index_cast %add3A_1522 : i32 to index
      %swap3A_1524 = tpu.vector_load %arg7[%swap3A_1523] {strides = array<i32>} : memref<65792xf32, #tpu.memory_space<vmem>>, vector<16xf32>,
      tpu.vector_store %arg7[%swap3A_1523], %broadcast_in_dim3A_3 {strides = array<i32>} : memref<65792xf32, #tpu.memory_space<vmem>>, vector<16xf32>,
    }
    %scan3A_831 = arith.constant 44 : i32
    %dma_wait3A_832 = arith.constant 22528 : i32
    %dma_wait3A_833 = tpu.memref_slice %arg7[%dma_wait3A_832] : memref<65792xf32, #tpu.memory_space<vmem>> -> memref<11264xf32, #tpu.memory_space<vmem>>
    %dma_wait3A_834 = arith.constant 22528 : i32
    %dma_wait3A_835 = tpu.memref_slice %arg3[%add3A_291, %dma_wait3A_834] : memref<128x65536xf32, #tpu.memory_space<hbm>> -> memref<1x11264xf32, #tpu.memory_space<hbm>>
    %dma_wait3A_836 = tpu.memref_squeeze %dma_wait3A_835 : memref<1x11264xf32, #tpu.memory_space<hbm>> -> memref<11264xf32, #tpu.memory_space<hbm>>
    %dma_wait3A_837 = arith.constant 22528 : i32
    %dma_wait3A_838 = tpu.memref_slice %arg3[%add3A_291, %dma_wait3A_837] : memref<128x65536xf32, #tpu.memory_space<hbm>> -> memref<1x11264xf32, #tpu.memory_space<hbm>>
    %dma_wait3A_839 = tpu.memref_squeeze %dma_wait3A_838 : memref<1x11264xf32, #tpu.memory_space<hbm>> -> memref<11264xf32, #tpu.memory_space<hbm>>
    %dma_wait3A_840 = arith.constant 22528 : i32
    %dma_wait3A_841 = tpu.memref_slice %arg7[%dma_wait3A_840] : memref<65792xf32, #tpu.memory_space<vmem>> -> memref<11264xf32, #tpu.memory_space<vmem>>
    tpu.wait_dma2 semaphore(%arg11 : memref<!tpu.dma_semaphore, #tpu.memory_space<semaphore_mem>>) src(%dma_wait3A_841 : memref<11264xf32, #tpu.memory_space<vmem>>) dst(%dma_wait3A_839 : memref<11264xf32, #tpu.memory_space<hbm>>)
    %scan3A_842 = arith.constant 0 : i32
    %scan3A_843 = arith.constant 0 : i32
    %scan3A_844 = arith.constant 44 : i32
    %scan3A_845 = arith.addi %scan3A_843, %scan3A_844 : i32
    %scan3A_846 = arith.constant 1 : i32
    scf.for %scan3A_1456 = %scan3A_843 to %scan3A_845 step %scan3A_846  : i32 {
      %mul3A_1457 = arith.constant 256 : i32
      %mul3A_1458 = arith.muli %scan3A_1456, %mul3A_1457 : i32
      %add3A_1459 = arith.constant 22528 : i32
      %add3A_1460 = arith.addi %add3A_1459, %mul3A_1458 : i32
      %add3A_1461 = arith.constant 0 : i32
      %add3A_1462 = arith.addi %add3A_1460, %add3A_1461 : i32
      %swap3A_1463 = arith.index_cast %add3A_1462 : i32 to index
      %swap3A_1464 = tpu.vector_load %arg7[%swap3A_1463] {strides = array<i32>} : memref<65792xf32, #tpu.memory_space<vmem>>, vector<16xf32>,
      tpu.vector_store %arg7[%swap3A_1463], %broadcast_in_dim3A_3 {strides = array<i32>} : memref<65792xf32, #tpu.memory_space<vmem>>, vector<16xf32>,
      %add3A_1465 = arith.constant 16 : i32
      %add3A_1466 = arith.addi %add3A_1460, %add3A_1465 : i32
      %swap3A_1467 = arith.index_cast %add3A_1466 : i32 to index
      %swap3A_1468 = tpu.vector_load %arg7[%swap3A_1467] {strides = array<i32>} : memref<65792xf32, #tpu.memory_space<vmem>>, vector<16xf32>,
      tpu.vector_store %arg7[%swap3A_1467], %broadcast_in_dim3A_3 {strides = array<i32>} : memref<65792xf32, #tpu.memory_space<vmem>>, vector<16xf32>,
      %add3A_1469 = arith.constant 32 : i32
      %add3A_1470 = arith.addi %add3A_1460, %add3A_1469 : i32
      %swap3A_1471 = arith.index_cast %add3A_1470 : i32 to index
      %swap3A_1472 = tpu.vector_load %arg7[%swap3A_1471] {strides = array<i32>} : memref<65792xf32, #tpu.memory_space<vmem>>, vector<16xf32>,
      tpu.vector_store %arg7[%swap3A_1471], %broadcast_in_dim3A_3 {strides = array<i32>} : memref<65792xf32, #tpu.memory_space<vmem>>, vector<16xf32>,
      %add3A_1473 = arith.constant 48 : i32
      %add3A_1474 = arith.addi %add3A_1460, %add3A_1473 : i32
      %swap3A_1475 = arith.index_cast %add3A_1474 : i32 to index
      %swap3A_1476 = tpu.vector_load %arg7[%swap3A_1475] {strides = array<i32>} : memref<65792xf32, #tpu.memory_space<vmem>>, vector<16xf32>,
      tpu.vector_store %arg7[%swap3A_1475], %broadcast_in_dim3A_3 {strides = array<i32>} : memref<65792xf32, #tpu.memory_space<vmem>>, vector<16xf32>,
      %add3A_1477 = arith.constant 64 : i32
      %add3A_1478 = arith.addi %add3A_1460, %add3A_1477 : i32
      %swap3A_1479 = arith.index_cast %add3A_1478 : i32 to index
      %swap3A_1480 = tpu.vector_load %arg7[%swap3A_1479] {strides = array<i32>} : memref<65792xf32, #tpu.memory_space<vmem>>, vector<16xf32>,
      tpu.vector_store %arg7[%swap3A_1479], %broadcast_in_dim3A_3 {strides = array<i32>} : memref<65792xf32, #tpu.memory_space<vmem>>, vector<16xf32>,
      %add3A_1481 = arith.constant 80 : i32
      %add3A_1482 = arith.addi %add3A_1460, %add3A_1481 : i32
      %swap3A_1483 = arith.index_cast %add3A_1482 : i32 to index
      %swap3A_1484 = tpu.vector_load %arg7[%swap3A_1483] {strides = array<i32>} : memref<65792xf32, #tpu.memory_space<vmem>>, vector<16xf32>,
      tpu.vector_store %arg7[%swap3A_1483], %broadcast_in_dim3A_3 {strides = array<i32>} : memref<65792xf32, #tpu.memory_space<vmem>>, vector<16xf32>,
      %add3A_1485 = arith.constant 96 : i32
      %add3A_1486 = arith.addi %add3A_1460, %add3A_1485 : i32
      %swap3A_1487 = arith.index_cast %add3A_1486 : i32 to index
      %swap3A_1488 = tpu.vector_load %arg7[%swap3A_1487] {strides = array<i32>} : memref<65792xf32, #tpu.memory_space<vmem>>, vector<16xf32>,
      tpu.vector_store %arg7[%swap3A_1487], %broadcast_in_dim3A_3 {strides = array<i32>} : memref<65792xf32, #tpu.memory_space<vmem>>, vector<16xf32>,
      %add3A_1489 = arith.constant 112 : i32
      %add3A_1490 = arith.addi %add3A_1460, %add3A_1489 : i32
      %swap3A_1491 = arith.index_cast %add3A_1490 : i32 to index
      %swap3A_1492 = tpu.vector_load %arg7[%swap3A_1491] {strides = array<i32>} : memref<65792xf32, #tpu.memory_space<vmem>>, vector<16xf32>,
      tpu.vector_store %arg7[%swap3A_1491], %broadcast_in_dim3A_3 {strides = array<i32>} : memref<65792xf32, #tpu.memory_space<vmem>>, vector<16xf32>,
      %add3A_1493 = arith.constant 128 : i32
      %add3A_1494 = arith.addi %add3A_1460, %add3A_1493 : i32
      %swap3A_1495 = arith.index_cast %add3A_1494 : i32 to index
      %swap3A_1496 = tpu.vector_load %arg7[%swap3A_1495] {strides = array<i32>} : memref<65792xf32, #tpu.memory_space<vmem>>, vector<16xf32>,
      tpu.vector_store %arg7[%swap3A_1495], %broadcast_in_dim3A_3 {strides = array<i32>} : memref<65792xf32, #tpu.memory_space<vmem>>, vector<16xf32>,
      %add3A_1497 = arith.constant 144 : i32
      %add3A_1498 = arith.addi %add3A_1460, %add3A_1497 : i32
      %swap3A_1499 = arith.index_cast %add3A_1498 : i32 to index
      %swap3A_1500 = tpu.vector_load %arg7[%swap3A_1499] {strides = array<i32>} : memref<65792xf32, #tpu.memory_space<vmem>>, vector<16xf32>,
      tpu.vector_store %arg7[%swap3A_1499], %broadcast_in_dim3A_3 {strides = array<i32>} : memref<65792xf32, #tpu.memory_space<vmem>>, vector<16xf32>,
      %add3A_1501 = arith.constant 160 : i32
      %add3A_1502 = arith.addi %add3A_1460, %add3A_1501 : i32
      %swap3A_1503 = arith.index_cast %add3A_1502 : i32 to index
      %swap3A_1504 = tpu.vector_load %arg7[%swap3A_1503] {strides = array<i32>} : memref<65792xf32, #tpu.memory_space<vmem>>, vector<16xf32>,
      tpu.vector_store %arg7[%swap3A_1503], %broadcast_in_dim3A_3 {strides = array<i32>} : memref<65792xf32, #tpu.memory_space<vmem>>, vector<16xf32>,
      %add3A_1505 = arith.constant 176 : i32
      %add3A_1506 = arith.addi %add3A_1460, %add3A_1505 : i32
      %swap3A_1507 = arith.index_cast %add3A_1506 : i32 to index
      %swap3A_1508 = tpu.vector_load %arg7[%swap3A_1507] {strides = array<i32>} : memref<65792xf32, #tpu.memory_space<vmem>>, vector<16xf32>,
      tpu.vector_store %arg7[%swap3A_1507], %broadcast_in_dim3A_3 {strides = array<i32>} : memref<65792xf32, #tpu.memory_space<vmem>>, vector<16xf32>,
      %add3A_1509 = arith.constant 192 : i32
      %add3A_1510 = arith.addi %add3A_1460, %add3A_1509 : i32
      %swap3A_1511 = arith.index_cast %add3A_1510 : i32 to index
      %swap3A_1512 = tpu.vector_load %arg7[%swap3A_1511] {strides = array<i32>} : memref<65792xf32, #tpu.memory_space<vmem>>, vector<16xf32>,
      tpu.vector_store %arg7[%swap3A_1511], %broadcast_in_dim3A_3 {strides = array<i32>} : memref<65792xf32, #tpu.memory_space<vmem>>, vector<16xf32>,
      %add3A_1513 = arith.constant 208 : i32
      %add3A_1514 = arith.addi %add3A_1460, %add3A_1513 : i32
      %swap3A_1515 = arith.index_cast %add3A_1514 : i32 to index
      %swap3A_1516 = tpu.vector_load %arg7[%swap3A_1515] {strides = array<i32>} : memref<65792xf32, #tpu.memory_space<vmem>>, vector<16xf32>,
      tpu.vector_store %arg7[%swap3A_1515], %broadcast_in_dim3A_3 {strides = array<i32>} : memref<65792xf32, #tpu.memory_space<vmem>>, vector<16xf32>,
      %add3A_1517 = arith.constant 224 : i32
      %add3A_1518 = arith.addi %add3A_1460, %add3A_1517 : i32
      %swap3A_1519 = arith.index_cast %add3A_1518 : i32 to index
      %swap3A_1520 = tpu.vector_load %arg7[%swap3A_1519] {strides = array<i32>} : memref<65792xf32, #tpu.memory_space<vmem>>, vector<16xf32>,
      tpu.vector_store %arg7[%swap3A_1519], %broadcast_in_dim3A_3 {strides = array<i32>} : memref<65792xf32, #tpu.memory_space<vmem>>, vector<16xf32>,
      %add3A_1521 = arith.constant 240 : i32
      %add3A_1522 = arith.addi %add3A_1460, %add3A_1521 : i32
      %swap3A_1523 = arith.index_cast %add3A_1522 : i32 to index
      %swap3A_1524 = tpu.vector_load %arg7[%swap3A_1523] {strides = array<i32>} : memref<65792xf32, #tpu.memory_space<vmem>>, vector<16xf32>,
      tpu.vector_store %arg7[%swap3A_1523], %broadcast_in_dim3A_3 {strides = array<i32>} : memref<65792xf32, #tpu.memory_space<vmem>>, vector<16xf32>,
    }
    %scan3A_847 = arith.constant 44 : i32
    %dma_wait3A_848 = arith.constant 33792 : i32
    %dma_wait3A_849 = tpu.memref_slice %arg7[%dma_wait3A_848] : memref<65792xf32, #tpu.memory_space<vmem>> -> memref<11264xf32, #tpu.memory_space<vmem>>
    %dma_wait3A_850 = arith.constant 33792 : i32
    %dma_wait3A_851 = tpu.memref_slice %arg3[%add3A_291, %dma_wait3A_850] : memref<128x65536xf32, #tpu.memory_space<hbm>> -> memref<1x11264xf32, #tpu.memory_space<hbm>>
    %dma_wait3A_852 = tpu.memref_squeeze %dma_wait3A_851 : memref<1x11264xf32, #tpu.memory_space<hbm>> -> memref<11264xf32, #tpu.memory_space<hbm>>
    %dma_wait3A_853 = arith.constant 33792 : i32
    %dma_wait3A_854 = tpu.memref_slice %arg3[%add3A_291, %dma_wait3A_853] : memref<128x65536xf32, #tpu.memory_space<hbm>> -> memref<1x11264xf32, #tpu.memory_space<hbm>>
    %dma_wait3A_855 = tpu.memref_squeeze %dma_wait3A_854 : memref<1x11264xf32, #tpu.memory_space<hbm>> -> memref<11264xf32, #tpu.memory_space<hbm>>
    %dma_wait3A_856 = arith.constant 33792 : i32
    %dma_wait3A_857 = tpu.memref_slice %arg7[%dma_wait3A_856] : memref<65792xf32, #tpu.memory_space<vmem>> -> memref<11264xf32, #tpu.memory_space<vmem>>
    tpu.wait_dma2 semaphore(%arg12 : memref<!tpu.dma_semaphore, #tpu.memory_space<semaphore_mem>>) src(%dma_wait3A_857 : memref<11264xf32, #tpu.memory_space<vmem>>) dst(%dma_wait3A_855 : memref<11264xf32, #tpu.memory_space<hbm>>)
    %scan3A_858 = arith.constant 0 : i32
    %scan3A_859 = arith.constant 0 : i32
    %scan3A_860 = arith.constant 44 : i32
    %scan3A_861 = arith.addi %scan3A_859, %scan3A_860 : i32
    %scan3A_862 = arith.constant 1 : i32
    scf.for %scan3A_1456 = %scan3A_859 to %scan3A_861 step %scan3A_862  : i32 {
      %mul3A_1457 = arith.constant 256 : i32
      %mul3A_1458 = arith.muli %scan3A_1456, %mul3A_1457 : i32
      %add3A_1459 = arith.constant 33792 : i32
      %add3A_1460 = arith.addi %add3A_1459, %mul3A_1458 : i32
      %add3A_1461 = arith.constant 0 : i32
      %add3A_1462 = arith.addi %add3A_1460, %add3A_1461 : i32
      %swap3A_1463 = arith.index_cast %add3A_1462 : i32 to index
      %swap3A_1464 = tpu.vector_load %arg7[%swap3A_1463] {strides = array<i32>} : memref<65792xf32, #tpu.memory_space<vmem>>, vector<16xf32>,
      tpu.vector_store %arg7[%swap3A_1463], %broadcast_in_dim3A_3 {strides = array<i32>} : memref<65792xf32, #tpu.memory_space<vmem>>, vector<16xf32>,
      %add3A_1465 = arith.constant 16 : i32
      %add3A_1466 = arith.addi %add3A_1460, %add3A_1465 : i32
      %swap3A_1467 = arith.index_cast %add3A_1466 : i32 to index
      %swap3A_1468 = tpu.vector_load %arg7[%swap3A_1467] {strides = array<i32>} : memref<65792xf32, #tpu.memory_space<vmem>>, vector<16xf32>,
      tpu.vector_store %arg7[%swap3A_1467], %broadcast_in_dim3A_3 {strides = array<i32>} : memref<65792xf32, #tpu.memory_space<vmem>>, vector<16xf32>,
      %add3A_1469 = arith.constant 32 : i32
      %add3A_1470 = arith.addi %add3A_1460, %add3A_1469 : i32
      %swap3A_1471 = arith.index_cast %add3A_1470 : i32 to index
      %swap3A_1472 = tpu.vector_load %arg7[%swap3A_1471] {strides = array<i32>} : memref<65792xf32, #tpu.memory_space<vmem>>, vector<16xf32>,
      tpu.vector_store %arg7[%swap3A_1471], %broadcast_in_dim3A_3 {strides = array<i32>} : memref<65792xf32, #tpu.memory_space<vmem>>, vector<16xf32>,
      %add3A_1473 = arith.constant 48 : i32
      %add3A_1474 = arith.addi %add3A_1460, %add3A_1473 : i32
      %swap3A_1475 = arith.index_cast %add3A_1474 : i32 to index
      %swap3A_1476 = tpu.vector_load %arg7[%swap3A_1475] {strides = array<i32>} : memref<65792xf32, #tpu.memory_space<vmem>>, vector<16xf32>,
      tpu.vector_store %arg7[%swap3A_1475], %broadcast_in_dim3A_3 {strides = array<i32>} : memref<65792xf32, #tpu.memory_space<vmem>>, vector<16xf32>,
      %add3A_1477 = arith.constant 64 : i32
      %add3A_1478 = arith.addi %add3A_1460, %add3A_1477 : i32
      %swap3A_1479 = arith.index_cast %add3A_1478 : i32 to index
      %swap3A_1480 = tpu.vector_load %arg7[%swap3A_1479] {strides = array<i32>} : memref<65792xf32, #tpu.memory_space<vmem>>, vector<16xf32>,
      tpu.vector_store %arg7[%swap3A_1479], %broadcast_in_dim3A_3 {strides = array<i32>} : memref<65792xf32, #tpu.memory_space<vmem>>, vector<16xf32>,
      %add3A_1481 = arith.constant 80 : i32
      %add3A_1482 = arith.addi %add3A_1460, %add3A_1481 : i32
      %swap3A_1483 = arith.index_cast %add3A_1482 : i32 to index
      %swap3A_1484 = tpu.vector_load %arg7[%swap3A_1483] {strides = array<i32>} : memref<65792xf32, #tpu.memory_space<vmem>>, vector<16xf32>,
      tpu.vector_store %arg7[%swap3A_1483], %broadcast_in_dim3A_3 {strides = array<i32>} : memref<65792xf32, #tpu.memory_space<vmem>>, vector<16xf32>,
      %add3A_1485 = arith.constant 96 : i32
      %add3A_1486 = arith.addi %add3A_1460, %add3A_1485 : i32
      %swap3A_1487 = arith.index_cast %add3A_1486 : i32 to index
      %swap3A_1488 = tpu.vector_load %arg7[%swap3A_1487] {strides = array<i32>} : memref<65792xf32, #tpu.memory_space<vmem>>, vector<16xf32>,
      tpu.vector_store %arg7[%swap3A_1487], %broadcast_in_dim3A_3 {strides = array<i32>} : memref<65792xf32, #tpu.memory_space<vmem>>, vector<16xf32>,
      %add3A_1489 = arith.constant 112 : i32
      %add3A_1490 = arith.addi %add3A_1460, %add3A_1489 : i32
      %swap3A_1491 = arith.index_cast %add3A_1490 : i32 to index
      %swap3A_1492 = tpu.vector_load %arg7[%swap3A_1491] {strides = array<i32>} : memref<65792xf32, #tpu.memory_space<vmem>>, vector<16xf32>,
      tpu.vector_store %arg7[%swap3A_1491], %broadcast_in_dim3A_3 {strides = array<i32>} : memref<65792xf32, #tpu.memory_space<vmem>>, vector<16xf32>,
      %add3A_1493 = arith.constant 128 : i32
      %add3A_1494 = arith.addi %add3A_1460, %add3A_1493 : i32
      %swap3A_1495 = arith.index_cast %add3A_1494 : i32 to index
      %swap3A_1496 = tpu.vector_load %arg7[%swap3A_1495] {strides = array<i32>} : memref<65792xf32, #tpu.memory_space<vmem>>, vector<16xf32>,
      tpu.vector_store %arg7[%swap3A_1495], %broadcast_in_dim3A_3 {strides = array<i32>} : memref<65792xf32, #tpu.memory_space<vmem>>, vector<16xf32>,
      %add3A_1497 = arith.constant 144 : i32
      %add3A_1498 = arith.addi %add3A_1460, %add3A_1497 : i32
      %swap3A_1499 = arith.index_cast %add3A_1498 : i32 to index
      %swap3A_1500 = tpu.vector_load %arg7[%swap3A_1499] {strides = array<i32>} : memref<65792xf32, #tpu.memory_space<vmem>>, vector<16xf32>,
      tpu.vector_store %arg7[%swap3A_1499], %broadcast_in_dim3A_3 {strides = array<i32>} : memref<65792xf32, #tpu.memory_space<vmem>>, vector<16xf32>,
      %add3A_1501 = arith.constant 160 : i32
      %add3A_1502 = arith.addi %add3A_1460, %add3A_1501 : i32
      %swap3A_1503 = arith.index_cast %add3A_1502 : i32 to index
      %swap3A_1504 = tpu.vector_load %arg7[%swap3A_1503] {strides = array<i32>} : memref<65792xf32, #tpu.memory_space<vmem>>, vector<16xf32>,
      tpu.vector_store %arg7[%swap3A_1503], %broadcast_in_dim3A_3 {strides = array<i32>} : memref<65792xf32, #tpu.memory_space<vmem>>, vector<16xf32>,
      %add3A_1505 = arith.constant 176 : i32
      %add3A_1506 = arith.addi %add3A_1460, %add3A_1505 : i32
      %swap3A_1507 = arith.index_cast %add3A_1506 : i32 to index
      %swap3A_1508 = tpu.vector_load %arg7[%swap3A_1507] {strides = array<i32>} : memref<65792xf32, #tpu.memory_space<vmem>>, vector<16xf32>,
      tpu.vector_store %arg7[%swap3A_1507], %broadcast_in_dim3A_3 {strides = array<i32>} : memref<65792xf32, #tpu.memory_space<vmem>>, vector<16xf32>,
      %add3A_1509 = arith.constant 192 : i32
      %add3A_1510 = arith.addi %add3A_1460, %add3A_1509 : i32
      %swap3A_1511 = arith.index_cast %add3A_1510 : i32 to index
      %swap3A_1512 = tpu.vector_load %arg7[%swap3A_1511] {strides = array<i32>} : memref<65792xf32, #tpu.memory_space<vmem>>, vector<16xf32>,
      tpu.vector_store %arg7[%swap3A_1511], %broadcast_in_dim3A_3 {strides = array<i32>} : memref<65792xf32, #tpu.memory_space<vmem>>, vector<16xf32>,
      %add3A_1513 = arith.constant 208 : i32
      %add3A_1514 = arith.addi %add3A_1460, %add3A_1513 : i32
      %swap3A_1515 = arith.index_cast %add3A_1514 : i32 to index
      %swap3A_1516 = tpu.vector_load %arg7[%swap3A_1515] {strides = array<i32>} : memref<65792xf32, #tpu.memory_space<vmem>>, vector<16xf32>,
      tpu.vector_store %arg7[%swap3A_1515], %broadcast_in_dim3A_3 {strides = array<i32>} : memref<65792xf32, #tpu.memory_space<vmem>>, vector<16xf32>,
      %add3A_1517 = arith.constant 224 : i32
      %add3A_1518 = arith.addi %add3A_1460, %add3A_1517 : i32
      %swap3A_1519 = arith.index_cast %add3A_1518 : i32 to index
      %swap3A_1520 = tpu.vector_load %arg7[%swap3A_1519] {strides = array<i32>} : memref<65792xf32, #tpu.memory_space<vmem>>, vector<16xf32>,
      tpu.vector_store %arg7[%swap3A_1519], %broadcast_in_dim3A_3 {strides = array<i32>} : memref<65792xf32, #tpu.memory_space<vmem>>, vector<16xf32>,
      %add3A_1521 = arith.constant 240 : i32
      %add3A_1522 = arith.addi %add3A_1460, %add3A_1521 : i32
      %swap3A_1523 = arith.index_cast %add3A_1522 : i32 to index
      %swap3A_1524 = tpu.vector_load %arg7[%swap3A_1523] {strides = array<i32>} : memref<65792xf32, #tpu.memory_space<vmem>>, vector<16xf32>,
      tpu.vector_store %arg7[%swap3A_1523], %broadcast_in_dim3A_3 {strides = array<i32>} : memref<65792xf32, #tpu.memory_space<vmem>>, vector<16xf32>,
    }
    %scan3A_863 = arith.constant 44 : i32
    %dma_wait3A_864 = arith.constant 45056 : i32
    %dma_wait3A_865 = tpu.memref_slice %arg7[%dma_wait3A_864] : memref<65792xf32, #tpu.memory_space<vmem>> -> memref<7168xf32, #tpu.memory_space<vmem>>
    %dma_wait3A_866 = arith.constant 45056 : i32
    %dma_wait3A_867 = tpu.memref_slice %arg3[%add3A_291, %dma_wait3A_866] : memref<128x65536xf32, #tpu.memory_space<hbm>> -> memref<1x7168xf32, #tpu.memory_space<hbm>>
    %dma_wait3A_868 = tpu.memref_squeeze %dma_wait3A_867 : memref<1x7168xf32, #tpu.memory_space<hbm>> -> memref<7168xf32, #tpu.memory_space<hbm>>
    %dma_wait3A_869 = arith.constant 45056 : i32
    %dma_wait3A_870 = tpu.memref_slice %arg3[%add3A_291, %dma_wait3A_869] : memref<128x65536xf32, #tpu.memory_space<hbm>> -> memref<1x7168xf32, #tpu.memory_space<hbm>>
    %dma_wait3A_871 = tpu.memref_squeeze %dma_wait3A_870 : memref<1x7168xf32, #tpu.memory_space<hbm>> -> memref<7168xf32, #tpu.memory_space<hbm>>
    %dma_wait3A_872 = arith.constant 45056 : i32
    %dma_wait3A_873 = tpu.memref_slice %arg7[%dma_wait3A_872] : memref<65792xf32, #tpu.memory_space<vmem>> -> memref<7168xf32, #tpu.memory_space<vmem>>
    tpu.wait_dma2 semaphore(%arg13 : memref<!tpu.dma_semaphore, #tpu.memory_space<semaphore_mem>>) src(%dma_wait3A_873 : memref<7168xf32, #tpu.memory_space<vmem>>) dst(%dma_wait3A_871 : memref<7168xf32, #tpu.memory_space<hbm>>)
    %scan3A_874 = arith.constant 0 : i32
    %scan3A_875 = arith.constant 0 : i32
    %scan3A_876 = arith.constant 28 : i32
    %scan3A_877 = arith.addi %scan3A_875, %scan3A_876 : i32
    %scan3A_878 = arith.constant 1 : i32
    scf.for %scan3A_1456 = %scan3A_875 to %scan3A_877 step %scan3A_878  : i32 {
      %mul3A_1457 = arith.constant 256 : i32
      %mul3A_1458 = arith.muli %scan3A_1456, %mul3A_1457 : i32
      %add3A_1459 = arith.constant 45056 : i32
      %add3A_1460 = arith.addi %add3A_1459, %mul3A_1458 : i32
      %add3A_1461 = arith.constant 0 : i32
      %add3A_1462 = arith.addi %add3A_1460, %add3A_1461 : i32
      %swap3A_1463 = arith.index_cast %add3A_1462 : i32 to index
      %swap3A_1464 = tpu.vector_load %arg7[%swap3A_1463] {strides = array<i32>} : memref<65792xf32, #tpu.memory_space<vmem>>, vector<16xf32>,
      tpu.vector_store %arg7[%swap3A_1463], %broadcast_in_dim3A_3 {strides = array<i32>} : memref<65792xf32, #tpu.memory_space<vmem>>, vector<16xf32>,
      %add3A_1465 = arith.constant 16 : i32
      %add3A_1466 = arith.addi %add3A_1460, %add3A_1465 : i32
      %swap3A_1467 = arith.index_cast %add3A_1466 : i32 to index
      %swap3A_1468 = tpu.vector_load %arg7[%swap3A_1467] {strides = array<i32>} : memref<65792xf32, #tpu.memory_space<vmem>>, vector<16xf32>,
      tpu.vector_store %arg7[%swap3A_1467], %broadcast_in_dim3A_3 {strides = array<i32>} : memref<65792xf32, #tpu.memory_space<vmem>>, vector<16xf32>,
      %add3A_1469 = arith.constant 32 : i32
      %add3A_1470 = arith.addi %add3A_1460, %add3A_1469 : i32
      %swap3A_1471 = arith.index_cast %add3A_1470 : i32 to index
      %swap3A_1472 = tpu.vector_load %arg7[%swap3A_1471] {strides = array<i32>} : memref<65792xf32, #tpu.memory_space<vmem>>, vector<16xf32>,
      tpu.vector_store %arg7[%swap3A_1471], %broadcast_in_dim3A_3 {strides = array<i32>} : memref<65792xf32, #tpu.memory_space<vmem>>, vector<16xf32>,
      %add3A_1473 = arith.constant 48 : i32
      %add3A_1474 = arith.addi %add3A_1460, %add3A_1473 : i32
      %swap3A_1475 = arith.index_cast %add3A_1474 : i32 to index
      %swap3A_1476 = tpu.vector_load %arg7[%swap3A_1475] {strides = array<i32>} : memref<65792xf32, #tpu.memory_space<vmem>>, vector<16xf32>,
      tpu.vector_store %arg7[%swap3A_1475], %broadcast_in_dim3A_3 {strides = array<i32>} : memref<65792xf32, #tpu.memory_space<vmem>>, vector<16xf32>,
      %add3A_1477 = arith.constant 64 : i32
      %add3A_1478 = arith.addi %add3A_1460, %add3A_1477 : i32
      %swap3A_1479 = arith.index_cast %add3A_1478 : i32 to index
      %swap3A_1480 = tpu.vector_load %arg7[%swap3A_1479] {strides = array<i32>} : memref<65792xf32, #tpu.memory_space<vmem>>, vector<16xf32>,
      tpu.vector_store %arg7[%swap3A_1479], %broadcast_in_dim3A_3 {strides = array<i32>} : memref<65792xf32, #tpu.memory_space<vmem>>, vector<16xf32>,
      %add3A_1481 = arith.constant 80 : i32
      %add3A_1482 = arith.addi %add3A_1460, %add3A_1481 : i32
      %swap3A_1483 = arith.index_cast %add3A_1482 : i32 to index
      %swap3A_1484 = tpu.vector_load %arg7[%swap3A_1483] {strides = array<i32>} : memref<65792xf32, #tpu.memory_space<vmem>>, vector<16xf32>,
      tpu.vector_store %arg7[%swap3A_1483], %broadcast_in_dim3A_3 {strides = array<i32>} : memref<65792xf32, #tpu.memory_space<vmem>>, vector<16xf32>,
      %add3A_1485 = arith.constant 96 : i32
      %add3A_1486 = arith.addi %add3A_1460, %add3A_1485 : i32
      %swap3A_1487 = arith.index_cast %add3A_1486 : i32 to index
      %swap3A_1488 = tpu.vector_load %arg7[%swap3A_1487] {strides = array<i32>} : memref<65792xf32, #tpu.memory_space<vmem>>, vector<16xf32>,
      tpu.vector_store %arg7[%swap3A_1487], %broadcast_in_dim3A_3 {strides = array<i32>} : memref<65792xf32, #tpu.memory_space<vmem>>, vector<16xf32>,
      %add3A_1489 = arith.constant 112 : i32
      %add3A_1490 = arith.addi %add3A_1460, %add3A_1489 : i32
      %swap3A_1491 = arith.index_cast %add3A_1490 : i32 to index
      %swap3A_1492 = tpu.vector_load %arg7[%swap3A_1491] {strides = array<i32>} : memref<65792xf32, #tpu.memory_space<vmem>>, vector<16xf32>,
      tpu.vector_store %arg7[%swap3A_1491], %broadcast_in_dim3A_3 {strides = array<i32>} : memref<65792xf32, #tpu.memory_space<vmem>>, vector<16xf32>,
      %add3A_1493 = arith.constant 128 : i32
      %add3A_1494 = arith.addi %add3A_1460, %add3A_1493 : i32
      %swap3A_1495 = arith.index_cast %add3A_1494 : i32 to index
      %swap3A_1496 = tpu.vector_load %arg7[%swap3A_1495] {strides = array<i32>} : memref<65792xf32, #tpu.memory_space<vmem>>, vector<16xf32>,
      tpu.vector_store %arg7[%swap3A_1495], %broadcast_in_dim3A_3 {strides = array<i32>} : memref<65792xf32, #tpu.memory_space<vmem>>, vector<16xf32>,
      %add3A_1497 = arith.constant 144 : i32
      %add3A_1498 = arith.addi %add3A_1460, %add3A_1497 : i32
      %swap3A_1499 = arith.index_cast %add3A_1498 : i32 to index
      %swap3A_1500 = tpu.vector_load %arg7[%swap3A_1499] {strides = array<i32>} : memref<65792xf32, #tpu.memory_space<vmem>>, vector<16xf32>,
      tpu.vector_store %arg7[%swap3A_1499], %broadcast_in_dim3A_3 {strides = array<i32>} : memref<65792xf32, #tpu.memory_space<vmem>>, vector<16xf32>,
      %add3A_1501 = arith.constant 160 : i32
      %add3A_1502 = arith.addi %add3A_1460, %add3A_1501 : i32
      %swap3A_1503 = arith.index_cast %add3A_1502 : i32 to index
      %swap3A_1504 = tpu.vector_load %arg7[%swap3A_1503] {strides = array<i32>} : memref<65792xf32, #tpu.memory_space<vmem>>, vector<16xf32>,
      tpu.vector_store %arg7[%swap3A_1503], %broadcast_in_dim3A_3 {strides = array<i32>} : memref<65792xf32, #tpu.memory_space<vmem>>, vector<16xf32>,
      %add3A_1505 = arith.constant 176 : i32
      %add3A_1506 = arith.addi %add3A_1460, %add3A_1505 : i32
      %swap3A_1507 = arith.index_cast %add3A_1506 : i32 to index
      %swap3A_1508 = tpu.vector_load %arg7[%swap3A_1507] {strides = array<i32>} : memref<65792xf32, #tpu.memory_space<vmem>>, vector<16xf32>,
      tpu.vector_store %arg7[%swap3A_1507], %broadcast_in_dim3A_3 {strides = array<i32>} : memref<65792xf32, #tpu.memory_space<vmem>>, vector<16xf32>,
      %add3A_1509 = arith.constant 192 : i32
      %add3A_1510 = arith.addi %add3A_1460, %add3A_1509 : i32
      %swap3A_1511 = arith.index_cast %add3A_1510 : i32 to index
      %swap3A_1512 = tpu.vector_load %arg7[%swap3A_1511] {strides = array<i32>} : memref<65792xf32, #tpu.memory_space<vmem>>, vector<16xf32>,
      tpu.vector_store %arg7[%swap3A_1511], %broadcast_in_dim3A_3 {strides = array<i32>} : memref<65792xf32, #tpu.memory_space<vmem>>, vector<16xf32>,
      %add3A_1513 = arith.constant 208 : i32
      %add3A_1514 = arith.addi %add3A_1460, %add3A_1513 : i32
      %swap3A_1515 = arith.index_cast %add3A_1514 : i32 to index
      %swap3A_1516 = tpu.vector_load %arg7[%swap3A_1515] {strides = array<i32>} : memref<65792xf32, #tpu.memory_space<vmem>>, vector<16xf32>,
      tpu.vector_store %arg7[%swap3A_1515], %broadcast_in_dim3A_3 {strides = array<i32>} : memref<65792xf32, #tpu.memory_space<vmem>>, vector<16xf32>,
      %add3A_1517 = arith.constant 224 : i32
      %add3A_1518 = arith.addi %add3A_1460, %add3A_1517 : i32
      %swap3A_1519 = arith.index_cast %add3A_1518 : i32 to index
      %swap3A_1520 = tpu.vector_load %arg7[%swap3A_1519] {strides = array<i32>} : memref<65792xf32, #tpu.memory_space<vmem>>, vector<16xf32>,
      tpu.vector_store %arg7[%swap3A_1519], %broadcast_in_dim3A_3 {strides = array<i32>} : memref<65792xf32, #tpu.memory_space<vmem>>, vector<16xf32>,
      %add3A_1521 = arith.constant 240 : i32
      %add3A_1522 = arith.addi %add3A_1460, %add3A_1521 : i32
      %swap3A_1523 = arith.index_cast %add3A_1522 : i32 to index
      %swap3A_1524 = tpu.vector_load %arg7[%swap3A_1523] {strides = array<i32>} : memref<65792xf32, #tpu.memory_space<vmem>>, vector<16xf32>,
      tpu.vector_store %arg7[%swap3A_1523], %broadcast_in_dim3A_3 {strides = array<i32>} : memref<65792xf32, #tpu.memory_space<vmem>>, vector<16xf32>,
    }
    %scan3A_879 = arith.constant 28 : i32
    %dma_wait3A_880 = arith.constant 52224 : i32
    %dma_wait3A_881 = tpu.memref_slice %arg7[%dma_wait3A_880] : memref<65792xf32, #tpu.memory_space<vmem>> -> memref<7168xf32, #tpu.memory_space<vmem>>
    %dma_wait3A_882 = arith.constant 52224 : i32
    %dma_wait3A_883 = tpu.memref_slice %arg3[%add3A_291, %dma_wait3A_882] : memref<128x65536xf32, #tpu.memory_space<hbm>> -> memref<1x7168xf32, #tpu.memory_space<hbm>>
    %dma_wait3A_884 = tpu.memref_squeeze %dma_wait3A_883 : memref<1x7168xf32, #tpu.memory_space<hbm>> -> memref<7168xf32, #tpu.memory_space<hbm>>
    %dma_wait3A_885 = arith.constant 52224 : i32
    %dma_wait3A_886 = tpu.memref_slice %arg3[%add3A_291, %dma_wait3A_885] : memref<128x65536xf32, #tpu.memory_space<hbm>> -> memref<1x7168xf32, #tpu.memory_space<hbm>>
    %dma_wait3A_887 = tpu.memref_squeeze %dma_wait3A_886 : memref<1x7168xf32, #tpu.memory_space<hbm>> -> memref<7168xf32, #tpu.memory_space<hbm>>
    %dma_wait3A_888 = arith.constant 52224 : i32
    %dma_wait3A_889 = tpu.memref_slice %arg7[%dma_wait3A_888] : memref<65792xf32, #tpu.memory_space<vmem>> -> memref<7168xf32, #tpu.memory_space<vmem>>
    tpu.wait_dma2 semaphore(%arg14 : memref<!tpu.dma_semaphore, #tpu.memory_space<semaphore_mem>>) src(%dma_wait3A_889 : memref<7168xf32, #tpu.memory_space<vmem>>) dst(%dma_wait3A_887 : memref<7168xf32, #tpu.memory_space<hbm>>)
    %scan3A_890 = arith.constant 0 : i32
    %scan3A_891 = arith.constant 0 : i32
    %scan3A_892 = arith.constant 28 : i32
    %scan3A_893 = arith.addi %scan3A_891, %scan3A_892 : i32
    %scan3A_894 = arith.constant 1 : i32
    scf.for %scan3A_1456 = %scan3A_891 to %scan3A_893 step %scan3A_894  : i32 {
      %mul3A_1457 = arith.constant 256 : i32
      %mul3A_1458 = arith.muli %scan3A_1456, %mul3A_1457 : i32
      %add3A_1459 = arith.constant 52224 : i32
      %add3A_1460 = arith.addi %add3A_1459, %mul3A_1458 : i32
      %add3A_1461 = arith.constant 0 : i32
      %add3A_1462 = arith.addi %add3A_1460, %add3A_1461 : i32
      %swap3A_1463 = arith.index_cast %add3A_1462 : i32 to index
      %swap3A_1464 = tpu.vector_load %arg7[%swap3A_1463] {strides = array<i32>} : memref<65792xf32, #tpu.memory_space<vmem>>, vector<16xf32>,
      tpu.vector_store %arg7[%swap3A_1463], %broadcast_in_dim3A_3 {strides = array<i32>} : memref<65792xf32, #tpu.memory_space<vmem>>, vector<16xf32>,
      %add3A_1465 = arith.constant 16 : i32
      %add3A_1466 = arith.addi %add3A_1460, %add3A_1465 : i32
      %swap3A_1467 = arith.index_cast %add3A_1466 : i32 to index
      %swap3A_1468 = tpu.vector_load %arg7[%swap3A_1467] {strides = array<i32>} : memref<65792xf32, #tpu.memory_space<vmem>>, vector<16xf32>,
      tpu.vector_store %arg7[%swap3A_1467], %broadcast_in_dim3A_3 {strides = array<i32>} : memref<65792xf32, #tpu.memory_space<vmem>>, vector<16xf32>,
      %add3A_1469 = arith.constant 32 : i32
      %add3A_1470 = arith.addi %add3A_1460, %add3A_1469 : i32
      %swap3A_1471 = arith.index_cast %add3A_1470 : i32 to index
      %swap3A_1472 = tpu.vector_load %arg7[%swap3A_1471] {strides = array<i32>} : memref<65792xf32, #tpu.memory_space<vmem>>, vector<16xf32>,
      tpu.vector_store %arg7[%swap3A_1471], %broadcast_in_dim3A_3 {strides = array<i32>} : memref<65792xf32, #tpu.memory_space<vmem>>, vector<16xf32>,
      %add3A_1473 = arith.constant 48 : i32
      %add3A_1474 = arith.addi %add3A_1460, %add3A_1473 : i32
      %swap3A_1475 = arith.index_cast %add3A_1474 : i32 to index
      %swap3A_1476 = tpu.vector_load %arg7[%swap3A_1475] {strides = array<i32>} : memref<65792xf32, #tpu.memory_space<vmem>>, vector<16xf32>,
      tpu.vector_store %arg7[%swap3A_1475], %broadcast_in_dim3A_3 {strides = array<i32>} : memref<65792xf32, #tpu.memory_space<vmem>>, vector<16xf32>,
      %add3A_1477 = arith.constant 64 : i32
      %add3A_1478 = arith.addi %add3A_1460, %add3A_1477 : i32
      %swap3A_1479 = arith.index_cast %add3A_1478 : i32 to index
      %swap3A_1480 = tpu.vector_load %arg7[%swap3A_1479] {strides = array<i32>} : memref<65792xf32, #tpu.memory_space<vmem>>, vector<16xf32>,
      tpu.vector_store %arg7[%swap3A_1479], %broadcast_in_dim3A_3 {strides = array<i32>} : memref<65792xf32, #tpu.memory_space<vmem>>, vector<16xf32>,
      %add3A_1481 = arith.constant 80 : i32
      %add3A_1482 = arith.addi %add3A_1460, %add3A_1481 : i32
      %swap3A_1483 = arith.index_cast %add3A_1482 : i32 to index
      %swap3A_1484 = tpu.vector_load %arg7[%swap3A_1483] {strides = array<i32>} : memref<65792xf32, #tpu.memory_space<vmem>>, vector<16xf32>,
      tpu.vector_store %arg7[%swap3A_1483], %broadcast_in_dim3A_3 {strides = array<i32>} : memref<65792xf32, #tpu.memory_space<vmem>>, vector<16xf32>,
      %add3A_1485 = arith.constant 96 : i32
      %add3A_1486 = arith.addi %add3A_1460, %add3A_1485 : i32
      %swap3A_1487 = arith.index_cast %add3A_1486 : i32 to index
      %swap3A_1488 = tpu.vector_load %arg7[%swap3A_1487] {strides = array<i32>} : memref<65792xf32, #tpu.memory_space<vmem>>, vector<16xf32>,
      tpu.vector_store %arg7[%swap3A_1487], %broadcast_in_dim3A_3 {strides = array<i32>} : memref<65792xf32, #tpu.memory_space<vmem>>, vector<16xf32>,
      %add3A_1489 = arith.constant 112 : i32
      %add3A_1490 = arith.addi %add3A_1460, %add3A_1489 : i32
      %swap3A_1491 = arith.index_cast %add3A_1490 : i32 to index
      %swap3A_1492 = tpu.vector_load %arg7[%swap3A_1491] {strides = array<i32>} : memref<65792xf32, #tpu.memory_space<vmem>>, vector<16xf32>,
      tpu.vector_store %arg7[%swap3A_1491], %broadcast_in_dim3A_3 {strides = array<i32>} : memref<65792xf32, #tpu.memory_space<vmem>>, vector<16xf32>,
      %add3A_1493 = arith.constant 128 : i32
      %add3A_1494 = arith.addi %add3A_1460, %add3A_1493 : i32
      %swap3A_1495 = arith.index_cast %add3A_1494 : i32 to index
      %swap3A_1496 = tpu.vector_load %arg7[%swap3A_1495] {strides = array<i32>} : memref<65792xf32, #tpu.memory_space<vmem>>, vector<16xf32>,
      tpu.vector_store %arg7[%swap3A_1495], %broadcast_in_dim3A_3 {strides = array<i32>} : memref<65792xf32, #tpu.memory_space<vmem>>, vector<16xf32>,
      %add3A_1497 = arith.constant 144 : i32
      %add3A_1498 = arith.addi %add3A_1460, %add3A_1497 : i32
      %swap3A_1499 = arith.index_cast %add3A_1498 : i32 to index
      %swap3A_1500 = tpu.vector_load %arg7[%swap3A_1499] {strides = array<i32>} : memref<65792xf32, #tpu.memory_space<vmem>>, vector<16xf32>,
      tpu.vector_store %arg7[%swap3A_1499], %broadcast_in_dim3A_3 {strides = array<i32>} : memref<65792xf32, #tpu.memory_space<vmem>>, vector<16xf32>,
      %add3A_1501 = arith.constant 160 : i32
      %add3A_1502 = arith.addi %add3A_1460, %add3A_1501 : i32
      %swap3A_1503 = arith.index_cast %add3A_1502 : i32 to index
      %swap3A_1504 = tpu.vector_load %arg7[%swap3A_1503] {strides = array<i32>} : memref<65792xf32, #tpu.memory_space<vmem>>, vector<16xf32>,
      tpu.vector_store %arg7[%swap3A_1503], %broadcast_in_dim3A_3 {strides = array<i32>} : memref<65792xf32, #tpu.memory_space<vmem>>, vector<16xf32>,
      %add3A_1505 = arith.constant 176 : i32
      %add3A_1506 = arith.addi %add3A_1460, %add3A_1505 : i32
      %swap3A_1507 = arith.index_cast %add3A_1506 : i32 to index
      %swap3A_1508 = tpu.vector_load %arg7[%swap3A_1507] {strides = array<i32>} : memref<65792xf32, #tpu.memory_space<vmem>>, vector<16xf32>,
      tpu.vector_store %arg7[%swap3A_1507], %broadcast_in_dim3A_3 {strides = array<i32>} : memref<65792xf32, #tpu.memory_space<vmem>>, vector<16xf32>,
      %add3A_1509 = arith.constant 192 : i32
      %add3A_1510 = arith.addi %add3A_1460, %add3A_1509 : i32
      %swap3A_1511 = arith.index_cast %add3A_1510 : i32 to index
      %swap3A_1512 = tpu.vector_load %arg7[%swap3A_1511] {strides = array<i32>} : memref<65792xf32, #tpu.memory_space<vmem>>, vector<16xf32>,
      tpu.vector_store %arg7[%swap3A_1511], %broadcast_in_dim3A_3 {strides = array<i32>} : memref<65792xf32, #tpu.memory_space<vmem>>, vector<16xf32>,
      %add3A_1513 = arith.constant 208 : i32
      %add3A_1514 = arith.addi %add3A_1460, %add3A_1513 : i32
      %swap3A_1515 = arith.index_cast %add3A_1514 : i32 to index
      %swap3A_1516 = tpu.vector_load %arg7[%swap3A_1515] {strides = array<i32>} : memref<65792xf32, #tpu.memory_space<vmem>>, vector<16xf32>,
      tpu.vector_store %arg7[%swap3A_1515], %broadcast_in_dim3A_3 {strides = array<i32>} : memref<65792xf32, #tpu.memory_space<vmem>>, vector<16xf32>,
      %add3A_1517 = arith.constant 224 : i32
      %add3A_1518 = arith.addi %add3A_1460, %add3A_1517 : i32
      %swap3A_1519 = arith.index_cast %add3A_1518 : i32 to index
      %swap3A_1520 = tpu.vector_load %arg7[%swap3A_1519] {strides = array<i32>} : memref<65792xf32, #tpu.memory_space<vmem>>, vector<16xf32>,
      tpu.vector_store %arg7[%swap3A_1519], %broadcast_in_dim3A_3 {strides = array<i32>} : memref<65792xf32, #tpu.memory_space<vmem>>, vector<16xf32>,
      %add3A_1521 = arith.constant 240 : i32
      %add3A_1522 = arith.addi %add3A_1460, %add3A_1521 : i32
      %swap3A_1523 = arith.index_cast %add3A_1522 : i32 to index
      %swap3A_1524 = tpu.vector_load %arg7[%swap3A_1523] {strides = array<i32>} : memref<65792xf32, #tpu.memory_space<vmem>>, vector<16xf32>,
      tpu.vector_store %arg7[%swap3A_1523], %broadcast_in_dim3A_3 {strides = array<i32>} : memref<65792xf32, #tpu.memory_space<vmem>>, vector<16xf32>,
    }
    %scan3A_895 = arith.constant 28 : i32
    %dma_wait3A_896 = arith.constant 59392 : i32
    %dma_wait3A_897 = tpu.memref_slice %arg7[%dma_wait3A_896] : memref<65792xf32, #tpu.memory_space<vmem>> -> memref<4096xf32, #tpu.memory_space<vmem>>
    %dma_wait3A_898 = arith.constant 59392 : i32
    %dma_wait3A_899 = tpu.memref_slice %arg3[%add3A_291, %dma_wait3A_898] : memref<128x65536xf32, #tpu.memory_space<hbm>> -> memref<1x4096xf32, #tpu.memory_space<hbm>>
    %dma_wait3A_900 = tpu.memref_squeeze %dma_wait3A_899 : memref<1x4096xf32, #tpu.memory_space<hbm>> -> memref<4096xf32, #tpu.memory_space<hbm>>
    %dma_wait3A_901 = arith.constant 59392 : i32
    %dma_wait3A_902 = tpu.memref_slice %arg3[%add3A_291, %dma_wait3A_901] : memref<128x65536xf32, #tpu.memory_space<hbm>> -> memref<1x4096xf32, #tpu.memory_space<hbm>>
    %dma_wait3A_903 = tpu.memref_squeeze %dma_wait3A_902 : memref<1x4096xf32, #tpu.memory_space<hbm>> -> memref<4096xf32, #tpu.memory_space<hbm>>
    %dma_wait3A_904 = arith.constant 59392 : i32
    %dma_wait3A_905 = tpu.memref_slice %arg7[%dma_wait3A_904] : memref<65792xf32, #tpu.memory_space<vmem>> -> memref<4096xf32, #tpu.memory_space<vmem>>
    tpu.wait_dma2 semaphore(%arg15 : memref<!tpu.dma_semaphore, #tpu.memory_space<semaphore_mem>>) src(%dma_wait3A_905 : memref<4096xf32, #tpu.memory_space<vmem>>) dst(%dma_wait3A_903 : memref<4096xf32, #tpu.memory_space<hbm>>)
    %scan3A_906 = arith.constant 0 : i32
    %scan3A_907 = arith.constant 0 : i32
    %scan3A_908 = arith.constant 16 : i32
    %scan3A_909 = arith.addi %scan3A_907, %scan3A_908 : i32
    %scan3A_910 = arith.constant 1 : i32
    scf.for %scan3A_1456 = %scan3A_907 to %scan3A_909 step %scan3A_910  : i32 {
      %mul3A_1457 = arith.constant 256 : i32
      %mul3A_1458 = arith.muli %scan3A_1456, %mul3A_1457 : i32
      %add3A_1459 = arith.constant 59392 : i32
      %add3A_1460 = arith.addi %add3A_1459, %mul3A_1458 : i32
      %add3A_1461 = arith.constant 0 : i32
      %add3A_1462 = arith.addi %add3A_1460, %add3A_1461 : i32
      %swap3A_1463 = arith.index_cast %add3A_1462 : i32 to index
      %swap3A_1464 = tpu.vector_load %arg7[%swap3A_1463] {strides = array<i32>} : memref<65792xf32, #tpu.memory_space<vmem>>, vector<16xf32>,
      tpu.vector_store %arg7[%swap3A_1463], %broadcast_in_dim3A_3 {strides = array<i32>} : memref<65792xf32, #tpu.memory_space<vmem>>, vector<16xf32>,
      %add3A_1465 = arith.constant 16 : i32
      %add3A_1466 = arith.addi %add3A_1460, %add3A_1465 : i32
      %swap3A_1467 = arith.index_cast %add3A_1466 : i32 to index
      %swap3A_1468 = tpu.vector_load %arg7[%swap3A_1467] {strides = array<i32>} : memref<65792xf32, #tpu.memory_space<vmem>>, vector<16xf32>,
      tpu.vector_store %arg7[%swap3A_1467], %broadcast_in_dim3A_3 {strides = array<i32>} : memref<65792xf32, #tpu.memory_space<vmem>>, vector<16xf32>,
      %add3A_1469 = arith.constant 32 : i32
      %add3A_1470 = arith.addi %add3A_1460, %add3A_1469 : i32
      %swap3A_1471 = arith.index_cast %add3A_1470 : i32 to index
      %swap3A_1472 = tpu.vector_load %arg7[%swap3A_1471] {strides = array<i32>} : memref<65792xf32, #tpu.memory_space<vmem>>, vector<16xf32>,
      tpu.vector_store %arg7[%swap3A_1471], %broadcast_in_dim3A_3 {strides = array<i32>} : memref<65792xf32, #tpu.memory_space<vmem>>, vector<16xf32>,
      %add3A_1473 = arith.constant 48 : i32
      %add3A_1474 = arith.addi %add3A_1460, %add3A_1473 : i32
      %swap3A_1475 = arith.index_cast %add3A_1474 : i32 to index
      %swap3A_1476 = tpu.vector_load %arg7[%swap3A_1475] {strides = array<i32>} : memref<65792xf32, #tpu.memory_space<vmem>>, vector<16xf32>,
      tpu.vector_store %arg7[%swap3A_1475], %broadcast_in_dim3A_3 {strides = array<i32>} : memref<65792xf32, #tpu.memory_space<vmem>>, vector<16xf32>,
      %add3A_1477 = arith.constant 64 : i32
      %add3A_1478 = arith.addi %add3A_1460, %add3A_1477 : i32
      %swap3A_1479 = arith.index_cast %add3A_1478 : i32 to index
      %swap3A_1480 = tpu.vector_load %arg7[%swap3A_1479] {strides = array<i32>} : memref<65792xf32, #tpu.memory_space<vmem>>, vector<16xf32>,
      tpu.vector_store %arg7[%swap3A_1479], %broadcast_in_dim3A_3 {strides = array<i32>} : memref<65792xf32, #tpu.memory_space<vmem>>, vector<16xf32>,
      %add3A_1481 = arith.constant 80 : i32
      %add3A_1482 = arith.addi %add3A_1460, %add3A_1481 : i32
      %swap3A_1483 = arith.index_cast %add3A_1482 : i32 to index
      %swap3A_1484 = tpu.vector_load %arg7[%swap3A_1483] {strides = array<i32>} : memref<65792xf32, #tpu.memory_space<vmem>>, vector<16xf32>,
      tpu.vector_store %arg7[%swap3A_1483], %broadcast_in_dim3A_3 {strides = array<i32>} : memref<65792xf32, #tpu.memory_space<vmem>>, vector<16xf32>,
      %add3A_1485 = arith.constant 96 : i32
      %add3A_1486 = arith.addi %add3A_1460, %add3A_1485 : i32
      %swap3A_1487 = arith.index_cast %add3A_1486 : i32 to index
      %swap3A_1488 = tpu.vector_load %arg7[%swap3A_1487] {strides = array<i32>} : memref<65792xf32, #tpu.memory_space<vmem>>, vector<16xf32>,
      tpu.vector_store %arg7[%swap3A_1487], %broadcast_in_dim3A_3 {strides = array<i32>} : memref<65792xf32, #tpu.memory_space<vmem>>, vector<16xf32>,
      %add3A_1489 = arith.constant 112 : i32
      %add3A_1490 = arith.addi %add3A_1460, %add3A_1489 : i32
      %swap3A_1491 = arith.index_cast %add3A_1490 : i32 to index
      %swap3A_1492 = tpu.vector_load %arg7[%swap3A_1491] {strides = array<i32>} : memref<65792xf32, #tpu.memory_space<vmem>>, vector<16xf32>,
      tpu.vector_store %arg7[%swap3A_1491], %broadcast_in_dim3A_3 {strides = array<i32>} : memref<65792xf32, #tpu.memory_space<vmem>>, vector<16xf32>,
      %add3A_1493 = arith.constant 128 : i32
      %add3A_1494 = arith.addi %add3A_1460, %add3A_1493 : i32
      %swap3A_1495 = arith.index_cast %add3A_1494 : i32 to index
      %swap3A_1496 = tpu.vector_load %arg7[%swap3A_1495] {strides = array<i32>} : memref<65792xf32, #tpu.memory_space<vmem>>, vector<16xf32>,
      tpu.vector_store %arg7[%swap3A_1495], %broadcast_in_dim3A_3 {strides = array<i32>} : memref<65792xf32, #tpu.memory_space<vmem>>, vector<16xf32>,
      %add3A_1497 = arith.constant 144 : i32
      %add3A_1498 = arith.addi %add3A_1460, %add3A_1497 : i32
      %swap3A_1499 = arith.index_cast %add3A_1498 : i32 to index
      %swap3A_1500 = tpu.vector_load %arg7[%swap3A_1499] {strides = array<i32>} : memref<65792xf32, #tpu.memory_space<vmem>>, vector<16xf32>,
      tpu.vector_store %arg7[%swap3A_1499], %broadcast_in_dim3A_3 {strides = array<i32>} : memref<65792xf32, #tpu.memory_space<vmem>>, vector<16xf32>,
      %add3A_1501 = arith.constant 160 : i32
      %add3A_1502 = arith.addi %add3A_1460, %add3A_1501 : i32
      %swap3A_1503 = arith.index_cast %add3A_1502 : i32 to index
      %swap3A_1504 = tpu.vector_load %arg7[%swap3A_1503] {strides = array<i32>} : memref<65792xf32, #tpu.memory_space<vmem>>, vector<16xf32>,
      tpu.vector_store %arg7[%swap3A_1503], %broadcast_in_dim3A_3 {strides = array<i32>} : memref<65792xf32, #tpu.memory_space<vmem>>, vector<16xf32>,
      %add3A_1505 = arith.constant 176 : i32
      %add3A_1506 = arith.addi %add3A_1460, %add3A_1505 : i32
      %swap3A_1507 = arith.index_cast %add3A_1506 : i32 to index
      %swap3A_1508 = tpu.vector_load %arg7[%swap3A_1507] {strides = array<i32>} : memref<65792xf32, #tpu.memory_space<vmem>>, vector<16xf32>,
      tpu.vector_store %arg7[%swap3A_1507], %broadcast_in_dim3A_3 {strides = array<i32>} : memref<65792xf32, #tpu.memory_space<vmem>>, vector<16xf32>,
      %add3A_1509 = arith.constant 192 : i32
      %add3A_1510 = arith.addi %add3A_1460, %add3A_1509 : i32
      %swap3A_1511 = arith.index_cast %add3A_1510 : i32 to index
      %swap3A_1512 = tpu.vector_load %arg7[%swap3A_1511] {strides = array<i32>} : memref<65792xf32, #tpu.memory_space<vmem>>, vector<16xf32>,
      tpu.vector_store %arg7[%swap3A_1511], %broadcast_in_dim3A_3 {strides = array<i32>} : memref<65792xf32, #tpu.memory_space<vmem>>, vector<16xf32>,
      %add3A_1513 = arith.constant 208 : i32
      %add3A_1514 = arith.addi %add3A_1460, %add3A_1513 : i32
      %swap3A_1515 = arith.index_cast %add3A_1514 : i32 to index
      %swap3A_1516 = tpu.vector_load %arg7[%swap3A_1515] {strides = array<i32>} : memref<65792xf32, #tpu.memory_space<vmem>>, vector<16xf32>,
      tpu.vector_store %arg7[%swap3A_1515], %broadcast_in_dim3A_3 {strides = array<i32>} : memref<65792xf32, #tpu.memory_space<vmem>>, vector<16xf32>,
      %add3A_1517 = arith.constant 224 : i32
      %add3A_1518 = arith.addi %add3A_1460, %add3A_1517 : i32
      %swap3A_1519 = arith.index_cast %add3A_1518 : i32 to index
      %swap3A_1520 = tpu.vector_load %arg7[%swap3A_1519] {strides = array<i32>} : memref<65792xf32, #tpu.memory_space<vmem>>, vector<16xf32>,
      tpu.vector_store %arg7[%swap3A_1519], %broadcast_in_dim3A_3 {strides = array<i32>} : memref<65792xf32, #tpu.memory_space<vmem>>, vector<16xf32>,
      %add3A_1521 = arith.constant 240 : i32
      %add3A_1522 = arith.addi %add3A_1460, %add3A_1521 : i32
      %swap3A_1523 = arith.index_cast %add3A_1522 : i32 to index
      %swap3A_1524 = tpu.vector_load %arg7[%swap3A_1523] {strides = array<i32>} : memref<65792xf32, #tpu.memory_space<vmem>>, vector<16xf32>,
      tpu.vector_store %arg7[%swap3A_1523], %broadcast_in_dim3A_3 {strides = array<i32>} : memref<65792xf32, #tpu.memory_space<vmem>>, vector<16xf32>,
    }
    %scan3A_911 = arith.constant 16 : i32
    %dma_wait3A_912 = arith.constant 63488 : i32
    %dma_wait3A_913 = tpu.memref_slice %arg7[%dma_wait3A_912] : memref<65792xf32, #tpu.memory_space<vmem>> -> memref<2048xf32, #tpu.memory_space<vmem>>
    %dma_wait3A_914 = arith.constant 63488 : i32
    %dma_wait3A_915 = tpu.memref_slice %arg3[%add3A_291, %dma_wait3A_914] : memref<128x65536xf32, #tpu.memory_space<hbm>> -> memref<1x2048xf32, #tpu.memory_space<hbm>>
    %dma_wait3A_916 = tpu.memref_squeeze %dma_wait3A_915 : memref<1x2048xf32, #tpu.memory_space<hbm>> -> memref<2048xf32, #tpu.memory_space<hbm>>
    %dma_wait3A_917 = arith.constant 63488 : i32
    %dma_wait3A_918 = tpu.memref_slice %arg3[%add3A_291, %dma_wait3A_917] : memref<128x65536xf32, #tpu.memory_space<hbm>> -> memref<1x2048xf32, #tpu.memory_space<hbm>>
    %dma_wait3A_919 = tpu.memref_squeeze %dma_wait3A_918 : memref<1x2048xf32, #tpu.memory_space<hbm>> -> memref<2048xf32, #tpu.memory_space<hbm>>
    %dma_wait3A_920 = arith.constant 63488 : i32
    %dma_wait3A_921 = tpu.memref_slice %arg7[%dma_wait3A_920] : memref<65792xf32, #tpu.memory_space<vmem>> -> memref<2048xf32, #tpu.memory_space<vmem>>
    tpu.wait_dma2 semaphore(%arg16 : memref<!tpu.dma_semaphore, #tpu.memory_space<semaphore_mem>>) src(%dma_wait3A_921 : memref<2048xf32, #tpu.memory_space<vmem>>) dst(%dma_wait3A_919 : memref<2048xf32, #tpu.memory_space<hbm>>)
    %scan3A_922 = arith.constant 0 : i32
    %scan3A_923 = arith.constant 0 : i32
    %scan3A_924 = arith.constant 9 : i32
    %scan3A_925 = arith.addi %scan3A_923, %scan3A_924 : i32
    %scan3A_926 = arith.constant 1 : i32
    scf.for %scan3A_1456 = %scan3A_923 to %scan3A_925 step %scan3A_926  : i32 {
      %mul3A_1457 = arith.constant 256 : i32
      %mul3A_1458 = arith.muli %scan3A_1456, %mul3A_1457 : i32
      %add3A_1459 = arith.constant 63488 : i32
      %add3A_1460 = arith.addi %add3A_1459, %mul3A_1458 : i32
      %add3A_1461 = arith.constant 0 : i32
      %add3A_1462 = arith.addi %add3A_1460, %add3A_1461 : i32
      %swap3A_1463 = arith.index_cast %add3A_1462 : i32 to index
      %swap3A_1464 = tpu.vector_load %arg7[%swap3A_1463] {strides = array<i32>} : memref<65792xf32, #tpu.memory_space<vmem>>, vector<16xf32>,
      tpu.vector_store %arg7[%swap3A_1463], %broadcast_in_dim3A_3 {strides = array<i32>} : memref<65792xf32, #tpu.memory_space<vmem>>, vector<16xf32>,
      %add3A_1465 = arith.constant 16 : i32
      %add3A_1466 = arith.addi %add3A_1460, %add3A_1465 : i32
      %swap3A_1467 = arith.index_cast %add3A_1466 : i32 to index
      %swap3A_1468 = tpu.vector_load %arg7[%swap3A_1467] {strides = array<i32>} : memref<65792xf32, #tpu.memory_space<vmem>>, vector<16xf32>,
      tpu.vector_store %arg7[%swap3A_1467], %broadcast_in_dim3A_3 {strides = array<i32>} : memref<65792xf32, #tpu.memory_space<vmem>>, vector<16xf32>,
      %add3A_1469 = arith.constant 32 : i32
      %add3A_1470 = arith.addi %add3A_1460, %add3A_1469 : i32
      %swap3A_1471 = arith.index_cast %add3A_1470 : i32 to index
      %swap3A_1472 = tpu.vector_load %arg7[%swap3A_1471] {strides = array<i32>} : memref<65792xf32, #tpu.memory_space<vmem>>, vector<16xf32>,
      tpu.vector_store %arg7[%swap3A_1471], %broadcast_in_dim3A_3 {strides = array<i32>} : memref<65792xf32, #tpu.memory_space<vmem>>, vector<16xf32>,
      %add3A_1473 = arith.constant 48 : i32
      %add3A_1474 = arith.addi %add3A_1460, %add3A_1473 : i32
      %swap3A_1475 = arith.index_cast %add3A_1474 : i32 to index
      %swap3A_1476 = tpu.vector_load %arg7[%swap3A_1475] {strides = array<i32>} : memref<65792xf32, #tpu.memory_space<vmem>>, vector<16xf32>,
      tpu.vector_store %arg7[%swap3A_1475], %broadcast_in_dim3A_3 {strides = array<i32>} : memref<65792xf32, #tpu.memory_space<vmem>>, vector<16xf32>,
      %add3A_1477 = arith.constant 64 : i32
      %add3A_1478 = arith.addi %add3A_1460, %add3A_1477 : i32
      %swap3A_1479 = arith.index_cast %add3A_1478 : i32 to index
      %swap3A_1480 = tpu.vector_load %arg7[%swap3A_1479] {strides = array<i32>} : memref<65792xf32, #tpu.memory_space<vmem>>, vector<16xf32>,
      tpu.vector_store %arg7[%swap3A_1479], %broadcast_in_dim3A_3 {strides = array<i32>} : memref<65792xf32, #tpu.memory_space<vmem>>, vector<16xf32>,
      %add3A_1481 = arith.constant 80 : i32
      %add3A_1482 = arith.addi %add3A_1460, %add3A_1481 : i32
      %swap3A_1483 = arith.index_cast %add3A_1482 : i32 to index
      %swap3A_1484 = tpu.vector_load %arg7[%swap3A_1483] {strides = array<i32>} : memref<65792xf32, #tpu.memory_space<vmem>>, vector<16xf32>,
      tpu.vector_store %arg7[%swap3A_1483], %broadcast_in_dim3A_3 {strides = array<i32>} : memref<65792xf32, #tpu.memory_space<vmem>>, vector<16xf32>,
      %add3A_1485 = arith.constant 96 : i32
      %add3A_1486 = arith.addi %add3A_1460, %add3A_1485 : i32
      %swap3A_1487 = arith.index_cast %add3A_1486 : i32 to index
      %swap3A_1488 = tpu.vector_load %arg7[%swap3A_1487] {strides = array<i32>} : memref<65792xf32, #tpu.memory_space<vmem>>, vector<16xf32>,
      tpu.vector_store %arg7[%swap3A_1487], %broadcast_in_dim3A_3 {strides = array<i32>} : memref<65792xf32, #tpu.memory_space<vmem>>, vector<16xf32>,
      %add3A_1489 = arith.constant 112 : i32
      %add3A_1490 = arith.addi %add3A_1460, %add3A_1489 : i32
      %swap3A_1491 = arith.index_cast %add3A_1490 : i32 to index
      %swap3A_1492 = tpu.vector_load %arg7[%swap3A_1491] {strides = array<i32>} : memref<65792xf32, #tpu.memory_space<vmem>>, vector<16xf32>,
      tpu.vector_store %arg7[%swap3A_1491], %broadcast_in_dim3A_3 {strides = array<i32>} : memref<65792xf32, #tpu.memory_space<vmem>>, vector<16xf32>,
      %add3A_1493 = arith.constant 128 : i32
      %add3A_1494 = arith.addi %add3A_1460, %add3A_1493 : i32
      %swap3A_1495 = arith.index_cast %add3A_1494 : i32 to index
      %swap3A_1496 = tpu.vector_load %arg7[%swap3A_1495] {strides = array<i32>} : memref<65792xf32, #tpu.memory_space<vmem>>, vector<16xf32>,
      tpu.vector_store %arg7[%swap3A_1495], %broadcast_in_dim3A_3 {strides = array<i32>} : memref<65792xf32, #tpu.memory_space<vmem>>, vector<16xf32>,
      %add3A_1497 = arith.constant 144 : i32
      %add3A_1498 = arith.addi %add3A_1460, %add3A_1497 : i32
      %swap3A_1499 = arith.index_cast %add3A_1498 : i32 to index
      %swap3A_1500 = tpu.vector_load %arg7[%swap3A_1499] {strides = array<i32>} : memref<65792xf32, #tpu.memory_space<vmem>>, vector<16xf32>,
      tpu.vector_store %arg7[%swap3A_1499], %broadcast_in_dim3A_3 {strides = array<i32>} : memref<65792xf32, #tpu.memory_space<vmem>>, vector<16xf32>,
      %add3A_1501 = arith.constant 160 : i32
      %add3A_1502 = arith.addi %add3A_1460, %add3A_1501 : i32
      %swap3A_1503 = arith.index_cast %add3A_1502 : i32 to index
      %swap3A_1504 = tpu.vector_load %arg7[%swap3A_1503] {strides = array<i32>} : memref<65792xf32, #tpu.memory_space<vmem>>, vector<16xf32>,
      tpu.vector_store %arg7[%swap3A_1503], %broadcast_in_dim3A_3 {strides = array<i32>} : memref<65792xf32, #tpu.memory_space<vmem>>, vector<16xf32>,
      %add3A_1505 = arith.constant 176 : i32
      %add3A_1506 = arith.addi %add3A_1460, %add3A_1505 : i32
      %swap3A_1507 = arith.index_cast %add3A_1506 : i32 to index
      %swap3A_1508 = tpu.vector_load %arg7[%swap3A_1507] {strides = array<i32>} : memref<65792xf32, #tpu.memory_space<vmem>>, vector<16xf32>,
      tpu.vector_store %arg7[%swap3A_1507], %broadcast_in_dim3A_3 {strides = array<i32>} : memref<65792xf32, #tpu.memory_space<vmem>>, vector<16xf32>,
      %add3A_1509 = arith.constant 192 : i32
      %add3A_1510 = arith.addi %add3A_1460, %add3A_1509 : i32
      %swap3A_1511 = arith.index_cast %add3A_1510 : i32 to index
      %swap3A_1512 = tpu.vector_load %arg7[%swap3A_1511] {strides = array<i32>} : memref<65792xf32, #tpu.memory_space<vmem>>, vector<16xf32>,
      tpu.vector_store %arg7[%swap3A_1511], %broadcast_in_dim3A_3 {strides = array<i32>} : memref<65792xf32, #tpu.memory_space<vmem>>, vector<16xf32>,
      %add3A_1513 = arith.constant 208 : i32
      %add3A_1514 = arith.addi %add3A_1460, %add3A_1513 : i32
      %swap3A_1515 = arith.index_cast %add3A_1514 : i32 to index
      %swap3A_1516 = tpu.vector_load %arg7[%swap3A_1515] {strides = array<i32>} : memref<65792xf32, #tpu.memory_space<vmem>>, vector<16xf32>,
      tpu.vector_store %arg7[%swap3A_1515], %broadcast_in_dim3A_3 {strides = array<i32>} : memref<65792xf32, #tpu.memory_space<vmem>>, vector<16xf32>,
      %add3A_1517 = arith.constant 224 : i32
      %add3A_1518 = arith.addi %add3A_1460, %add3A_1517 : i32
      %swap3A_1519 = arith.index_cast %add3A_1518 : i32 to index
      %swap3A_1520 = tpu.vector_load %arg7[%swap3A_1519] {strides = array<i32>} : memref<65792xf32, #tpu.memory_space<vmem>>, vector<16xf32>,
      tpu.vector_store %arg7[%swap3A_1519], %broadcast_in_dim3A_3 {strides = array<i32>} : memref<65792xf32, #tpu.memory_space<vmem>>, vector<16xf32>,
      %add3A_1521 = arith.constant 240 : i32
      %add3A_1522 = arith.addi %add3A_1460, %add3A_1521 : i32
      %swap3A_1523 = arith.index_cast %add3A_1522 : i32 to index
      %swap3A_1524 = tpu.vector_load %arg7[%swap3A_1523] {strides = array<i32>} : memref<65792xf32, #tpu.memory_space<vmem>>, vector<16xf32>,
      tpu.vector_store %arg7[%swap3A_1523], %broadcast_in_dim3A_3 {strides = array<i32>} : memref<65792xf32, #tpu.memory_space<vmem>>, vector<16xf32>,
    }
    %scan3A_927 = arith.constant 9 : i32
    %scan3A_928 = arith.constant 0 : i32
    %scan3A_929 = arith.constant 0 : i32
    %scan3A_930 = arith.constant 32 : i32
    %scan3A_931 = arith.addi %scan3A_929, %scan3A_930 : i32
    %scan3A_932 = arith.constant 1 : i32
    scf.for %scan3A_1456 = %scan3A_929 to %scan3A_931 step %scan3A_932  : i32 {
      %mul3A_1457 = arith.constant 16 : i32
      %mul3A_1458 = arith.muli %mul3A_1457, %scan3A_1456 : i32
      %add3A_1459 = arith.constant 0 : i32
      %add3A_1460 = arith.addi %mul3A_1458, %add3A_1459 : i32
      %mul3A_1461 = arith.constant 16 : i32
      %mul3A_1462 = arith.muli %add3A_1460, %mul3A_1461 : i32
      %get3A_1463 = arith.index_cast %mul3A_1462 : i32 to index
      %get3A_1464 = tpu.vector_load %arg6[%get3A_1463] {strides = array<i32>} : memref<8224xi32, #tpu.memory_space<vmem>>, vector<16xi32>,
      %add3A_1465 = arith.constant 1 : i32
      %add3A_1466 = arith.addi %mul3A_1458, %add3A_1465 : i32
      %mul3A_1467 = arith.constant 16 : i32
      %mul3A_1468 = arith.muli %add3A_1466, %mul3A_1467 : i32
      %get3A_1469 = arith.index_cast %mul3A_1468 : i32 to index
      %get3A_1470 = tpu.vector_load %arg6[%get3A_1469] {strides = array<i32>} : memref<8224xi32, #tpu.memory_space<vmem>>, vector<16xi32>,
      %add3A_1471 = arith.constant 2 : i32
      %add3A_1472 = arith.addi %mul3A_1458, %add3A_1471 : i32
      %mul3A_1473 = arith.constant 16 : i32
      %mul3A_1474 = arith.muli %add3A_1472, %mul3A_1473 : i32
      %get3A_1475 = arith.index_cast %mul3A_1474 : i32 to index
      %get3A_1476 = tpu.vector_load %arg6[%get3A_1475] {strides = array<i32>} : memref<8224xi32, #tpu.memory_space<vmem>>, vector<16xi32>,
      %add3A_1477 = arith.constant 3 : i32
      %add3A_1478 = arith.addi %mul3A_1458, %add3A_1477 : i32
      %mul3A_1479 = arith.constant 16 : i32
      %mul3A_1480 = arith.muli %add3A_1478, %mul3A_1479 : i32
      %get3A_1481 = arith.index_cast %mul3A_1480 : i32 to index
      %get3A_1482 = tpu.vector_load %arg6[%get3A_1481] {strides = array<i32>} : memref<8224xi32, #tpu.memory_space<vmem>>, vector<16xi32>,
      %add3A_1483 = arith.constant 4 : i32
      %add3A_1484 = arith.addi %mul3A_1458, %add3A_1483 : i32
      %mul3A_1485 = arith.constant 16 : i32
      %mul3A_1486 = arith.muli %add3A_1484, %mul3A_1485 : i32
      %get3A_1487 = arith.index_cast %mul3A_1486 : i32 to index
      %get3A_1488 = tpu.vector_load %arg6[%get3A_1487] {strides = array<i32>} : memref<8224xi32, #tpu.memory_space<vmem>>, vector<16xi32>,
      %add3A_1489 = arith.constant 5 : i32
      %add3A_1490 = arith.addi %mul3A_1458, %add3A_1489 : i32
      %mul3A_1491 = arith.constant 16 : i32
      %mul3A_1492 = arith.muli %add3A_1490, %mul3A_1491 : i32
      %get3A_1493 = arith.index_cast %mul3A_1492 : i32 to index
      %get3A_1494 = tpu.vector_load %arg6[%get3A_1493] {strides = array<i32>} : memref<8224xi32, #tpu.memory_space<vmem>>, vector<16xi32>,
      %add3A_1495 = arith.constant 6 : i32
      %add3A_1496 = arith.addi %mul3A_1458, %add3A_1495 : i32
      %mul3A_1497 = arith.constant 16 : i32
      %mul3A_1498 = arith.muli %add3A_1496, %mul3A_1497 : i32
      %get3A_1499 = arith.index_cast %mul3A_1498 : i32 to index
      %get3A_1500 = tpu.vector_load %arg6[%get3A_1499] {strides = array<i32>} : memref<8224xi32, #tpu.memory_space<vmem>>, vector<16xi32>,
      %add3A_1501 = arith.constant 7 : i32
      %add3A_1502 = arith.addi %mul3A_1458, %add3A_1501 : i32
      %mul3A_1503 = arith.constant 16 : i32
      %mul3A_1504 = arith.muli %add3A_1502, %mul3A_1503 : i32
      %get3A_1505 = arith.index_cast %mul3A_1504 : i32 to index
      %get3A_1506 = tpu.vector_load %arg6[%get3A_1505] {strides = array<i32>} : memref<8224xi32, #tpu.memory_space<vmem>>, vector<16xi32>,
      %add3A_1507 = arith.constant 8 : i32
      %add3A_1508 = arith.addi %mul3A_1458, %add3A_1507 : i32
      %mul3A_1509 = arith.constant 16 : i32
      %mul3A_1510 = arith.muli %add3A_1508, %mul3A_1509 : i32
      %get3A_1511 = arith.index_cast %mul3A_1510 : i32 to index
      %get3A_1512 = tpu.vector_load %arg6[%get3A_1511] {strides = array<i32>} : memref<8224xi32, #tpu.memory_space<vmem>>, vector<16xi32>,
      %add3A_1513 = arith.constant 9 : i32
      %add3A_1514 = arith.addi %mul3A_1458, %add3A_1513 : i32
      %mul3A_1515 = arith.constant 16 : i32
      %mul3A_1516 = arith.muli %add3A_1514, %mul3A_1515 : i32
      %get3A_1517 = arith.index_cast %mul3A_1516 : i32 to index
      %get3A_1518 = tpu.vector_load %arg6[%get3A_1517] {strides = array<i32>} : memref<8224xi32, #tpu.memory_space<vmem>>, vector<16xi32>,
      %add3A_1519 = arith.constant 10 : i32
      %add3A_1520 = arith.addi %mul3A_1458, %add3A_1519 : i32
      %mul3A_1521 = arith.constant 16 : i32
      %mul3A_1522 = arith.muli %add3A_1520, %mul3A_1521 : i32
      %get3A_1523 = arith.index_cast %mul3A_1522 : i32 to index
      %get3A_1524 = tpu.vector_load %arg6[%get3A_1523] {strides = array<i32>} : memref<8224xi32, #tpu.memory_space<vmem>>, vector<16xi32>,
      %add3A_1525 = arith.constant 11 : i32
      %add3A_1526 = arith.addi %mul3A_1458, %add3A_1525 : i32
      %mul3A_1527 = arith.constant 16 : i32
      %mul3A_1528 = arith.muli %add3A_1526, %mul3A_1527 : i32
      %get3A_1529 = arith.index_cast %mul3A_1528 : i32 to index
      %get3A_1530 = tpu.vector_load %arg6[%get3A_1529] {strides = array<i32>} : memref<8224xi32, #tpu.memory_space<vmem>>, vector<16xi32>,
      %add3A_1531 = arith.constant 12 : i32
      %add3A_1532 = arith.addi %mul3A_1458, %add3A_1531 : i32
      %mul3A_1533 = arith.constant 16 : i32
      %mul3A_1534 = arith.muli %add3A_1532, %mul3A_1533 : i32
      %get3A_1535 = arith.index_cast %mul3A_1534 : i32 to index
      %get3A_1536 = tpu.vector_load %arg6[%get3A_1535] {strides = array<i32>} : memref<8224xi32, #tpu.memory_space<vmem>>, vector<16xi32>,
      %add3A_1537 = arith.constant 13 : i32
      %add3A_1538 = arith.addi %mul3A_1458, %add3A_1537 : i32
      %mul3A_1539 = arith.constant 16 : i32
      %mul3A_1540 = arith.muli %add3A_1538, %mul3A_1539 : i32
      %get3A_1541 = arith.index_cast %mul3A_1540 : i32 to index
      %get3A_1542 = tpu.vector_load %arg6[%get3A_1541] {strides = array<i32>} : memref<8224xi32, #tpu.memory_space<vmem>>, vector<16xi32>,
      %add3A_1543 = arith.constant 14 : i32
      %add3A_1544 = arith.addi %mul3A_1458, %add3A_1543 : i32
      %mul3A_1545 = arith.constant 16 : i32
      %mul3A_1546 = arith.muli %add3A_1544, %mul3A_1545 : i32
      %get3A_1547 = arith.index_cast %mul3A_1546 : i32 to index
      %get3A_1548 = tpu.vector_load %arg6[%get3A_1547] {strides = array<i32>} : memref<8224xi32, #tpu.memory_space<vmem>>, vector<16xi32>,
      %add3A_1549 = arith.constant 15 : i32
      %add3A_1550 = arith.addi %mul3A_1458, %add3A_1549 : i32
      %mul3A_1551 = arith.constant 16 : i32
      %mul3A_1552 = arith.muli %add3A_1550, %mul3A_1551 : i32
      %get3A_1553 = arith.index_cast %mul3A_1552 : i32 to index
      %get3A_1554 = tpu.vector_load %arg6[%get3A_1553] {strides = array<i32>} : memref<8224xi32, #tpu.memory_space<vmem>>, vector<16xi32>,
      tpu.vector_store_idx %arg7[%get3A_1464], %broadcast_in_dim3A_1 {add = true} : memref<65792xf32, #tpu.memory_space<vmem>>[vector<16xi32>], vector<16xf32>,
      tpu.vector_store_idx %arg7[%get3A_1470], %broadcast_in_dim3A_1 {add = true} : memref<65792xf32, #tpu.memory_space<vmem>>[vector<16xi32>], vector<16xf32>,
      tpu.vector_store_idx %arg7[%get3A_1476], %broadcast_in_dim3A_1 {add = true} : memref<65792xf32, #tpu.memory_space<vmem>>[vector<16xi32>], vector<16xf32>,
      tpu.vector_store_idx %arg7[%get3A_1482], %broadcast_in_dim3A_1 {add = true} : memref<65792xf32, #tpu.memory_space<vmem>>[vector<16xi32>], vector<16xf32>,
      tpu.vector_store_idx %arg7[%get3A_1488], %broadcast_in_dim3A_1 {add = true} : memref<65792xf32, #tpu.memory_space<vmem>>[vector<16xi32>], vector<16xf32>,
      tpu.vector_store_idx %arg7[%get3A_1494], %broadcast_in_dim3A_1 {add = true} : memref<65792xf32, #tpu.memory_space<vmem>>[vector<16xi32>], vector<16xf32>,
      tpu.vector_store_idx %arg7[%get3A_1500], %broadcast_in_dim3A_1 {add = true} : memref<65792xf32, #tpu.memory_space<vmem>>[vector<16xi32>], vector<16xf32>,
      tpu.vector_store_idx %arg7[%get3A_1506], %broadcast_in_dim3A_1 {add = true} : memref<65792xf32, #tpu.memory_space<vmem>>[vector<16xi32>], vector<16xf32>,
      tpu.vector_store_idx %arg7[%get3A_1512], %broadcast_in_dim3A_1 {add = true} : memref<65792xf32, #tpu.memory_space<vmem>>[vector<16xi32>], vector<16xf32>,
      tpu.vector_store_idx %arg7[%get3A_1518], %broadcast_in_dim3A_1 {add = true} : memref<65792xf32, #tpu.memory_space<vmem>>[vector<16xi32>], vector<16xf32>,
      tpu.vector_store_idx %arg7[%get3A_1524], %broadcast_in_dim3A_1 {add = true} : memref<65792xf32, #tpu.memory_space<vmem>>[vector<16xi32>], vector<16xf32>,
      tpu.vector_store_idx %arg7[%get3A_1530], %broadcast_in_dim3A_1 {add = true} : memref<65792xf32, #tpu.memory_space<vmem>>[vector<16xi32>], vector<16xf32>,
      tpu.vector_store_idx %arg7[%get3A_1536], %broadcast_in_dim3A_1 {add = true} : memref<65792xf32, #tpu.memory_space<vmem>>[vector<16xi32>], vector<16xf32>,
      tpu.vector_store_idx %arg7[%get3A_1542], %broadcast_in_dim3A_1 {add = true} : memref<65792xf32, #tpu.memory_space<vmem>>[vector<16xi32>], vector<16xf32>,
      tpu.vector_store_idx %arg7[%get3A_1548], %broadcast_in_dim3A_1 {add = true} : memref<65792xf32, #tpu.memory_space<vmem>>[vector<16xi32>], vector<16xf32>,
      tpu.vector_store_idx %arg7[%get3A_1554], %broadcast_in_dim3A_1 {add = true} : memref<65792xf32, #tpu.memory_space<vmem>>[vector<16xi32>], vector<16xf32>,
    }
    %scan3A_933 = arith.constant 32 : i32
    %get3A_934 = arith.constant 8192 : index
    %get3A_935 = tpu.vector_load %arg6[%get3A_934] {strides = array<i32>} : memref<8224xi32, #tpu.memory_space<vmem>>, vector<16xi32>,
    %get3A_936 = arith.constant 8208 : index
    %get3A_937 = tpu.vector_load %arg6[%get3A_936] {strides = array<i32>} : memref<8224xi32, #tpu.memory_space<vmem>>, vector<16xi32>,
    tpu.vector_store_idx %arg7[%get3A_935], %broadcast_in_dim3A_1 {add = true} : memref<65792xf32, #tpu.memory_space<vmem>>[vector<16xi32>], vector<16xf32>,
    tpu.vector_store_idx %arg7[%get3A_937], %broadcast_in_dim3A_1 {add = true} : memref<65792xf32, #tpu.memory_space<vmem>>[vector<16xi32>], vector<16xf32>,
    %dma_start3A_938 = arith.constant 0 : i32
    %dma_start3A_939 = tpu.memref_slice %arg7[%dma_start3A_938] : memref<65792xf32, #tpu.memory_space<vmem>> -> memref<11264xf32, #tpu.memory_space<vmem>>
    %dma_start3A_940 = arith.constant 0 : i32
    %dma_start3A_941 = tpu.memref_slice %arg3[%add3A_661, %dma_start3A_940] : memref<128x65536xf32, #tpu.memory_space<hbm>> -> memref<1x11264xf32, #tpu.memory_space<hbm>>
    %dma_start3A_942 = tpu.memref_squeeze %dma_start3A_941 : memref<1x11264xf32, #tpu.memory_space<hbm>> -> memref<11264xf32, #tpu.memory_space<hbm>>
    %dma_start3A_943 = arith.constant 0 : i32
    %dma_start3A_944 = tpu.memref_slice %arg3[%add3A_661, %dma_start3A_943] : memref<128x65536xf32, #tpu.memory_space<hbm>> -> memref<1x11264xf32, #tpu.memory_space<hbm>>
    %dma_start3A_945 = tpu.memref_squeeze %dma_start3A_944 : memref<1x11264xf32, #tpu.memory_space<hbm>> -> memref<11264xf32, #tpu.memory_space<hbm>>
    %dma_start3A_946 = arith.constant 0 : i32
    %dma_start3A_947 = tpu.memref_slice %arg7[%dma_start3A_946] : memref<65792xf32, #tpu.memory_space<vmem>> -> memref<11264xf32, #tpu.memory_space<vmem>>
    tpu.enqueue_dma source(%dma_start3A_947 : memref<11264xf32, #tpu.memory_space<vmem>>) target(%dma_start3A_945 : memref<11264xf32, #tpu.memory_space<hbm>>) target_semaphore(%arg9 : memref<!tpu.dma_semaphore, #tpu.memory_space<semaphore_mem>>)
    %dma_start3A_948 = arith.constant 11264 : i32
    %dma_start3A_949 = tpu.memref_slice %arg7[%dma_start3A_948] : memref<65792xf32, #tpu.memory_space<vmem>> -> memref<11264xf32, #tpu.memory_space<vmem>>
    %dma_start3A_950 = arith.constant 11264 : i32
    %dma_start3A_951 = tpu.memref_slice %arg3[%add3A_661, %dma_start3A_950] : memref<128x65536xf32, #tpu.memory_space<hbm>> -> memref<1x11264xf32, #tpu.memory_space<hbm>>
    %dma_start3A_952 = tpu.memref_squeeze %dma_start3A_951 : memref<1x11264xf32, #tpu.memory_space<hbm>> -> memref<11264xf32, #tpu.memory_space<hbm>>
    %dma_start3A_953 = arith.constant 11264 : i32
    %dma_start3A_954 = tpu.memref_slice %arg3[%add3A_661, %dma_start3A_953] : memref<128x65536xf32, #tpu.memory_space<hbm>> -> memref<1x11264xf32, #tpu.memory_space<hbm>>
    %dma_start3A_955 = tpu.memref_squeeze %dma_start3A_954 : memref<1x11264xf32, #tpu.memory_space<hbm>> -> memref<11264xf32, #tpu.memory_space<hbm>>
    %dma_start3A_956 = arith.constant 11264 : i32
    %dma_start3A_957 = tpu.memref_slice %arg7[%dma_start3A_956] : memref<65792xf32, #tpu.memory_space<vmem>> -> memref<11264xf32, #tpu.memory_space<vmem>>
    tpu.enqueue_dma source(%dma_start3A_957 : memref<11264xf32, #tpu.memory_space<vmem>>) target(%dma_start3A_955 : memref<11264xf32, #tpu.memory_space<hbm>>) target_semaphore(%arg10 : memref<!tpu.dma_semaphore, #tpu.memory_space<semaphore_mem>>)
    %dma_start3A_958 = arith.constant 22528 : i32
    %dma_start3A_959 = tpu.memref_slice %arg7[%dma_start3A_958] : memref<65792xf32, #tpu.memory_space<vmem>> -> memref<11264xf32, #tpu.memory_space<vmem>>
    %dma_start3A_960 = arith.constant 22528 : i32
    %dma_start3A_961 = tpu.memref_slice %arg3[%add3A_661, %dma_start3A_960] : memref<128x65536xf32, #tpu.memory_space<hbm>> -> memref<1x11264xf32, #tpu.memory_space<hbm>>
    %dma_start3A_962 = tpu.memref_squeeze %dma_start3A_961 : memref<1x11264xf32, #tpu.memory_space<hbm>> -> memref<11264xf32, #tpu.memory_space<hbm>>
    %dma_start3A_963 = arith.constant 22528 : i32
    %dma_start3A_964 = tpu.memref_slice %arg3[%add3A_661, %dma_start3A_963] : memref<128x65536xf32, #tpu.memory_space<hbm>> -> memref<1x11264xf32, #tpu.memory_space<hbm>>
    %dma_start3A_965 = tpu.memref_squeeze %dma_start3A_964 : memref<1x11264xf32, #tpu.memory_space<hbm>> -> memref<11264xf32, #tpu.memory_space<hbm>>
    %dma_start3A_966 = arith.constant 22528 : i32
    %dma_start3A_967 = tpu.memref_slice %arg7[%dma_start3A_966] : memref<65792xf32, #tpu.memory_space<vmem>> -> memref<11264xf32, #tpu.memory_space<vmem>>
    tpu.enqueue_dma source(%dma_start3A_967 : memref<11264xf32, #tpu.memory_space<vmem>>) target(%dma_start3A_965 : memref<11264xf32, #tpu.memory_space<hbm>>) target_semaphore(%arg11 : memref<!tpu.dma_semaphore, #tpu.memory_space<semaphore_mem>>)
    %dma_start3A_968 = arith.constant 33792 : i32
    %dma_start3A_969 = tpu.memref_slice %arg7[%dma_start3A_968] : memref<65792xf32, #tpu.memory_space<vmem>> -> memref<11264xf32, #tpu.memory_space<vmem>>
    %dma_start3A_970 = arith.constant 33792 : i32
    %dma_start3A_971 = tpu.memref_slice %arg3[%add3A_661, %dma_start3A_970] : memref<128x65536xf32, #tpu.memory_space<hbm>> -> memref<1x11264xf32, #tpu.memory_space<hbm>>
    %dma_start3A_972 = tpu.memref_squeeze %dma_start3A_971 : memref<1x11264xf32, #tpu.memory_space<hbm>> -> memref<11264xf32, #tpu.memory_space<hbm>>
    %dma_start3A_973 = arith.constant 33792 : i32
    %dma_start3A_974 = tpu.memref_slice %arg3[%add3A_661, %dma_start3A_973] : memref<128x65536xf32, #tpu.memory_space<hbm>> -> memref<1x11264xf32, #tpu.memory_space<hbm>>
    %dma_start3A_975 = tpu.memref_squeeze %dma_start3A_974 : memref<1x11264xf32, #tpu.memory_space<hbm>> -> memref<11264xf32, #tpu.memory_space<hbm>>
    %dma_start3A_976 = arith.constant 33792 : i32
    %dma_start3A_977 = tpu.memref_slice %arg7[%dma_start3A_976] : memref<65792xf32, #tpu.memory_space<vmem>> -> memref<11264xf32, #tpu.memory_space<vmem>>
    tpu.enqueue_dma source(%dma_start3A_977 : memref<11264xf32, #tpu.memory_space<vmem>>) target(%dma_start3A_975 : memref<11264xf32, #tpu.memory_space<hbm>>) target_semaphore(%arg12 : memref<!tpu.dma_semaphore, #tpu.memory_space<semaphore_mem>>)
    %dma_start3A_978 = arith.constant 45056 : i32
    %dma_start3A_979 = tpu.memref_slice %arg7[%dma_start3A_978] : memref<65792xf32, #tpu.memory_space<vmem>> -> memref<7168xf32, #tpu.memory_space<vmem>>
    %dma_start3A_980 = arith.constant 45056 : i32
    %dma_start3A_981 = tpu.memref_slice %arg3[%add3A_661, %dma_start3A_980] : memref<128x65536xf32, #tpu.memory_space<hbm>> -> memref<1x7168xf32, #tpu.memory_space<hbm>>
    %dma_start3A_982 = tpu.memref_squeeze %dma_start3A_981 : memref<1x7168xf32, #tpu.memory_space<hbm>> -> memref<7168xf32, #tpu.memory_space<hbm>>
    %dma_start3A_983 = arith.constant 45056 : i32
    %dma_start3A_984 = tpu.memref_slice %arg3[%add3A_661, %dma_start3A_983] : memref<128x65536xf32, #tpu.memory_space<hbm>> -> memref<1x7168xf32, #tpu.memory_space<hbm>>
    %dma_start3A_985 = tpu.memref_squeeze %dma_start3A_984 : memref<1x7168xf32, #tpu.memory_space<hbm>> -> memref<7168xf32, #tpu.memory_space<hbm>>
    %dma_start3A_986 = arith.constant 45056 : i32
    %dma_start3A_987 = tpu.memref_slice %arg7[%dma_start3A_986] : memref<65792xf32, #tpu.memory_space<vmem>> -> memref<7168xf32, #tpu.memory_space<vmem>>
    tpu.enqueue_dma source(%dma_start3A_987 : memref<7168xf32, #tpu.memory_space<vmem>>) target(%dma_start3A_985 : memref<7168xf32, #tpu.memory_space<hbm>>) target_semaphore(%arg13 : memref<!tpu.dma_semaphore, #tpu.memory_space<semaphore_mem>>)
    %dma_start3A_988 = arith.constant 52224 : i32
    %dma_start3A_989 = tpu.memref_slice %arg7[%dma_start3A_988] : memref<65792xf32, #tpu.memory_space<vmem>> -> memref<7168xf32, #tpu.memory_space<vmem>>
    %dma_start3A_990 = arith.constant 52224 : i32
    %dma_start3A_991 = tpu.memref_slice %arg3[%add3A_661, %dma_start3A_990] : memref<128x65536xf32, #tpu.memory_space<hbm>> -> memref<1x7168xf32, #tpu.memory_space<hbm>>
    %dma_start3A_992 = tpu.memref_squeeze %dma_start3A_991 : memref<1x7168xf32, #tpu.memory_space<hbm>> -> memref<7168xf32, #tpu.memory_space<hbm>>
    %dma_start3A_993 = arith.constant 52224 : i32
    %dma_start3A_994 = tpu.memref_slice %arg3[%add3A_661, %dma_start3A_993] : memref<128x65536xf32, #tpu.memory_space<hbm>> -> memref<1x7168xf32, #tpu.memory_space<hbm>>
    %dma_start3A_995 = tpu.memref_squeeze %dma_start3A_994 : memref<1x7168xf32, #tpu.memory_space<hbm>> -> memref<7168xf32, #tpu.memory_space<hbm>>
    %dma_start3A_996 = arith.constant 52224 : i32
    %dma_start3A_997 = tpu.memref_slice %arg7[%dma_start3A_996] : memref<65792xf32, #tpu.memory_space<vmem>> -> memref<7168xf32, #tpu.memory_space<vmem>>
    tpu.enqueue_dma source(%dma_start3A_997 : memref<7168xf32, #tpu.memory_space<vmem>>) target(%dma_start3A_995 : memref<7168xf32, #tpu.memory_space<hbm>>) target_semaphore(%arg14 : memref<!tpu.dma_semaphore, #tpu.memory_space<semaphore_mem>>)
    %dma_start3A_998 = arith.constant 59392 : i32
    %dma_start3A_999 = tpu.memref_slice %arg7[%dma_start3A_998] : memref<65792xf32, #tpu.memory_space<vmem>> -> memref<4096xf32, #tpu.memory_space<vmem>>
    %dma_start3A_1000 = arith.constant 59392 : i32
    %dma_start3A_1001 = tpu.memref_slice %arg3[%add3A_661, %dma_start3A_1000] : memref<128x65536xf32, #tpu.memory_space<hbm>> -> memref<1x4096xf32, #tpu.memory_space<hbm>>
    %dma_start3A_1002 = tpu.memref_squeeze %dma_start3A_1001 : memref<1x4096xf32, #tpu.memory_space<hbm>> -> memref<4096xf32, #tpu.memory_space<hbm>>
    %dma_start3A_1003 = arith.constant 59392 : i32
    %dma_start3A_1004 = tpu.memref_slice %arg3[%add3A_661, %dma_start3A_1003] : memref<128x65536xf32, #tpu.memory_space<hbm>> -> memref<1x4096xf32, #tpu.memory_space<hbm>>
    %dma_start3A_1005 = tpu.memref_squeeze %dma_start3A_1004 : memref<1x4096xf32, #tpu.memory_space<hbm>> -> memref<4096xf32, #tpu.memory_space<hbm>>
    %dma_start3A_1006 = arith.constant 59392 : i32
    %dma_start3A_1007 = tpu.memref_slice %arg7[%dma_start3A_1006] : memref<65792xf32, #tpu.memory_space<vmem>> -> memref<4096xf32, #tpu.memory_space<vmem>>
    tpu.enqueue_dma source(%dma_start3A_1007 : memref<4096xf32, #tpu.memory_space<vmem>>) target(%dma_start3A_1005 : memref<4096xf32, #tpu.memory_space<hbm>>) target_semaphore(%arg15 : memref<!tpu.dma_semaphore, #tpu.memory_space<semaphore_mem>>)
    %dma_start3A_1008 = arith.constant 63488 : i32
    %dma_start3A_1009 = tpu.memref_slice %arg7[%dma_start3A_1008] : memref<65792xf32, #tpu.memory_space<vmem>> -> memref<2048xf32, #tpu.memory_space<vmem>>
    %dma_start3A_1010 = arith.constant 63488 : i32
    %dma_start3A_1011 = tpu.memref_slice %arg3[%add3A_661, %dma_start3A_1010] : memref<128x65536xf32, #tpu.memory_space<hbm>> -> memref<1x2048xf32, #tpu.memory_space<hbm>>
    %dma_start3A_1012 = tpu.memref_squeeze %dma_start3A_1011 : memref<1x2048xf32, #tpu.memory_space<hbm>> -> memref<2048xf32, #tpu.memory_space<hbm>>
    %dma_start3A_1013 = arith.constant 63488 : i32
    %dma_start3A_1014 = tpu.memref_slice %arg3[%add3A_661, %dma_start3A_1013] : memref<128x65536xf32, #tpu.memory_space<hbm>> -> memref<1x2048xf32, #tpu.memory_space<hbm>>
    %dma_start3A_1015 = tpu.memref_squeeze %dma_start3A_1014 : memref<1x2048xf32, #tpu.memory_space<hbm>> -> memref<2048xf32, #tpu.memory_space<hbm>>
    %dma_start3A_1016 = arith.constant 63488 : i32
    %dma_start3A_1017 = tpu.memref_slice %arg7[%dma_start3A_1016] : memref<65792xf32, #tpu.memory_space<vmem>> -> memref<2048xf32, #tpu.memory_space<vmem>>
    tpu.enqueue_dma source(%dma_start3A_1017 : memref<2048xf32, #tpu.memory_space<vmem>>) target(%dma_start3A_1015 : memref<2048xf32, #tpu.memory_space<hbm>>) target_semaphore(%arg16 : memref<!tpu.dma_semaphore, #tpu.memory_space<semaphore_mem>>)
    %dma_wait3A_1018 = arith.constant 0 : i32
    %dma_wait3A_1019 = tpu.memref_slice %arg5[%dma_wait3A_1018] : memref<8240xi32, #tpu.memory_space<vmem>> -> memref<8192xi32, #tpu.memory_space<vmem>>
    %dma_wait3A_1020 = arith.constant 0 : i32
    %dma_wait3A_1021 = tpu.memref_slice %arg2[%add3A_789, %dma_wait3A_1020] : memref<128x8192xi32, #tpu.memory_space<hbm>> -> memref<1x8192xi32, #tpu.memory_space<hbm>>
    %dma_wait3A_1022 = tpu.memref_squeeze %dma_wait3A_1021 : memref<1x8192xi32, #tpu.memory_space<hbm>> -> memref<8192xi32, #tpu.memory_space<hbm>>
    %dma_wait3A_1023 = arith.constant 0 : i32
    %dma_wait3A_1024 = tpu.memref_slice %arg5[%dma_wait3A_1023] : memref<8240xi32, #tpu.memory_space<vmem>> -> memref<8192xi32, #tpu.memory_space<vmem>>
    %dma_wait3A_1025 = arith.constant 0 : i32
    %dma_wait3A_1026 = tpu.memref_slice %arg2[%add3A_789, %dma_wait3A_1025] : memref<128x8192xi32, #tpu.memory_space<hbm>> -> memref<1x8192xi32, #tpu.memory_space<hbm>>
    %dma_wait3A_1027 = tpu.memref_squeeze %dma_wait3A_1026 : memref<1x8192xi32, #tpu.memory_space<hbm>> -> memref<8192xi32, #tpu.memory_space<hbm>>
    tpu.wait_dma2 semaphore(%arg8 : memref<!tpu.dma_semaphore, #tpu.memory_space<semaphore_mem>>) src(%dma_wait3A_1027 : memref<8192xi32, #tpu.memory_space<hbm>>) dst(%dma_wait3A_1024 : memref<8192xi32, #tpu.memory_space<vmem>>)
    %mul3A_1028 = arith.constant 4 : i32
    %mul3A_1029 = arith.muli %add3A, %mul3A_1028 : i32
    %add3A_1030 = arith.constant 3 : i32
    %add3A_1031 = arith.addi %mul3A_1029, %add3A_1030 : i32
    %add3A_1032 = arith.constant 0 : i32
    %add3A_1033 = vector.broadcast %add3A_1032 : i32 to vector<16xi32>
    %add3A_1034 = arith.addi %mul3A_8, %add3A_1033 : vector<16xi32>
    %gather3A_1035 = tpu.vector_load_idx %arg5[%add3A_1034] : memref<8240xi32, #tpu.memory_space<vmem>>[vector<16xi32>], vector<16xi32>,
    %add3A_1036 = arith.constant 1 : i32
    %add3A_1037 = vector.broadcast %add3A_1036 : i32 to vector<16xi32>
    %add3A_1038 = arith.addi %mul3A_8, %add3A_1037 : vector<16xi32>
    %gather3A_1039 = tpu.vector_load_idx %arg5[%add3A_1038] : memref<8240xi32, #tpu.memory_space<vmem>>[vector<16xi32>], vector<16xi32>,
    %add3A_1040 = arith.constant 2 : i32
    %add3A_1041 = vector.broadcast %add3A_1040 : i32 to vector<16xi32>
    %add3A_1042 = arith.addi %mul3A_8, %add3A_1041 : vector<16xi32>
    %gather3A_1043 = tpu.vector_load_idx %arg5[%add3A_1042] : memref<8240xi32, #tpu.memory_space<vmem>>[vector<16xi32>], vector<16xi32>,
    %add3A_1044 = arith.constant 3 : i32
    %add3A_1045 = vector.broadcast %add3A_1044 : i32 to vector<16xi32>
    %add3A_1046 = arith.addi %mul3A_8, %add3A_1045 : vector<16xi32>
    %gather3A_1047 = tpu.vector_load_idx %arg5[%add3A_1046] : memref<8240xi32, #tpu.memory_space<vmem>>[vector<16xi32>], vector<16xi32>,
    %add3A_1048 = arith.constant 4 : i32
    %add3A_1049 = vector.broadcast %add3A_1048 : i32 to vector<16xi32>
    %add3A_1050 = arith.addi %mul3A_8, %add3A_1049 : vector<16xi32>
    %gather3A_1051 = tpu.vector_load_idx %arg5[%add3A_1050] : memref<8240xi32, #tpu.memory_space<vmem>>[vector<16xi32>], vector<16xi32>,
    %add3A_1052 = arith.constant 5 : i32
    %add3A_1053 = vector.broadcast %add3A_1052 : i32 to vector<16xi32>
    %add3A_1054 = arith.addi %mul3A_8, %add3A_1053 : vector<16xi32>
    %gather3A_1055 = tpu.vector_load_idx %arg5[%add3A_1054] : memref<8240xi32, #tpu.memory_space<vmem>>[vector<16xi32>], vector<16xi32>,
    %add3A_1056 = arith.constant 6 : i32
    %add3A_1057 = vector.broadcast %add3A_1056 : i32 to vector<16xi32>
    %add3A_1058 = arith.addi %mul3A_8, %add3A_1057 : vector<16xi32>
    %gather3A_1059 = tpu.vector_load_idx %arg5[%add3A_1058] : memref<8240xi32, #tpu.memory_space<vmem>>[vector<16xi32>], vector<16xi32>,
    %add3A_1060 = arith.constant 7 : i32
    %add3A_1061 = vector.broadcast %add3A_1060 : i32 to vector<16xi32>
    %add3A_1062 = arith.addi %mul3A_8, %add3A_1061 : vector<16xi32>
    %gather3A_1063 = tpu.vector_load_idx %arg5[%add3A_1062] : memref<8240xi32, #tpu.memory_space<vmem>>[vector<16xi32>], vector<16xi32>,
    %mul3A_1064 = arith.constant 4 : i32
    %mul3A_1065 = vector.broadcast %mul3A_1064 : i32 to vector<16xi32>
    %mul3A_1066 = arith.muli %gather3A_1035, %mul3A_1065 : vector<16xi32>
    %add3A_1067 = arith.addi %mul3A_1066, %gather3A_1039 : vector<16xi32>
    %mul3A_1068 = arith.constant 4 : i32
    %mul3A_1069 = vector.broadcast %mul3A_1068 : i32 to vector<16xi32>
    %mul3A_1070 = arith.muli %gather3A_1043, %mul3A_1069 : vector<16xi32>
    %add3A_1071 = arith.addi %mul3A_1070, %gather3A_1047 : vector<16xi32>
    %mul3A_1072 = arith.constant 4 : i32
    %mul3A_1073 = vector.broadcast %mul3A_1072 : i32 to vector<16xi32>
    %mul3A_1074 = arith.muli %gather3A_1051, %mul3A_1073 : vector<16xi32>
    %add3A_1075 = arith.addi %mul3A_1074, %gather3A_1055 : vector<16xi32>
    %mul3A_1076 = arith.constant 4 : i32
    %mul3A_1077 = vector.broadcast %mul3A_1076 : i32 to vector<16xi32>
    %mul3A_1078 = arith.muli %gather3A_1059, %mul3A_1077 : vector<16xi32>
    %add3A_1079 = arith.addi %mul3A_1078, %gather3A_1063 : vector<16xi32>
    %mul3A_1080 = arith.constant 16 : i32
    %mul3A_1081 = vector.broadcast %mul3A_1080 : i32 to vector<16xi32>
    %mul3A_1082 = arith.muli %add3A_1067, %mul3A_1081 : vector<16xi32>
    %add3A_1083 = arith.addi %mul3A_1082, %add3A_1071 : vector<16xi32>
    %mul3A_1084 = arith.constant 256 : i32
    %mul3A_1085 = vector.broadcast %mul3A_1084 : i32 to vector<16xi32>
    %mul3A_1086 = arith.muli %add3A_1083, %mul3A_1085 : vector<16xi32>
    %mul3A_1087 = arith.constant 16 : i32
    %mul3A_1088 = vector.broadcast %mul3A_1087 : i32 to vector<16xi32>
    %mul3A_1089 = arith.muli %add3A_1075, %mul3A_1088 : vector<16xi32>
    %add3A_1090 = arith.addi %mul3A_1089, %add3A_1079 : vector<16xi32>
    %add3A_1091 = arith.addi %mul3A_1086, %add3A_1090 : vector<16xi32>
    %add3A_1092 = arith.constant 0 : i32
    %add3A_1093 = vector.broadcast %add3A_1092 : i32 to vector<16xi32>
    %add3A_1094 = arith.addi %add3A_11, %add3A_1093 : vector<16xi32>
    %gather3A_1095 = tpu.vector_load_idx %arg5[%add3A_1094] : memref<8240xi32, #tpu.memory_space<vmem>>[vector<16xi32>], vector<16xi32>,
    %add3A_1096 = arith.constant 1 : i32
    %add3A_1097 = vector.broadcast %add3A_1096 : i32 to vector<16xi32>
    %add3A_1098 = arith.addi %add3A_11, %add3A_1097 : vector<16xi32>
    %gather3A_1099 = tpu.vector_load_idx %arg5[%add3A_1098] : memref<8240xi32, #tpu.memory_space<vmem>>[vector<16xi32>], vector<16xi32>,
    %add3A_1100 = arith.constant 2 : i32
    %add3A_1101 = vector.broadcast %add3A_1100 : i32 to vector<16xi32>
    %add3A_1102 = arith.addi %add3A_11, %add3A_1101 : vector<16xi32>
    %gather3A_1103 = tpu.vector_load_idx %arg5[%add3A_1102] : memref<8240xi32, #tpu.memory_space<vmem>>[vector<16xi32>], vector<16xi32>,
    %add3A_1104 = arith.constant 3 : i32
    %add3A_1105 = vector.broadcast %add3A_1104 : i32 to vector<16xi32>
    %add3A_1106 = arith.addi %add3A_11, %add3A_1105 : vector<16xi32>
    %gather3A_1107 = tpu.vector_load_idx %arg5[%add3A_1106] : memref<8240xi32, #tpu.memory_space<vmem>>[vector<16xi32>], vector<16xi32>,
    %add3A_1108 = arith.constant 4 : i32
    %add3A_1109 = vector.broadcast %add3A_1108 : i32 to vector<16xi32>
    %add3A_1110 = arith.addi %add3A_11, %add3A_1109 : vector<16xi32>
    %gather3A_1111 = tpu.vector_load_idx %arg5[%add3A_1110] : memref<8240xi32, #tpu.memory_space<vmem>>[vector<16xi32>], vector<16xi32>,
    %add3A_1112 = arith.constant 5 : i32
    %add3A_1113 = vector.broadcast %add3A_1112 : i32 to vector<16xi32>
    %add3A_1114 = arith.addi %add3A_11, %add3A_1113 : vector<16xi32>
    %gather3A_1115 = tpu.vector_load_idx %arg5[%add3A_1114] : memref<8240xi32, #tpu.memory_space<vmem>>[vector<16xi32>], vector<16xi32>,
    %add3A_1116 = arith.constant 6 : i32
    %add3A_1117 = vector.broadcast %add3A_1116 : i32 to vector<16xi32>
    %add3A_1118 = arith.addi %add3A_11, %add3A_1117 : vector<16xi32>
    %gather3A_1119 = tpu.vector_load_idx %arg5[%add3A_1118] : memref<8240xi32, #tpu.memory_space<vmem>>[vector<16xi32>], vector<16xi32>,
    %add3A_1120 = arith.constant 7 : i32
    %add3A_1121 = vector.broadcast %add3A_1120 : i32 to vector<16xi32>
    %add3A_1122 = arith.addi %add3A_11, %add3A_1121 : vector<16xi32>
    %gather3A_1123 = tpu.vector_load_idx %arg5[%add3A_1122] : memref<8240xi32, #tpu.memory_space<vmem>>[vector<16xi32>], vector<16xi32>,
    %mul3A_1124 = arith.constant 4 : i32
    %mul3A_1125 = vector.broadcast %mul3A_1124 : i32 to vector<16xi32>
    %mul3A_1126 = arith.muli %gather3A_1095, %mul3A_1125 : vector<16xi32>
    %add3A_1127 = arith.addi %mul3A_1126, %gather3A_1099 : vector<16xi32>
    %mul3A_1128 = arith.constant 4 : i32
    %mul3A_1129 = vector.broadcast %mul3A_1128 : i32 to vector<16xi32>
    %mul3A_1130 = arith.muli %gather3A_1103, %mul3A_1129 : vector<16xi32>
    %add3A_1131 = arith.addi %mul3A_1130, %gather3A_1107 : vector<16xi32>
    %mul3A_1132 = arith.constant 4 : i32
    %mul3A_1133 = vector.broadcast %mul3A_1132 : i32 to vector<16xi32>
    %mul3A_1134 = arith.muli %gather3A_1111, %mul3A_1133 : vector<16xi32>
    %add3A_1135 = arith.addi %mul3A_1134, %gather3A_1115 : vector<16xi32>
    %mul3A_1136 = arith.constant 4 : i32
    %mul3A_1137 = vector.broadcast %mul3A_1136 : i32 to vector<16xi32>
    %mul3A_1138 = arith.muli %gather3A_1119, %mul3A_1137 : vector<16xi32>
    %add3A_1139 = arith.addi %mul3A_1138, %gather3A_1123 : vector<16xi32>
    %mul3A_1140 = arith.constant 16 : i32
    %mul3A_1141 = vector.broadcast %mul3A_1140 : i32 to vector<16xi32>
    %mul3A_1142 = arith.muli %add3A_1127, %mul3A_1141 : vector<16xi32>
    %add3A_1143 = arith.addi %mul3A_1142, %add3A_1131 : vector<16xi32>
    %mul3A_1144 = arith.constant 256 : i32
    %mul3A_1145 = vector.broadcast %mul3A_1144 : i32 to vector<16xi32>
    %mul3A_1146 = arith.muli %add3A_1143, %mul3A_1145 : vector<16xi32>
    %mul3A_1147 = arith.constant 16 : i32
    %mul3A_1148 = vector.broadcast %mul3A_1147 : i32 to vector<16xi32>
    %mul3A_1149 = arith.muli %add3A_1135, %mul3A_1148 : vector<16xi32>
    %add3A_1150 = arith.addi %mul3A_1149, %add3A_1139 : vector<16xi32>
    %add3A_1151 = arith.addi %mul3A_1146, %add3A_1150 : vector<16xi32>
    %scan3A_1152 = arith.constant 0 : i32
    %scan3A_1153 = arith.constant 257 : i32
    %scan3A_1154 = arith.addi %scan3A_1152, %scan3A_1153 : i32
    %scan3A_1155 = arith.constant 1 : i32
    %scan3A_1156:2 = scf.for %scan3A_1456 = %scan3A_1152 to %scan3A_1154 step %scan3A_1155 iter_args(%scan3A_1457 = %add3A_1091, %scan3A_1458 = %add3A_1151) -> (vector<16xi32>, vector<16xi32>)  : i32 {
      %mul3A_1459 = arith.constant 16 : i32
      %mul3A_1460 = arith.muli %scan3A_1456, %mul3A_1459 : i32
      %swap3A_1461 = arith.index_cast %mul3A_1460 : i32 to index
      %swap3A_1462 = tpu.vector_load %arg6[%swap3A_1461] {strides = array<i32>} : memref<8224xi32, #tpu.memory_space<vmem>>, vector<16xi32>,
      tpu.vector_store %arg6[%swap3A_1461], %scan3A_1457 {strides = array<i32>} : memref<8224xi32, #tpu.memory_space<vmem>>, vector<16xi32>,
      %add3A_1463 = vector.broadcast %scan3A_1456 : i32 to vector<16xi32>
      %add3A_1464 = arith.addi %add3A_11, %add3A_1463 : vector<16xi32>
      %lt3A = arith.constant 8185 : i32
      %lt3A_1465 = vector.broadcast %lt3A : i32 to vector<16xi32>
      %lt3A_1466 = arith.cmpi slt, %add3A_1464, %lt3A_1465 : vector<16xi32>
      %jit3A = arith.constant 65536 : i32
      %broadcast_in_dim3A_1467 = vector.broadcast %jit3A : i32 to vector<16xi32>
      %select_n3A = arith.select %lt3A_1466, %scan3A_1458, %broadcast_in_dim3A_1467 : vector<16xi1>, vector<16xi32>
      %add3A_1468 = arith.constant 257 : i32
      %add3A_1469 = arith.addi %add3A_1468, %scan3A_1456 : i32
      %mul3A_1470 = arith.constant 16 : i32
      %mul3A_1471 = arith.muli %add3A_1469, %mul3A_1470 : i32
      %swap3A_1472 = arith.index_cast %mul3A_1471 : i32 to index
      %swap3A_1473 = tpu.vector_load %arg6[%swap3A_1472] {strides = array<i32>} : memref<8224xi32, #tpu.memory_space<vmem>>, vector<16xi32>,
      tpu.vector_store %arg6[%swap3A_1472], %select_n3A {strides = array<i32>} : memref<8224xi32, #tpu.memory_space<vmem>>, vector<16xi32>,
      %add3A_1474 = vector.broadcast %scan3A_1456 : i32 to vector<16xi32>
      %add3A_1475 = arith.addi %mul3A_8, %add3A_1474 : vector<16xi32>
      %add3A_1476 = arith.constant 8 : i32
      %add3A_1477 = vector.broadcast %add3A_1476 : i32 to vector<16xi32>
      %add3A_1478 = arith.addi %add3A_1475, %add3A_1477 : vector<16xi32>
      %gather3A_1479 = tpu.vector_load_idx %arg5[%add3A_1478] : memref<8240xi32, #tpu.memory_space<vmem>>[vector<16xi32>], vector<16xi32>,
      %add3A_1480 = arith.constant 8 : i32
      %add3A_1481 = vector.broadcast %add3A_1480 : i32 to vector<16xi32>
      %add3A_1482 = arith.addi %add3A_1464, %add3A_1481 : vector<16xi32>
      %gather3A_1483 = tpu.vector_load_idx %arg5[%add3A_1482] : memref<8240xi32, #tpu.memory_space<vmem>>[vector<16xi32>], vector<16xi32>,
      %shift_left3A = arith.constant 2 : i32
      %shift_left3A_1484 = vector.broadcast %shift_left3A : i32 to vector<16xi32>
      %shift_left3A_1485 = arith.shli %scan3A_1457, %shift_left3A_1484 : vector<16xi32>
      %add3A_1486 = arith.addi %shift_left3A_1485, %gather3A_1479 : vector<16xi32>
      %and3A = arith.constant 65535 : i32
      %and3A_1487 = vector.broadcast %and3A : i32 to vector<16xi32>
      %and3A_1488 = arith.andi %add3A_1486, %and3A_1487 : vector<16xi32>
      %shift_left3A_1489 = arith.constant 2 : i32
      %shift_left3A_1490 = vector.broadcast %shift_left3A_1489 : i32 to vector<16xi32>
      %shift_left3A_1491 = arith.shli %scan3A_1458, %shift_left3A_1490 : vector<16xi32>
      %add3A_1492 = arith.addi %shift_left3A_1491, %gather3A_1483 : vector<16xi32>
      %and3A_1493 = arith.constant 65535 : i32
      %and3A_1494 = vector.broadcast %and3A_1493 : i32 to vector<16xi32>
      %and3A_1495 = arith.andi %add3A_1492, %and3A_1494 : vector<16xi32>
      scf.yield %and3A_1488, %and3A_1495 : vector<16xi32>, vector<16xi32>
    }
    %scan3A_1157 = arith.constant 257 : i32
    %dma_wait3A_1158 = arith.constant 0 : i32
    %dma_wait3A_1159 = tpu.memref_slice %arg7[%dma_wait3A_1158] : memref<65792xf32, #tpu.memory_space<vmem>> -> memref<11264xf32, #tpu.memory_space<vmem>>
    %dma_wait3A_1160 = arith.constant 0 : i32
    %dma_wait3A_1161 = tpu.memref_slice %arg3[%add3A_661, %dma_wait3A_1160] : memref<128x65536xf32, #tpu.memory_space<hbm>> -> memref<1x11264xf32, #tpu.memory_space<hbm>>
    %dma_wait3A_1162 = tpu.memref_squeeze %dma_wait3A_1161 : memref<1x11264xf32, #tpu.memory_space<hbm>> -> memref<11264xf32, #tpu.memory_space<hbm>>
    %dma_wait3A_1163 = arith.constant 0 : i32
    %dma_wait3A_1164 = tpu.memref_slice %arg3[%add3A_661, %dma_wait3A_1163] : memref<128x65536xf32, #tpu.memory_space<hbm>> -> memref<1x11264xf32, #tpu.memory_space<hbm>>
    %dma_wait3A_1165 = tpu.memref_squeeze %dma_wait3A_1164 : memref<1x11264xf32, #tpu.memory_space<hbm>> -> memref<11264xf32, #tpu.memory_space<hbm>>
    %dma_wait3A_1166 = arith.constant 0 : i32
    %dma_wait3A_1167 = tpu.memref_slice %arg7[%dma_wait3A_1166] : memref<65792xf32, #tpu.memory_space<vmem>> -> memref<11264xf32, #tpu.memory_space<vmem>>
    tpu.wait_dma2 semaphore(%arg9 : memref<!tpu.dma_semaphore, #tpu.memory_space<semaphore_mem>>) src(%dma_wait3A_1167 : memref<11264xf32, #tpu.memory_space<vmem>>) dst(%dma_wait3A_1165 : memref<11264xf32, #tpu.memory_space<hbm>>)
    %scan3A_1168 = arith.constant 0 : i32
    %scan3A_1169 = arith.constant 0 : i32
    %scan3A_1170 = arith.constant 44 : i32
    %scan3A_1171 = arith.addi %scan3A_1169, %scan3A_1170 : i32
    %scan3A_1172 = arith.constant 1 : i32
    scf.for %scan3A_1456 = %scan3A_1169 to %scan3A_1171 step %scan3A_1172  : i32 {
      %mul3A_1457 = arith.constant 256 : i32
      %mul3A_1458 = arith.muli %scan3A_1456, %mul3A_1457 : i32
      %add3A_1459 = arith.constant 0 : i32
      %add3A_1460 = arith.addi %add3A_1459, %mul3A_1458 : i32
      %add3A_1461 = arith.constant 0 : i32
      %add3A_1462 = arith.addi %add3A_1460, %add3A_1461 : i32
      %swap3A_1463 = arith.index_cast %add3A_1462 : i32 to index
      %swap3A_1464 = tpu.vector_load %arg7[%swap3A_1463] {strides = array<i32>} : memref<65792xf32, #tpu.memory_space<vmem>>, vector<16xf32>,
      tpu.vector_store %arg7[%swap3A_1463], %broadcast_in_dim3A_3 {strides = array<i32>} : memref<65792xf32, #tpu.memory_space<vmem>>, vector<16xf32>,
      %add3A_1465 = arith.constant 16 : i32
      %add3A_1466 = arith.addi %add3A_1460, %add3A_1465 : i32
      %swap3A_1467 = arith.index_cast %add3A_1466 : i32 to index
      %swap3A_1468 = tpu.vector_load %arg7[%swap3A_1467] {strides = array<i32>} : memref<65792xf32, #tpu.memory_space<vmem>>, vector<16xf32>,
      tpu.vector_store %arg7[%swap3A_1467], %broadcast_in_dim3A_3 {strides = array<i32>} : memref<65792xf32, #tpu.memory_space<vmem>>, vector<16xf32>,
      %add3A_1469 = arith.constant 32 : i32
      %add3A_1470 = arith.addi %add3A_1460, %add3A_1469 : i32
      %swap3A_1471 = arith.index_cast %add3A_1470 : i32 to index
      %swap3A_1472 = tpu.vector_load %arg7[%swap3A_1471] {strides = array<i32>} : memref<65792xf32, #tpu.memory_space<vmem>>, vector<16xf32>,
      tpu.vector_store %arg7[%swap3A_1471], %broadcast_in_dim3A_3 {strides = array<i32>} : memref<65792xf32, #tpu.memory_space<vmem>>, vector<16xf32>,
      %add3A_1473 = arith.constant 48 : i32
      %add3A_1474 = arith.addi %add3A_1460, %add3A_1473 : i32
      %swap3A_1475 = arith.index_cast %add3A_1474 : i32 to index
      %swap3A_1476 = tpu.vector_load %arg7[%swap3A_1475] {strides = array<i32>} : memref<65792xf32, #tpu.memory_space<vmem>>, vector<16xf32>,
      tpu.vector_store %arg7[%swap3A_1475], %broadcast_in_dim3A_3 {strides = array<i32>} : memref<65792xf32, #tpu.memory_space<vmem>>, vector<16xf32>,
      %add3A_1477 = arith.constant 64 : i32
      %add3A_1478 = arith.addi %add3A_1460, %add3A_1477 : i32
      %swap3A_1479 = arith.index_cast %add3A_1478 : i32 to index
      %swap3A_1480 = tpu.vector_load %arg7[%swap3A_1479] {strides = array<i32>} : memref<65792xf32, #tpu.memory_space<vmem>>, vector<16xf32>,
      tpu.vector_store %arg7[%swap3A_1479], %broadcast_in_dim3A_3 {strides = array<i32>} : memref<65792xf32, #tpu.memory_space<vmem>>, vector<16xf32>,
      %add3A_1481 = arith.constant 80 : i32
      %add3A_1482 = arith.addi %add3A_1460, %add3A_1481 : i32
      %swap3A_1483 = arith.index_cast %add3A_1482 : i32 to index
      %swap3A_1484 = tpu.vector_load %arg7[%swap3A_1483] {strides = array<i32>} : memref<65792xf32, #tpu.memory_space<vmem>>, vector<16xf32>,
      tpu.vector_store %arg7[%swap3A_1483], %broadcast_in_dim3A_3 {strides = array<i32>} : memref<65792xf32, #tpu.memory_space<vmem>>, vector<16xf32>,
      %add3A_1485 = arith.constant 96 : i32
      %add3A_1486 = arith.addi %add3A_1460, %add3A_1485 : i32
      %swap3A_1487 = arith.index_cast %add3A_1486 : i32 to index
      %swap3A_1488 = tpu.vector_load %arg7[%swap3A_1487] {strides = array<i32>} : memref<65792xf32, #tpu.memory_space<vmem>>, vector<16xf32>,
      tpu.vector_store %arg7[%swap3A_1487], %broadcast_in_dim3A_3 {strides = array<i32>} : memref<65792xf32, #tpu.memory_space<vmem>>, vector<16xf32>,
      %add3A_1489 = arith.constant 112 : i32
      %add3A_1490 = arith.addi %add3A_1460, %add3A_1489 : i32
      %swap3A_1491 = arith.index_cast %add3A_1490 : i32 to index
      %swap3A_1492 = tpu.vector_load %arg7[%swap3A_1491] {strides = array<i32>} : memref<65792xf32, #tpu.memory_space<vmem>>, vector<16xf32>,
      tpu.vector_store %arg7[%swap3A_1491], %broadcast_in_dim3A_3 {strides = array<i32>} : memref<65792xf32, #tpu.memory_space<vmem>>, vector<16xf32>,
      %add3A_1493 = arith.constant 128 : i32
      %add3A_1494 = arith.addi %add3A_1460, %add3A_1493 : i32
      %swap3A_1495 = arith.index_cast %add3A_1494 : i32 to index
      %swap3A_1496 = tpu.vector_load %arg7[%swap3A_1495] {strides = array<i32>} : memref<65792xf32, #tpu.memory_space<vmem>>, vector<16xf32>,
      tpu.vector_store %arg7[%swap3A_1495], %broadcast_in_dim3A_3 {strides = array<i32>} : memref<65792xf32, #tpu.memory_space<vmem>>, vector<16xf32>,
      %add3A_1497 = arith.constant 144 : i32
      %add3A_1498 = arith.addi %add3A_1460, %add3A_1497 : i32
      %swap3A_1499 = arith.index_cast %add3A_1498 : i32 to index
      %swap3A_1500 = tpu.vector_load %arg7[%swap3A_1499] {strides = array<i32>} : memref<65792xf32, #tpu.memory_space<vmem>>, vector<16xf32>,
      tpu.vector_store %arg7[%swap3A_1499], %broadcast_in_dim3A_3 {strides = array<i32>} : memref<65792xf32, #tpu.memory_space<vmem>>, vector<16xf32>,
      %add3A_1501 = arith.constant 160 : i32
      %add3A_1502 = arith.addi %add3A_1460, %add3A_1501 : i32
      %swap3A_1503 = arith.index_cast %add3A_1502 : i32 to index
      %swap3A_1504 = tpu.vector_load %arg7[%swap3A_1503] {strides = array<i32>} : memref<65792xf32, #tpu.memory_space<vmem>>, vector<16xf32>,
      tpu.vector_store %arg7[%swap3A_1503], %broadcast_in_dim3A_3 {strides = array<i32>} : memref<65792xf32, #tpu.memory_space<vmem>>, vector<16xf32>,
      %add3A_1505 = arith.constant 176 : i32
      %add3A_1506 = arith.addi %add3A_1460, %add3A_1505 : i32
      %swap3A_1507 = arith.index_cast %add3A_1506 : i32 to index
      %swap3A_1508 = tpu.vector_load %arg7[%swap3A_1507] {strides = array<i32>} : memref<65792xf32, #tpu.memory_space<vmem>>, vector<16xf32>,
      tpu.vector_store %arg7[%swap3A_1507], %broadcast_in_dim3A_3 {strides = array<i32>} : memref<65792xf32, #tpu.memory_space<vmem>>, vector<16xf32>,
      %add3A_1509 = arith.constant 192 : i32
      %add3A_1510 = arith.addi %add3A_1460, %add3A_1509 : i32
      %swap3A_1511 = arith.index_cast %add3A_1510 : i32 to index
      %swap3A_1512 = tpu.vector_load %arg7[%swap3A_1511] {strides = array<i32>} : memref<65792xf32, #tpu.memory_space<vmem>>, vector<16xf32>,
      tpu.vector_store %arg7[%swap3A_1511], %broadcast_in_dim3A_3 {strides = array<i32>} : memref<65792xf32, #tpu.memory_space<vmem>>, vector<16xf32>,
      %add3A_1513 = arith.constant 208 : i32
      %add3A_1514 = arith.addi %add3A_1460, %add3A_1513 : i32
      %swap3A_1515 = arith.index_cast %add3A_1514 : i32 to index
      %swap3A_1516 = tpu.vector_load %arg7[%swap3A_1515] {strides = array<i32>} : memref<65792xf32, #tpu.memory_space<vmem>>, vector<16xf32>,
      tpu.vector_store %arg7[%swap3A_1515], %broadcast_in_dim3A_3 {strides = array<i32>} : memref<65792xf32, #tpu.memory_space<vmem>>, vector<16xf32>,
      %add3A_1517 = arith.constant 224 : i32
      %add3A_1518 = arith.addi %add3A_1460, %add3A_1517 : i32
      %swap3A_1519 = arith.index_cast %add3A_1518 : i32 to index
      %swap3A_1520 = tpu.vector_load %arg7[%swap3A_1519] {strides = array<i32>} : memref<65792xf32, #tpu.memory_space<vmem>>, vector<16xf32>,
      tpu.vector_store %arg7[%swap3A_1519], %broadcast_in_dim3A_3 {strides = array<i32>} : memref<65792xf32, #tpu.memory_space<vmem>>, vector<16xf32>,
      %add3A_1521 = arith.constant 240 : i32
      %add3A_1522 = arith.addi %add3A_1460, %add3A_1521 : i32
      %swap3A_1523 = arith.index_cast %add3A_1522 : i32 to index
      %swap3A_1524 = tpu.vector_load %arg7[%swap3A_1523] {strides = array<i32>} : memref<65792xf32, #tpu.memory_space<vmem>>, vector<16xf32>,
      tpu.vector_store %arg7[%swap3A_1523], %broadcast_in_dim3A_3 {strides = array<i32>} : memref<65792xf32, #tpu.memory_space<vmem>>, vector<16xf32>,
    }
    %scan3A_1173 = arith.constant 44 : i32
    %dma_wait3A_1174 = arith.constant 11264 : i32
    %dma_wait3A_1175 = tpu.memref_slice %arg7[%dma_wait3A_1174] : memref<65792xf32, #tpu.memory_space<vmem>> -> memref<11264xf32, #tpu.memory_space<vmem>>
    %dma_wait3A_1176 = arith.constant 11264 : i32
    %dma_wait3A_1177 = tpu.memref_slice %arg3[%add3A_661, %dma_wait3A_1176] : memref<128x65536xf32, #tpu.memory_space<hbm>> -> memref<1x11264xf32, #tpu.memory_space<hbm>>
    %dma_wait3A_1178 = tpu.memref_squeeze %dma_wait3A_1177 : memref<1x11264xf32, #tpu.memory_space<hbm>> -> memref<11264xf32, #tpu.memory_space<hbm>>
    %dma_wait3A_1179 = arith.constant 11264 : i32
    %dma_wait3A_1180 = tpu.memref_slice %arg3[%add3A_661, %dma_wait3A_1179] : memref<128x65536xf32, #tpu.memory_space<hbm>> -> memref<1x11264xf32, #tpu.memory_space<hbm>>
    %dma_wait3A_1181 = tpu.memref_squeeze %dma_wait3A_1180 : memref<1x11264xf32, #tpu.memory_space<hbm>> -> memref<11264xf32, #tpu.memory_space<hbm>>
    %dma_wait3A_1182 = arith.constant 11264 : i32
    %dma_wait3A_1183 = tpu.memref_slice %arg7[%dma_wait3A_1182] : memref<65792xf32, #tpu.memory_space<vmem>> -> memref<11264xf32, #tpu.memory_space<vmem>>
    tpu.wait_dma2 semaphore(%arg10 : memref<!tpu.dma_semaphore, #tpu.memory_space<semaphore_mem>>) src(%dma_wait3A_1183 : memref<11264xf32, #tpu.memory_space<vmem>>) dst(%dma_wait3A_1181 : memref<11264xf32, #tpu.memory_space<hbm>>)
    %scan3A_1184 = arith.constant 0 : i32
    %scan3A_1185 = arith.constant 0 : i32
    %scan3A_1186 = arith.constant 44 : i32
    %scan3A_1187 = arith.addi %scan3A_1185, %scan3A_1186 : i32
    %scan3A_1188 = arith.constant 1 : i32
    scf.for %scan3A_1456 = %scan3A_1185 to %scan3A_1187 step %scan3A_1188  : i32 {
      %mul3A_1457 = arith.constant 256 : i32
      %mul3A_1458 = arith.muli %scan3A_1456, %mul3A_1457 : i32
      %add3A_1459 = arith.constant 11264 : i32
      %add3A_1460 = arith.addi %add3A_1459, %mul3A_1458 : i32
      %add3A_1461 = arith.constant 0 : i32
      %add3A_1462 = arith.addi %add3A_1460, %add3A_1461 : i32
      %swap3A_1463 = arith.index_cast %add3A_1462 : i32 to index
      %swap3A_1464 = tpu.vector_load %arg7[%swap3A_1463] {strides = array<i32>} : memref<65792xf32, #tpu.memory_space<vmem>>, vector<16xf32>,
      tpu.vector_store %arg7[%swap3A_1463], %broadcast_in_dim3A_3 {strides = array<i32>} : memref<65792xf32, #tpu.memory_space<vmem>>, vector<16xf32>,
      %add3A_1465 = arith.constant 16 : i32
      %add3A_1466 = arith.addi %add3A_1460, %add3A_1465 : i32
      %swap3A_1467 = arith.index_cast %add3A_1466 : i32 to index
      %swap3A_1468 = tpu.vector_load %arg7[%swap3A_1467] {strides = array<i32>} : memref<65792xf32, #tpu.memory_space<vmem>>, vector<16xf32>,
      tpu.vector_store %arg7[%swap3A_1467], %broadcast_in_dim3A_3 {strides = array<i32>} : memref<65792xf32, #tpu.memory_space<vmem>>, vector<16xf32>,
      %add3A_1469 = arith.constant 32 : i32
      %add3A_1470 = arith.addi %add3A_1460, %add3A_1469 : i32
      %swap3A_1471 = arith.index_cast %add3A_1470 : i32 to index
      %swap3A_1472 = tpu.vector_load %arg7[%swap3A_1471] {strides = array<i32>} : memref<65792xf32, #tpu.memory_space<vmem>>, vector<16xf32>,
      tpu.vector_store %arg7[%swap3A_1471], %broadcast_in_dim3A_3 {strides = array<i32>} : memref<65792xf32, #tpu.memory_space<vmem>>, vector<16xf32>,
      %add3A_1473 = arith.constant 48 : i32
      %add3A_1474 = arith.addi %add3A_1460, %add3A_1473 : i32
      %swap3A_1475 = arith.index_cast %add3A_1474 : i32 to index
      %swap3A_1476 = tpu.vector_load %arg7[%swap3A_1475] {strides = array<i32>} : memref<65792xf32, #tpu.memory_space<vmem>>, vector<16xf32>,
      tpu.vector_store %arg7[%swap3A_1475], %broadcast_in_dim3A_3 {strides = array<i32>} : memref<65792xf32, #tpu.memory_space<vmem>>, vector<16xf32>,
      %add3A_1477 = arith.constant 64 : i32
      %add3A_1478 = arith.addi %add3A_1460, %add3A_1477 : i32
      %swap3A_1479 = arith.index_cast %add3A_1478 : i32 to index
      %swap3A_1480 = tpu.vector_load %arg7[%swap3A_1479] {strides = array<i32>} : memref<65792xf32, #tpu.memory_space<vmem>>, vector<16xf32>,
      tpu.vector_store %arg7[%swap3A_1479], %broadcast_in_dim3A_3 {strides = array<i32>} : memref<65792xf32, #tpu.memory_space<vmem>>, vector<16xf32>,
      %add3A_1481 = arith.constant 80 : i32
      %add3A_1482 = arith.addi %add3A_1460, %add3A_1481 : i32
      %swap3A_1483 = arith.index_cast %add3A_1482 : i32 to index
      %swap3A_1484 = tpu.vector_load %arg7[%swap3A_1483] {strides = array<i32>} : memref<65792xf32, #tpu.memory_space<vmem>>, vector<16xf32>,
      tpu.vector_store %arg7[%swap3A_1483], %broadcast_in_dim3A_3 {strides = array<i32>} : memref<65792xf32, #tpu.memory_space<vmem>>, vector<16xf32>,
      %add3A_1485 = arith.constant 96 : i32
      %add3A_1486 = arith.addi %add3A_1460, %add3A_1485 : i32
      %swap3A_1487 = arith.index_cast %add3A_1486 : i32 to index
      %swap3A_1488 = tpu.vector_load %arg7[%swap3A_1487] {strides = array<i32>} : memref<65792xf32, #tpu.memory_space<vmem>>, vector<16xf32>,
      tpu.vector_store %arg7[%swap3A_1487], %broadcast_in_dim3A_3 {strides = array<i32>} : memref<65792xf32, #tpu.memory_space<vmem>>, vector<16xf32>,
      %add3A_1489 = arith.constant 112 : i32
      %add3A_1490 = arith.addi %add3A_1460, %add3A_1489 : i32
      %swap3A_1491 = arith.index_cast %add3A_1490 : i32 to index
      %swap3A_1492 = tpu.vector_load %arg7[%swap3A_1491] {strides = array<i32>} : memref<65792xf32, #tpu.memory_space<vmem>>, vector<16xf32>,
      tpu.vector_store %arg7[%swap3A_1491], %broadcast_in_dim3A_3 {strides = array<i32>} : memref<65792xf32, #tpu.memory_space<vmem>>, vector<16xf32>,
      %add3A_1493 = arith.constant 128 : i32
      %add3A_1494 = arith.addi %add3A_1460, %add3A_1493 : i32
      %swap3A_1495 = arith.index_cast %add3A_1494 : i32 to index
      %swap3A_1496 = tpu.vector_load %arg7[%swap3A_1495] {strides = array<i32>} : memref<65792xf32, #tpu.memory_space<vmem>>, vector<16xf32>,
      tpu.vector_store %arg7[%swap3A_1495], %broadcast_in_dim3A_3 {strides = array<i32>} : memref<65792xf32, #tpu.memory_space<vmem>>, vector<16xf32>,
      %add3A_1497 = arith.constant 144 : i32
      %add3A_1498 = arith.addi %add3A_1460, %add3A_1497 : i32
      %swap3A_1499 = arith.index_cast %add3A_1498 : i32 to index
      %swap3A_1500 = tpu.vector_load %arg7[%swap3A_1499] {strides = array<i32>} : memref<65792xf32, #tpu.memory_space<vmem>>, vector<16xf32>,
      tpu.vector_store %arg7[%swap3A_1499], %broadcast_in_dim3A_3 {strides = array<i32>} : memref<65792xf32, #tpu.memory_space<vmem>>, vector<16xf32>,
      %add3A_1501 = arith.constant 160 : i32
      %add3A_1502 = arith.addi %add3A_1460, %add3A_1501 : i32
      %swap3A_1503 = arith.index_cast %add3A_1502 : i32 to index
      %swap3A_1504 = tpu.vector_load %arg7[%swap3A_1503] {strides = array<i32>} : memref<65792xf32, #tpu.memory_space<vmem>>, vector<16xf32>,
      tpu.vector_store %arg7[%swap3A_1503], %broadcast_in_dim3A_3 {strides = array<i32>} : memref<65792xf32, #tpu.memory_space<vmem>>, vector<16xf32>,
      %add3A_1505 = arith.constant 176 : i32
      %add3A_1506 = arith.addi %add3A_1460, %add3A_1505 : i32
      %swap3A_1507 = arith.index_cast %add3A_1506 : i32 to index
      %swap3A_1508 = tpu.vector_load %arg7[%swap3A_1507] {strides = array<i32>} : memref<65792xf32, #tpu.memory_space<vmem>>, vector<16xf32>,
      tpu.vector_store %arg7[%swap3A_1507], %broadcast_in_dim3A_3 {strides = array<i32>} : memref<65792xf32, #tpu.memory_space<vmem>>, vector<16xf32>,
      %add3A_1509 = arith.constant 192 : i32
      %add3A_1510 = arith.addi %add3A_1460, %add3A_1509 : i32
      %swap3A_1511 = arith.index_cast %add3A_1510 : i32 to index
      %swap3A_1512 = tpu.vector_load %arg7[%swap3A_1511] {strides = array<i32>} : memref<65792xf32, #tpu.memory_space<vmem>>, vector<16xf32>,
      tpu.vector_store %arg7[%swap3A_1511], %broadcast_in_dim3A_3 {strides = array<i32>} : memref<65792xf32, #tpu.memory_space<vmem>>, vector<16xf32>,
      %add3A_1513 = arith.constant 208 : i32
      %add3A_1514 = arith.addi %add3A_1460, %add3A_1513 : i32
      %swap3A_1515 = arith.index_cast %add3A_1514 : i32 to index
      %swap3A_1516 = tpu.vector_load %arg7[%swap3A_1515] {strides = array<i32>} : memref<65792xf32, #tpu.memory_space<vmem>>, vector<16xf32>,
      tpu.vector_store %arg7[%swap3A_1515], %broadcast_in_dim3A_3 {strides = array<i32>} : memref<65792xf32, #tpu.memory_space<vmem>>, vector<16xf32>,
      %add3A_1517 = arith.constant 224 : i32
      %add3A_1518 = arith.addi %add3A_1460, %add3A_1517 : i32
      %swap3A_1519 = arith.index_cast %add3A_1518 : i32 to index
      %swap3A_1520 = tpu.vector_load %arg7[%swap3A_1519] {strides = array<i32>} : memref<65792xf32, #tpu.memory_space<vmem>>, vector<16xf32>,
      tpu.vector_store %arg7[%swap3A_1519], %broadcast_in_dim3A_3 {strides = array<i32>} : memref<65792xf32, #tpu.memory_space<vmem>>, vector<16xf32>,
      %add3A_1521 = arith.constant 240 : i32
      %add3A_1522 = arith.addi %add3A_1460, %add3A_1521 : i32
      %swap3A_1523 = arith.index_cast %add3A_1522 : i32 to index
      %swap3A_1524 = tpu.vector_load %arg7[%swap3A_1523] {strides = array<i32>} : memref<65792xf32, #tpu.memory_space<vmem>>, vector<16xf32>,
      tpu.vector_store %arg7[%swap3A_1523], %broadcast_in_dim3A_3 {strides = array<i32>} : memref<65792xf32, #tpu.memory_space<vmem>>, vector<16xf32>,
    }
    %scan3A_1189 = arith.constant 44 : i32
    %dma_wait3A_1190 = arith.constant 22528 : i32
    %dma_wait3A_1191 = tpu.memref_slice %arg7[%dma_wait3A_1190] : memref<65792xf32, #tpu.memory_space<vmem>> -> memref<11264xf32, #tpu.memory_space<vmem>>
    %dma_wait3A_1192 = arith.constant 22528 : i32
    %dma_wait3A_1193 = tpu.memref_slice %arg3[%add3A_661, %dma_wait3A_1192] : memref<128x65536xf32, #tpu.memory_space<hbm>> -> memref<1x11264xf32, #tpu.memory_space<hbm>>
    %dma_wait3A_1194 = tpu.memref_squeeze %dma_wait3A_1193 : memref<1x11264xf32, #tpu.memory_space<hbm>> -> memref<11264xf32, #tpu.memory_space<hbm>>
    %dma_wait3A_1195 = arith.constant 22528 : i32
    %dma_wait3A_1196 = tpu.memref_slice %arg3[%add3A_661, %dma_wait3A_1195] : memref<128x65536xf32, #tpu.memory_space<hbm>> -> memref<1x11264xf32, #tpu.memory_space<hbm>>
    %dma_wait3A_1197 = tpu.memref_squeeze %dma_wait3A_1196 : memref<1x11264xf32, #tpu.memory_space<hbm>> -> memref<11264xf32, #tpu.memory_space<hbm>>
    %dma_wait3A_1198 = arith.constant 22528 : i32
    %dma_wait3A_1199 = tpu.memref_slice %arg7[%dma_wait3A_1198] : memref<65792xf32, #tpu.memory_space<vmem>> -> memref<11264xf32, #tpu.memory_space<vmem>>
    tpu.wait_dma2 semaphore(%arg11 : memref<!tpu.dma_semaphore, #tpu.memory_space<semaphore_mem>>) src(%dma_wait3A_1199 : memref<11264xf32, #tpu.memory_space<vmem>>) dst(%dma_wait3A_1197 : memref<11264xf32, #tpu.memory_space<hbm>>)
    %scan3A_1200 = arith.constant 0 : i32
    %scan3A_1201 = arith.constant 0 : i32
    %scan3A_1202 = arith.constant 44 : i32
    %scan3A_1203 = arith.addi %scan3A_1201, %scan3A_1202 : i32
    %scan3A_1204 = arith.constant 1 : i32
    scf.for %scan3A_1456 = %scan3A_1201 to %scan3A_1203 step %scan3A_1204  : i32 {
      %mul3A_1457 = arith.constant 256 : i32
      %mul3A_1458 = arith.muli %scan3A_1456, %mul3A_1457 : i32
      %add3A_1459 = arith.constant 22528 : i32
      %add3A_1460 = arith.addi %add3A_1459, %mul3A_1458 : i32
      %add3A_1461 = arith.constant 0 : i32
      %add3A_1462 = arith.addi %add3A_1460, %add3A_1461 : i32
      %swap3A_1463 = arith.index_cast %add3A_1462 : i32 to index
      %swap3A_1464 = tpu.vector_load %arg7[%swap3A_1463] {strides = array<i32>} : memref<65792xf32, #tpu.memory_space<vmem>>, vector<16xf32>,
      tpu.vector_store %arg7[%swap3A_1463], %broadcast_in_dim3A_3 {strides = array<i32>} : memref<65792xf32, #tpu.memory_space<vmem>>, vector<16xf32>,
      %add3A_1465 = arith.constant 16 : i32
      %add3A_1466 = arith.addi %add3A_1460, %add3A_1465 : i32
      %swap3A_1467 = arith.index_cast %add3A_1466 : i32 to index
      %swap3A_1468 = tpu.vector_load %arg7[%swap3A_1467] {strides = array<i32>} : memref<65792xf32, #tpu.memory_space<vmem>>, vector<16xf32>,
      tpu.vector_store %arg7[%swap3A_1467], %broadcast_in_dim3A_3 {strides = array<i32>} : memref<65792xf32, #tpu.memory_space<vmem>>, vector<16xf32>,
      %add3A_1469 = arith.constant 32 : i32
      %add3A_1470 = arith.addi %add3A_1460, %add3A_1469 : i32
      %swap3A_1471 = arith.index_cast %add3A_1470 : i32 to index
      %swap3A_1472 = tpu.vector_load %arg7[%swap3A_1471] {strides = array<i32>} : memref<65792xf32, #tpu.memory_space<vmem>>, vector<16xf32>,
      tpu.vector_store %arg7[%swap3A_1471], %broadcast_in_dim3A_3 {strides = array<i32>} : memref<65792xf32, #tpu.memory_space<vmem>>, vector<16xf32>,
      %add3A_1473 = arith.constant 48 : i32
      %add3A_1474 = arith.addi %add3A_1460, %add3A_1473 : i32
      %swap3A_1475 = arith.index_cast %add3A_1474 : i32 to index
      %swap3A_1476 = tpu.vector_load %arg7[%swap3A_1475] {strides = array<i32>} : memref<65792xf32, #tpu.memory_space<vmem>>, vector<16xf32>,
      tpu.vector_store %arg7[%swap3A_1475], %broadcast_in_dim3A_3 {strides = array<i32>} : memref<65792xf32, #tpu.memory_space<vmem>>, vector<16xf32>,
      %add3A_1477 = arith.constant 64 : i32
      %add3A_1478 = arith.addi %add3A_1460, %add3A_1477 : i32
      %swap3A_1479 = arith.index_cast %add3A_1478 : i32 to index
      %swap3A_1480 = tpu.vector_load %arg7[%swap3A_1479] {strides = array<i32>} : memref<65792xf32, #tpu.memory_space<vmem>>, vector<16xf32>,
      tpu.vector_store %arg7[%swap3A_1479], %broadcast_in_dim3A_3 {strides = array<i32>} : memref<65792xf32, #tpu.memory_space<vmem>>, vector<16xf32>,
      %add3A_1481 = arith.constant 80 : i32
      %add3A_1482 = arith.addi %add3A_1460, %add3A_1481 : i32
      %swap3A_1483 = arith.index_cast %add3A_1482 : i32 to index
      %swap3A_1484 = tpu.vector_load %arg7[%swap3A_1483] {strides = array<i32>} : memref<65792xf32, #tpu.memory_space<vmem>>, vector<16xf32>,
      tpu.vector_store %arg7[%swap3A_1483], %broadcast_in_dim3A_3 {strides = array<i32>} : memref<65792xf32, #tpu.memory_space<vmem>>, vector<16xf32>,
      %add3A_1485 = arith.constant 96 : i32
      %add3A_1486 = arith.addi %add3A_1460, %add3A_1485 : i32
      %swap3A_1487 = arith.index_cast %add3A_1486 : i32 to index
      %swap3A_1488 = tpu.vector_load %arg7[%swap3A_1487] {strides = array<i32>} : memref<65792xf32, #tpu.memory_space<vmem>>, vector<16xf32>,
      tpu.vector_store %arg7[%swap3A_1487], %broadcast_in_dim3A_3 {strides = array<i32>} : memref<65792xf32, #tpu.memory_space<vmem>>, vector<16xf32>,
      %add3A_1489 = arith.constant 112 : i32
      %add3A_1490 = arith.addi %add3A_1460, %add3A_1489 : i32
      %swap3A_1491 = arith.index_cast %add3A_1490 : i32 to index
      %swap3A_1492 = tpu.vector_load %arg7[%swap3A_1491] {strides = array<i32>} : memref<65792xf32, #tpu.memory_space<vmem>>, vector<16xf32>,
      tpu.vector_store %arg7[%swap3A_1491], %broadcast_in_dim3A_3 {strides = array<i32>} : memref<65792xf32, #tpu.memory_space<vmem>>, vector<16xf32>,
      %add3A_1493 = arith.constant 128 : i32
      %add3A_1494 = arith.addi %add3A_1460, %add3A_1493 : i32
      %swap3A_1495 = arith.index_cast %add3A_1494 : i32 to index
      %swap3A_1496 = tpu.vector_load %arg7[%swap3A_1495] {strides = array<i32>} : memref<65792xf32, #tpu.memory_space<vmem>>, vector<16xf32>,
      tpu.vector_store %arg7[%swap3A_1495], %broadcast_in_dim3A_3 {strides = array<i32>} : memref<65792xf32, #tpu.memory_space<vmem>>, vector<16xf32>,
      %add3A_1497 = arith.constant 144 : i32
      %add3A_1498 = arith.addi %add3A_1460, %add3A_1497 : i32
      %swap3A_1499 = arith.index_cast %add3A_1498 : i32 to index
      %swap3A_1500 = tpu.vector_load %arg7[%swap3A_1499] {strides = array<i32>} : memref<65792xf32, #tpu.memory_space<vmem>>, vector<16xf32>,
      tpu.vector_store %arg7[%swap3A_1499], %broadcast_in_dim3A_3 {strides = array<i32>} : memref<65792xf32, #tpu.memory_space<vmem>>, vector<16xf32>,
      %add3A_1501 = arith.constant 160 : i32
      %add3A_1502 = arith.addi %add3A_1460, %add3A_1501 : i32
      %swap3A_1503 = arith.index_cast %add3A_1502 : i32 to index
      %swap3A_1504 = tpu.vector_load %arg7[%swap3A_1503] {strides = array<i32>} : memref<65792xf32, #tpu.memory_space<vmem>>, vector<16xf32>,
      tpu.vector_store %arg7[%swap3A_1503], %broadcast_in_dim3A_3 {strides = array<i32>} : memref<65792xf32, #tpu.memory_space<vmem>>, vector<16xf32>,
      %add3A_1505 = arith.constant 176 : i32
      %add3A_1506 = arith.addi %add3A_1460, %add3A_1505 : i32
      %swap3A_1507 = arith.index_cast %add3A_1506 : i32 to index
      %swap3A_1508 = tpu.vector_load %arg7[%swap3A_1507] {strides = array<i32>} : memref<65792xf32, #tpu.memory_space<vmem>>, vector<16xf32>,
      tpu.vector_store %arg7[%swap3A_1507], %broadcast_in_dim3A_3 {strides = array<i32>} : memref<65792xf32, #tpu.memory_space<vmem>>, vector<16xf32>,
      %add3A_1509 = arith.constant 192 : i32
      %add3A_1510 = arith.addi %add3A_1460, %add3A_1509 : i32
      %swap3A_1511 = arith.index_cast %add3A_1510 : i32 to index
      %swap3A_1512 = tpu.vector_load %arg7[%swap3A_1511] {strides = array<i32>} : memref<65792xf32, #tpu.memory_space<vmem>>, vector<16xf32>,
      tpu.vector_store %arg7[%swap3A_1511], %broadcast_in_dim3A_3 {strides = array<i32>} : memref<65792xf32, #tpu.memory_space<vmem>>, vector<16xf32>,
      %add3A_1513 = arith.constant 208 : i32
      %add3A_1514 = arith.addi %add3A_1460, %add3A_1513 : i32
      %swap3A_1515 = arith.index_cast %add3A_1514 : i32 to index
      %swap3A_1516 = tpu.vector_load %arg7[%swap3A_1515] {strides = array<i32>} : memref<65792xf32, #tpu.memory_space<vmem>>, vector<16xf32>,
      tpu.vector_store %arg7[%swap3A_1515], %broadcast_in_dim3A_3 {strides = array<i32>} : memref<65792xf32, #tpu.memory_space<vmem>>, vector<16xf32>,
      %add3A_1517 = arith.constant 224 : i32
      %add3A_1518 = arith.addi %add3A_1460, %add3A_1517 : i32
      %swap3A_1519 = arith.index_cast %add3A_1518 : i32 to index
      %swap3A_1520 = tpu.vector_load %arg7[%swap3A_1519] {strides = array<i32>} : memref<65792xf32, #tpu.memory_space<vmem>>, vector<16xf32>,
      tpu.vector_store %arg7[%swap3A_1519], %broadcast_in_dim3A_3 {strides = array<i32>} : memref<65792xf32, #tpu.memory_space<vmem>>, vector<16xf32>,
      %add3A_1521 = arith.constant 240 : i32
      %add3A_1522 = arith.addi %add3A_1460, %add3A_1521 : i32
      %swap3A_1523 = arith.index_cast %add3A_1522 : i32 to index
      %swap3A_1524 = tpu.vector_load %arg7[%swap3A_1523] {strides = array<i32>} : memref<65792xf32, #tpu.memory_space<vmem>>, vector<16xf32>,
      tpu.vector_store %arg7[%swap3A_1523], %broadcast_in_dim3A_3 {strides = array<i32>} : memref<65792xf32, #tpu.memory_space<vmem>>, vector<16xf32>,
    }
    %scan3A_1205 = arith.constant 44 : i32
    %dma_wait3A_1206 = arith.constant 33792 : i32
    %dma_wait3A_1207 = tpu.memref_slice %arg7[%dma_wait3A_1206] : memref<65792xf32, #tpu.memory_space<vmem>> -> memref<11264xf32, #tpu.memory_space<vmem>>
    %dma_wait3A_1208 = arith.constant 33792 : i32
    %dma_wait3A_1209 = tpu.memref_slice %arg3[%add3A_661, %dma_wait3A_1208] : memref<128x65536xf32, #tpu.memory_space<hbm>> -> memref<1x11264xf32, #tpu.memory_space<hbm>>
    %dma_wait3A_1210 = tpu.memref_squeeze %dma_wait3A_1209 : memref<1x11264xf32, #tpu.memory_space<hbm>> -> memref<11264xf32, #tpu.memory_space<hbm>>
    %dma_wait3A_1211 = arith.constant 33792 : i32
    %dma_wait3A_1212 = tpu.memref_slice %arg3[%add3A_661, %dma_wait3A_1211] : memref<128x65536xf32, #tpu.memory_space<hbm>> -> memref<1x11264xf32, #tpu.memory_space<hbm>>
    %dma_wait3A_1213 = tpu.memref_squeeze %dma_wait3A_1212 : memref<1x11264xf32, #tpu.memory_space<hbm>> -> memref<11264xf32, #tpu.memory_space<hbm>>
    %dma_wait3A_1214 = arith.constant 33792 : i32
    %dma_wait3A_1215 = tpu.memref_slice %arg7[%dma_wait3A_1214] : memref<65792xf32, #tpu.memory_space<vmem>> -> memref<11264xf32, #tpu.memory_space<vmem>>
    tpu.wait_dma2 semaphore(%arg12 : memref<!tpu.dma_semaphore, #tpu.memory_space<semaphore_mem>>) src(%dma_wait3A_1215 : memref<11264xf32, #tpu.memory_space<vmem>>) dst(%dma_wait3A_1213 : memref<11264xf32, #tpu.memory_space<hbm>>)
    %scan3A_1216 = arith.constant 0 : i32
    %scan3A_1217 = arith.constant 0 : i32
    %scan3A_1218 = arith.constant 44 : i32
    %scan3A_1219 = arith.addi %scan3A_1217, %scan3A_1218 : i32
    %scan3A_1220 = arith.constant 1 : i32
    scf.for %scan3A_1456 = %scan3A_1217 to %scan3A_1219 step %scan3A_1220  : i32 {
      %mul3A_1457 = arith.constant 256 : i32
      %mul3A_1458 = arith.muli %scan3A_1456, %mul3A_1457 : i32
      %add3A_1459 = arith.constant 33792 : i32
      %add3A_1460 = arith.addi %add3A_1459, %mul3A_1458 : i32
      %add3A_1461 = arith.constant 0 : i32
      %add3A_1462 = arith.addi %add3A_1460, %add3A_1461 : i32
      %swap3A_1463 = arith.index_cast %add3A_1462 : i32 to index
      %swap3A_1464 = tpu.vector_load %arg7[%swap3A_1463] {strides = array<i32>} : memref<65792xf32, #tpu.memory_space<vmem>>, vector<16xf32>,
      tpu.vector_store %arg7[%swap3A_1463], %broadcast_in_dim3A_3 {strides = array<i32>} : memref<65792xf32, #tpu.memory_space<vmem>>, vector<16xf32>,
      %add3A_1465 = arith.constant 16 : i32
      %add3A_1466 = arith.addi %add3A_1460, %add3A_1465 : i32
      %swap3A_1467 = arith.index_cast %add3A_1466 : i32 to index
      %swap3A_1468 = tpu.vector_load %arg7[%swap3A_1467] {strides = array<i32>} : memref<65792xf32, #tpu.memory_space<vmem>>, vector<16xf32>,
      tpu.vector_store %arg7[%swap3A_1467], %broadcast_in_dim3A_3 {strides = array<i32>} : memref<65792xf32, #tpu.memory_space<vmem>>, vector<16xf32>,
      %add3A_1469 = arith.constant 32 : i32
      %add3A_1470 = arith.addi %add3A_1460, %add3A_1469 : i32
      %swap3A_1471 = arith.index_cast %add3A_1470 : i32 to index
      %swap3A_1472 = tpu.vector_load %arg7[%swap3A_1471] {strides = array<i32>} : memref<65792xf32, #tpu.memory_space<vmem>>, vector<16xf32>,
      tpu.vector_store %arg7[%swap3A_1471], %broadcast_in_dim3A_3 {strides = array<i32>} : memref<65792xf32, #tpu.memory_space<vmem>>, vector<16xf32>,
      %add3A_1473 = arith.constant 48 : i32
      %add3A_1474 = arith.addi %add3A_1460, %add3A_1473 : i32
      %swap3A_1475 = arith.index_cast %add3A_1474 : i32 to index
      %swap3A_1476 = tpu.vector_load %arg7[%swap3A_1475] {strides = array<i32>} : memref<65792xf32, #tpu.memory_space<vmem>>, vector<16xf32>,
      tpu.vector_store %arg7[%swap3A_1475], %broadcast_in_dim3A_3 {strides = array<i32>} : memref<65792xf32, #tpu.memory_space<vmem>>, vector<16xf32>,
      %add3A_1477 = arith.constant 64 : i32
      %add3A_1478 = arith.addi %add3A_1460, %add3A_1477 : i32
      %swap3A_1479 = arith.index_cast %add3A_1478 : i32 to index
      %swap3A_1480 = tpu.vector_load %arg7[%swap3A_1479] {strides = array<i32>} : memref<65792xf32, #tpu.memory_space<vmem>>, vector<16xf32>,
      tpu.vector_store %arg7[%swap3A_1479], %broadcast_in_dim3A_3 {strides = array<i32>} : memref<65792xf32, #tpu.memory_space<vmem>>, vector<16xf32>,
      %add3A_1481 = arith.constant 80 : i32
      %add3A_1482 = arith.addi %add3A_1460, %add3A_1481 : i32
      %swap3A_1483 = arith.index_cast %add3A_1482 : i32 to index
      %swap3A_1484 = tpu.vector_load %arg7[%swap3A_1483] {strides = array<i32>} : memref<65792xf32, #tpu.memory_space<vmem>>, vector<16xf32>,
      tpu.vector_store %arg7[%swap3A_1483], %broadcast_in_dim3A_3 {strides = array<i32>} : memref<65792xf32, #tpu.memory_space<vmem>>, vector<16xf32>,
      %add3A_1485 = arith.constant 96 : i32
      %add3A_1486 = arith.addi %add3A_1460, %add3A_1485 : i32
      %swap3A_1487 = arith.index_cast %add3A_1486 : i32 to index
      %swap3A_1488 = tpu.vector_load %arg7[%swap3A_1487] {strides = array<i32>} : memref<65792xf32, #tpu.memory_space<vmem>>, vector<16xf32>,
      tpu.vector_store %arg7[%swap3A_1487], %broadcast_in_dim3A_3 {strides = array<i32>} : memref<65792xf32, #tpu.memory_space<vmem>>, vector<16xf32>,
      %add3A_1489 = arith.constant 112 : i32
      %add3A_1490 = arith.addi %add3A_1460, %add3A_1489 : i32
      %swap3A_1491 = arith.index_cast %add3A_1490 : i32 to index
      %swap3A_1492 = tpu.vector_load %arg7[%swap3A_1491] {strides = array<i32>} : memref<65792xf32, #tpu.memory_space<vmem>>, vector<16xf32>,
      tpu.vector_store %arg7[%swap3A_1491], %broadcast_in_dim3A_3 {strides = array<i32>} : memref<65792xf32, #tpu.memory_space<vmem>>, vector<16xf32>,
      %add3A_1493 = arith.constant 128 : i32
      %add3A_1494 = arith.addi %add3A_1460, %add3A_1493 : i32
      %swap3A_1495 = arith.index_cast %add3A_1494 : i32 to index
      %swap3A_1496 = tpu.vector_load %arg7[%swap3A_1495] {strides = array<i32>} : memref<65792xf32, #tpu.memory_space<vmem>>, vector<16xf32>,
      tpu.vector_store %arg7[%swap3A_1495], %broadcast_in_dim3A_3 {strides = array<i32>} : memref<65792xf32, #tpu.memory_space<vmem>>, vector<16xf32>,
      %add3A_1497 = arith.constant 144 : i32
      %add3A_1498 = arith.addi %add3A_1460, %add3A_1497 : i32
      %swap3A_1499 = arith.index_cast %add3A_1498 : i32 to index
      %swap3A_1500 = tpu.vector_load %arg7[%swap3A_1499] {strides = array<i32>} : memref<65792xf32, #tpu.memory_space<vmem>>, vector<16xf32>,
      tpu.vector_store %arg7[%swap3A_1499], %broadcast_in_dim3A_3 {strides = array<i32>} : memref<65792xf32, #tpu.memory_space<vmem>>, vector<16xf32>,
      %add3A_1501 = arith.constant 160 : i32
      %add3A_1502 = arith.addi %add3A_1460, %add3A_1501 : i32
      %swap3A_1503 = arith.index_cast %add3A_1502 : i32 to index
      %swap3A_1504 = tpu.vector_load %arg7[%swap3A_1503] {strides = array<i32>} : memref<65792xf32, #tpu.memory_space<vmem>>, vector<16xf32>,
      tpu.vector_store %arg7[%swap3A_1503], %broadcast_in_dim3A_3 {strides = array<i32>} : memref<65792xf32, #tpu.memory_space<vmem>>, vector<16xf32>,
      %add3A_1505 = arith.constant 176 : i32
      %add3A_1506 = arith.addi %add3A_1460, %add3A_1505 : i32
      %swap3A_1507 = arith.index_cast %add3A_1506 : i32 to index
      %swap3A_1508 = tpu.vector_load %arg7[%swap3A_1507] {strides = array<i32>} : memref<65792xf32, #tpu.memory_space<vmem>>, vector<16xf32>,
      tpu.vector_store %arg7[%swap3A_1507], %broadcast_in_dim3A_3 {strides = array<i32>} : memref<65792xf32, #tpu.memory_space<vmem>>, vector<16xf32>,
      %add3A_1509 = arith.constant 192 : i32
      %add3A_1510 = arith.addi %add3A_1460, %add3A_1509 : i32
      %swap3A_1511 = arith.index_cast %add3A_1510 : i32 to index
      %swap3A_1512 = tpu.vector_load %arg7[%swap3A_1511] {strides = array<i32>} : memref<65792xf32, #tpu.memory_space<vmem>>, vector<16xf32>,
      tpu.vector_store %arg7[%swap3A_1511], %broadcast_in_dim3A_3 {strides = array<i32>} : memref<65792xf32, #tpu.memory_space<vmem>>, vector<16xf32>,
      %add3A_1513 = arith.constant 208 : i32
      %add3A_1514 = arith.addi %add3A_1460, %add3A_1513 : i32
      %swap3A_1515 = arith.index_cast %add3A_1514 : i32 to index
      %swap3A_1516 = tpu.vector_load %arg7[%swap3A_1515] {strides = array<i32>} : memref<65792xf32, #tpu.memory_space<vmem>>, vector<16xf32>,
      tpu.vector_store %arg7[%swap3A_1515], %broadcast_in_dim3A_3 {strides = array<i32>} : memref<65792xf32, #tpu.memory_space<vmem>>, vector<16xf32>,
      %add3A_1517 = arith.constant 224 : i32
      %add3A_1518 = arith.addi %add3A_1460, %add3A_1517 : i32
      %swap3A_1519 = arith.index_cast %add3A_1518 : i32 to index
      %swap3A_1520 = tpu.vector_load %arg7[%swap3A_1519] {strides = array<i32>} : memref<65792xf32, #tpu.memory_space<vmem>>, vector<16xf32>,
      tpu.vector_store %arg7[%swap3A_1519], %broadcast_in_dim3A_3 {strides = array<i32>} : memref<65792xf32, #tpu.memory_space<vmem>>, vector<16xf32>,
      %add3A_1521 = arith.constant 240 : i32
      %add3A_1522 = arith.addi %add3A_1460, %add3A_1521 : i32
      %swap3A_1523 = arith.index_cast %add3A_1522 : i32 to index
      %swap3A_1524 = tpu.vector_load %arg7[%swap3A_1523] {strides = array<i32>} : memref<65792xf32, #tpu.memory_space<vmem>>, vector<16xf32>,
      tpu.vector_store %arg7[%swap3A_1523], %broadcast_in_dim3A_3 {strides = array<i32>} : memref<65792xf32, #tpu.memory_space<vmem>>, vector<16xf32>,
    }
    %scan3A_1221 = arith.constant 44 : i32
    %dma_wait3A_1222 = arith.constant 45056 : i32
    %dma_wait3A_1223 = tpu.memref_slice %arg7[%dma_wait3A_1222] : memref<65792xf32, #tpu.memory_space<vmem>> -> memref<7168xf32, #tpu.memory_space<vmem>>
    %dma_wait3A_1224 = arith.constant 45056 : i32
    %dma_wait3A_1225 = tpu.memref_slice %arg3[%add3A_661, %dma_wait3A_1224] : memref<128x65536xf32, #tpu.memory_space<hbm>> -> memref<1x7168xf32, #tpu.memory_space<hbm>>
    %dma_wait3A_1226 = tpu.memref_squeeze %dma_wait3A_1225 : memref<1x7168xf32, #tpu.memory_space<hbm>> -> memref<7168xf32, #tpu.memory_space<hbm>>
    %dma_wait3A_1227 = arith.constant 45056 : i32
    %dma_wait3A_1228 = tpu.memref_slice %arg3[%add3A_661, %dma_wait3A_1227] : memref<128x65536xf32, #tpu.memory_space<hbm>> -> memref<1x7168xf32, #tpu.memory_space<hbm>>
    %dma_wait3A_1229 = tpu.memref_squeeze %dma_wait3A_1228 : memref<1x7168xf32, #tpu.memory_space<hbm>> -> memref<7168xf32, #tpu.memory_space<hbm>>
    %dma_wait3A_1230 = arith.constant 45056 : i32
    %dma_wait3A_1231 = tpu.memref_slice %arg7[%dma_wait3A_1230] : memref<65792xf32, #tpu.memory_space<vmem>> -> memref<7168xf32, #tpu.memory_space<vmem>>
    tpu.wait_dma2 semaphore(%arg13 : memref<!tpu.dma_semaphore, #tpu.memory_space<semaphore_mem>>) src(%dma_wait3A_1231 : memref<7168xf32, #tpu.memory_space<vmem>>) dst(%dma_wait3A_1229 : memref<7168xf32, #tpu.memory_space<hbm>>)
    %scan3A_1232 = arith.constant 0 : i32
    %scan3A_1233 = arith.constant 0 : i32
    %scan3A_1234 = arith.constant 28 : i32
    %scan3A_1235 = arith.addi %scan3A_1233, %scan3A_1234 : i32
    %scan3A_1236 = arith.constant 1 : i32
    scf.for %scan3A_1456 = %scan3A_1233 to %scan3A_1235 step %scan3A_1236  : i32 {
      %mul3A_1457 = arith.constant 256 : i32
      %mul3A_1458 = arith.muli %scan3A_1456, %mul3A_1457 : i32
      %add3A_1459 = arith.constant 45056 : i32
      %add3A_1460 = arith.addi %add3A_1459, %mul3A_1458 : i32
      %add3A_1461 = arith.constant 0 : i32
      %add3A_1462 = arith.addi %add3A_1460, %add3A_1461 : i32
      %swap3A_1463 = arith.index_cast %add3A_1462 : i32 to index
      %swap3A_1464 = tpu.vector_load %arg7[%swap3A_1463] {strides = array<i32>} : memref<65792xf32, #tpu.memory_space<vmem>>, vector<16xf32>,
      tpu.vector_store %arg7[%swap3A_1463], %broadcast_in_dim3A_3 {strides = array<i32>} : memref<65792xf32, #tpu.memory_space<vmem>>, vector<16xf32>,
      %add3A_1465 = arith.constant 16 : i32
      %add3A_1466 = arith.addi %add3A_1460, %add3A_1465 : i32
      %swap3A_1467 = arith.index_cast %add3A_1466 : i32 to index
      %swap3A_1468 = tpu.vector_load %arg7[%swap3A_1467] {strides = array<i32>} : memref<65792xf32, #tpu.memory_space<vmem>>, vector<16xf32>,
      tpu.vector_store %arg7[%swap3A_1467], %broadcast_in_dim3A_3 {strides = array<i32>} : memref<65792xf32, #tpu.memory_space<vmem>>, vector<16xf32>,
      %add3A_1469 = arith.constant 32 : i32
      %add3A_1470 = arith.addi %add3A_1460, %add3A_1469 : i32
      %swap3A_1471 = arith.index_cast %add3A_1470 : i32 to index
      %swap3A_1472 = tpu.vector_load %arg7[%swap3A_1471] {strides = array<i32>} : memref<65792xf32, #tpu.memory_space<vmem>>, vector<16xf32>,
      tpu.vector_store %arg7[%swap3A_1471], %broadcast_in_dim3A_3 {strides = array<i32>} : memref<65792xf32, #tpu.memory_space<vmem>>, vector<16xf32>,
      %add3A_1473 = arith.constant 48 : i32
      %add3A_1474 = arith.addi %add3A_1460, %add3A_1473 : i32
      %swap3A_1475 = arith.index_cast %add3A_1474 : i32 to index
      %swap3A_1476 = tpu.vector_load %arg7[%swap3A_1475] {strides = array<i32>} : memref<65792xf32, #tpu.memory_space<vmem>>, vector<16xf32>,
      tpu.vector_store %arg7[%swap3A_1475], %broadcast_in_dim3A_3 {strides = array<i32>} : memref<65792xf32, #tpu.memory_space<vmem>>, vector<16xf32>,
      %add3A_1477 = arith.constant 64 : i32
      %add3A_1478 = arith.addi %add3A_1460, %add3A_1477 : i32
      %swap3A_1479 = arith.index_cast %add3A_1478 : i32 to index
      %swap3A_1480 = tpu.vector_load %arg7[%swap3A_1479] {strides = array<i32>} : memref<65792xf32, #tpu.memory_space<vmem>>, vector<16xf32>,
      tpu.vector_store %arg7[%swap3A_1479], %broadcast_in_dim3A_3 {strides = array<i32>} : memref<65792xf32, #tpu.memory_space<vmem>>, vector<16xf32>,
      %add3A_1481 = arith.constant 80 : i32
      %add3A_1482 = arith.addi %add3A_1460, %add3A_1481 : i32
      %swap3A_1483 = arith.index_cast %add3A_1482 : i32 to index
      %swap3A_1484 = tpu.vector_load %arg7[%swap3A_1483] {strides = array<i32>} : memref<65792xf32, #tpu.memory_space<vmem>>, vector<16xf32>,
      tpu.vector_store %arg7[%swap3A_1483], %broadcast_in_dim3A_3 {strides = array<i32>} : memref<65792xf32, #tpu.memory_space<vmem>>, vector<16xf32>,
      %add3A_1485 = arith.constant 96 : i32
      %add3A_1486 = arith.addi %add3A_1460, %add3A_1485 : i32
      %swap3A_1487 = arith.index_cast %add3A_1486 : i32 to index
      %swap3A_1488 = tpu.vector_load %arg7[%swap3A_1487] {strides = array<i32>} : memref<65792xf32, #tpu.memory_space<vmem>>, vector<16xf32>,
      tpu.vector_store %arg7[%swap3A_1487], %broadcast_in_dim3A_3 {strides = array<i32>} : memref<65792xf32, #tpu.memory_space<vmem>>, vector<16xf32>,
      %add3A_1489 = arith.constant 112 : i32
      %add3A_1490 = arith.addi %add3A_1460, %add3A_1489 : i32
      %swap3A_1491 = arith.index_cast %add3A_1490 : i32 to index
      %swap3A_1492 = tpu.vector_load %arg7[%swap3A_1491] {strides = array<i32>} : memref<65792xf32, #tpu.memory_space<vmem>>, vector<16xf32>,
      tpu.vector_store %arg7[%swap3A_1491], %broadcast_in_dim3A_3 {strides = array<i32>} : memref<65792xf32, #tpu.memory_space<vmem>>, vector<16xf32>,
      %add3A_1493 = arith.constant 128 : i32
      %add3A_1494 = arith.addi %add3A_1460, %add3A_1493 : i32
      %swap3A_1495 = arith.index_cast %add3A_1494 : i32 to index
      %swap3A_1496 = tpu.vector_load %arg7[%swap3A_1495] {strides = array<i32>} : memref<65792xf32, #tpu.memory_space<vmem>>, vector<16xf32>,
      tpu.vector_store %arg7[%swap3A_1495], %broadcast_in_dim3A_3 {strides = array<i32>} : memref<65792xf32, #tpu.memory_space<vmem>>, vector<16xf32>,
      %add3A_1497 = arith.constant 144 : i32
      %add3A_1498 = arith.addi %add3A_1460, %add3A_1497 : i32
      %swap3A_1499 = arith.index_cast %add3A_1498 : i32 to index
      %swap3A_1500 = tpu.vector_load %arg7[%swap3A_1499] {strides = array<i32>} : memref<65792xf32, #tpu.memory_space<vmem>>, vector<16xf32>,
      tpu.vector_store %arg7[%swap3A_1499], %broadcast_in_dim3A_3 {strides = array<i32>} : memref<65792xf32, #tpu.memory_space<vmem>>, vector<16xf32>,
      %add3A_1501 = arith.constant 160 : i32
      %add3A_1502 = arith.addi %add3A_1460, %add3A_1501 : i32
      %swap3A_1503 = arith.index_cast %add3A_1502 : i32 to index
      %swap3A_1504 = tpu.vector_load %arg7[%swap3A_1503] {strides = array<i32>} : memref<65792xf32, #tpu.memory_space<vmem>>, vector<16xf32>,
      tpu.vector_store %arg7[%swap3A_1503], %broadcast_in_dim3A_3 {strides = array<i32>} : memref<65792xf32, #tpu.memory_space<vmem>>, vector<16xf32>,
      %add3A_1505 = arith.constant 176 : i32
      %add3A_1506 = arith.addi %add3A_1460, %add3A_1505 : i32
      %swap3A_1507 = arith.index_cast %add3A_1506 : i32 to index
      %swap3A_1508 = tpu.vector_load %arg7[%swap3A_1507] {strides = array<i32>} : memref<65792xf32, #tpu.memory_space<vmem>>, vector<16xf32>,
      tpu.vector_store %arg7[%swap3A_1507], %broadcast_in_dim3A_3 {strides = array<i32>} : memref<65792xf32, #tpu.memory_space<vmem>>, vector<16xf32>,
      %add3A_1509 = arith.constant 192 : i32
      %add3A_1510 = arith.addi %add3A_1460, %add3A_1509 : i32
      %swap3A_1511 = arith.index_cast %add3A_1510 : i32 to index
      %swap3A_1512 = tpu.vector_load %arg7[%swap3A_1511] {strides = array<i32>} : memref<65792xf32, #tpu.memory_space<vmem>>, vector<16xf32>,
      tpu.vector_store %arg7[%swap3A_1511], %broadcast_in_dim3A_3 {strides = array<i32>} : memref<65792xf32, #tpu.memory_space<vmem>>, vector<16xf32>,
      %add3A_1513 = arith.constant 208 : i32
      %add3A_1514 = arith.addi %add3A_1460, %add3A_1513 : i32
      %swap3A_1515 = arith.index_cast %add3A_1514 : i32 to index
      %swap3A_1516 = tpu.vector_load %arg7[%swap3A_1515] {strides = array<i32>} : memref<65792xf32, #tpu.memory_space<vmem>>, vector<16xf32>,
      tpu.vector_store %arg7[%swap3A_1515], %broadcast_in_dim3A_3 {strides = array<i32>} : memref<65792xf32, #tpu.memory_space<vmem>>, vector<16xf32>,
      %add3A_1517 = arith.constant 224 : i32
      %add3A_1518 = arith.addi %add3A_1460, %add3A_1517 : i32
      %swap3A_1519 = arith.index_cast %add3A_1518 : i32 to index
      %swap3A_1520 = tpu.vector_load %arg7[%swap3A_1519] {strides = array<i32>} : memref<65792xf32, #tpu.memory_space<vmem>>, vector<16xf32>,
      tpu.vector_store %arg7[%swap3A_1519], %broadcast_in_dim3A_3 {strides = array<i32>} : memref<65792xf32, #tpu.memory_space<vmem>>, vector<16xf32>,
      %add3A_1521 = arith.constant 240 : i32
      %add3A_1522 = arith.addi %add3A_1460, %add3A_1521 : i32
      %swap3A_1523 = arith.index_cast %add3A_1522 : i32 to index
      %swap3A_1524 = tpu.vector_load %arg7[%swap3A_1523] {strides = array<i32>} : memref<65792xf32, #tpu.memory_space<vmem>>, vector<16xf32>,
      tpu.vector_store %arg7[%swap3A_1523], %broadcast_in_dim3A_3 {strides = array<i32>} : memref<65792xf32, #tpu.memory_space<vmem>>, vector<16xf32>,
    }
    %scan3A_1237 = arith.constant 28 : i32
    %dma_wait3A_1238 = arith.constant 52224 : i32
    %dma_wait3A_1239 = tpu.memref_slice %arg7[%dma_wait3A_1238] : memref<65792xf32, #tpu.memory_space<vmem>> -> memref<7168xf32, #tpu.memory_space<vmem>>
    %dma_wait3A_1240 = arith.constant 52224 : i32
    %dma_wait3A_1241 = tpu.memref_slice %arg3[%add3A_661, %dma_wait3A_1240] : memref<128x65536xf32, #tpu.memory_space<hbm>> -> memref<1x7168xf32, #tpu.memory_space<hbm>>
    %dma_wait3A_1242 = tpu.memref_squeeze %dma_wait3A_1241 : memref<1x7168xf32, #tpu.memory_space<hbm>> -> memref<7168xf32, #tpu.memory_space<hbm>>
    %dma_wait3A_1243 = arith.constant 52224 : i32
    %dma_wait3A_1244 = tpu.memref_slice %arg3[%add3A_661, %dma_wait3A_1243] : memref<128x65536xf32, #tpu.memory_space<hbm>> -> memref<1x7168xf32, #tpu.memory_space<hbm>>
    %dma_wait3A_1245 = tpu.memref_squeeze %dma_wait3A_1244 : memref<1x7168xf32, #tpu.memory_space<hbm>> -> memref<7168xf32, #tpu.memory_space<hbm>>
    %dma_wait3A_1246 = arith.constant 52224 : i32
    %dma_wait3A_1247 = tpu.memref_slice %arg7[%dma_wait3A_1246] : memref<65792xf32, #tpu.memory_space<vmem>> -> memref<7168xf32, #tpu.memory_space<vmem>>
    tpu.wait_dma2 semaphore(%arg14 : memref<!tpu.dma_semaphore, #tpu.memory_space<semaphore_mem>>) src(%dma_wait3A_1247 : memref<7168xf32, #tpu.memory_space<vmem>>) dst(%dma_wait3A_1245 : memref<7168xf32, #tpu.memory_space<hbm>>)
    %scan3A_1248 = arith.constant 0 : i32
    %scan3A_1249 = arith.constant 0 : i32
    %scan3A_1250 = arith.constant 28 : i32
    %scan3A_1251 = arith.addi %scan3A_1249, %scan3A_1250 : i32
    %scan3A_1252 = arith.constant 1 : i32
    scf.for %scan3A_1456 = %scan3A_1249 to %scan3A_1251 step %scan3A_1252  : i32 {
      %mul3A_1457 = arith.constant 256 : i32
      %mul3A_1458 = arith.muli %scan3A_1456, %mul3A_1457 : i32
      %add3A_1459 = arith.constant 52224 : i32
      %add3A_1460 = arith.addi %add3A_1459, %mul3A_1458 : i32
      %add3A_1461 = arith.constant 0 : i32
      %add3A_1462 = arith.addi %add3A_1460, %add3A_1461 : i32
      %swap3A_1463 = arith.index_cast %add3A_1462 : i32 to index
      %swap3A_1464 = tpu.vector_load %arg7[%swap3A_1463] {strides = array<i32>} : memref<65792xf32, #tpu.memory_space<vmem>>, vector<16xf32>,
      tpu.vector_store %arg7[%swap3A_1463], %broadcast_in_dim3A_3 {strides = array<i32>} : memref<65792xf32, #tpu.memory_space<vmem>>, vector<16xf32>,
      %add3A_1465 = arith.constant 16 : i32
      %add3A_1466 = arith.addi %add3A_1460, %add3A_1465 : i32
      %swap3A_1467 = arith.index_cast %add3A_1466 : i32 to index
      %swap3A_1468 = tpu.vector_load %arg7[%swap3A_1467] {strides = array<i32>} : memref<65792xf32, #tpu.memory_space<vmem>>, vector<16xf32>,
      tpu.vector_store %arg7[%swap3A_1467], %broadcast_in_dim3A_3 {strides = array<i32>} : memref<65792xf32, #tpu.memory_space<vmem>>, vector<16xf32>,
      %add3A_1469 = arith.constant 32 : i32
      %add3A_1470 = arith.addi %add3A_1460, %add3A_1469 : i32
      %swap3A_1471 = arith.index_cast %add3A_1470 : i32 to index
      %swap3A_1472 = tpu.vector_load %arg7[%swap3A_1471] {strides = array<i32>} : memref<65792xf32, #tpu.memory_space<vmem>>, vector<16xf32>,
      tpu.vector_store %arg7[%swap3A_1471], %broadcast_in_dim3A_3 {strides = array<i32>} : memref<65792xf32, #tpu.memory_space<vmem>>, vector<16xf32>,
      %add3A_1473 = arith.constant 48 : i32
      %add3A_1474 = arith.addi %add3A_1460, %add3A_1473 : i32
      %swap3A_1475 = arith.index_cast %add3A_1474 : i32 to index
      %swap3A_1476 = tpu.vector_load %arg7[%swap3A_1475] {strides = array<i32>} : memref<65792xf32, #tpu.memory_space<vmem>>, vector<16xf32>,
      tpu.vector_store %arg7[%swap3A_1475], %broadcast_in_dim3A_3 {strides = array<i32>} : memref<65792xf32, #tpu.memory_space<vmem>>, vector<16xf32>,
      %add3A_1477 = arith.constant 64 : i32
      %add3A_1478 = arith.addi %add3A_1460, %add3A_1477 : i32
      %swap3A_1479 = arith.index_cast %add3A_1478 : i32 to index
      %swap3A_1480 = tpu.vector_load %arg7[%swap3A_1479] {strides = array<i32>} : memref<65792xf32, #tpu.memory_space<vmem>>, vector<16xf32>,
      tpu.vector_store %arg7[%swap3A_1479], %broadcast_in_dim3A_3 {strides = array<i32>} : memref<65792xf32, #tpu.memory_space<vmem>>, vector<16xf32>,
      %add3A_1481 = arith.constant 80 : i32
      %add3A_1482 = arith.addi %add3A_1460, %add3A_1481 : i32
      %swap3A_1483 = arith.index_cast %add3A_1482 : i32 to index
      %swap3A_1484 = tpu.vector_load %arg7[%swap3A_1483] {strides = array<i32>} : memref<65792xf32, #tpu.memory_space<vmem>>, vector<16xf32>,
      tpu.vector_store %arg7[%swap3A_1483], %broadcast_in_dim3A_3 {strides = array<i32>} : memref<65792xf32, #tpu.memory_space<vmem>>, vector<16xf32>,
      %add3A_1485 = arith.constant 96 : i32
      %add3A_1486 = arith.addi %add3A_1460, %add3A_1485 : i32
      %swap3A_1487 = arith.index_cast %add3A_1486 : i32 to index
      %swap3A_1488 = tpu.vector_load %arg7[%swap3A_1487] {strides = array<i32>} : memref<65792xf32, #tpu.memory_space<vmem>>, vector<16xf32>,
      tpu.vector_store %arg7[%swap3A_1487], %broadcast_in_dim3A_3 {strides = array<i32>} : memref<65792xf32, #tpu.memory_space<vmem>>, vector<16xf32>,
      %add3A_1489 = arith.constant 112 : i32
      %add3A_1490 = arith.addi %add3A_1460, %add3A_1489 : i32
      %swap3A_1491 = arith.index_cast %add3A_1490 : i32 to index
      %swap3A_1492 = tpu.vector_load %arg7[%swap3A_1491] {strides = array<i32>} : memref<65792xf32, #tpu.memory_space<vmem>>, vector<16xf32>,
      tpu.vector_store %arg7[%swap3A_1491], %broadcast_in_dim3A_3 {strides = array<i32>} : memref<65792xf32, #tpu.memory_space<vmem>>, vector<16xf32>,
      %add3A_1493 = arith.constant 128 : i32
      %add3A_1494 = arith.addi %add3A_1460, %add3A_1493 : i32
      %swap3A_1495 = arith.index_cast %add3A_1494 : i32 to index
      %swap3A_1496 = tpu.vector_load %arg7[%swap3A_1495] {strides = array<i32>} : memref<65792xf32, #tpu.memory_space<vmem>>, vector<16xf32>,
      tpu.vector_store %arg7[%swap3A_1495], %broadcast_in_dim3A_3 {strides = array<i32>} : memref<65792xf32, #tpu.memory_space<vmem>>, vector<16xf32>,
      %add3A_1497 = arith.constant 144 : i32
      %add3A_1498 = arith.addi %add3A_1460, %add3A_1497 : i32
      %swap3A_1499 = arith.index_cast %add3A_1498 : i32 to index
      %swap3A_1500 = tpu.vector_load %arg7[%swap3A_1499] {strides = array<i32>} : memref<65792xf32, #tpu.memory_space<vmem>>, vector<16xf32>,
      tpu.vector_store %arg7[%swap3A_1499], %broadcast_in_dim3A_3 {strides = array<i32>} : memref<65792xf32, #tpu.memory_space<vmem>>, vector<16xf32>,
      %add3A_1501 = arith.constant 160 : i32
      %add3A_1502 = arith.addi %add3A_1460, %add3A_1501 : i32
      %swap3A_1503 = arith.index_cast %add3A_1502 : i32 to index
      %swap3A_1504 = tpu.vector_load %arg7[%swap3A_1503] {strides = array<i32>} : memref<65792xf32, #tpu.memory_space<vmem>>, vector<16xf32>,
      tpu.vector_store %arg7[%swap3A_1503], %broadcast_in_dim3A_3 {strides = array<i32>} : memref<65792xf32, #tpu.memory_space<vmem>>, vector<16xf32>,
      %add3A_1505 = arith.constant 176 : i32
      %add3A_1506 = arith.addi %add3A_1460, %add3A_1505 : i32
      %swap3A_1507 = arith.index_cast %add3A_1506 : i32 to index
      %swap3A_1508 = tpu.vector_load %arg7[%swap3A_1507] {strides = array<i32>} : memref<65792xf32, #tpu.memory_space<vmem>>, vector<16xf32>,
      tpu.vector_store %arg7[%swap3A_1507], %broadcast_in_dim3A_3 {strides = array<i32>} : memref<65792xf32, #tpu.memory_space<vmem>>, vector<16xf32>,
      %add3A_1509 = arith.constant 192 : i32
      %add3A_1510 = arith.addi %add3A_1460, %add3A_1509 : i32
      %swap3A_1511 = arith.index_cast %add3A_1510 : i32 to index
      %swap3A_1512 = tpu.vector_load %arg7[%swap3A_1511] {strides = array<i32>} : memref<65792xf32, #tpu.memory_space<vmem>>, vector<16xf32>,
      tpu.vector_store %arg7[%swap3A_1511], %broadcast_in_dim3A_3 {strides = array<i32>} : memref<65792xf32, #tpu.memory_space<vmem>>, vector<16xf32>,
      %add3A_1513 = arith.constant 208 : i32
      %add3A_1514 = arith.addi %add3A_1460, %add3A_1513 : i32
      %swap3A_1515 = arith.index_cast %add3A_1514 : i32 to index
      %swap3A_1516 = tpu.vector_load %arg7[%swap3A_1515] {strides = array<i32>} : memref<65792xf32, #tpu.memory_space<vmem>>, vector<16xf32>,
      tpu.vector_store %arg7[%swap3A_1515], %broadcast_in_dim3A_3 {strides = array<i32>} : memref<65792xf32, #tpu.memory_space<vmem>>, vector<16xf32>,
      %add3A_1517 = arith.constant 224 : i32
      %add3A_1518 = arith.addi %add3A_1460, %add3A_1517 : i32
      %swap3A_1519 = arith.index_cast %add3A_1518 : i32 to index
      %swap3A_1520 = tpu.vector_load %arg7[%swap3A_1519] {strides = array<i32>} : memref<65792xf32, #tpu.memory_space<vmem>>, vector<16xf32>,
      tpu.vector_store %arg7[%swap3A_1519], %broadcast_in_dim3A_3 {strides = array<i32>} : memref<65792xf32, #tpu.memory_space<vmem>>, vector<16xf32>,
      %add3A_1521 = arith.constant 240 : i32
      %add3A_1522 = arith.addi %add3A_1460, %add3A_1521 : i32
      %swap3A_1523 = arith.index_cast %add3A_1522 : i32 to index
      %swap3A_1524 = tpu.vector_load %arg7[%swap3A_1523] {strides = array<i32>} : memref<65792xf32, #tpu.memory_space<vmem>>, vector<16xf32>,
      tpu.vector_store %arg7[%swap3A_1523], %broadcast_in_dim3A_3 {strides = array<i32>} : memref<65792xf32, #tpu.memory_space<vmem>>, vector<16xf32>,
    }
    %scan3A_1253 = arith.constant 28 : i32
    %dma_wait3A_1254 = arith.constant 59392 : i32
    %dma_wait3A_1255 = tpu.memref_slice %arg7[%dma_wait3A_1254] : memref<65792xf32, #tpu.memory_space<vmem>> -> memref<4096xf32, #tpu.memory_space<vmem>>
    %dma_wait3A_1256 = arith.constant 59392 : i32
    %dma_wait3A_1257 = tpu.memref_slice %arg3[%add3A_661, %dma_wait3A_1256] : memref<128x65536xf32, #tpu.memory_space<hbm>> -> memref<1x4096xf32, #tpu.memory_space<hbm>>
    %dma_wait3A_1258 = tpu.memref_squeeze %dma_wait3A_1257 : memref<1x4096xf32, #tpu.memory_space<hbm>> -> memref<4096xf32, #tpu.memory_space<hbm>>
    %dma_wait3A_1259 = arith.constant 59392 : i32
    %dma_wait3A_1260 = tpu.memref_slice %arg3[%add3A_661, %dma_wait3A_1259] : memref<128x65536xf32, #tpu.memory_space<hbm>> -> memref<1x4096xf32, #tpu.memory_space<hbm>>
    %dma_wait3A_1261 = tpu.memref_squeeze %dma_wait3A_1260 : memref<1x4096xf32, #tpu.memory_space<hbm>> -> memref<4096xf32, #tpu.memory_space<hbm>>
    %dma_wait3A_1262 = arith.constant 59392 : i32
    %dma_wait3A_1263 = tpu.memref_slice %arg7[%dma_wait3A_1262] : memref<65792xf32, #tpu.memory_space<vmem>> -> memref<4096xf32, #tpu.memory_space<vmem>>
    tpu.wait_dma2 semaphore(%arg15 : memref<!tpu.dma_semaphore, #tpu.memory_space<semaphore_mem>>) src(%dma_wait3A_1263 : memref<4096xf32, #tpu.memory_space<vmem>>) dst(%dma_wait3A_1261 : memref<4096xf32, #tpu.memory_space<hbm>>)
    %scan3A_1264 = arith.constant 0 : i32
    %scan3A_1265 = arith.constant 0 : i32
    %scan3A_1266 = arith.constant 16 : i32
    %scan3A_1267 = arith.addi %scan3A_1265, %scan3A_1266 : i32
    %scan3A_1268 = arith.constant 1 : i32
    scf.for %scan3A_1456 = %scan3A_1265 to %scan3A_1267 step %scan3A_1268  : i32 {
      %mul3A_1457 = arith.constant 256 : i32
      %mul3A_1458 = arith.muli %scan3A_1456, %mul3A_1457 : i32
      %add3A_1459 = arith.constant 59392 : i32
      %add3A_1460 = arith.addi %add3A_1459, %mul3A_1458 : i32
      %add3A_1461 = arith.constant 0 : i32
      %add3A_1462 = arith.addi %add3A_1460, %add3A_1461 : i32
      %swap3A_1463 = arith.index_cast %add3A_1462 : i32 to index
      %swap3A_1464 = tpu.vector_load %arg7[%swap3A_1463] {strides = array<i32>} : memref<65792xf32, #tpu.memory_space<vmem>>, vector<16xf32>,
      tpu.vector_store %arg7[%swap3A_1463], %broadcast_in_dim3A_3 {strides = array<i32>} : memref<65792xf32, #tpu.memory_space<vmem>>, vector<16xf32>,
      %add3A_1465 = arith.constant 16 : i32
      %add3A_1466 = arith.addi %add3A_1460, %add3A_1465 : i32
      %swap3A_1467 = arith.index_cast %add3A_1466 : i32 to index
      %swap3A_1468 = tpu.vector_load %arg7[%swap3A_1467] {strides = array<i32>} : memref<65792xf32, #tpu.memory_space<vmem>>, vector<16xf32>,
      tpu.vector_store %arg7[%swap3A_1467], %broadcast_in_dim3A_3 {strides = array<i32>} : memref<65792xf32, #tpu.memory_space<vmem>>, vector<16xf32>,
      %add3A_1469 = arith.constant 32 : i32
      %add3A_1470 = arith.addi %add3A_1460, %add3A_1469 : i32
      %swap3A_1471 = arith.index_cast %add3A_1470 : i32 to index
      %swap3A_1472 = tpu.vector_load %arg7[%swap3A_1471] {strides = array<i32>} : memref<65792xf32, #tpu.memory_space<vmem>>, vector<16xf32>,
      tpu.vector_store %arg7[%swap3A_1471], %broadcast_in_dim3A_3 {strides = array<i32>} : memref<65792xf32, #tpu.memory_space<vmem>>, vector<16xf32>,
      %add3A_1473 = arith.constant 48 : i32
      %add3A_1474 = arith.addi %add3A_1460, %add3A_1473 : i32
      %swap3A_1475 = arith.index_cast %add3A_1474 : i32 to index
      %swap3A_1476 = tpu.vector_load %arg7[%swap3A_1475] {strides = array<i32>} : memref<65792xf32, #tpu.memory_space<vmem>>, vector<16xf32>,
      tpu.vector_store %arg7[%swap3A_1475], %broadcast_in_dim3A_3 {strides = array<i32>} : memref<65792xf32, #tpu.memory_space<vmem>>, vector<16xf32>,
      %add3A_1477 = arith.constant 64 : i32
      %add3A_1478 = arith.addi %add3A_1460, %add3A_1477 : i32
      %swap3A_1479 = arith.index_cast %add3A_1478 : i32 to index
      %swap3A_1480 = tpu.vector_load %arg7[%swap3A_1479] {strides = array<i32>} : memref<65792xf32, #tpu.memory_space<vmem>>, vector<16xf32>,
      tpu.vector_store %arg7[%swap3A_1479], %broadcast_in_dim3A_3 {strides = array<i32>} : memref<65792xf32, #tpu.memory_space<vmem>>, vector<16xf32>,
      %add3A_1481 = arith.constant 80 : i32
      %add3A_1482 = arith.addi %add3A_1460, %add3A_1481 : i32
      %swap3A_1483 = arith.index_cast %add3A_1482 : i32 to index
      %swap3A_1484 = tpu.vector_load %arg7[%swap3A_1483] {strides = array<i32>} : memref<65792xf32, #tpu.memory_space<vmem>>, vector<16xf32>,
      tpu.vector_store %arg7[%swap3A_1483], %broadcast_in_dim3A_3 {strides = array<i32>} : memref<65792xf32, #tpu.memory_space<vmem>>, vector<16xf32>,
      %add3A_1485 = arith.constant 96 : i32
      %add3A_1486 = arith.addi %add3A_1460, %add3A_1485 : i32
      %swap3A_1487 = arith.index_cast %add3A_1486 : i32 to index
      %swap3A_1488 = tpu.vector_load %arg7[%swap3A_1487] {strides = array<i32>} : memref<65792xf32, #tpu.memory_space<vmem>>, vector<16xf32>,
      tpu.vector_store %arg7[%swap3A_1487], %broadcast_in_dim3A_3 {strides = array<i32>} : memref<65792xf32, #tpu.memory_space<vmem>>, vector<16xf32>,
      %add3A_1489 = arith.constant 112 : i32
      %add3A_1490 = arith.addi %add3A_1460, %add3A_1489 : i32
      %swap3A_1491 = arith.index_cast %add3A_1490 : i32 to index
      %swap3A_1492 = tpu.vector_load %arg7[%swap3A_1491] {strides = array<i32>} : memref<65792xf32, #tpu.memory_space<vmem>>, vector<16xf32>,
      tpu.vector_store %arg7[%swap3A_1491], %broadcast_in_dim3A_3 {strides = array<i32>} : memref<65792xf32, #tpu.memory_space<vmem>>, vector<16xf32>,
      %add3A_1493 = arith.constant 128 : i32
      %add3A_1494 = arith.addi %add3A_1460, %add3A_1493 : i32
      %swap3A_1495 = arith.index_cast %add3A_1494 : i32 to index
      %swap3A_1496 = tpu.vector_load %arg7[%swap3A_1495] {strides = array<i32>} : memref<65792xf32, #tpu.memory_space<vmem>>, vector<16xf32>,
      tpu.vector_store %arg7[%swap3A_1495], %broadcast_in_dim3A_3 {strides = array<i32>} : memref<65792xf32, #tpu.memory_space<vmem>>, vector<16xf32>,
      %add3A_1497 = arith.constant 144 : i32
      %add3A_1498 = arith.addi %add3A_1460, %add3A_1497 : i32
      %swap3A_1499 = arith.index_cast %add3A_1498 : i32 to index
      %swap3A_1500 = tpu.vector_load %arg7[%swap3A_1499] {strides = array<i32>} : memref<65792xf32, #tpu.memory_space<vmem>>, vector<16xf32>,
      tpu.vector_store %arg7[%swap3A_1499], %broadcast_in_dim3A_3 {strides = array<i32>} : memref<65792xf32, #tpu.memory_space<vmem>>, vector<16xf32>,
      %add3A_1501 = arith.constant 160 : i32
      %add3A_1502 = arith.addi %add3A_1460, %add3A_1501 : i32
      %swap3A_1503 = arith.index_cast %add3A_1502 : i32 to index
      %swap3A_1504 = tpu.vector_load %arg7[%swap3A_1503] {strides = array<i32>} : memref<65792xf32, #tpu.memory_space<vmem>>, vector<16xf32>,
      tpu.vector_store %arg7[%swap3A_1503], %broadcast_in_dim3A_3 {strides = array<i32>} : memref<65792xf32, #tpu.memory_space<vmem>>, vector<16xf32>,
      %add3A_1505 = arith.constant 176 : i32
      %add3A_1506 = arith.addi %add3A_1460, %add3A_1505 : i32
      %swap3A_1507 = arith.index_cast %add3A_1506 : i32 to index
      %swap3A_1508 = tpu.vector_load %arg7[%swap3A_1507] {strides = array<i32>} : memref<65792xf32, #tpu.memory_space<vmem>>, vector<16xf32>,
      tpu.vector_store %arg7[%swap3A_1507], %broadcast_in_dim3A_3 {strides = array<i32>} : memref<65792xf32, #tpu.memory_space<vmem>>, vector<16xf32>,
      %add3A_1509 = arith.constant 192 : i32
      %add3A_1510 = arith.addi %add3A_1460, %add3A_1509 : i32
      %swap3A_1511 = arith.index_cast %add3A_1510 : i32 to index
      %swap3A_1512 = tpu.vector_load %arg7[%swap3A_1511] {strides = array<i32>} : memref<65792xf32, #tpu.memory_space<vmem>>, vector<16xf32>,
      tpu.vector_store %arg7[%swap3A_1511], %broadcast_in_dim3A_3 {strides = array<i32>} : memref<65792xf32, #tpu.memory_space<vmem>>, vector<16xf32>,
      %add3A_1513 = arith.constant 208 : i32
      %add3A_1514 = arith.addi %add3A_1460, %add3A_1513 : i32
      %swap3A_1515 = arith.index_cast %add3A_1514 : i32 to index
      %swap3A_1516 = tpu.vector_load %arg7[%swap3A_1515] {strides = array<i32>} : memref<65792xf32, #tpu.memory_space<vmem>>, vector<16xf32>,
      tpu.vector_store %arg7[%swap3A_1515], %broadcast_in_dim3A_3 {strides = array<i32>} : memref<65792xf32, #tpu.memory_space<vmem>>, vector<16xf32>,
      %add3A_1517 = arith.constant 224 : i32
      %add3A_1518 = arith.addi %add3A_1460, %add3A_1517 : i32
      %swap3A_1519 = arith.index_cast %add3A_1518 : i32 to index
      %swap3A_1520 = tpu.vector_load %arg7[%swap3A_1519] {strides = array<i32>} : memref<65792xf32, #tpu.memory_space<vmem>>, vector<16xf32>,
      tpu.vector_store %arg7[%swap3A_1519], %broadcast_in_dim3A_3 {strides = array<i32>} : memref<65792xf32, #tpu.memory_space<vmem>>, vector<16xf32>,
      %add3A_1521 = arith.constant 240 : i32
      %add3A_1522 = arith.addi %add3A_1460, %add3A_1521 : i32
      %swap3A_1523 = arith.index_cast %add3A_1522 : i32 to index
      %swap3A_1524 = tpu.vector_load %arg7[%swap3A_1523] {strides = array<i32>} : memref<65792xf32, #tpu.memory_space<vmem>>, vector<16xf32>,
      tpu.vector_store %arg7[%swap3A_1523], %broadcast_in_dim3A_3 {strides = array<i32>} : memref<65792xf32, #tpu.memory_space<vmem>>, vector<16xf32>,
    }
    %scan3A_1269 = arith.constant 16 : i32
    %dma_wait3A_1270 = arith.constant 63488 : i32
    %dma_wait3A_1271 = tpu.memref_slice %arg7[%dma_wait3A_1270] : memref<65792xf32, #tpu.memory_space<vmem>> -> memref<2048xf32, #tpu.memory_space<vmem>>
    %dma_wait3A_1272 = arith.constant 63488 : i32
    %dma_wait3A_1273 = tpu.memref_slice %arg3[%add3A_661, %dma_wait3A_1272] : memref<128x65536xf32, #tpu.memory_space<hbm>> -> memref<1x2048xf32, #tpu.memory_space<hbm>>
    %dma_wait3A_1274 = tpu.memref_squeeze %dma_wait3A_1273 : memref<1x2048xf32, #tpu.memory_space<hbm>> -> memref<2048xf32, #tpu.memory_space<hbm>>
    %dma_wait3A_1275 = arith.constant 63488 : i32
    %dma_wait3A_1276 = tpu.memref_slice %arg3[%add3A_661, %dma_wait3A_1275] : memref<128x65536xf32, #tpu.memory_space<hbm>> -> memref<1x2048xf32, #tpu.memory_space<hbm>>
    %dma_wait3A_1277 = tpu.memref_squeeze %dma_wait3A_1276 : memref<1x2048xf32, #tpu.memory_space<hbm>> -> memref<2048xf32, #tpu.memory_space<hbm>>
    %dma_wait3A_1278 = arith.constant 63488 : i32
    %dma_wait3A_1279 = tpu.memref_slice %arg7[%dma_wait3A_1278] : memref<65792xf32, #tpu.memory_space<vmem>> -> memref<2048xf32, #tpu.memory_space<vmem>>
    tpu.wait_dma2 semaphore(%arg16 : memref<!tpu.dma_semaphore, #tpu.memory_space<semaphore_mem>>) src(%dma_wait3A_1279 : memref<2048xf32, #tpu.memory_space<vmem>>) dst(%dma_wait3A_1277 : memref<2048xf32, #tpu.memory_space<hbm>>)
    %scan3A_1280 = arith.constant 0 : i32
    %scan3A_1281 = arith.constant 0 : i32
    %scan3A_1282 = arith.constant 9 : i32
    %scan3A_1283 = arith.addi %scan3A_1281, %scan3A_1282 : i32
    %scan3A_1284 = arith.constant 1 : i32
    scf.for %scan3A_1456 = %scan3A_1281 to %scan3A_1283 step %scan3A_1284  : i32 {
      %mul3A_1457 = arith.constant 256 : i32
      %mul3A_1458 = arith.muli %scan3A_1456, %mul3A_1457 : i32
      %add3A_1459 = arith.constant 63488 : i32
      %add3A_1460 = arith.addi %add3A_1459, %mul3A_1458 : i32
      %add3A_1461 = arith.constant 0 : i32
      %add3A_1462 = arith.addi %add3A_1460, %add3A_1461 : i32
      %swap3A_1463 = arith.index_cast %add3A_1462 : i32 to index
      %swap3A_1464 = tpu.vector_load %arg7[%swap3A_1463] {strides = array<i32>} : memref<65792xf32, #tpu.memory_space<vmem>>, vector<16xf32>,
      tpu.vector_store %arg7[%swap3A_1463], %broadcast_in_dim3A_3 {strides = array<i32>} : memref<65792xf32, #tpu.memory_space<vmem>>, vector<16xf32>,
      %add3A_1465 = arith.constant 16 : i32
      %add3A_1466 = arith.addi %add3A_1460, %add3A_1465 : i32
      %swap3A_1467 = arith.index_cast %add3A_1466 : i32 to index
      %swap3A_1468 = tpu.vector_load %arg7[%swap3A_1467] {strides = array<i32>} : memref<65792xf32, #tpu.memory_space<vmem>>, vector<16xf32>,
      tpu.vector_store %arg7[%swap3A_1467], %broadcast_in_dim3A_3 {strides = array<i32>} : memref<65792xf32, #tpu.memory_space<vmem>>, vector<16xf32>,
      %add3A_1469 = arith.constant 32 : i32
      %add3A_1470 = arith.addi %add3A_1460, %add3A_1469 : i32
      %swap3A_1471 = arith.index_cast %add3A_1470 : i32 to index
      %swap3A_1472 = tpu.vector_load %arg7[%swap3A_1471] {strides = array<i32>} : memref<65792xf32, #tpu.memory_space<vmem>>, vector<16xf32>,
      tpu.vector_store %arg7[%swap3A_1471], %broadcast_in_dim3A_3 {strides = array<i32>} : memref<65792xf32, #tpu.memory_space<vmem>>, vector<16xf32>,
      %add3A_1473 = arith.constant 48 : i32
      %add3A_1474 = arith.addi %add3A_1460, %add3A_1473 : i32
      %swap3A_1475 = arith.index_cast %add3A_1474 : i32 to index
      %swap3A_1476 = tpu.vector_load %arg7[%swap3A_1475] {strides = array<i32>} : memref<65792xf32, #tpu.memory_space<vmem>>, vector<16xf32>,
      tpu.vector_store %arg7[%swap3A_1475], %broadcast_in_dim3A_3 {strides = array<i32>} : memref<65792xf32, #tpu.memory_space<vmem>>, vector<16xf32>,
      %add3A_1477 = arith.constant 64 : i32
      %add3A_1478 = arith.addi %add3A_1460, %add3A_1477 : i32
      %swap3A_1479 = arith.index_cast %add3A_1478 : i32 to index
      %swap3A_1480 = tpu.vector_load %arg7[%swap3A_1479] {strides = array<i32>} : memref<65792xf32, #tpu.memory_space<vmem>>, vector<16xf32>,
      tpu.vector_store %arg7[%swap3A_1479], %broadcast_in_dim3A_3 {strides = array<i32>} : memref<65792xf32, #tpu.memory_space<vmem>>, vector<16xf32>,
      %add3A_1481 = arith.constant 80 : i32
      %add3A_1482 = arith.addi %add3A_1460, %add3A_1481 : i32
      %swap3A_1483 = arith.index_cast %add3A_1482 : i32 to index
      %swap3A_1484 = tpu.vector_load %arg7[%swap3A_1483] {strides = array<i32>} : memref<65792xf32, #tpu.memory_space<vmem>>, vector<16xf32>,
      tpu.vector_store %arg7[%swap3A_1483], %broadcast_in_dim3A_3 {strides = array<i32>} : memref<65792xf32, #tpu.memory_space<vmem>>, vector<16xf32>,
      %add3A_1485 = arith.constant 96 : i32
      %add3A_1486 = arith.addi %add3A_1460, %add3A_1485 : i32
      %swap3A_1487 = arith.index_cast %add3A_1486 : i32 to index
      %swap3A_1488 = tpu.vector_load %arg7[%swap3A_1487] {strides = array<i32>} : memref<65792xf32, #tpu.memory_space<vmem>>, vector<16xf32>,
      tpu.vector_store %arg7[%swap3A_1487], %broadcast_in_dim3A_3 {strides = array<i32>} : memref<65792xf32, #tpu.memory_space<vmem>>, vector<16xf32>,
      %add3A_1489 = arith.constant 112 : i32
      %add3A_1490 = arith.addi %add3A_1460, %add3A_1489 : i32
      %swap3A_1491 = arith.index_cast %add3A_1490 : i32 to index
      %swap3A_1492 = tpu.vector_load %arg7[%swap3A_1491] {strides = array<i32>} : memref<65792xf32, #tpu.memory_space<vmem>>, vector<16xf32>,
      tpu.vector_store %arg7[%swap3A_1491], %broadcast_in_dim3A_3 {strides = array<i32>} : memref<65792xf32, #tpu.memory_space<vmem>>, vector<16xf32>,
      %add3A_1493 = arith.constant 128 : i32
      %add3A_1494 = arith.addi %add3A_1460, %add3A_1493 : i32
      %swap3A_1495 = arith.index_cast %add3A_1494 : i32 to index
      %swap3A_1496 = tpu.vector_load %arg7[%swap3A_1495] {strides = array<i32>} : memref<65792xf32, #tpu.memory_space<vmem>>, vector<16xf32>,
      tpu.vector_store %arg7[%swap3A_1495], %broadcast_in_dim3A_3 {strides = array<i32>} : memref<65792xf32, #tpu.memory_space<vmem>>, vector<16xf32>,
      %add3A_1497 = arith.constant 144 : i32
      %add3A_1498 = arith.addi %add3A_1460, %add3A_1497 : i32
      %swap3A_1499 = arith.index_cast %add3A_1498 : i32 to index
      %swap3A_1500 = tpu.vector_load %arg7[%swap3A_1499] {strides = array<i32>} : memref<65792xf32, #tpu.memory_space<vmem>>, vector<16xf32>,
      tpu.vector_store %arg7[%swap3A_1499], %broadcast_in_dim3A_3 {strides = array<i32>} : memref<65792xf32, #tpu.memory_space<vmem>>, vector<16xf32>,
      %add3A_1501 = arith.constant 160 : i32
      %add3A_1502 = arith.addi %add3A_1460, %add3A_1501 : i32
      %swap3A_1503 = arith.index_cast %add3A_1502 : i32 to index
      %swap3A_1504 = tpu.vector_load %arg7[%swap3A_1503] {strides = array<i32>} : memref<65792xf32, #tpu.memory_space<vmem>>, vector<16xf32>,
      tpu.vector_store %arg7[%swap3A_1503], %broadcast_in_dim3A_3 {strides = array<i32>} : memref<65792xf32, #tpu.memory_space<vmem>>, vector<16xf32>,
      %add3A_1505 = arith.constant 176 : i32
      %add3A_1506 = arith.addi %add3A_1460, %add3A_1505 : i32
      %swap3A_1507 = arith.index_cast %add3A_1506 : i32 to index
      %swap3A_1508 = tpu.vector_load %arg7[%swap3A_1507] {strides = array<i32>} : memref<65792xf32, #tpu.memory_space<vmem>>, vector<16xf32>,
      tpu.vector_store %arg7[%swap3A_1507], %broadcast_in_dim3A_3 {strides = array<i32>} : memref<65792xf32, #tpu.memory_space<vmem>>, vector<16xf32>,
      %add3A_1509 = arith.constant 192 : i32
      %add3A_1510 = arith.addi %add3A_1460, %add3A_1509 : i32
      %swap3A_1511 = arith.index_cast %add3A_1510 : i32 to index
      %swap3A_1512 = tpu.vector_load %arg7[%swap3A_1511] {strides = array<i32>} : memref<65792xf32, #tpu.memory_space<vmem>>, vector<16xf32>,
      tpu.vector_store %arg7[%swap3A_1511], %broadcast_in_dim3A_3 {strides = array<i32>} : memref<65792xf32, #tpu.memory_space<vmem>>, vector<16xf32>,
      %add3A_1513 = arith.constant 208 : i32
      %add3A_1514 = arith.addi %add3A_1460, %add3A_1513 : i32
      %swap3A_1515 = arith.index_cast %add3A_1514 : i32 to index
      %swap3A_1516 = tpu.vector_load %arg7[%swap3A_1515] {strides = array<i32>} : memref<65792xf32, #tpu.memory_space<vmem>>, vector<16xf32>,
      tpu.vector_store %arg7[%swap3A_1515], %broadcast_in_dim3A_3 {strides = array<i32>} : memref<65792xf32, #tpu.memory_space<vmem>>, vector<16xf32>,
      %add3A_1517 = arith.constant 224 : i32
      %add3A_1518 = arith.addi %add3A_1460, %add3A_1517 : i32
      %swap3A_1519 = arith.index_cast %add3A_1518 : i32 to index
      %swap3A_1520 = tpu.vector_load %arg7[%swap3A_1519] {strides = array<i32>} : memref<65792xf32, #tpu.memory_space<vmem>>, vector<16xf32>,
      tpu.vector_store %arg7[%swap3A_1519], %broadcast_in_dim3A_3 {strides = array<i32>} : memref<65792xf32, #tpu.memory_space<vmem>>, vector<16xf32>,
      %add3A_1521 = arith.constant 240 : i32
      %add3A_1522 = arith.addi %add3A_1460, %add3A_1521 : i32
      %swap3A_1523 = arith.index_cast %add3A_1522 : i32 to index
      %swap3A_1524 = tpu.vector_load %arg7[%swap3A_1523] {strides = array<i32>} : memref<65792xf32, #tpu.memory_space<vmem>>, vector<16xf32>,
      tpu.vector_store %arg7[%swap3A_1523], %broadcast_in_dim3A_3 {strides = array<i32>} : memref<65792xf32, #tpu.memory_space<vmem>>, vector<16xf32>,
    }
    %scan3A_1285 = arith.constant 9 : i32
    %scan3A_1286 = arith.constant 0 : i32
    %scan3A_1287 = arith.constant 0 : i32
    %scan3A_1288 = arith.constant 32 : i32
    %scan3A_1289 = arith.addi %scan3A_1287, %scan3A_1288 : i32
    %scan3A_1290 = arith.constant 1 : i32
    scf.for %scan3A_1456 = %scan3A_1287 to %scan3A_1289 step %scan3A_1290  : i32 {
      %mul3A_1457 = arith.constant 16 : i32
      %mul3A_1458 = arith.muli %mul3A_1457, %scan3A_1456 : i32
      %add3A_1459 = arith.constant 0 : i32
      %add3A_1460 = arith.addi %mul3A_1458, %add3A_1459 : i32
      %mul3A_1461 = arith.constant 16 : i32
      %mul3A_1462 = arith.muli %add3A_1460, %mul3A_1461 : i32
      %get3A_1463 = arith.index_cast %mul3A_1462 : i32 to index
      %get3A_1464 = tpu.vector_load %arg6[%get3A_1463] {strides = array<i32>} : memref<8224xi32, #tpu.memory_space<vmem>>, vector<16xi32>,
      %add3A_1465 = arith.constant 1 : i32
      %add3A_1466 = arith.addi %mul3A_1458, %add3A_1465 : i32
      %mul3A_1467 = arith.constant 16 : i32
      %mul3A_1468 = arith.muli %add3A_1466, %mul3A_1467 : i32
      %get3A_1469 = arith.index_cast %mul3A_1468 : i32 to index
      %get3A_1470 = tpu.vector_load %arg6[%get3A_1469] {strides = array<i32>} : memref<8224xi32, #tpu.memory_space<vmem>>, vector<16xi32>,
      %add3A_1471 = arith.constant 2 : i32
      %add3A_1472 = arith.addi %mul3A_1458, %add3A_1471 : i32
      %mul3A_1473 = arith.constant 16 : i32
      %mul3A_1474 = arith.muli %add3A_1472, %mul3A_1473 : i32
      %get3A_1475 = arith.index_cast %mul3A_1474 : i32 to index
      %get3A_1476 = tpu.vector_load %arg6[%get3A_1475] {strides = array<i32>} : memref<8224xi32, #tpu.memory_space<vmem>>, vector<16xi32>,
      %add3A_1477 = arith.constant 3 : i32
      %add3A_1478 = arith.addi %mul3A_1458, %add3A_1477 : i32
      %mul3A_1479 = arith.constant 16 : i32
      %mul3A_1480 = arith.muli %add3A_1478, %mul3A_1479 : i32
      %get3A_1481 = arith.index_cast %mul3A_1480 : i32 to index
      %get3A_1482 = tpu.vector_load %arg6[%get3A_1481] {strides = array<i32>} : memref<8224xi32, #tpu.memory_space<vmem>>, vector<16xi32>,
      %add3A_1483 = arith.constant 4 : i32
      %add3A_1484 = arith.addi %mul3A_1458, %add3A_1483 : i32
      %mul3A_1485 = arith.constant 16 : i32
      %mul3A_1486 = arith.muli %add3A_1484, %mul3A_1485 : i32
      %get3A_1487 = arith.index_cast %mul3A_1486 : i32 to index
      %get3A_1488 = tpu.vector_load %arg6[%get3A_1487] {strides = array<i32>} : memref<8224xi32, #tpu.memory_space<vmem>>, vector<16xi32>,
      %add3A_1489 = arith.constant 5 : i32
      %add3A_1490 = arith.addi %mul3A_1458, %add3A_1489 : i32
      %mul3A_1491 = arith.constant 16 : i32
      %mul3A_1492 = arith.muli %add3A_1490, %mul3A_1491 : i32
      %get3A_1493 = arith.index_cast %mul3A_1492 : i32 to index
      %get3A_1494 = tpu.vector_load %arg6[%get3A_1493] {strides = array<i32>} : memref<8224xi32, #tpu.memory_space<vmem>>, vector<16xi32>,
      %add3A_1495 = arith.constant 6 : i32
      %add3A_1496 = arith.addi %mul3A_1458, %add3A_1495 : i32
      %mul3A_1497 = arith.constant 16 : i32
      %mul3A_1498 = arith.muli %add3A_1496, %mul3A_1497 : i32
      %get3A_1499 = arith.index_cast %mul3A_1498 : i32 to index
      %get3A_1500 = tpu.vector_load %arg6[%get3A_1499] {strides = array<i32>} : memref<8224xi32, #tpu.memory_space<vmem>>, vector<16xi32>,
      %add3A_1501 = arith.constant 7 : i32
      %add3A_1502 = arith.addi %mul3A_1458, %add3A_1501 : i32
      %mul3A_1503 = arith.constant 16 : i32
      %mul3A_1504 = arith.muli %add3A_1502, %mul3A_1503 : i32
      %get3A_1505 = arith.index_cast %mul3A_1504 : i32 to index
      %get3A_1506 = tpu.vector_load %arg6[%get3A_1505] {strides = array<i32>} : memref<8224xi32, #tpu.memory_space<vmem>>, vector<16xi32>,
      %add3A_1507 = arith.constant 8 : i32
      %add3A_1508 = arith.addi %mul3A_1458, %add3A_1507 : i32
      %mul3A_1509 = arith.constant 16 : i32
      %mul3A_1510 = arith.muli %add3A_1508, %mul3A_1509 : i32
      %get3A_1511 = arith.index_cast %mul3A_1510 : i32 to index
      %get3A_1512 = tpu.vector_load %arg6[%get3A_1511] {strides = array<i32>} : memref<8224xi32, #tpu.memory_space<vmem>>, vector<16xi32>,
      %add3A_1513 = arith.constant 9 : i32
      %add3A_1514 = arith.addi %mul3A_1458, %add3A_1513 : i32
      %mul3A_1515 = arith.constant 16 : i32
      %mul3A_1516 = arith.muli %add3A_1514, %mul3A_1515 : i32
      %get3A_1517 = arith.index_cast %mul3A_1516 : i32 to index
      %get3A_1518 = tpu.vector_load %arg6[%get3A_1517] {strides = array<i32>} : memref<8224xi32, #tpu.memory_space<vmem>>, vector<16xi32>,
      %add3A_1519 = arith.constant 10 : i32
      %add3A_1520 = arith.addi %mul3A_1458, %add3A_1519 : i32
      %mul3A_1521 = arith.constant 16 : i32
      %mul3A_1522 = arith.muli %add3A_1520, %mul3A_1521 : i32
      %get3A_1523 = arith.index_cast %mul3A_1522 : i32 to index
      %get3A_1524 = tpu.vector_load %arg6[%get3A_1523] {strides = array<i32>} : memref<8224xi32, #tpu.memory_space<vmem>>, vector<16xi32>,
      %add3A_1525 = arith.constant 11 : i32
      %add3A_1526 = arith.addi %mul3A_1458, %add3A_1525 : i32
      %mul3A_1527 = arith.constant 16 : i32
      %mul3A_1528 = arith.muli %add3A_1526, %mul3A_1527 : i32
      %get3A_1529 = arith.index_cast %mul3A_1528 : i32 to index
      %get3A_1530 = tpu.vector_load %arg6[%get3A_1529] {strides = array<i32>} : memref<8224xi32, #tpu.memory_space<vmem>>, vector<16xi32>,
      %add3A_1531 = arith.constant 12 : i32
      %add3A_1532 = arith.addi %mul3A_1458, %add3A_1531 : i32
      %mul3A_1533 = arith.constant 16 : i32
      %mul3A_1534 = arith.muli %add3A_1532, %mul3A_1533 : i32
      %get3A_1535 = arith.index_cast %mul3A_1534 : i32 to index
      %get3A_1536 = tpu.vector_load %arg6[%get3A_1535] {strides = array<i32>} : memref<8224xi32, #tpu.memory_space<vmem>>, vector<16xi32>,
      %add3A_1537 = arith.constant 13 : i32
      %add3A_1538 = arith.addi %mul3A_1458, %add3A_1537 : i32
      %mul3A_1539 = arith.constant 16 : i32
      %mul3A_1540 = arith.muli %add3A_1538, %mul3A_1539 : i32
      %get3A_1541 = arith.index_cast %mul3A_1540 : i32 to index
      %get3A_1542 = tpu.vector_load %arg6[%get3A_1541] {strides = array<i32>} : memref<8224xi32, #tpu.memory_space<vmem>>, vector<16xi32>,
      %add3A_1543 = arith.constant 14 : i32
      %add3A_1544 = arith.addi %mul3A_1458, %add3A_1543 : i32
      %mul3A_1545 = arith.constant 16 : i32
      %mul3A_1546 = arith.muli %add3A_1544, %mul3A_1545 : i32
      %get3A_1547 = arith.index_cast %mul3A_1546 : i32 to index
      %get3A_1548 = tpu.vector_load %arg6[%get3A_1547] {strides = array<i32>} : memref<8224xi32, #tpu.memory_space<vmem>>, vector<16xi32>,
      %add3A_1549 = arith.constant 15 : i32
      %add3A_1550 = arith.addi %mul3A_1458, %add3A_1549 : i32
      %mul3A_1551 = arith.constant 16 : i32
      %mul3A_1552 = arith.muli %add3A_1550, %mul3A_1551 : i32
      %get3A_1553 = arith.index_cast %mul3A_1552 : i32 to index
      %get3A_1554 = tpu.vector_load %arg6[%get3A_1553] {strides = array<i32>} : memref<8224xi32, #tpu.memory_space<vmem>>, vector<16xi32>,
      tpu.vector_store_idx %arg7[%get3A_1464], %broadcast_in_dim3A_1 {add = true} : memref<65792xf32, #tpu.memory_space<vmem>>[vector<16xi32>], vector<16xf32>,
      tpu.vector_store_idx %arg7[%get3A_1470], %broadcast_in_dim3A_1 {add = true} : memref<65792xf32, #tpu.memory_space<vmem>>[vector<16xi32>], vector<16xf32>,
      tpu.vector_store_idx %arg7[%get3A_1476], %broadcast_in_dim3A_1 {add = true} : memref<65792xf32, #tpu.memory_space<vmem>>[vector<16xi32>], vector<16xf32>,
      tpu.vector_store_idx %arg7[%get3A_1482], %broadcast_in_dim3A_1 {add = true} : memref<65792xf32, #tpu.memory_space<vmem>>[vector<16xi32>], vector<16xf32>,
      tpu.vector_store_idx %arg7[%get3A_1488], %broadcast_in_dim3A_1 {add = true} : memref<65792xf32, #tpu.memory_space<vmem>>[vector<16xi32>], vector<16xf32>,
      tpu.vector_store_idx %arg7[%get3A_1494], %broadcast_in_dim3A_1 {add = true} : memref<65792xf32, #tpu.memory_space<vmem>>[vector<16xi32>], vector<16xf32>,
      tpu.vector_store_idx %arg7[%get3A_1500], %broadcast_in_dim3A_1 {add = true} : memref<65792xf32, #tpu.memory_space<vmem>>[vector<16xi32>], vector<16xf32>,
      tpu.vector_store_idx %arg7[%get3A_1506], %broadcast_in_dim3A_1 {add = true} : memref<65792xf32, #tpu.memory_space<vmem>>[vector<16xi32>], vector<16xf32>,
      tpu.vector_store_idx %arg7[%get3A_1512], %broadcast_in_dim3A_1 {add = true} : memref<65792xf32, #tpu.memory_space<vmem>>[vector<16xi32>], vector<16xf32>,
      tpu.vector_store_idx %arg7[%get3A_1518], %broadcast_in_dim3A_1 {add = true} : memref<65792xf32, #tpu.memory_space<vmem>>[vector<16xi32>], vector<16xf32>,
      tpu.vector_store_idx %arg7[%get3A_1524], %broadcast_in_dim3A_1 {add = true} : memref<65792xf32, #tpu.memory_space<vmem>>[vector<16xi32>], vector<16xf32>,
      tpu.vector_store_idx %arg7[%get3A_1530], %broadcast_in_dim3A_1 {add = true} : memref<65792xf32, #tpu.memory_space<vmem>>[vector<16xi32>], vector<16xf32>,
      tpu.vector_store_idx %arg7[%get3A_1536], %broadcast_in_dim3A_1 {add = true} : memref<65792xf32, #tpu.memory_space<vmem>>[vector<16xi32>], vector<16xf32>,
      tpu.vector_store_idx %arg7[%get3A_1542], %broadcast_in_dim3A_1 {add = true} : memref<65792xf32, #tpu.memory_space<vmem>>[vector<16xi32>], vector<16xf32>,
      tpu.vector_store_idx %arg7[%get3A_1548], %broadcast_in_dim3A_1 {add = true} : memref<65792xf32, #tpu.memory_space<vmem>>[vector<16xi32>], vector<16xf32>,
      tpu.vector_store_idx %arg7[%get3A_1554], %broadcast_in_dim3A_1 {add = true} : memref<65792xf32, #tpu.memory_space<vmem>>[vector<16xi32>], vector<16xf32>,
    }
    %scan3A_1291 = arith.constant 32 : i32
    %get3A_1292 = arith.constant 8192 : index
    %get3A_1293 = tpu.vector_load %arg6[%get3A_1292] {strides = array<i32>} : memref<8224xi32, #tpu.memory_space<vmem>>, vector<16xi32>,
    %get3A_1294 = arith.constant 8208 : index
    %get3A_1295 = tpu.vector_load %arg6[%get3A_1294] {strides = array<i32>} : memref<8224xi32, #tpu.memory_space<vmem>>, vector<16xi32>,
    tpu.vector_store_idx %arg7[%get3A_1293], %broadcast_in_dim3A_1 {add = true} : memref<65792xf32, #tpu.memory_space<vmem>>[vector<16xi32>], vector<16xf32>,
    tpu.vector_store_idx %arg7[%get3A_1295], %broadcast_in_dim3A_1 {add = true} : memref<65792xf32, #tpu.memory_space<vmem>>[vector<16xi32>], vector<16xf32>,
    %dma_start3A_1296 = arith.constant 0 : i32
    %dma_start3A_1297 = tpu.memref_slice %arg7[%dma_start3A_1296] : memref<65792xf32, #tpu.memory_space<vmem>> -> memref<11264xf32, #tpu.memory_space<vmem>>
    %dma_start3A_1298 = arith.constant 0 : i32
    %dma_start3A_1299 = tpu.memref_slice %arg3[%add3A_1031, %dma_start3A_1298] : memref<128x65536xf32, #tpu.memory_space<hbm>> -> memref<1x11264xf32, #tpu.memory_space<hbm>>
    %dma_start3A_1300 = tpu.memref_squeeze %dma_start3A_1299 : memref<1x11264xf32, #tpu.memory_space<hbm>> -> memref<11264xf32, #tpu.memory_space<hbm>>
    %dma_start3A_1301 = arith.constant 0 : i32
    %dma_start3A_1302 = tpu.memref_slice %arg3[%add3A_1031, %dma_start3A_1301] : memref<128x65536xf32, #tpu.memory_space<hbm>> -> memref<1x11264xf32, #tpu.memory_space<hbm>>
    %dma_start3A_1303 = tpu.memref_squeeze %dma_start3A_1302 : memref<1x11264xf32, #tpu.memory_space<hbm>> -> memref<11264xf32, #tpu.memory_space<hbm>>
    %dma_start3A_1304 = arith.constant 0 : i32
    %dma_start3A_1305 = tpu.memref_slice %arg7[%dma_start3A_1304] : memref<65792xf32, #tpu.memory_space<vmem>> -> memref<11264xf32, #tpu.memory_space<vmem>>
    tpu.enqueue_dma source(%dma_start3A_1305 : memref<11264xf32, #tpu.memory_space<vmem>>) target(%dma_start3A_1303 : memref<11264xf32, #tpu.memory_space<hbm>>) target_semaphore(%arg9 : memref<!tpu.dma_semaphore, #tpu.memory_space<semaphore_mem>>)
    %dma_start3A_1306 = arith.constant 11264 : i32
    %dma_start3A_1307 = tpu.memref_slice %arg7[%dma_start3A_1306] : memref<65792xf32, #tpu.memory_space<vmem>> -> memref<11264xf32, #tpu.memory_space<vmem>>
    %dma_start3A_1308 = arith.constant 11264 : i32
    %dma_start3A_1309 = tpu.memref_slice %arg3[%add3A_1031, %dma_start3A_1308] : memref<128x65536xf32, #tpu.memory_space<hbm>> -> memref<1x11264xf32, #tpu.memory_space<hbm>>
    %dma_start3A_1310 = tpu.memref_squeeze %dma_start3A_1309 : memref<1x11264xf32, #tpu.memory_space<hbm>> -> memref<11264xf32, #tpu.memory_space<hbm>>
    %dma_start3A_1311 = arith.constant 11264 : i32
    %dma_start3A_1312 = tpu.memref_slice %arg3[%add3A_1031, %dma_start3A_1311] : memref<128x65536xf32, #tpu.memory_space<hbm>> -> memref<1x11264xf32, #tpu.memory_space<hbm>>
    %dma_start3A_1313 = tpu.memref_squeeze %dma_start3A_1312 : memref<1x11264xf32, #tpu.memory_space<hbm>> -> memref<11264xf32, #tpu.memory_space<hbm>>
    %dma_start3A_1314 = arith.constant 11264 : i32
    %dma_start3A_1315 = tpu.memref_slice %arg7[%dma_start3A_1314] : memref<65792xf32, #tpu.memory_space<vmem>> -> memref<11264xf32, #tpu.memory_space<vmem>>
    tpu.enqueue_dma source(%dma_start3A_1315 : memref<11264xf32, #tpu.memory_space<vmem>>) target(%dma_start3A_1313 : memref<11264xf32, #tpu.memory_space<hbm>>) target_semaphore(%arg10 : memref<!tpu.dma_semaphore, #tpu.memory_space<semaphore_mem>>)
    %dma_start3A_1316 = arith.constant 22528 : i32
    %dma_start3A_1317 = tpu.memref_slice %arg7[%dma_start3A_1316] : memref<65792xf32, #tpu.memory_space<vmem>> -> memref<11264xf32, #tpu.memory_space<vmem>>
    %dma_start3A_1318 = arith.constant 22528 : i32
    %dma_start3A_1319 = tpu.memref_slice %arg3[%add3A_1031, %dma_start3A_1318] : memref<128x65536xf32, #tpu.memory_space<hbm>> -> memref<1x11264xf32, #tpu.memory_space<hbm>>
    %dma_start3A_1320 = tpu.memref_squeeze %dma_start3A_1319 : memref<1x11264xf32, #tpu.memory_space<hbm>> -> memref<11264xf32, #tpu.memory_space<hbm>>
    %dma_start3A_1321 = arith.constant 22528 : i32
    %dma_start3A_1322 = tpu.memref_slice %arg3[%add3A_1031, %dma_start3A_1321] : memref<128x65536xf32, #tpu.memory_space<hbm>> -> memref<1x11264xf32, #tpu.memory_space<hbm>>
    %dma_start3A_1323 = tpu.memref_squeeze %dma_start3A_1322 : memref<1x11264xf32, #tpu.memory_space<hbm>> -> memref<11264xf32, #tpu.memory_space<hbm>>
    %dma_start3A_1324 = arith.constant 22528 : i32
    %dma_start3A_1325 = tpu.memref_slice %arg7[%dma_start3A_1324] : memref<65792xf32, #tpu.memory_space<vmem>> -> memref<11264xf32, #tpu.memory_space<vmem>>
    tpu.enqueue_dma source(%dma_start3A_1325 : memref<11264xf32, #tpu.memory_space<vmem>>) target(%dma_start3A_1323 : memref<11264xf32, #tpu.memory_space<hbm>>) target_semaphore(%arg11 : memref<!tpu.dma_semaphore, #tpu.memory_space<semaphore_mem>>)
    %dma_start3A_1326 = arith.constant 33792 : i32
    %dma_start3A_1327 = tpu.memref_slice %arg7[%dma_start3A_1326] : memref<65792xf32, #tpu.memory_space<vmem>> -> memref<11264xf32, #tpu.memory_space<vmem>>
    %dma_start3A_1328 = arith.constant 33792 : i32
    %dma_start3A_1329 = tpu.memref_slice %arg3[%add3A_1031, %dma_start3A_1328] : memref<128x65536xf32, #tpu.memory_space<hbm>> -> memref<1x11264xf32, #tpu.memory_space<hbm>>
    %dma_start3A_1330 = tpu.memref_squeeze %dma_start3A_1329 : memref<1x11264xf32, #tpu.memory_space<hbm>> -> memref<11264xf32, #tpu.memory_space<hbm>>
    %dma_start3A_1331 = arith.constant 33792 : i32
    %dma_start3A_1332 = tpu.memref_slice %arg3[%add3A_1031, %dma_start3A_1331] : memref<128x65536xf32, #tpu.memory_space<hbm>> -> memref<1x11264xf32, #tpu.memory_space<hbm>>
    %dma_start3A_1333 = tpu.memref_squeeze %dma_start3A_1332 : memref<1x11264xf32, #tpu.memory_space<hbm>> -> memref<11264xf32, #tpu.memory_space<hbm>>
    %dma_start3A_1334 = arith.constant 33792 : i32
    %dma_start3A_1335 = tpu.memref_slice %arg7[%dma_start3A_1334] : memref<65792xf32, #tpu.memory_space<vmem>> -> memref<11264xf32, #tpu.memory_space<vmem>>
    tpu.enqueue_dma source(%dma_start3A_1335 : memref<11264xf32, #tpu.memory_space<vmem>>) target(%dma_start3A_1333 : memref<11264xf32, #tpu.memory_space<hbm>>) target_semaphore(%arg12 : memref<!tpu.dma_semaphore, #tpu.memory_space<semaphore_mem>>)
    %dma_start3A_1336 = arith.constant 45056 : i32
    %dma_start3A_1337 = tpu.memref_slice %arg7[%dma_start3A_1336] : memref<65792xf32, #tpu.memory_space<vmem>> -> memref<7168xf32, #tpu.memory_space<vmem>>
    %dma_start3A_1338 = arith.constant 45056 : i32
    %dma_start3A_1339 = tpu.memref_slice %arg3[%add3A_1031, %dma_start3A_1338] : memref<128x65536xf32, #tpu.memory_space<hbm>> -> memref<1x7168xf32, #tpu.memory_space<hbm>>
    %dma_start3A_1340 = tpu.memref_squeeze %dma_start3A_1339 : memref<1x7168xf32, #tpu.memory_space<hbm>> -> memref<7168xf32, #tpu.memory_space<hbm>>
    %dma_start3A_1341 = arith.constant 45056 : i32
    %dma_start3A_1342 = tpu.memref_slice %arg3[%add3A_1031, %dma_start3A_1341] : memref<128x65536xf32, #tpu.memory_space<hbm>> -> memref<1x7168xf32, #tpu.memory_space<hbm>>
    %dma_start3A_1343 = tpu.memref_squeeze %dma_start3A_1342 : memref<1x7168xf32, #tpu.memory_space<hbm>> -> memref<7168xf32, #tpu.memory_space<hbm>>
    %dma_start3A_1344 = arith.constant 45056 : i32
    %dma_start3A_1345 = tpu.memref_slice %arg7[%dma_start3A_1344] : memref<65792xf32, #tpu.memory_space<vmem>> -> memref<7168xf32, #tpu.memory_space<vmem>>
    tpu.enqueue_dma source(%dma_start3A_1345 : memref<7168xf32, #tpu.memory_space<vmem>>) target(%dma_start3A_1343 : memref<7168xf32, #tpu.memory_space<hbm>>) target_semaphore(%arg13 : memref<!tpu.dma_semaphore, #tpu.memory_space<semaphore_mem>>)
    %dma_start3A_1346 = arith.constant 52224 : i32
    %dma_start3A_1347 = tpu.memref_slice %arg7[%dma_start3A_1346] : memref<65792xf32, #tpu.memory_space<vmem>> -> memref<7168xf32, #tpu.memory_space<vmem>>
    %dma_start3A_1348 = arith.constant 52224 : i32
    %dma_start3A_1349 = tpu.memref_slice %arg3[%add3A_1031, %dma_start3A_1348] : memref<128x65536xf32, #tpu.memory_space<hbm>> -> memref<1x7168xf32, #tpu.memory_space<hbm>>
    %dma_start3A_1350 = tpu.memref_squeeze %dma_start3A_1349 : memref<1x7168xf32, #tpu.memory_space<hbm>> -> memref<7168xf32, #tpu.memory_space<hbm>>
    %dma_start3A_1351 = arith.constant 52224 : i32
    %dma_start3A_1352 = tpu.memref_slice %arg3[%add3A_1031, %dma_start3A_1351] : memref<128x65536xf32, #tpu.memory_space<hbm>> -> memref<1x7168xf32, #tpu.memory_space<hbm>>
    %dma_start3A_1353 = tpu.memref_squeeze %dma_start3A_1352 : memref<1x7168xf32, #tpu.memory_space<hbm>> -> memref<7168xf32, #tpu.memory_space<hbm>>
    %dma_start3A_1354 = arith.constant 52224 : i32
    %dma_start3A_1355 = tpu.memref_slice %arg7[%dma_start3A_1354] : memref<65792xf32, #tpu.memory_space<vmem>> -> memref<7168xf32, #tpu.memory_space<vmem>>
    tpu.enqueue_dma source(%dma_start3A_1355 : memref<7168xf32, #tpu.memory_space<vmem>>) target(%dma_start3A_1353 : memref<7168xf32, #tpu.memory_space<hbm>>) target_semaphore(%arg14 : memref<!tpu.dma_semaphore, #tpu.memory_space<semaphore_mem>>)
    %dma_start3A_1356 = arith.constant 59392 : i32
    %dma_start3A_1357 = tpu.memref_slice %arg7[%dma_start3A_1356] : memref<65792xf32, #tpu.memory_space<vmem>> -> memref<4096xf32, #tpu.memory_space<vmem>>
    %dma_start3A_1358 = arith.constant 59392 : i32
    %dma_start3A_1359 = tpu.memref_slice %arg3[%add3A_1031, %dma_start3A_1358] : memref<128x65536xf32, #tpu.memory_space<hbm>> -> memref<1x4096xf32, #tpu.memory_space<hbm>>
    %dma_start3A_1360 = tpu.memref_squeeze %dma_start3A_1359 : memref<1x4096xf32, #tpu.memory_space<hbm>> -> memref<4096xf32, #tpu.memory_space<hbm>>
    %dma_start3A_1361 = arith.constant 59392 : i32
    %dma_start3A_1362 = tpu.memref_slice %arg3[%add3A_1031, %dma_start3A_1361] : memref<128x65536xf32, #tpu.memory_space<hbm>> -> memref<1x4096xf32, #tpu.memory_space<hbm>>
    %dma_start3A_1363 = tpu.memref_squeeze %dma_start3A_1362 : memref<1x4096xf32, #tpu.memory_space<hbm>> -> memref<4096xf32, #tpu.memory_space<hbm>>
    %dma_start3A_1364 = arith.constant 59392 : i32
    %dma_start3A_1365 = tpu.memref_slice %arg7[%dma_start3A_1364] : memref<65792xf32, #tpu.memory_space<vmem>> -> memref<4096xf32, #tpu.memory_space<vmem>>
    tpu.enqueue_dma source(%dma_start3A_1365 : memref<4096xf32, #tpu.memory_space<vmem>>) target(%dma_start3A_1363 : memref<4096xf32, #tpu.memory_space<hbm>>) target_semaphore(%arg15 : memref<!tpu.dma_semaphore, #tpu.memory_space<semaphore_mem>>)
    %dma_start3A_1366 = arith.constant 63488 : i32
    %dma_start3A_1367 = tpu.memref_slice %arg7[%dma_start3A_1366] : memref<65792xf32, #tpu.memory_space<vmem>> -> memref<2048xf32, #tpu.memory_space<vmem>>
    %dma_start3A_1368 = arith.constant 63488 : i32
    %dma_start3A_1369 = tpu.memref_slice %arg3[%add3A_1031, %dma_start3A_1368] : memref<128x65536xf32, #tpu.memory_space<hbm>> -> memref<1x2048xf32, #tpu.memory_space<hbm>>
    %dma_start3A_1370 = tpu.memref_squeeze %dma_start3A_1369 : memref<1x2048xf32, #tpu.memory_space<hbm>> -> memref<2048xf32, #tpu.memory_space<hbm>>
    %dma_start3A_1371 = arith.constant 63488 : i32
    %dma_start3A_1372 = tpu.memref_slice %arg3[%add3A_1031, %dma_start3A_1371] : memref<128x65536xf32, #tpu.memory_space<hbm>> -> memref<1x2048xf32, #tpu.memory_space<hbm>>
    %dma_start3A_1373 = tpu.memref_squeeze %dma_start3A_1372 : memref<1x2048xf32, #tpu.memory_space<hbm>> -> memref<2048xf32, #tpu.memory_space<hbm>>
    %dma_start3A_1374 = arith.constant 63488 : i32
    %dma_start3A_1375 = tpu.memref_slice %arg7[%dma_start3A_1374] : memref<65792xf32, #tpu.memory_space<vmem>> -> memref<2048xf32, #tpu.memory_space<vmem>>
    tpu.enqueue_dma source(%dma_start3A_1375 : memref<2048xf32, #tpu.memory_space<vmem>>) target(%dma_start3A_1373 : memref<2048xf32, #tpu.memory_space<hbm>>) target_semaphore(%arg16 : memref<!tpu.dma_semaphore, #tpu.memory_space<semaphore_mem>>)
    %dma_wait3A_1376 = arith.constant 0 : i32
    %dma_wait3A_1377 = tpu.memref_slice %arg7[%dma_wait3A_1376] : memref<65792xf32, #tpu.memory_space<vmem>> -> memref<11264xf32, #tpu.memory_space<vmem>>
    %dma_wait3A_1378 = arith.constant 0 : i32
    %dma_wait3A_1379 = tpu.memref_slice %arg3[%add3A_1031, %dma_wait3A_1378] : memref<128x65536xf32, #tpu.memory_space<hbm>> -> memref<1x11264xf32, #tpu.memory_space<hbm>>
    %dma_wait3A_1380 = tpu.memref_squeeze %dma_wait3A_1379 : memref<1x11264xf32, #tpu.memory_space<hbm>> -> memref<11264xf32, #tpu.memory_space<hbm>>
    %dma_wait3A_1381 = arith.constant 0 : i32
    %dma_wait3A_1382 = tpu.memref_slice %arg3[%add3A_1031, %dma_wait3A_1381] : memref<128x65536xf32, #tpu.memory_space<hbm>> -> memref<1x11264xf32, #tpu.memory_space<hbm>>
    %dma_wait3A_1383 = tpu.memref_squeeze %dma_wait3A_1382 : memref<1x11264xf32, #tpu.memory_space<hbm>> -> memref<11264xf32, #tpu.memory_space<hbm>>
    %dma_wait3A_1384 = arith.constant 0 : i32
    %dma_wait3A_1385 = tpu.memref_slice %arg7[%dma_wait3A_1384] : memref<65792xf32, #tpu.memory_space<vmem>> -> memref<11264xf32, #tpu.memory_space<vmem>>
    tpu.wait_dma2 semaphore(%arg9 : memref<!tpu.dma_semaphore, #tpu.memory_space<semaphore_mem>>) src(%dma_wait3A_1385 : memref<11264xf32, #tpu.memory_space<vmem>>) dst(%dma_wait3A_1383 : memref<11264xf32, #tpu.memory_space<hbm>>)
    %dma_wait3A_1386 = arith.constant 11264 : i32
    %dma_wait3A_1387 = tpu.memref_slice %arg7[%dma_wait3A_1386] : memref<65792xf32, #tpu.memory_space<vmem>> -> memref<11264xf32, #tpu.memory_space<vmem>>
    %dma_wait3A_1388 = arith.constant 11264 : i32
    %dma_wait3A_1389 = tpu.memref_slice %arg3[%add3A_1031, %dma_wait3A_1388] : memref<128x65536xf32, #tpu.memory_space<hbm>> -> memref<1x11264xf32, #tpu.memory_space<hbm>>
    %dma_wait3A_1390 = tpu.memref_squeeze %dma_wait3A_1389 : memref<1x11264xf32, #tpu.memory_space<hbm>> -> memref<11264xf32, #tpu.memory_space<hbm>>
    %dma_wait3A_1391 = arith.constant 11264 : i32
    %dma_wait3A_1392 = tpu.memref_slice %arg3[%add3A_1031, %dma_wait3A_1391] : memref<128x65536xf32, #tpu.memory_space<hbm>> -> memref<1x11264xf32, #tpu.memory_space<hbm>>
    %dma_wait3A_1393 = tpu.memref_squeeze %dma_wait3A_1392 : memref<1x11264xf32, #tpu.memory_space<hbm>> -> memref<11264xf32, #tpu.memory_space<hbm>>
    %dma_wait3A_1394 = arith.constant 11264 : i32
    %dma_wait3A_1395 = tpu.memref_slice %arg7[%dma_wait3A_1394] : memref<65792xf32, #tpu.memory_space<vmem>> -> memref<11264xf32, #tpu.memory_space<vmem>>
    tpu.wait_dma2 semaphore(%arg10 : memref<!tpu.dma_semaphore, #tpu.memory_space<semaphore_mem>>) src(%dma_wait3A_1395 : memref<11264xf32, #tpu.memory_space<vmem>>) dst(%dma_wait3A_1393 : memref<11264xf32, #tpu.memory_space<hbm>>)
    %dma_wait3A_1396 = arith.constant 22528 : i32
    %dma_wait3A_1397 = tpu.memref_slice %arg7[%dma_wait3A_1396] : memref<65792xf32, #tpu.memory_space<vmem>> -> memref<11264xf32, #tpu.memory_space<vmem>>
    %dma_wait3A_1398 = arith.constant 22528 : i32
    %dma_wait3A_1399 = tpu.memref_slice %arg3[%add3A_1031, %dma_wait3A_1398] : memref<128x65536xf32, #tpu.memory_space<hbm>> -> memref<1x11264xf32, #tpu.memory_space<hbm>>
    %dma_wait3A_1400 = tpu.memref_squeeze %dma_wait3A_1399 : memref<1x11264xf32, #tpu.memory_space<hbm>> -> memref<11264xf32, #tpu.memory_space<hbm>>
    %dma_wait3A_1401 = arith.constant 22528 : i32
    %dma_wait3A_1402 = tpu.memref_slice %arg3[%add3A_1031, %dma_wait3A_1401] : memref<128x65536xf32, #tpu.memory_space<hbm>> -> memref<1x11264xf32, #tpu.memory_space<hbm>>
    %dma_wait3A_1403 = tpu.memref_squeeze %dma_wait3A_1402 : memref<1x11264xf32, #tpu.memory_space<hbm>> -> memref<11264xf32, #tpu.memory_space<hbm>>
    %dma_wait3A_1404 = arith.constant 22528 : i32
    %dma_wait3A_1405 = tpu.memref_slice %arg7[%dma_wait3A_1404] : memref<65792xf32, #tpu.memory_space<vmem>> -> memref<11264xf32, #tpu.memory_space<vmem>>
    tpu.wait_dma2 semaphore(%arg11 : memref<!tpu.dma_semaphore, #tpu.memory_space<semaphore_mem>>) src(%dma_wait3A_1405 : memref<11264xf32, #tpu.memory_space<vmem>>) dst(%dma_wait3A_1403 : memref<11264xf32, #tpu.memory_space<hbm>>)
    %dma_wait3A_1406 = arith.constant 33792 : i32
    %dma_wait3A_1407 = tpu.memref_slice %arg7[%dma_wait3A_1406] : memref<65792xf32, #tpu.memory_space<vmem>> -> memref<11264xf32, #tpu.memory_space<vmem>>
    %dma_wait3A_1408 = arith.constant 33792 : i32
    %dma_wait3A_1409 = tpu.memref_slice %arg3[%add3A_1031, %dma_wait3A_1408] : memref<128x65536xf32, #tpu.memory_space<hbm>> -> memref<1x11264xf32, #tpu.memory_space<hbm>>
    %dma_wait3A_1410 = tpu.memref_squeeze %dma_wait3A_1409 : memref<1x11264xf32, #tpu.memory_space<hbm>> -> memref<11264xf32, #tpu.memory_space<hbm>>
    %dma_wait3A_1411 = arith.constant 33792 : i32
    %dma_wait3A_1412 = tpu.memref_slice %arg3[%add3A_1031, %dma_wait3A_1411] : memref<128x65536xf32, #tpu.memory_space<hbm>> -> memref<1x11264xf32, #tpu.memory_space<hbm>>
    %dma_wait3A_1413 = tpu.memref_squeeze %dma_wait3A_1412 : memref<1x11264xf32, #tpu.memory_space<hbm>> -> memref<11264xf32, #tpu.memory_space<hbm>>
    %dma_wait3A_1414 = arith.constant 33792 : i32
    %dma_wait3A_1415 = tpu.memref_slice %arg7[%dma_wait3A_1414] : memref<65792xf32, #tpu.memory_space<vmem>> -> memref<11264xf32, #tpu.memory_space<vmem>>
    tpu.wait_dma2 semaphore(%arg12 : memref<!tpu.dma_semaphore, #tpu.memory_space<semaphore_mem>>) src(%dma_wait3A_1415 : memref<11264xf32, #tpu.memory_space<vmem>>) dst(%dma_wait3A_1413 : memref<11264xf32, #tpu.memory_space<hbm>>)
    %dma_wait3A_1416 = arith.constant 45056 : i32
    %dma_wait3A_1417 = tpu.memref_slice %arg7[%dma_wait3A_1416] : memref<65792xf32, #tpu.memory_space<vmem>> -> memref<7168xf32, #tpu.memory_space<vmem>>
    %dma_wait3A_1418 = arith.constant 45056 : i32
    %dma_wait3A_1419 = tpu.memref_slice %arg3[%add3A_1031, %dma_wait3A_1418] : memref<128x65536xf32, #tpu.memory_space<hbm>> -> memref<1x7168xf32, #tpu.memory_space<hbm>>
    %dma_wait3A_1420 = tpu.memref_squeeze %dma_wait3A_1419 : memref<1x7168xf32, #tpu.memory_space<hbm>> -> memref<7168xf32, #tpu.memory_space<hbm>>
    %dma_wait3A_1421 = arith.constant 45056 : i32
    %dma_wait3A_1422 = tpu.memref_slice %arg3[%add3A_1031, %dma_wait3A_1421] : memref<128x65536xf32, #tpu.memory_space<hbm>> -> memref<1x7168xf32, #tpu.memory_space<hbm>>
    %dma_wait3A_1423 = tpu.memref_squeeze %dma_wait3A_1422 : memref<1x7168xf32, #tpu.memory_space<hbm>> -> memref<7168xf32, #tpu.memory_space<hbm>>
    %dma_wait3A_1424 = arith.constant 45056 : i32
    %dma_wait3A_1425 = tpu.memref_slice %arg7[%dma_wait3A_1424] : memref<65792xf32, #tpu.memory_space<vmem>> -> memref<7168xf32, #tpu.memory_space<vmem>>
    tpu.wait_dma2 semaphore(%arg13 : memref<!tpu.dma_semaphore, #tpu.memory_space<semaphore_mem>>) src(%dma_wait3A_1425 : memref<7168xf32, #tpu.memory_space<vmem>>) dst(%dma_wait3A_1423 : memref<7168xf32, #tpu.memory_space<hbm>>)
    %dma_wait3A_1426 = arith.constant 52224 : i32
    %dma_wait3A_1427 = tpu.memref_slice %arg7[%dma_wait3A_1426] : memref<65792xf32, #tpu.memory_space<vmem>> -> memref<7168xf32, #tpu.memory_space<vmem>>
    %dma_wait3A_1428 = arith.constant 52224 : i32
    %dma_wait3A_1429 = tpu.memref_slice %arg3[%add3A_1031, %dma_wait3A_1428] : memref<128x65536xf32, #tpu.memory_space<hbm>> -> memref<1x7168xf32, #tpu.memory_space<hbm>>
    %dma_wait3A_1430 = tpu.memref_squeeze %dma_wait3A_1429 : memref<1x7168xf32, #tpu.memory_space<hbm>> -> memref<7168xf32, #tpu.memory_space<hbm>>
    %dma_wait3A_1431 = arith.constant 52224 : i32
    %dma_wait3A_1432 = tpu.memref_slice %arg3[%add3A_1031, %dma_wait3A_1431] : memref<128x65536xf32, #tpu.memory_space<hbm>> -> memref<1x7168xf32, #tpu.memory_space<hbm>>
    %dma_wait3A_1433 = tpu.memref_squeeze %dma_wait3A_1432 : memref<1x7168xf32, #tpu.memory_space<hbm>> -> memref<7168xf32, #tpu.memory_space<hbm>>
    %dma_wait3A_1434 = arith.constant 52224 : i32
    %dma_wait3A_1435 = tpu.memref_slice %arg7[%dma_wait3A_1434] : memref<65792xf32, #tpu.memory_space<vmem>> -> memref<7168xf32, #tpu.memory_space<vmem>>
    tpu.wait_dma2 semaphore(%arg14 : memref<!tpu.dma_semaphore, #tpu.memory_space<semaphore_mem>>) src(%dma_wait3A_1435 : memref<7168xf32, #tpu.memory_space<vmem>>) dst(%dma_wait3A_1433 : memref<7168xf32, #tpu.memory_space<hbm>>)
    %dma_wait3A_1436 = arith.constant 59392 : i32
    %dma_wait3A_1437 = tpu.memref_slice %arg7[%dma_wait3A_1436] : memref<65792xf32, #tpu.memory_space<vmem>> -> memref<4096xf32, #tpu.memory_space<vmem>>
    %dma_wait3A_1438 = arith.constant 59392 : i32
    %dma_wait3A_1439 = tpu.memref_slice %arg3[%add3A_1031, %dma_wait3A_1438] : memref<128x65536xf32, #tpu.memory_space<hbm>> -> memref<1x4096xf32, #tpu.memory_space<hbm>>
    %dma_wait3A_1440 = tpu.memref_squeeze %dma_wait3A_1439 : memref<1x4096xf32, #tpu.memory_space<hbm>> -> memref<4096xf32, #tpu.memory_space<hbm>>
    %dma_wait3A_1441 = arith.constant 59392 : i32
    %dma_wait3A_1442 = tpu.memref_slice %arg3[%add3A_1031, %dma_wait3A_1441] : memref<128x65536xf32, #tpu.memory_space<hbm>> -> memref<1x4096xf32, #tpu.memory_space<hbm>>
    %dma_wait3A_1443 = tpu.memref_squeeze %dma_wait3A_1442 : memref<1x4096xf32, #tpu.memory_space<hbm>> -> memref<4096xf32, #tpu.memory_space<hbm>>
    %dma_wait3A_1444 = arith.constant 59392 : i32
    %dma_wait3A_1445 = tpu.memref_slice %arg7[%dma_wait3A_1444] : memref<65792xf32, #tpu.memory_space<vmem>> -> memref<4096xf32, #tpu.memory_space<vmem>>
    tpu.wait_dma2 semaphore(%arg15 : memref<!tpu.dma_semaphore, #tpu.memory_space<semaphore_mem>>) src(%dma_wait3A_1445 : memref<4096xf32, #tpu.memory_space<vmem>>) dst(%dma_wait3A_1443 : memref<4096xf32, #tpu.memory_space<hbm>>)
    %dma_wait3A_1446 = arith.constant 63488 : i32
    %dma_wait3A_1447 = tpu.memref_slice %arg7[%dma_wait3A_1446] : memref<65792xf32, #tpu.memory_space<vmem>> -> memref<2048xf32, #tpu.memory_space<vmem>>
    %dma_wait3A_1448 = arith.constant 63488 : i32
    %dma_wait3A_1449 = tpu.memref_slice %arg3[%add3A_1031, %dma_wait3A_1448] : memref<128x65536xf32, #tpu.memory_space<hbm>> -> memref<1x2048xf32, #tpu.memory_space<hbm>>
    %dma_wait3A_1450 = tpu.memref_squeeze %dma_wait3A_1449 : memref<1x2048xf32, #tpu.memory_space<hbm>> -> memref<2048xf32, #tpu.memory_space<hbm>>
    %dma_wait3A_1451 = arith.constant 63488 : i32
    %dma_wait3A_1452 = tpu.memref_slice %arg3[%add3A_1031, %dma_wait3A_1451] : memref<128x65536xf32, #tpu.memory_space<hbm>> -> memref<1x2048xf32, #tpu.memory_space<hbm>>
    %dma_wait3A_1453 = tpu.memref_squeeze %dma_wait3A_1452 : memref<1x2048xf32, #tpu.memory_space<hbm>> -> memref<2048xf32, #tpu.memory_space<hbm>>
    %dma_wait3A_1454 = arith.constant 63488 : i32
    %dma_wait3A_1455 = tpu.memref_slice %arg7[%dma_wait3A_1454] : memref<65792xf32, #tpu.memory_space<vmem>> -> memref<2048xf32, #tpu.memory_space<vmem>>
    tpu.wait_dma2 semaphore(%arg16 : memref<!tpu.dma_semaphore, #tpu.memory_space<semaphore_mem>>) src(%dma_wait3A_1455 : memref<2048xf32, #tpu.memory_space<vmem>>) dst(%dma_wait3A_1453 : memref<2048xf32, #tpu.memory_space<hbm>>)
    return
  }
}

</mosaic_0001>

<sc_bundles>
// kernel: kernel.3.cloned.1.call-start
scs
__scs_entry_jumppad:
0x0: {  	(pc) =	sbr.rel $0x88, $3  }
0x1: {  	(tag) =	ssettag $0x0;
	lr =	simm.s32 $0x1  }
0x2: {  	[smem:$0x3FA0] =	sst lr;
	_ =	strace $0xD0000000  }
0x3: {  	_ = 	snop  }
0x4: {  	_ = 	snop  }
0x5: {  	_ = 	snop  }
0x6: {  	_ = 	snop  }
0x7: {  	_ = 	snop  }
__scs_overlays_trampoline_lowered:
0x8: {  	[smem:$0x3FAF] =	sst s0  }
0x9: {  	[smem:$0x3FB0] =	sst s1  }
0xa: {  	[smem:$0x3FB1] =	sst s2  }
0xb: {  	[smem:$0x3FB2] =	sst s3  }
0xc: {  	[smem:$0x3FB3] =	sst s4  }
0xd: {  	[smem:$0x3FB4] =	sst s5  }
0xe: {  	[smem:$0x3FB5] =	sst s6  }
0xf: {  	[smem:$0x3FB6] =	sst s7  }
0x10: {  	[smem:$0x3FB7] =	sst s8  }
0x11: {  	[smem:$0x3FB8] =	sst s9;
	s0 =	simm.s32 @!p0 $0x0  }
0x12: {  	s1 =	sld [smem:$0x3F9E];
	s0 =	simm.s32 @p0 $0x1  }
0x13: {  	[smem:$0x3FB9] =	sst s0;
	s0 =	simm.s32 @!p1 $0x0  }
0x14: {  	s2 =	sld [smem:$0x3F9D];
	s0 =	simm.s32 @p1 $0x1  }
0x15: {  	[smem:$0x3FBA] =	sst s0;
	s0 =	simm.s32 @!p2 $0x0  }
0x16: {  	s3 =	sld [smem:$0x3FDB];
	s0 =	simm.s32 @p2 $0x1  }
0x17: {  	s4 =	simm.s32 $0x1BF5;
	[smem:$0x3FBC] =	sst s0  }
0x18: {  	s0 =	sld [smem:$0x3F9F];
	_ =	swait.ge [sflag:s4], $0x0  }
0x19: {  	s7 =	sld [smem:$0x3FA0]  }
0x1a: {  	s8 =	sadd.s32 $0xFFFFE003, lr  }
0x1b: {  	s9 =	sadd.s32 $0xFFFFFEF7, lr;
	s5 =	simm.s32 $0xFFFFFFFF;
	p2 =	slt.u32 s8, $0xFFFFF086  }
0x1c: {  	p1 =	slt.u32 s9, $0xF7A;
	s5 =	simm.s32 @!p2 $0x0  }
0x1d: {  	s5 =	simm.s32 @p1 $0x1;
	p0 =	seq.s32 s7, s2  }
0x1e: {  	s7 =	smul.u32 @!p0 $0xF7A, s2;
	p2 =	seq.s32 @!p0 s5, $0x0  }
0x1f: {  	s9 =	smul.u32 $0xF7A, s1;
	s8 =	simm.s32 @!p0 $0x1BF5;
	p2 =	por !p2, p0  }
0x20: {  	[sflag:s8] =	ssyncset.s32 @!p0 $0xFFFFF086;
	s6 =	sadd.s32 @!p0 s3, s7;
	s7 =	simm.s32 @!p0 $0x108  }
0x21: {  	s3 =	sadd.s32 s3, s9;
	s6 =	sadd.s32 @!p0 $0x88, s6;
	s7 =	simm.s32 @p2 $0x1082  }
0x22: {  	[simem:s7], [sflag:s8] =	dma.local @!p0 [hbm:s6], $0xF7A  }
0x23: {  	s9 =	sor.u32 $0xD0000000, s2;
	s6 =	simm.s32 $0x108;
	_ =	swait.ge @!p0 [sflag:s8], $0x0  }
0x24: {  	s3 =	sadd.s32 $0x88, s3;
	s6 =	simm.s32 @!p1 $0x1082;
	[sflag:s4] =	ssyncset.s32 $0xFFFFF086  }
0x25: {  	[simem:s6], [sflag:s4] =	dma.local [hbm:s3], $0xF7A  }
0x26: {  	[smem:$0x3FA0] =	sst s1;
	(tag) =	ssettag s2;
	_ =	strace s9  }
0x27: {  	s1 =	sld [smem:$0x3FB0]  }
0x28: {  	s2 =	sld [smem:$0x3FB1]  }
0x29: {  	s4 =	sld [smem:$0x3FB3]  }
0x2a: {  	p0 =	seq.s32 s5, $0x0;
	s5 =	sld [smem:$0x3FB4]  }
0x2b: {  	s6 =	sld [smem:$0x3FB5]  }
0x2c: {  	s7 =	sld [smem:$0x3FB6]  }
0x2d: {  	s3 =	simm.s32 $0x108;
	s8 =	sld [smem:$0x3FB7]  }
0x2e: {  	s3 =	simm.s32 @!p0 $0x1082;
	s9 =	sld [smem:$0x3FB8]  }
0x2f: {  	lr =	sadd.s32 s0, s3;
	s0 =	sld [smem:$0x3FAF]  }
0x30: {  	s3 =	sld [smem:$0x3FB2]  }
0x31: {  	[smem:$0x3FBB] =	sst s10  }
0x32: {  	s10 =	sld [smem:$0x3FB9];
	_ =	sdelay $0x3  }
0x33: {  	p0 =	seq.s32 s10, $0x1;
	s10 =	sld [smem:$0x3FBB];
	_ =	sdelay $0x3  }
0x34: {  	[smem:$0x3FBB] =	sst s10  }
0x35: {  	s10 =	sld [smem:$0x3FBA];
	_ =	sdelay $0x3  }
0x36: {  	p1 =	seq.s32 s10, $0x1;
	s10 =	sld [smem:$0x3FBB];
	_ =	sdelay $0x3  }
0x37: {  	[smem:$0x3FBB] =	sst s10  }
0x38: {  	s10 =	sld [smem:$0x3FBC]  }
0x39: {  	_ = 	snop;
	(pc) =	sbr.ind lr, $3  }
0x3a: {  	_ = 	snop  }
0x3b: {  	_ = 	snop  }
0x3c: {  	p2 =	seq.s32 s10, $0x1;
	s10 =	sld [smem:$0x3FBB]  }
0x3d: {  	_ =	shalt  }
0x3e: {  	_ =	shalt  }
0x3f: {  	_ =	shalt  }
0x40: {  	_ =	shalt  }
0x41: {  	_ =	shalt  }
0x42: {  	_ =	shalt  }
0x43: {  	_ =	shalt  }
0x44: {  	_ =	shalt  }
0x45: {  	_ =	shalt  }
0x46: {  	_ =	shalt  }
0x47: {  	_ =	shalt  }
0x48: {  	_ =	shalt  }
0x49: {  	_ =	shalt  }
0x4a: {  	_ =	shalt  }
0x4b: {  	_ =	shalt  }
0x4c: {  	_ =	shalt  }
0x4d: {  	_ =	shalt  }
0x4e: {  	_ =	shalt  }
0x4f: {  	_ =	shalt  }
0x50: {  	_ =	shalt  }
0x51: {  	_ =	shalt  }
0x52: {  	_ =	shalt  }
0x53: {  	_ =	shalt  }
0x54: {  	_ =	shalt  }
0x55: {  	_ =	shalt  }
0x56: {  	_ =	shalt  }
0x57: {  	_ =	shalt  }
0x58: {  	_ =	shalt  }
0x59: {  	_ =	shalt  }
0x5a: {  	_ =	shalt  }
0x5b: {  	_ =	shalt  }
0x5c: {  	_ =	shalt  }
0x5d: {  	_ =	shalt  }
0x5e: {  	_ =	shalt  }
0x5f: {  	_ =	shalt  }
0x60: {  	_ =	shalt  }
0x61: {  	_ =	shalt  }
0x62: {  	_ =	shalt  }
0x63: {  	_ =	shalt  }
0x64: {  	_ =	shalt  }
0x65: {  	_ =	shalt  }
0x66: {  	_ =	shalt  }
0x67: {  	_ =	shalt  }
0x68: {  	_ =	shalt  }
0x69: {  	_ =	shalt  }
0x6a: {  	_ =	shalt  }
0x6b: {  	_ =	shalt  }
0x6c: {  	_ =	shalt  }
0x6d: {  	_ =	shalt  }
0x6e: {  	_ =	shalt  }
0x6f: {  	_ =	shalt  }
0x70: {  	_ =	shalt  }
0x71: {  	_ =	shalt  }
0x72: {  	_ =	shalt  }
0x73: {  	_ =	shalt  }
0x74: {  	_ =	shalt  }
0x75: {  	_ =	shalt  }
0x76: {  	_ =	shalt  }
0x77: {  	_ =	shalt  }
0x78: {  	_ =	shalt  }
0x79: {  	_ =	shalt  }
0x7a: {  	_ =	shalt  }
0x7b: {  	_ =	shalt  }
0x7c: {  	_ =	shalt  }
0x7d: {  	_ =	shalt  }
0x7e: {  	_ =	shalt  }
0x7f: {  	_ =	shalt  }
0x80: {  	_ =	shalt  }
0x81: {  	_ =	shalt  }
0x82: {  	_ =	shalt  }
0x83: {  	_ =	shalt  }
0x84: {  	_ =	shalt  }
0x85: {  	_ =	shalt  }
0x86: {  	_ =	shalt  }
0x87: {  	_ =	shalt  }
.Lfunc_end0:
.L_simem_size_0:
called_computation_lowered:
.L_overlay_start_0:
0x88: {  	s2 =	sld [smem:$0x3FD9]  }
0x89: {  	s3 =	sld [smem:$0x3FFE];
	_ =	sdelay $0x1  }
0x8a: {  	s1 =	srdreg.scid  }
0x8b: {  	s0 =	sand.u32 $0x1, s1  }
0x8c: {  	s18 =	sshll.u32 s0, $0xA;
	s2 =	sadd.s32 s3, s2  }
0x8d: {  	s2 =	sadd.s32 s2, s18  }
0x8e: {  	[smem:$0x3FC7] =	sst s2  }
0x8f: {  	_ = 	snop  }
0x90: {  	s2 =	sld [smem:$0x3FC9]  }
0x91: {  	s19 =	sld [smem:$0x3FD0];
	(tm) =	ssettm $0x1  }
0x92: {  	s4 =	sld [smem:$0x3FFB];
	_ =	sdelay $0x3  }
0x93: {  	_ =	strace s4  }
0x94: {  	s4 =	sld [smem:$0x3FFC];
	_ =	sdelay $0x3  }
0x95: {  	_ =	strace s4  }
0x96: {  	s4 =	sld [smem:$0x3FFD];
	_ =	sdelay $0x3  }
0x97: {  	_ =	strace s4  }
0x98: {  	_ =	strace $0x8FFFFFFF  }
0x99: {  	s20 =	sld [smem:$0x3FDB];
	_ =	sdelay $0x1  }
0x9a: {  	s5 =	simm.s32 $_scs_section_size  }
0x9b: {  	s6 =	simm.s32 $_size__tile_overlayer_lowered;
	s7 =	simm.s32 $_tile_overlayer_lowered  }
0x9c: {  	s23 =	simm.s32 $0x1BFF;
	s22 =	sshll.u32 s7, $0x1;
	s4 =	sadd.s32 s5, s20  }
0x9d: {  	s8 =	simm.s32 $0x0;
	s21 =	sshll.u32 s6, $0x1;
	s6 =	sadd.s32 s22, s4  }
0x9e: {  	[timem:s8], [sflag:s23] =	dma.local [hbm:s6], s21  }
0x9f: {  	_ =	swait.ge [sflag:s23], s21  }
0xa0: {  	s5 =	ssub.s32 $0x0, s21;
	[sflag:s23] =	ssyncset.done $0x0  }
0xa1: {  	[sflag:s23] =	ssyncadd.s32 s5;
	_ =	sdelay $0x1  }
0xa2: {  	s24 =	simm.s32 $0x1B8B  }
0xa3: {  	_ =	swait.ge [sflag:s24], $0x1  }
0xa4: {  	[sflag:s24] =	ssyncset.done $0x0  }
0xa5: {  	s25 =	simm.s32 $0x1B8E;
	[sflag:s24] =	ssyncadd.s32 $0xFFFFFFFF  }
0xa6: {  	s26 =	simm.s32 $execute0_lowered;
	[smem:$0x3FD2] =	sst s25  }
0xa7: {  	s5 =	sshll.u32 s26, $0x1;
	_ =	strace $0x80000046;
	[dreg:$0x1] =	wrdreg $0xFFFFFFFF  }
0xa8: {  	s28 =	simm.s32 $_size_execute0_lowered;
	s4 =	sadd.s32 s4, s5;
	[dreg:$0x0] =	wrdreg $0x0  }
0xa9: {  	s5 =	sshll.u32 s28, $0x1;
	[dreg:$0x2] =	wrdreg s4  }
0xaa: {  	[dreg:$0x3] =	wrdreg s5  }
0xab: {  	[dreg:$0x4] =	wrdreg $0xC0  }
0xac: {  	_ =	task [dreg:s8], $0x5FFFF  }
0xad: {  	[dreg:$0x1] =	wrdreg $0xFFFFFFFF  }
0xae: {  	[dreg:$0x0] =	wrdreg $0x60  }
0xaf: {  	[dreg:$0x2] =	wrdreg s2  }
0xb0: {  	[dreg:$0x3] =	wrdreg s19  }
0xb1: {  	[dreg:$0x4] =	wrdreg $0x9  }
0xb2: {  	_ =	task.clear_ibuf [dreg:s8], $0x5FFFF;
	_ =	strace $0x90000046  }
0xb3: {  	s29 =	simm.s32 $0x9;
	_ =	strace $0x80000048  }
0xb4: {  	_ =	swait.ge [sflag:s29], $0x1  }
0xb5: {  	[sflag:s29] =	ssyncadd.s32 $0xFFFFFFFF  }
0xb6: {  	_ =	strace $0x90000048  }
0xb7: {  	_ =	sfence  }
0xb8: {  	s30 =	sld [smem:$0x0];
	_ =	sdelay $0x2  }
0xb9: {  	s31 =	sshll.u32 s1, $0xD;
	s1 =	sshrl.u32 s1, $0x2  }
0xba: {  	s3 =	sand.u32 $0x4000, s31;
	s1 =	sadd.s32 s1, s30  }
0xbb: {  	s0 =	sor.u32 s3, s0;
	s1 =	sshll.u32 s1, $0x11  }
0xbc: {  	s0 =	sor.u32 s1, s0  }
0xbd: {  	s0 =	sadd.s32 $0x8F2B, s0  }
0xbe: {  	[sflag:s0] =	ssyncadd.remote.s32 $0x1  }
0xbf: {  	_ =	sfence.sel $0xFFFF  }
0xc0: {  	[dreg:$0x0] =	wrdreg $0xFFFFFFFF;
	(pc) =	sbr.abs _section_cstart, $3  }
0xc1: {  	[dreg:$0x1] =	wrdreg $0xFFFFFFFF  }
0xc2: {  	_ =	task.clear_ibuf [dreg:s8], $0x2FFFF;
	_ =	strace $0x9FFFFFFF  }
0xc3: {  	(tm) =	ssettm $0x7FFFFFFF  }
tec
execute0_lowered:
.L_overlay_start_1:
0x0: {  	(tag) =	ssettag $0x1  }
0x1: {  	s0 =	srdreg.scid;
	s2 =	rddreg [dreg:$0x0];
	s1 =	simm.s32 $0x0  }
0x2: {  	s7 =	stileid.u32;
	s28 =	simm.s32 $0x8;
	s29 =	simm.s32 $0x9  }
0x3: {  	s30 =	simm.s32 $0x0;
	s3 =	sand.u32 $0x1, s0;
	s0 =	rddreg [dreg:$0x1]  }
0x4: {  	[smem:$0x7FF] =	sst s1;
	s24 =	sshll.u32 s7, $0x10;
	s7 =	sshll.u32 s7, $0x13  }
0x5: {  	s4 =	ssub.s32 $0x2, s3;
	s3 =	sshll.u32 s3, $0x9;
	s11 =	sadd.s32 $0x8400, s0  }
0x6: {  	s14 =	sadd.s32 $0xCC00, s0;
	s5 =	sshrl.u32 s4, $0x1;
	s25 =	sor.u32 s3, s24  }
0x7: {  	s6 =	sor.u32 $0x80, s3;
	s10 =	sor.u32 s3, s7;
	s19 =	sor.u32 $0x100, s3  }
0x8: {  	s3 =	sor.u32 $0x180, s3;
	s8 =	ssub.s32 s4, s5;
	s5 =	sshrl.u32 s25, $0x3  }
0x9: {  	s9 =	sor.u32 s24, s6;
	s31 =	sshrl.u32 s10, $0x3;
	s15 =	sor.u32 s24, s19  }
0xa: {  	s4 =	sor.u32 s24, s3;
	s21 =	sor.u32 s7, s6;
	s5 =	sadd.s32 s2, s5  }
0xb: {  	s22 =	sor.u32 s7, s19;
	s17 =	sadd.s32 s0, s31;
	[dreg:$0x3] =	wrdreg s5  }
0xc: {  	s3 =	sor.u32 s7, s3;
	s18 =	sadd.s32 s31, s11;
	[dreg:$0x5] =	wrdreg s17  }
0xd: {  	s7 =	sadd.s32 $0xF800, s0;
	s16 =	sadd.s32 s31, s14;
	[dreg:$0x8] =	wrdreg s18  }
0xe: {  	s26 =	sshrl.u32 s9, $0x3;
	s23 =	sadd.s32 s31, s7;
	[dreg:$0xa] =	wrdreg s16  }
0xf: {  	s15 =	sshrl.u32 s15, $0x3;
	s5 =	sadd.s32 s2, s26;
	[dreg:$0xe] =	wrdreg s23  }
0x10: {  	s4 =	sshrl.u32 s4, $0x3;
	s15 =	sadd.s32 s2, s15;
	[dreg:$0x4] =	wrdreg s5  }
0x11: {  	s16 =	sadd.s32 $0xE800, s0;
	s2 =	sadd.s32 s2, s4;
	[dreg:$0xb] =	wrdreg s15  }
0x12: {  	s4 =	sshrl.u32 s22, $0x3;
	[dreg:$0xc] =	wrdreg s2;
	s20 =	sadd.s32 s31, s16  }
0x13: {  	s8 =	smax.u32 s8, $0x1;
	s18 =	sadd.s32 s0, s4;
	[dreg:$0xd] =	wrdreg s20  }
0x14: {  	s2 =	sshrl.u32 s21, $0x3;
	s21 =	sadd.s32 s4, s11;
	[dreg:$0x17] =	wrdreg s18  }
0x15: {  	s5 =	sadd.s32 $0x2C00, s0;
	s23 =	sadd.s32 s4, s14;
	[dreg:$0x1a] =	wrdreg s21  }
0x16: {  	s17 =	sshrl.u32 s3, $0x3;
	s10 =	sadd.s32 s31, s5;
	[dreg:$0x1c] =	wrdreg s23  }
0x17: {  	s3 =	sadd.s32 s17, s11;
	s24 =	sadd.s32 s0, s2;
	[dreg:$0x6] =	wrdreg s10  }
0x18: {  	s6 =	sadd.s32 s17, s16;
	s25 =	sadd.s32 s2, s5;
	[dreg:$0xf] =	wrdreg s24  }
0x19: {  	s15 =	sadd.s32 s2, s16;
	s19 =	sadd.s32 s4, s5;
	[dreg:$0x10] =	wrdreg s25  }
0x1a: {  	s18 =	simm.s32 $0x12D80;
	s21 =	simm.s32 $0x2;
	[dreg:$0x15] =	wrdreg s15  }
0x1b: {  	s23 =	simm.s32 $0x4;
	s10 =	sadd.s32 $0x5800, s0;
	[dreg:$0x18] =	wrdreg s19  }
0x1c: {  	s24 =	sadd.s32 s4, s16;
	s25 =	sadd.s32 s4, s7;
	s15 =	simm.s32 $0xB980  }
0x1d: {  	s16 =	simm.s32 $0xE580;
	s19 =	simm.s32 $0x14980;
	[dreg:$0x1d] =	wrdreg s24  }
0x1e: {  	s12 =	sadd.s32 s31, s10;
	s26 =	sadd.s32 s2, s10;
	[dreg:$0x1e] =	wrdreg s25  }
0x1f: {  	s20 =	sadd.s32 s4, s10;
	s24 =	simm.s32 $0x5;
	[dreg:$0x7] =	wrdreg s12  }
0x20: {  	s25 =	simm.s32 $0x6;
	s12 =	sadd.s32 $0xB000, s0;
	[dreg:$0x11] =	wrdreg s26  }
0x21: {  	[dreg:$0x19] =	wrdreg s20;
	s0 =	sadd.s32 s0, s17;
	s26 =	sadd.s32 s17, s5  }
0x22: {  	s5 =	sadd.s32 s17, s14;
	s20 =	simm.s32 $0x15980;
	[dreg:$0x1f] =	wrdreg s0  }
0x23: {  	v13 =	vlaneseq.u32;
	s13 =	sadd.s32 s31, s12;
	s31 =	sadd.s32 s2, s11;
	[smem:$0x7FC] =	sst s26  }
0x24: {  	v1 =	vimm.s32 $0x0;
	v0 =	vmul.u32 $0x101, v13;
	s9 =	sadd.s32 s2, s12;
	s22 =	sadd.s32 s4, s12;
	[dreg:$0x9] =	wrdreg s13  }
0x25: {  	v2 =	vimm.f32 $0.0e+00;
	v21 =	vimm.f32 $1.000000000e+00;
	v18 =	vmul.u32 $0xFFFFFEFF, v13;
	s4 =	sadd.s32 s17, s12;
	s11 =	simm.s32 $0x1;
	[dreg:$0x12] =	wrdreg s31  }
0x26: {  	v3 =	vadd.s32 $0x1, v0;
	v4 =	vadd.s32 $0x2, v0;
	v5 =	vadd.s32 $0x3, v0;
	s12 =	simm.s32 $0x2080;
	s26 =	simm.s32 $0x7;
	[dreg:$0x13] =	wrdreg s9  }
0x27: {  	v6 =	vadd.s32 $0x4, v0;
	v7 =	vadd.s32 $0x5, v0;
	v8 =	vadd.s32 $0x6, v0;
	s13 =	sadd.s32 s2, s14;
	s2 =	sadd.s32 s2, s7;
	[dreg:$0x1b] =	wrdreg s22  }
0x28: {  	v9 =	vadd.s32 $0x7, v0;
	v10 =	vadd.s32 $0x1010, v0;
	v11 =	vadd.s32 $0x1011, v0;
	s31 =	sadd.s32 s17, s10;
	s7 =	sadd.s32 s17, s7;
	[dreg:$0x14] =	wrdreg s13  }
0x29: {  	v12 =	vadd.s32 $0x1012, v0;
	v13 =	vadd.s32 $0x1013, v0;
	v14 =	vadd.s32 $0x1014, v0;
	s9 =	simm.s32 $0x80;
	s10 =	simm.s32 $0x400;
	[dreg:$0x16] =	wrdreg s2  }
0x2a: {  	v15 =	vadd.s32 $0x1015, v0;
	v16 =	vadd.s32 $0x1016, v0;
	v17 =	vadd.s32 $0x1017, v0;
	s14 =	simm.s32 $0x8D80;
	s17 =	simm.s32 $0x11180;
	[smem:$0x7FD] =	sst s31  }
0x2b: {  	v18 =	vadd.s32 $0xFE9, v18;
	v19 =	vadd.s32 $0x8, v0;
	v20 =	vadd.s32 $0x1018, v0;
	s22 =	simm.s32 $0x3;
	s13 =	simm.s32 $0x6180;
	_ =	strace $0x80000047  }
.LBB2_1:
0x2c: {  	[tilespmem:$0x2000] =	vst v1  }
0x2d: {  	[tilespmem:$0x2010] =	vst v1  }
0x2e: {  	[tilespmem:$0x2020] =	vst v1  }
0x2f: {  	[tilespmem:$0x4080] =	vst v1  }
0x30: {  	[tilespmem:$0x4090] =	vst v1  }
0x31: {  	[tilespmem:$0x40A0] =	vst v1;
	s0 =	rddreg [dreg:$0x3]  }
0x32: {  	[tilespmem:s1], [sflag:$0x1] =	stream.strided.gather [hbm4b:s0+s9], $0x2000, s10, s9, $0x38;
	[tilespmem:$0x16280] =	vst v63  }
0x33: {  	s31 =	simm.s32 $0x0;
	s0 =	simm.s32 $0x400  }
.LBB2_2:
0x34: {  	p0 =	sne.s32 s0, $0x40000;
	[tilespmem:s31+$0x6270] =	vst v2  }
0x35: {  	[tilespmem:s31+$0x6180] =	vst v2  }
0x36: {  	[tilespmem:s31+$0x6190] =	vst v2  }
0x37: {  	[tilespmem:s31+$0x61A0] =	vst v2  }
0x38: {  	[tilespmem:s31+$0x61B0] =	vst v2  }
0x39: {  	[tilespmem:s31+$0x61C0] =	vst v2  }
0x3a: {  	[tilespmem:s31+$0x61D0] =	vst v2  }
0x3b: {  	[tilespmem:s31+$0x61E0] =	vst v2  }
0x3c: {  	[tilespmem:s31+$0x61F0] =	vst v2  }
0x3d: {  	[tilespmem:s31+$0x6200] =	vst v2  }
0x3e: {  	[tilespmem:s31+$0x6210] =	vst v2  }
.Ltmp0:
0x3f: {  	[tilespmem:s31+$0x6220] =	vst v2;
	(pc) =	sbr.rel @p0 .LBB2_2-.Ltmp0, $4  }
0x40: {  	[tilespmem:s31+$0x6230] =	vst v2  }
0x41: {  	[tilespmem:s31+$0x6240] =	vst v2  }
0x42: {  	[tilespmem:s31+$0x6250] =	vst v2  }
0x43: {  	[tilespmem:s31+$0x6260] =	vst v2;
	s31 =	sshra.s32 s0, $0x2;
	s0 =	sadd.s32 $0x400, s0  }
0x44: {  	[tilespmem:s31+$0x6270] =	vst v2  }
0x45: {  	[tilespmem:s31+$0x6180] =	vst v2  }
0x46: {  	[tilespmem:s31+$0x6190] =	vst v2  }
0x47: {  	[tilespmem:s31+$0x61A0] =	vst v2  }
0x48: {  	[tilespmem:s31+$0x61B0] =	vst v2  }
0x49: {  	[tilespmem:s31+$0x61C0] =	vst v2  }
0x4a: {  	[tilespmem:s31+$0x61D0] =	vst v2  }
0x4b: {  	[tilespmem:s31+$0x61E0] =	vst v2  }
0x4c: {  	[tilespmem:s31+$0x61F0] =	vst v2  }
0x4d: {  	[tilespmem:s31+$0x6200] =	vst v2  }
0x4e: {  	[tilespmem:s31+$0x6210] =	vst v2  }
0x4f: {  	[tilespmem:s31+$0x6220] =	vst v2  }
0x50: {  	[tilespmem:s31+$0x6230] =	vst v2  }
0x51: {  	[tilespmem:s31+$0x6240] =	vst v2  }
0x52: {  	[tilespmem:s31+$0x6250] =	vst v2  }
0x53: {  	[tilespmem:s31+$0x6260] =	vst v2  }
0x54: {  	_ =	swait.ge [sflag:s11], $0x2000  }
0x55: {  	[sflag:s11] =	ssyncset.done $0x0  }
0x56: {  	s0 =	simm.s32 $0x0;
	[sflag:s11] =	ssyncadd.s32 $0xFFFFE000  }
0x57: {  	v22 =	vld.idx.msk [tilespmem:v0+s0+$0x0], $0xffff  }
0x58: {  	v23 =	vld.idx.msk [tilespmem:v3+s0+$0x0], $0xffff  }
0x59: {  	v24 =	vld.idx.msk [tilespmem:v4+s0+$0x0], $0xffff  }
0x5a: {  	v25 =	vld.idx.msk [tilespmem:v5+s0+$0x0], $0xffff  }
0x5b: {  	v26 =	vld.idx.msk [tilespmem:v6+s0+$0x0], $0xffff  }
0x5c: {  	v27 =	vld.idx.msk [tilespmem:v7+s0+$0x0], $0xffff  }
0x5d: {  	v28 =	vld.idx.msk [tilespmem:v10+s0+$0x0], $0xffff  }
0x5e: {  	v29 =	vld.idx.msk [tilespmem:v11+s0+$0x0], $0xffff  }
0x5f: {  	v30 =	vld.idx.msk [tilespmem:v8+s0+$0x0], $0xffff  }
0x60: {  	v31 =	vld.idx.msk [tilespmem:v13+s0+$0x0], $0xffff  }
0x61: {  	v32 =	vld.idx.msk [tilespmem:v12+s0+$0x0], $0xffff;
	v22 =	vshll.u32 v22, $0x6;
	v23 =	vshll.u32 v23, $0x4  }
0x62: {  	v60 =	vld.idx.msk [tilespmem:v15+s0+$0x0], $0xffff;
	v22 =	vadd.s32 v22, v23  }
0x63: {  	v22 =	vadd.s32 v25, v22;
	v25 =	vld.idx.msk [tilespmem:v14+s0+$0x0], $0xffff  }
0x64: {  	v61 =	vld.idx.msk [tilespmem:v17+s0+$0x0], $0xffff;
	v28 =	vshll.u32 v28, $0x6;
	v29 =	vshll.u32 v29, $0x4  }
0x65: {  	v24 =	vshll.u32 v24, $0xA;
	v23 =	vld.idx.msk [tilespmem:v9+s0+$0x0], $0xffff;
	v28 =	vadd.s32 v28, v29;
	v22 =	vshll.u32 v22, $0x8  }
0x66: {  	v26 =	vshll.u32 v26, $0x6;
	v28 =	vadd.s32 v31, v28;
	v22 =	vadd.s32 v22, v24;
	v24 =	vld.idx.msk [tilespmem:v16+s0+$0x0], $0xffff  }
0x67: {  	v32 =	vshll.u32 v32, $0xA;
	v27 =	vshll.u32 v27, $0x4;
	v28 =	vshll.u32 v28, $0x8  }
0x68: {  	v22 =	vadd.s32 v26, v22;
	v26 =	vadd.s32 v28, v32;
	v25 =	vshll.u32 v25, $0x6  }
0x69: {  	v22 =	vadd.s32 v27, v22;
	v27 =	vshll.u32 v60, $0x4;
	v25 =	vadd.s32 v25, v26  }
0x6a: {  	v62 =	vshll.u32 v30, $0x2;
	v22 =	vadd.s32 v23, v22;
	v23 =	vadd.s32 v27, v25  }
0x6b: {  	v25 =	vadd.s32 s0, v20;
	v24 =	vshll.u32 v24, $0x2;
	v23 =	vadd.s32 v61, v23  }
0x6c: {  	v26 =	vmov s0;
	v23 =	vadd.s32 v24, v23;
	v24 =	vadd.s32 s0, v19  }
0x6d: {  	s31 =	simm.s32 $0x5110;
	v27 =	vadd.s32 v62, v22;
	vm0 =	vlt.u32 v26, v18  }
0x6e: {  	[tilespmem:s31+$0xFFFFEFF0] =	vst v27;
	v22 =	vnsel vm0, $0x10000, v23  }
0x6f: {  	[tilespmem:s31+$0x0] =	vst v22  }
0x70: {  	v26 =	vld.idx.msk [tilespmem:v25+s1+$0x0], $0xffff  }
0x71: {  	v24 =	vld.idx.msk [tilespmem:v24+s1+$0x0], $0xffff;
	_ =	sdelay $0x1  }
0x72: {  	s0 =	simm.s32 $0x1  }
0x73: {  	v63 =	vshll.u32 v23, $0x2;
	v23 =	vadd.s32 s0, v20  }
0x74: {  	s2 =	simm.s32 $0x2;
	v22 =	vmov s0;
	v25 =	vshll.u32 v27, $0x2;
	v26 =	vadd.s32 v63, v26  }
.LBB2_4:
0x75: {  	p0 =	sne.s32 s2, $0x100;
	v27 =	vadd.s32 s0, v19;
	v24 =	vadd.s32 v25, v24;
	v25 =	vand.u32 $0xFFFF, v26;
	s0 =	smov.u32 s2  }
0x76: {  	vm0 =	vlt.u32 v22, v18;
	s31 =	sadd.s32 $0x10, s31;
	v26 =	vand.u32 $0xFFFF, v24  }
0x77: {  	v22 =	vnsel vm0, $0x10000, v25;
	[tilespmem:s31+$0xFFFFEFF0] =	vst v26  }
0x78: {  	[tilespmem:s31+$0x0] =	vst v22  }
0x79: {  	v28 =	vld.idx.msk [tilespmem:v23+s1+$0x0], $0xffff  }
0x7a: {  	v24 =	vld.idx.msk [tilespmem:v27+s1+$0x0], $0xffff  }
.Ltmp1:
0x7b: {  	(pc) =	sbr.rel @p0 .LBB2_4-.Ltmp1, $3  }
0x7c: {  	_ =	sdelay $0x1  }
0x7d: {  	v22 =	vmov s2;
	v27 =	vshll.u32 v25, $0x2  }
0x7e: {  	s2 =	sadd.s32 $0x1, s2;
	v23 =	vadd.s32 s0, v20;
	v25 =	vshll.u32 v26, $0x2;
	v26 =	vadd.s32 v27, v28  }
0x7f: {  	v23 =	vadd.s32 v25, v24  }
0x80: {  	v60 =	vand.u32 $0xFFFF, v26;
	vm0 =	vlt.u32 v22, v18;
	s0 =	sadd.s32 $0x10, s31;
	v22 =	vand.u32 $0xFFFF, v23  }
0x81: {  	[tilespmem:s0+$0xFFFFEFF0] =	vst v22;
	v22 =	vnsel vm0, $0x10000, v60  }
0x82: {  	s2 =	rddreg [dreg:$0x4];
	[tilespmem:s0+$0x0] =	vst v22  }
0x83: {  	[tilespmem:s12], [sflag:$0x1] =	stream.strided.gather [hbm4b:s2+s9], $0x2000, s10, s9, $0x38;
	[tilespmem:$0x16280] =	vst v63  }
0x84: {  	s2 =	simm.s32 $0x0  }
0x85: {  	v22 =	vld [tilespmem:s2+$0x41F0]  }
0x86: {  	v23 =	vld [tilespmem:s2+$0x4150]  }
0x87: {  	v61 =	vld [tilespmem:s2+$0x41D0]  }
0x88: {  	v62 =	vld [tilespmem:s2+$0x41B0]  }
0x89: {  	v63 =	vld [tilespmem:s2+$0x4130]  }
0x8a: {  	v27 =	vld [tilespmem:s2+$0x4140]  }
0x8b: {  	v28 =	vld [tilespmem:s2+$0x4110]  }
0x8c: {  	v29 =	vld [tilespmem:s2+$0x4120]  }
0x8d: {  	v30 =	vld [tilespmem:s2+$0x4100]  }
0x8e: {  	v31 =	vld [tilespmem:s2+$0x4190]  }
0x8f: {  	v32 =	vld [tilespmem:s2+$0x4160]  }
0x90: {  	v33 =	vld [tilespmem:s2+$0x4170]  }
0x91: {  	v34 =	vld [tilespmem:s2+$0x41C0]  }
0x92: {  	v35 =	vld [tilespmem:s2+$0x4180]  }
0x93: {  	v36 =	vld [tilespmem:s2+$0x41E0]  }
0x94: {  	v37 =	vld [tilespmem:s2+$0x41A0]  }
0x95: {  	[tilespmem:v30+s13+$0x0] =	vst.idx.add.f32.msk $0xffff, v21  }
0x96: {  	[tilespmem:v28+s13+$0x0] =	vst.idx.add.f32.msk $0xffff, v21  }
0x97: {  	[tilespmem:v29+s13+$0x0] =	vst.idx.add.f32.msk $0xffff, v21  }
0x98: {  	[tilespmem:v63+s13+$0x0] =	vst.idx.add.f32.msk $0xffff, v21  }
0x99: {  	[tilespmem:v27+s13+$0x0] =	vst.idx.add.f32.msk $0xffff, v21  }
0x9a: {  	[tilespmem:v23+s13+$0x0] =	vst.idx.add.f32.msk $0xffff, v21  }
0x9b: {  	[tilespmem:v32+s13+$0x0] =	vst.idx.add.f32.msk $0xffff, v21  }
0x9c: {  	[tilespmem:v33+s13+$0x0] =	vst.idx.add.f32.msk $0xffff, v21  }
0x9d: {  	[tilespmem:v35+s13+$0x0] =	vst.idx.add.f32.msk $0xffff, v21  }
0x9e: {  	[tilespmem:v31+s13+$0x0] =	vst.idx.add.f32.msk $0xffff, v21  }
0x9f: {  	[tilespmem:v37+s13+$0x0] =	vst.idx.add.f32.msk $0xffff, v21  }
0xa0: {  	[tilespmem:v62+s13+$0x0] =	vst.idx.add.f32.msk $0xffff, v21  }
0xa1: {  	[tilespmem:v34+s13+$0x0] =	vst.idx.add.f32.msk $0xffff, v21  }
0xa2: {  	[tilespmem:v61+s13+$0x0] =	vst.idx.add.f32.msk $0xffff, v21  }
0xa3: {  	s31 =	simm.s32 $0x400;
	[tilespmem:v36+s13+$0x0] =	vst.idx.add.f32.msk $0xffff, v21  }
.LBB2_6:
0xa4: {  	s0 =	sshra.s32 s31, $0x2;
	p0 =	sne.s32 s31, $0x7C00;
	s31 =	sadd.s32 $0x400, s31;
	[tilespmem:v22+s13+$0x0] =	vst.idx.add.f32.msk $0xffff, v21  }
0xa5: {  	v22 =	vld [tilespmem:s0+$0x41F0]  }
0xa6: {  	v23 =	vld [tilespmem:s0+$0x4150]  }
0xa7: {  	v24 =	vld [tilespmem:s0+$0x41D0]  }
0xa8: {  	v25 =	vld [tilespmem:s0+$0x41B0]  }
0xa9: {  	v26 =	vld [tilespmem:s0+$0x4130]  }
0xaa: {  	v27 =	vld [tilespmem:s0+$0x4140]  }
0xab: {  	v28 =	vld [tilespmem:s0+$0x4110]  }
0xac: {  	v29 =	vld [tilespmem:s0+$0x4120]  }
0xad: {  	v30 =	vld [tilespmem:s0+$0x4100]  }
0xae: {  	v31 =	vld [tilespmem:s0+$0x4190]  }
0xaf: {  	v32 =	vld [tilespmem:s0+$0x4160]  }
0xb0: {  	v33 =	vld [tilespmem:s0+$0x4170]  }
0xb1: {  	v34 =	vld [tilespmem:s0+$0x41C0]  }
0xb2: {  	v35 =	vld [tilespmem:s0+$0x4180]  }
0xb3: {  	v36 =	vld [tilespmem:s0+$0x41E0]  }
0xb4: {  	v37 =	vld [tilespmem:s0+$0x41A0]  }
0xb5: {  	[tilespmem:v30+s13+$0x0] =	vst.idx.add.f32.msk $0xffff, v21  }
0xb6: {  	[tilespmem:v28+s13+$0x0] =	vst.idx.add.f32.msk $0xffff, v21  }
0xb7: {  	[tilespmem:v29+s13+$0x0] =	vst.idx.add.f32.msk $0xffff, v21  }
0xb8: {  	[tilespmem:v26+s13+$0x0] =	vst.idx.add.f32.msk $0xffff, v21  }
0xb9: {  	[tilespmem:v27+s13+$0x0] =	vst.idx.add.f32.msk $0xffff, v21  }
0xba: {  	[tilespmem:v23+s13+$0x0] =	vst.idx.add.f32.msk $0xffff, v21  }
0xbb: {  	[tilespmem:v32+s13+$0x0] =	vst.idx.add.f32.msk $0xffff, v21  }
0xbc: {  	[tilespmem:v33+s13+$0x0] =	vst.idx.add.f32.msk $0xffff, v21  }
0xbd: {  	[tilespmem:v35+s13+$0x0] =	vst.idx.add.f32.msk $0xffff, v21  }
0xbe: {  	[tilespmem:v31+s13+$0x0] =	vst.idx.add.f32.msk $0xffff, v21  }
.Ltmp2:
0xbf: {  	[tilespmem:v37+s13+$0x0] =	vst.idx.add.f32.msk $0xffff, v21;
	(pc) =	sbr.rel @p0 .LBB2_6-.Ltmp2, $4  }
0xc0: {  	[tilespmem:v25+s13+$0x0] =	vst.idx.add.f32.msk $0xffff, v21  }
0xc1: {  	[tilespmem:v34+s13+$0x0] =	vst.idx.add.f32.msk $0xffff, v21  }
0xc2: {  	[tilespmem:v24+s13+$0x0] =	vst.idx.add.f32.msk $0xffff, v21  }
0xc3: {  	[tilespmem:v36+s13+$0x0] =	vst.idx.add.f32.msk $0xffff, v21  }
0xc4: {  	_ =	sdelay $0x3  }
0xc5: {  	[tilespmem:v22+s13+$0x0] =	vst.idx.add.f32.msk $0xffff, v21  }
0xc6: {  	v22 =	vld [tilespmem:$0x6100]  }
0xc7: {  	v23 =	vld [tilespmem:$0x6110];
	_ =	sdelay $0x6  }
0xc8: {  	[tilespmem:v22+s13+$0x0] =	vst.idx.add.f32.msk $0xffff, v21  }
0xc9: {  	s0 =	rddreg [dreg:$0x5];
	[tilespmem:v23+s13+$0x0] =	vst.idx.add.f32.msk $0xffff, v21  }
0xca: {  	[hbm4b:s0+s9] =	stream.strided.scatter [tilespmem:s13], [sflag:$0x2], $0x2C00, s10, s9, $0x38;
	[tilespmem:$0x16280] =	vst v63  }
0xcb: {  	s2 =	rddreg [dreg:$0x6]  }
0xcc: {  	[hbm4b:s2+s9] =	stream.strided.scatter [tilespmem:s14], [sflag:$0x3], $0x2C00, s10, s9, $0x38;
	[tilespmem:$0x16280] =	vst v63  }
0xcd: {  	s2 =	rddreg [dreg:$0x7]  }
0xce: {  	[hbm4b:s2+s9] =	stream.strided.scatter [tilespmem:s15], [sflag:$0x4], $0x2C00, s10, s9, $0x38;
	[tilespmem:$0x16280] =	vst v63  }
0xcf: {  	s2 =	rddreg [dreg:$0x8]  }
0xd0: {  	[hbm4b:s2+s9] =	stream.strided.scatter [tilespmem:s16], [sflag:$0x5], $0x2C00, s10, s9, $0x38;
	[tilespmem:$0x16280] =	vst v63  }
0xd1: {  	s2 =	rddreg [dreg:$0x9]  }
0xd2: {  	[hbm4b:s2+s9] =	stream.strided.scatter [tilespmem:s17], [sflag:$0x6], $0x1C00, s10, s9, $0x38;
	[tilespmem:$0x16280] =	vst v63  }
0xd3: {  	s2 =	rddreg [dreg:$0xa]  }
0xd4: {  	[hbm4b:s2+s9] =	stream.strided.scatter [tilespmem:s18], [sflag:$0x7], $0x1C00, s10, s9, $0x38;
	[tilespmem:$0x16280] =	vst v63  }
0xd5: {  	s2 =	rddreg [dreg:$0xd]  }
0xd6: {  	[hbm4b:s2+s9] =	stream.strided.scatter [tilespmem:s19], [sflag:$0x8], $0x1000, s10, s9, $0x38;
	[tilespmem:$0x16280] =	vst v63  }
0xd7: {  	s2 =	rddreg [dreg:$0xe]  }
0xd8: {  	[hbm4b:s2+s9] =	stream.strided.scatter [tilespmem:s20], [sflag:$0x9], $0x800, s10, s9, $0x38;
	[tilespmem:$0x16280] =	vst v63  }
0xd9: {  	_ =	swait.ge [sflag:s11], $0x2000  }
0xda: {  	[sflag:s11] =	ssyncset.done $0x0  }
0xdb: {  	[sflag:s11] =	ssyncadd.s32 $0xFFFFE000  }
0xdc: {  	v22 =	vld.idx.msk [tilespmem:v0+s12+$0x0], $0xffff  }
0xdd: {  	v23 =	vld.idx.msk [tilespmem:v3+s12+$0x0], $0xffff  }
0xde: {  	v24 =	vld.idx.msk [tilespmem:v4+s12+$0x0], $0xffff  }
0xdf: {  	v25 =	vld.idx.msk [tilespmem:v5+s12+$0x0], $0xffff  }
0xe0: {  	v26 =	vld.idx.msk [tilespmem:v6+s12+$0x0], $0xffff  }
0xe1: {  	v27 =	vld.idx.msk [tilespmem:v7+s12+$0x0], $0xffff  }
0xe2: {  	v28 =	vld.idx.msk [tilespmem:v10+s12+$0x0], $0xffff  }
0xe3: {  	v29 =	vld.idx.msk [tilespmem:v11+s12+$0x0], $0xffff  }
0xe4: {  	v30 =	vld.idx.msk [tilespmem:v8+s12+$0x0], $0xffff  }
0xe5: {  	v31 =	vld.idx.msk [tilespmem:v13+s12+$0x0], $0xffff  }
0xe6: {  	v32 =	vld.idx.msk [tilespmem:v12+s12+$0x0], $0xffff;
	v22 =	vshll.u32 v22, $0x6;
	v23 =	vshll.u32 v23, $0x4  }
0xe7: {  	v60 =	vld.idx.msk [tilespmem:v15+s12+$0x0], $0xffff;
	v22 =	vadd.s32 v22, v23  }
0xe8: {  	v22 =	vadd.s32 v25, v22;
	v25 =	vld.idx.msk [tilespmem:v14+s12+$0x0], $0xffff  }
0xe9: {  	v61 =	vld.idx.msk [tilespmem:v17+s12+$0x0], $0xffff;
	v28 =	vshll.u32 v28, $0x6;
	v29 =	vshll.u32 v29, $0x4  }
0xea: {  	v24 =	vshll.u32 v24, $0xA;
	v23 =	vld.idx.msk [tilespmem:v9+s12+$0x0], $0xffff;
	v28 =	vadd.s32 v28, v29;
	v22 =	vshll.u32 v22, $0x8  }
0xeb: {  	v26 =	vshll.u32 v26, $0x6;
	v28 =	vadd.s32 v31, v28;
	v22 =	vadd.s32 v22, v24;
	v24 =	vld.idx.msk [tilespmem:v16+s12+$0x0], $0xffff  }
0xec: {  	v32 =	vshll.u32 v32, $0xA;
	v27 =	vshll.u32 v27, $0x4;
	v28 =	vshll.u32 v28, $0x8  }
0xed: {  	v22 =	vadd.s32 v26, v22;
	v26 =	vadd.s32 v28, v32;
	v25 =	vshll.u32 v25, $0x6  }
0xee: {  	v22 =	vadd.s32 v27, v22;
	v27 =	vshll.u32 v60, $0x4;
	v25 =	vadd.s32 v25, v26  }
0xef: {  	s2 =	simm.s32 $0x0;
	v62 =	vshll.u32 v30, $0x2;
	v22 =	vadd.s32 v23, v22;
	v23 =	vadd.s32 v27, v25  }
0xf0: {  	v25 =	vadd.s32 s2, v20;
	v24 =	vshll.u32 v24, $0x2;
	v23 =	vadd.s32 v61, v23  }
0xf1: {  	v26 =	vmov s2;
	v23 =	vadd.s32 v24, v23;
	v24 =	vadd.s32 s2, v19  }
0xf2: {  	s31 =	simm.s32 $0x5110;
	v27 =	vadd.s32 v62, v22;
	vm0 =	vlt.u32 v26, v18  }
0xf3: {  	[tilespmem:s31+$0xFFFFEFF0] =	vst v27;
	v22 =	vnsel vm0, $0x10000, v23  }
0xf4: {  	[tilespmem:s31+$0x0] =	vst v22  }
0xf5: {  	v26 =	vld.idx.msk [tilespmem:v25+s12+$0x0], $0xffff  }
0xf6: {  	v24 =	vld.idx.msk [tilespmem:v24+s12+$0x0], $0xffff;
	_ =	sdelay $0x1  }
0xf7: {  	s0 =	simm.s32 $0x1  }
0xf8: {  	v63 =	vshll.u32 v23, $0x2;
	v23 =	vadd.s32 s0, v20  }
0xf9: {  	s2 =	simm.s32 $0x2;
	v22 =	vmov s0;
	v25 =	vshll.u32 v27, $0x2;
	v26 =	vadd.s32 v63, v26  }
.LBB2_8:
0xfa: {  	p0 =	sne.s32 s2, $0x100;
	v27 =	vadd.s32 s0, v19;
	v24 =	vadd.s32 v25, v24;
	v25 =	vand.u32 $0xFFFF, v26;
	s0 =	smov.u32 s2  }
0xfb: {  	vm0 =	vlt.u32 v22, v18;
	s31 =	sadd.s32 $0x10, s31;
	v26 =	vand.u32 $0xFFFF, v24  }
0xfc: {  	v22 =	vnsel vm0, $0x10000, v25;
	[tilespmem:s31+$0xFFFFEFF0] =	vst v26  }
0xfd: {  	[tilespmem:s31+$0x0] =	vst v22  }
0xfe: {  	v28 =	vld.idx.msk [tilespmem:v23+s12+$0x0], $0xffff  }
0xff: {  	v24 =	vld.idx.msk [tilespmem:v27+s12+$0x0], $0xffff  }
.Ltmp3:
0x100: {  	(pc) =	sbr.rel @p0 .LBB2_8-.Ltmp3, $3  }
0x101: {  	_ =	sdelay $0x1  }
0x102: {  	v22 =	vmov s2;
	v27 =	vshll.u32 v25, $0x2  }
0x103: {  	s2 =	sadd.s32 $0x1, s2;
	v23 =	vadd.s32 s0, v20;
	v25 =	vshll.u32 v26, $0x2;
	v26 =	vadd.s32 v27, v28  }
0x104: {  	v23 =	vadd.s32 v25, v24  }
0x105: {  	v63 =	vand.u32 $0xFFFF, v26;
	vm0 =	vlt.u32 v22, v18;
	s0 =	sadd.s32 $0x10, s31;
	v22 =	vand.u32 $0xFFFF, v23  }
0x106: {  	[tilespmem:s0+$0xFFFFEFF0] =	vst v22;
	v22 =	vnsel vm0, $0x10000, v63  }
0x107: {  	s2 =	rddreg [dreg:$0xb];
	[tilespmem:s0+$0x0] =	vst v22;
	s0 =	simm.s32 $0x0  }
0x108: {  	[tilespmem:s0], [sflag:$0x1] =	stream.strided.gather [hbm4b:s2+s9], $0x2000, s10, s9, $0x38;
	[tilespmem:$0x16280] =	vst v63  }
0x109: {  	_ =	swait.ge [sflag:s21], $0x2C00  }
0x10a: {  	[sflag:s21] =	ssyncset.done $0x0  }
0x10b: {  	s31 =	simm.s32 $0x0;
	s0 =	simm.s32 $0x400;
	[sflag:s21] =	ssyncadd.s32 $0xFFFFD400  }
.LBB2_10:
0x10c: {  	p0 =	sne.s32 s0, $0xAC00;
	[tilespmem:s31+$0x6270] =	vst v2  }
0x10d: {  	[tilespmem:s31+$0x6180] =	vst v2  }
0x10e: {  	[tilespmem:s31+$0x6190] =	vst v2  }
0x10f: {  	[tilespmem:s31+$0x61A0] =	vst v2  }
0x110: {  	[tilespmem:s31+$0x61B0] =	vst v2  }
0x111: {  	[tilespmem:s31+$0x61C0] =	vst v2  }
0x112: {  	[tilespmem:s31+$0x61D0] =	vst v2  }
0x113: {  	[tilespmem:s31+$0x61E0] =	vst v2  }
0x114: {  	[tilespmem:s31+$0x61F0] =	vst v2  }
0x115: {  	[tilespmem:s31+$0x6200] =	vst v2  }
0x116: {  	[tilespmem:s31+$0x6210] =	vst v2  }
.Ltmp4:
0x117: {  	[tilespmem:s31+$0x6220] =	vst v2;
	(pc) =	sbr.rel @p0 .LBB2_10-.Ltmp4, $4  }
0x118: {  	[tilespmem:s31+$0x6230] =	vst v2  }
0x119: {  	[tilespmem:s31+$0x6240] =	vst v2  }
0x11a: {  	[tilespmem:s31+$0x6250] =	vst v2  }
0x11b: {  	[tilespmem:s31+$0x6260] =	vst v2;
	s31 =	sshra.s32 s0, $0x2;
	s0 =	sadd.s32 $0x400, s0  }
0x11c: {  	[tilespmem:s31+$0x6270] =	vst v2  }
0x11d: {  	[tilespmem:s31+$0x6180] =	vst v2  }
0x11e: {  	[tilespmem:s31+$0x6190] =	vst v2  }
0x11f: {  	[tilespmem:s31+$0x61A0] =	vst v2  }
0x120: {  	[tilespmem:s31+$0x61B0] =	vst v2  }
0x121: {  	[tilespmem:s31+$0x61C0] =	vst v2  }
0x122: {  	[tilespmem:s31+$0x61D0] =	vst v2  }
0x123: {  	[tilespmem:s31+$0x61E0] =	vst v2  }
0x124: {  	[tilespmem:s31+$0x61F0] =	vst v2  }
0x125: {  	[tilespmem:s31+$0x6200] =	vst v2  }
0x126: {  	[tilespmem:s31+$0x6210] =	vst v2  }
0x127: {  	[tilespmem:s31+$0x6220] =	vst v2  }
0x128: {  	[tilespmem:s31+$0x6230] =	vst v2  }
0x129: {  	[tilespmem:s31+$0x6240] =	vst v2  }
0x12a: {  	[tilespmem:s31+$0x6250] =	vst v2  }
0x12b: {  	[tilespmem:s31+$0x6260] =	vst v2  }
0x12c: {  	_ =	swait.ge [sflag:s22], $0x2C00  }
0x12d: {  	[sflag:s22] =	ssyncset.done $0x0  }
0x12e: {  	s31 =	simm.s32 $0x0;
	s0 =	simm.s32 $0x400;
	[sflag:s22] =	ssyncadd.s32 $0xFFFFD400  }
.LBB2_12:
0x12f: {  	p0 =	sne.s32 s0, $0xAC00;
	[tilespmem:s31+$0x8E70] =	vst v2  }
0x130: {  	[tilespmem:s31+$0x8D80] =	vst v2  }
0x131: {  	[tilespmem:s31+$0x8D90] =	vst v2  }
0x132: {  	[tilespmem:s31+$0x8DA0] =	vst v2  }
0x133: {  	[tilespmem:s31+$0x8DB0] =	vst v2  }
0x134: {  	[tilespmem:s31+$0x8DC0] =	vst v2  }
0x135: {  	[tilespmem:s31+$0x8DD0] =	vst v2  }
0x136: {  	[tilespmem:s31+$0x8DE0] =	vst v2  }
0x137: {  	[tilespmem:s31+$0x8DF0] =	vst v2  }
0x138: {  	[tilespmem:s31+$0x8E00] =	vst v2  }
0x139: {  	[tilespmem:s31+$0x8E10] =	vst v2  }
.Ltmp5:
0x13a: {  	[tilespmem:s31+$0x8E20] =	vst v2;
	(pc) =	sbr.rel @p0 .LBB2_12-.Ltmp5, $4  }
0x13b: {  	[tilespmem:s31+$0x8E30] =	vst v2  }
0x13c: {  	[tilespmem:s31+$0x8E40] =	vst v2  }
0x13d: {  	[tilespmem:s31+$0x8E50] =	vst v2  }
0x13e: {  	[tilespmem:s31+$0x8E60] =	vst v2;
	s31 =	sshra.s32 s0, $0x2;
	s0 =	sadd.s32 $0x400, s0  }
0x13f: {  	[tilespmem:s31+$0x8E70] =	vst v2  }
0x140: {  	[tilespmem:s31+$0x8D80] =	vst v2  }
0x141: {  	[tilespmem:s31+$0x8D90] =	vst v2  }
0x142: {  	[tilespmem:s31+$0x8DA0] =	vst v2  }
0x143: {  	[tilespmem:s31+$0x8DB0] =	vst v2  }
0x144: {  	[tilespmem:s31+$0x8DC0] =	vst v2  }
0x145: {  	[tilespmem:s31+$0x8DD0] =	vst v2  }
0x146: {  	[tilespmem:s31+$0x8DE0] =	vst v2  }
0x147: {  	[tilespmem:s31+$0x8DF0] =	vst v2  }
0x148: {  	[tilespmem:s31+$0x8E00] =	vst v2  }
0x149: {  	[tilespmem:s31+$0x8E10] =	vst v2  }
0x14a: {  	[tilespmem:s31+$0x8E20] =	vst v2  }
0x14b: {  	[tilespmem:s31+$0x8E30] =	vst v2  }
0x14c: {  	[tilespmem:s31+$0x8E40] =	vst v2  }
0x14d: {  	[tilespmem:s31+$0x8E50] =	vst v2  }
0x14e: {  	[tilespmem:s31+$0x8E60] =	vst v2  }
0x14f: {  	_ =	swait.ge [sflag:s23], $0x2C00  }
0x150: {  	[sflag:s23] =	ssyncset.done $0x0  }
0x151: {  	s31 =	simm.s32 $0x0;
	s0 =	simm.s32 $0x400;
	[sflag:s23] =	ssyncadd.s32 $0xFFFFD400  }
.LBB2_14:
0x152: {  	p0 =	sne.s32 s0, $0xAC00;
	[tilespmem:s31+$0xBA70] =	vst v2  }
0x153: {  	[tilespmem:s31+$0xB980] =	vst v2  }
0x154: {  	[tilespmem:s31+$0xB990] =	vst v2  }
0x155: {  	[tilespmem:s31+$0xB9A0] =	vst v2  }
0x156: {  	[tilespmem:s31+$0xB9B0] =	vst v2  }
0x157: {  	[tilespmem:s31+$0xB9C0] =	vst v2  }
0x158: {  	[tilespmem:s31+$0xB9D0] =	vst v2  }
0x159: {  	[tilespmem:s31+$0xB9E0] =	vst v2  }
0x15a: {  	[tilespmem:s31+$0xB9F0] =	vst v2  }
0x15b: {  	[tilespmem:s31+$0xBA00] =	vst v2  }
0x15c: {  	[tilespmem:s31+$0xBA10] =	vst v2  }
.Ltmp6:
0x15d: {  	[tilespmem:s31+$0xBA20] =	vst v2;
	(pc) =	sbr.rel @p0 .LBB2_14-.Ltmp6, $4  }
0x15e: {  	[tilespmem:s31+$0xBA30] =	vst v2  }
0x15f: {  	[tilespmem:s31+$0xBA40] =	vst v2  }
0x160: {  	[tilespmem:s31+$0xBA50] =	vst v2  }
0x161: {  	[tilespmem:s31+$0xBA60] =	vst v2;
	s31 =	sshra.s32 s0, $0x2;
	s0 =	sadd.s32 $0x400, s0  }
0x162: {  	[tilespmem:s31+$0xBA70] =	vst v2  }
0x163: {  	[tilespmem:s31+$0xB980] =	vst v2  }
0x164: {  	[tilespmem:s31+$0xB990] =	vst v2  }
0x165: {  	[tilespmem:s31+$0xB9A0] =	vst v2  }
0x166: {  	[tilespmem:s31+$0xB9B0] =	vst v2  }
0x167: {  	[tilespmem:s31+$0xB9C0] =	vst v2  }
0x168: {  	[tilespmem:s31+$0xB9D0] =	vst v2  }
0x169: {  	[tilespmem:s31+$0xB9E0] =	vst v2  }
0x16a: {  	[tilespmem:s31+$0xB9F0] =	vst v2  }
0x16b: {  	[tilespmem:s31+$0xBA00] =	vst v2  }
0x16c: {  	[tilespmem:s31+$0xBA10] =	vst v2  }
0x16d: {  	[tilespmem:s31+$0xBA20] =	vst v2  }
0x16e: {  	[tilespmem:s31+$0xBA30] =	vst v2  }
0x16f: {  	[tilespmem:s31+$0xBA40] =	vst v2  }
0x170: {  	[tilespmem:s31+$0xBA50] =	vst v2  }
0x171: {  	[tilespmem:s31+$0xBA60] =	vst v2  }
0x172: {  	_ =	swait.ge [sflag:s24], $0x2C00  }
0x173: {  	[sflag:s24] =	ssyncset.done $0x0  }
0x174: {  	s31 =	simm.s32 $0x0;
	s0 =	simm.s32 $0x400;
	[sflag:s24] =	ssyncadd.s32 $0xFFFFD400  }
.LBB2_16:
0x175: {  	p0 =	sne.s32 s0, $0xAC00;
	[tilespmem:s31+$0xE670] =	vst v2  }
0x176: {  	[tilespmem:s31+$0xE580] =	vst v2  }
0x177: {  	[tilespmem:s31+$0xE590] =	vst v2  }
0x178: {  	[tilespmem:s31+$0xE5A0] =	vst v2  }
0x179: {  	[tilespmem:s31+$0xE5B0] =	vst v2  }
0x17a: {  	[tilespmem:s31+$0xE5C0] =	vst v2  }
0x17b: {  	[tilespmem:s31+$0xE5D0] =	vst v2  }
0x17c: {  	[tilespmem:s31+$0xE5E0] =	vst v2  }
0x17d: {  	[tilespmem:s31+$0xE5F0] =	vst v2  }
0x17e: {  	[tilespmem:s31+$0xE600] =	vst v2  }
0x17f: {  	[tilespmem:s31+$0xE610] =	vst v2  }
.Ltmp7:
0x180: {  	[tilespmem:s31+$0xE620] =	vst v2;
	(pc) =	sbr.rel @p0 .LBB2_16-.Ltmp7, $4  }
0x181: {  	[tilespmem:s31+$0xE630] =	vst v2  }
0x182: {  	[tilespmem:s31+$0xE640] =	vst v2  }
0x183: {  	[tilespmem:s31+$0xE650] =	vst v2  }
0x184: {  	[tilespmem:s31+$0xE660] =	vst v2;
	s31 =	sshra.s32 s0, $0x2;
	s0 =	sadd.s32 $0x400, s0  }
0x185: {  	[tilespmem:s31+$0xE670] =	vst v2  }
0x186: {  	[tilespmem:s31+$0xE580] =	vst v2  }
0x187: {  	[tilespmem:s31+$0xE590] =	vst v2  }
0x188: {  	[tilespmem:s31+$0xE5A0] =	vst v2  }
0x189: {  	[tilespmem:s31+$0xE5B0] =	vst v2  }
0x18a: {  	[tilespmem:s31+$0xE5C0] =	vst v2  }
0x18b: {  	[tilespmem:s31+$0xE5D0] =	vst v2  }
0x18c: {  	[tilespmem:s31+$0xE5E0] =	vst v2  }
0x18d: {  	[tilespmem:s31+$0xE5F0] =	vst v2  }
0x18e: {  	[tilespmem:s31+$0xE600] =	vst v2  }
0x18f: {  	[tilespmem:s31+$0xE610] =	vst v2  }
0x190: {  	[tilespmem:s31+$0xE620] =	vst v2  }
0x191: {  	[tilespmem:s31+$0xE630] =	vst v2  }
0x192: {  	[tilespmem:s31+$0xE640] =	vst v2  }
0x193: {  	[tilespmem:s31+$0xE650] =	vst v2  }
0x194: {  	[tilespmem:s31+$0xE660] =	vst v2  }
0x195: {  	_ =	swait.ge [sflag:s25], $0x1C00  }
0x196: {  	[sflag:s25] =	ssyncset.done $0x0  }
0x197: {  	s31 =	simm.s32 $0x0;
	s0 =	simm.s32 $0x400;
	[sflag:s25] =	ssyncadd.s32 $0xFFFFE400  }
.LBB2_18:
0x198: {  	p0 =	sne.s32 s0, $0x6C00;
	[tilespmem:s31+$0x11270] =	vst v2  }
0x199: {  	[tilespmem:s31+$0x11180] =	vst v2  }
0x19a: {  	[tilespmem:s31+$0x11190] =	vst v2  }
0x19b: {  	[tilespmem:s31+$0x111A0] =	vst v2  }
0x19c: {  	[tilespmem:s31+$0x111B0] =	vst v2  }
0x19d: {  	[tilespmem:s31+$0x111C0] =	vst v2  }
0x19e: {  	[tilespmem:s31+$0x111D0] =	vst v2  }
0x19f: {  	[tilespmem:s31+$0x111E0] =	vst v2  }
0x1a0: {  	[tilespmem:s31+$0x111F0] =	vst v2  }
0x1a1: {  	[tilespmem:s31+$0x11200] =	vst v2  }
0x1a2: {  	[tilespmem:s31+$0x11210] =	vst v2  }
.Ltmp8:
0x1a3: {  	[tilespmem:s31+$0x11220] =	vst v2;
	(pc) =	sbr.rel @p0 .LBB2_18-.Ltmp8, $4  }
0x1a4: {  	[tilespmem:s31+$0x11230] =	vst v2  }
0x1a5: {  	[tilespmem:s31+$0x11240] =	vst v2  }
0x1a6: {  	[tilespmem:s31+$0x11250] =	vst v2  }
0x1a7: {  	[tilespmem:s31+$0x11260] =	vst v2;
	s31 =	sshra.s32 s0, $0x2;
	s0 =	sadd.s32 $0x400, s0  }
0x1a8: {  	[tilespmem:s31+$0x11270] =	vst v2  }
0x1a9: {  	[tilespmem:s31+$0x11180] =	vst v2  }
0x1aa: {  	[tilespmem:s31+$0x11190] =	vst v2  }
0x1ab: {  	[tilespmem:s31+$0x111A0] =	vst v2  }
0x1ac: {  	[tilespmem:s31+$0x111B0] =	vst v2  }
0x1ad: {  	[tilespmem:s31+$0x111C0] =	vst v2  }
0x1ae: {  	[tilespmem:s31+$0x111D0] =	vst v2  }
0x1af: {  	[tilespmem:s31+$0x111E0] =	vst v2  }
0x1b0: {  	[tilespmem:s31+$0x111F0] =	vst v2  }
0x1b1: {  	[tilespmem:s31+$0x11200] =	vst v2  }
0x1b2: {  	[tilespmem:s31+$0x11210] =	vst v2  }
0x1b3: {  	[tilespmem:s31+$0x11220] =	vst v2  }
0x1b4: {  	[tilespmem:s31+$0x11230] =	vst v2  }
0x1b5: {  	[tilespmem:s31+$0x11240] =	vst v2  }
0x1b6: {  	[tilespmem:s31+$0x11250] =	vst v2  }
0x1b7: {  	[tilespmem:s31+$0x11260] =	vst v2  }
0x1b8: {  	_ =	swait.ge [sflag:s26], $0x1C00  }
0x1b9: {  	[sflag:s26] =	ssyncset.done $0x0  }
0x1ba: {  	s31 =	simm.s32 $0x0;
	s0 =	simm.s32 $0x400;
	[sflag:s26] =	ssyncadd.s32 $0xFFFFE400  }
.LBB2_20:
0x1bb: {  	p0 =	sne.s32 s0, $0x6C00;
	[tilespmem:s31+$0x12E70] =	vst v2  }
0x1bc: {  	[tilespmem:s31+$0x12D80] =	vst v2  }
0x1bd: {  	[tilespmem:s31+$0x12D90] =	vst v2  }
0x1be: {  	[tilespmem:s31+$0x12DA0] =	vst v2  }
0x1bf: {  	[tilespmem:s31+$0x12DB0] =	vst v2  }
0x1c0: {  	[tilespmem:s31+$0x12DC0] =	vst v2  }
0x1c1: {  	[tilespmem:s31+$0x12DD0] =	vst v2  }
0x1c2: {  	[tilespmem:s31+$0x12DE0] =	vst v2  }
0x1c3: {  	[tilespmem:s31+$0x12DF0] =	vst v2  }
0x1c4: {  	[tilespmem:s31+$0x12E00] =	vst v2  }
0x1c5: {  	[tilespmem:s31+$0x12E10] =	vst v2  }
.Ltmp9:
0x1c6: {  	[tilespmem:s31+$0x12E20] =	vst v2;
	(pc) =	sbr.rel @p0 .LBB2_20-.Ltmp9, $4  }
0x1c7: {  	[tilespmem:s31+$0x12E30] =	vst v2  }
0x1c8: {  	[tilespmem:s31+$0x12E40] =	vst v2  }
0x1c9: {  	[tilespmem:s31+$0x12E50] =	vst v2  }
0x1ca: {  	[tilespmem:s31+$0x12E60] =	vst v2;
	s31 =	sshra.s32 s0, $0x2;
	s0 =	sadd.s32 $0x400, s0  }
0x1cb: {  	[tilespmem:s31+$0x12E70] =	vst v2  }
0x1cc: {  	[tilespmem:s31+$0x12D80] =	vst v2  }
0x1cd: {  	[tilespmem:s31+$0x12D90] =	vst v2  }
0x1ce: {  	[tilespmem:s31+$0x12DA0] =	vst v2  }
0x1cf: {  	[tilespmem:s31+$0x12DB0] =	vst v2  }
0x1d0: {  	[tilespmem:s31+$0x12DC0] =	vst v2  }
0x1d1: {  	[tilespmem:s31+$0x12DD0] =	vst v2  }
0x1d2: {  	[tilespmem:s31+$0x12DE0] =	vst v2  }
0x1d3: {  	[tilespmem:s31+$0x12DF0] =	vst v2  }
0x1d4: {  	[tilespmem:s31+$0x12E00] =	vst v2  }
0x1d5: {  	[tilespmem:s31+$0x12E10] =	vst v2  }
0x1d6: {  	[tilespmem:s31+$0x12E20] =	vst v2  }
0x1d7: {  	[tilespmem:s31+$0x12E30] =	vst v2  }
0x1d8: {  	[tilespmem:s31+$0x12E40] =	vst v2  }
0x1d9: {  	[tilespmem:s31+$0x12E50] =	vst v2  }
0x1da: {  	[tilespmem:s31+$0x12E60] =	vst v2  }
0x1db: {  	_ =	swait.ge [sflag:s28], $0x1000  }
0x1dc: {  	[sflag:s28] =	ssyncset.done $0x0  }
0x1dd: {  	s31 =	simm.s32 $0x0;
	s0 =	simm.s32 $0x400;
	[sflag:s28] =	ssyncadd.s32 $0xFFFFF000  }
.LBB2_22:
0x1de: {  	p0 =	sne.s32 s0, $0x3C00;
	[tilespmem:s31+$0x14A70] =	vst v2  }
0x1df: {  	[tilespmem:s31+$0x14980] =	vst v2  }
0x1e0: {  	[tilespmem:s31+$0x14990] =	vst v2  }
0x1e1: {  	[tilespmem:s31+$0x149A0] =	vst v2  }
0x1e2: {  	[tilespmem:s31+$0x149B0] =	vst v2  }
0x1e3: {  	[tilespmem:s31+$0x149C0] =	vst v2  }
0x1e4: {  	[tilespmem:s31+$0x149D0] =	vst v2  }
0x1e5: {  	[tilespmem:s31+$0x149E0] =	vst v2  }
0x1e6: {  	[tilespmem:s31+$0x149F0] =	vst v2  }
0x1e7: {  	[tilespmem:s31+$0x14A00] =	vst v2  }
0x1e8: {  	[tilespmem:s31+$0x14A10] =	vst v2  }
.Ltmp10:
0x1e9: {  	[tilespmem:s31+$0x14A20] =	vst v2;
	(pc) =	sbr.rel @p0 .LBB2_22-.Ltmp10, $4  }
0x1ea: {  	[tilespmem:s31+$0x14A30] =	vst v2  }
0x1eb: {  	[tilespmem:s31+$0x14A40] =	vst v2  }
0x1ec: {  	[tilespmem:s31+$0x14A50] =	vst v2  }
0x1ed: {  	[tilespmem:s31+$0x14A60] =	vst v2;
	s31 =	sshra.s32 s0, $0x2;
	s0 =	sadd.s32 $0x400, s0  }
0x1ee: {  	[tilespmem:s31+$0x14A70] =	vst v2  }
0x1ef: {  	[tilespmem:s31+$0x14980] =	vst v2  }
0x1f0: {  	[tilespmem:s31+$0x14990] =	vst v2  }
0x1f1: {  	[tilespmem:s31+$0x149A0] =	vst v2  }
0x1f2: {  	[tilespmem:s31+$0x149B0] =	vst v2  }
0x1f3: {  	[tilespmem:s31+$0x149C0] =	vst v2  }
0x1f4: {  	[tilespmem:s31+$0x149D0] =	vst v2  }
0x1f5: {  	[tilespmem:s31+$0x149E0] =	vst v2  }
0x1f6: {  	[tilespmem:s31+$0x149F0] =	vst v2  }
0x1f7: {  	[tilespmem:s31+$0x14A00] =	vst v2  }
0x1f8: {  	[tilespmem:s31+$0x14A10] =	vst v2  }
0x1f9: {  	[tilespmem:s31+$0x14A20] =	vst v2  }
0x1fa: {  	[tilespmem:s31+$0x14A30] =	vst v2  }
0x1fb: {  	[tilespmem:s31+$0x14A40] =	vst v2  }
0x1fc: {  	[tilespmem:s31+$0x14A50] =	vst v2  }
0x1fd: {  	[tilespmem:s31+$0x14A60] =	vst v2  }
0x1fe: {  	_ =	swait.ge [sflag:s29], $0x800  }
0x1ff: {  	[sflag:s29] =	ssyncset.done $0x0  }
0x200: {  	s31 =	simm.s32 $0x0;
	s0 =	simm.s32 $0x400;
	[sflag:s29] =	ssyncadd.s32 $0xFFFFF800  }
.LBB2_24:
0x201: {  	p0 =	sne.s32 s0, $0x2000;
	[tilespmem:s31+$0x15A70] =	vst v2  }
0x202: {  	[tilespmem:s31+$0x15980] =	vst v2  }
0x203: {  	[tilespmem:s31+$0x15990] =	vst v2  }
0x204: {  	[tilespmem:s31+$0x159A0] =	vst v2  }
0x205: {  	[tilespmem:s31+$0x159B0] =	vst v2  }
0x206: {  	[tilespmem:s31+$0x159C0] =	vst v2  }
0x207: {  	[tilespmem:s31+$0x159D0] =	vst v2  }
0x208: {  	[tilespmem:s31+$0x159E0] =	vst v2  }
0x209: {  	[tilespmem:s31+$0x159F0] =	vst v2  }
0x20a: {  	[tilespmem:s31+$0x15A00] =	vst v2  }
0x20b: {  	[tilespmem:s31+$0x15A10] =	vst v2  }
.Ltmp11:
0x20c: {  	[tilespmem:s31+$0x15A20] =	vst v2;
	(pc) =	sbr.rel @p0 .LBB2_24-.Ltmp11, $4  }
0x20d: {  	[tilespmem:s31+$0x15A30] =	vst v2  }
0x20e: {  	[tilespmem:s31+$0x15A40] =	vst v2  }
0x20f: {  	[tilespmem:s31+$0x15A50] =	vst v2  }
0x210: {  	[tilespmem:s31+$0x15A60] =	vst v2;
	s31 =	sshra.s32 s0, $0x2;
	s0 =	sadd.s32 $0x400, s0  }
0x211: {  	[tilespmem:s31+$0x15A70] =	vst v2  }
0x212: {  	[tilespmem:s31+$0x15980] =	vst v2  }
0x213: {  	[tilespmem:s31+$0x15990] =	vst v2  }
0x214: {  	[tilespmem:s31+$0x159A0] =	vst v2  }
0x215: {  	[tilespmem:s31+$0x159B0] =	vst v2  }
0x216: {  	[tilespmem:s31+$0x159C0] =	vst v2  }
0x217: {  	[tilespmem:s31+$0x159D0] =	vst v2  }
0x218: {  	[tilespmem:s31+$0x159E0] =	vst v2  }
0x219: {  	[tilespmem:s31+$0x159F0] =	vst v2  }
0x21a: {  	[tilespmem:s31+$0x15A00] =	vst v2  }
0x21b: {  	[tilespmem:s31+$0x15A10] =	vst v2  }
0x21c: {  	[tilespmem:s31+$0x15A20] =	vst v2  }
0x21d: {  	[tilespmem:s31+$0x15A30] =	vst v2  }
0x21e: {  	[tilespmem:s31+$0x15A40] =	vst v2  }
0x21f: {  	[tilespmem:s31+$0x15A50] =	vst v2  }
0x220: {  	[tilespmem:s31+$0x15A60] =	vst v2;
	s0 =	simm.s32 $0x0  }
0x221: {  	v22 =	vld [tilespmem:s0+$0x41F0]  }
0x222: {  	v23 =	vld [tilespmem:s0+$0x4150]  }
0x223: {  	v24 =	vld [tilespmem:s0+$0x41D0]  }
0x224: {  	v25 =	vld [tilespmem:s0+$0x41B0]  }
0x225: {  	v26 =	vld [tilespmem:s0+$0x4130]  }
0x226: {  	v27 =	vld [tilespmem:s0+$0x4140]  }
0x227: {  	v28 =	vld [tilespmem:s0+$0x4110]  }
0x228: {  	v29 =	vld [tilespmem:s0+$0x4120]  }
0x229: {  	v30 =	vld [tilespmem:s0+$0x4100]  }
0x22a: {  	v31 =	vld [tilespmem:s0+$0x4190]  }
0x22b: {  	v32 =	vld [tilespmem:s0+$0x4160]  }
0x22c: {  	v33 =	vld [tilespmem:s0+$0x4170]  }
0x22d: {  	v34 =	vld [tilespmem:s0+$0x41C0]  }
0x22e: {  	v35 =	vld [tilespmem:s0+$0x4180]  }
0x22f: {  	v36 =	vld [tilespmem:s0+$0x41E0]  }
0x230: {  	v37 =	vld [tilespmem:s0+$0x41A0]  }
0x231: {  	[tilespmem:v30+s13+$0x0] =	vst.idx.add.f32.msk $0xffff, v21  }
0x232: {  	[tilespmem:v28+s13+$0x0] =	vst.idx.add.f32.msk $0xffff, v21  }
0x233: {  	[tilespmem:v29+s13+$0x0] =	vst.idx.add.f32.msk $0xffff, v21  }
0x234: {  	[tilespmem:v26+s13+$0x0] =	vst.idx.add.f32.msk $0xffff, v21  }
0x235: {  	[tilespmem:v27+s13+$0x0] =	vst.idx.add.f32.msk $0xffff, v21  }
0x236: {  	[tilespmem:v23+s13+$0x0] =	vst.idx.add.f32.msk $0xffff, v21  }
0x237: {  	[tilespmem:v32+s13+$0x0] =	vst.idx.add.f32.msk $0xffff, v21  }
0x238: {  	[tilespmem:v33+s13+$0x0] =	vst.idx.add.f32.msk $0xffff, v21  }
0x239: {  	[tilespmem:v35+s13+$0x0] =	vst.idx.add.f32.msk $0xffff, v21  }
0x23a: {  	[tilespmem:v31+s13+$0x0] =	vst.idx.add.f32.msk $0xffff, v21  }
0x23b: {  	[tilespmem:v37+s13+$0x0] =	vst.idx.add.f32.msk $0xffff, v21  }
0x23c: {  	[tilespmem:v25+s13+$0x0] =	vst.idx.add.f32.msk $0xffff, v21  }
0x23d: {  	[tilespmem:v34+s13+$0x0] =	vst.idx.add.f32.msk $0xffff, v21  }
0x23e: {  	[tilespmem:v24+s13+$0x0] =	vst.idx.add.f32.msk $0xffff, v21  }
0x23f: {  	s31 =	simm.s32 $0x400;
	[tilespmem:v36+s13+$0x0] =	vst.idx.add.f32.msk $0xffff, v21  }
.LBB2_26:
0x240: {  	s0 =	sshra.s32 s31, $0x2;
	p0 =	sne.s32 s31, $0x7C00;
	s31 =	sadd.s32 $0x400, s31;
	[tilespmem:v22+s13+$0x0] =	vst.idx.add.f32.msk $0xffff, v21  }
0x241: {  	v22 =	vld [tilespmem:s0+$0x41F0]  }
0x242: {  	v23 =	vld [tilespmem:s0+$0x4150]  }
0x243: {  	v24 =	vld [tilespmem:s0+$0x41D0]  }
0x244: {  	v25 =	vld [tilespmem:s0+$0x41B0]  }
0x245: {  	v26 =	vld [tilespmem:s0+$0x4130]  }
0x246: {  	v27 =	vld [tilespmem:s0+$0x4140]  }
0x247: {  	v28 =	vld [tilespmem:s0+$0x4110]  }
0x248: {  	v29 =	vld [tilespmem:s0+$0x4120]  }
0x249: {  	v30 =	vld [tilespmem:s0+$0x4100]  }
0x24a: {  	v31 =	vld [tilespmem:s0+$0x4190]  }
0x24b: {  	v32 =	vld [tilespmem:s0+$0x4160]  }
0x24c: {  	v33 =	vld [tilespmem:s0+$0x4170]  }
0x24d: {  	v34 =	vld [tilespmem:s0+$0x41C0]  }
0x24e: {  	v35 =	vld [tilespmem:s0+$0x4180]  }
0x24f: {  	v36 =	vld [tilespmem:s0+$0x41E0]  }
0x250: {  	v37 =	vld [tilespmem:s0+$0x41A0]  }
0x251: {  	[tilespmem:v30+s13+$0x0] =	vst.idx.add.f32.msk $0xffff, v21  }
0x252: {  	[tilespmem:v28+s13+$0x0] =	vst.idx.add.f32.msk $0xffff, v21  }
0x253: {  	[tilespmem:v29+s13+$0x0] =	vst.idx.add.f32.msk $0xffff, v21  }
0x254: {  	[tilespmem:v26+s13+$0x0] =	vst.idx.add.f32.msk $0xffff, v21  }
0x255: {  	[tilespmem:v27+s13+$0x0] =	vst.idx.add.f32.msk $0xffff, v21  }
0x256: {  	[tilespmem:v23+s13+$0x0] =	vst.idx.add.f32.msk $0xffff, v21  }
0x257: {  	[tilespmem:v32+s13+$0x0] =	vst.idx.add.f32.msk $0xffff, v21  }
0x258: {  	[tilespmem:v33+s13+$0x0] =	vst.idx.add.f32.msk $0xffff, v21  }
0x259: {  	[tilespmem:v35+s13+$0x0] =	vst.idx.add.f32.msk $0xffff, v21  }
0x25a: {  	[tilespmem:v31+s13+$0x0] =	vst.idx.add.f32.msk $0xffff, v21  }
.Ltmp12:
0x25b: {  	[tilespmem:v37+s13+$0x0] =	vst.idx.add.f32.msk $0xffff, v21;
	(pc) =	sbr.rel @p0 .LBB2_26-.Ltmp12, $4  }
0x25c: {  	[tilespmem:v25+s13+$0x0] =	vst.idx.add.f32.msk $0xffff, v21  }
0x25d: {  	[tilespmem:v34+s13+$0x0] =	vst.idx.add.f32.msk $0xffff, v21  }
0x25e: {  	[tilespmem:v24+s13+$0x0] =	vst.idx.add.f32.msk $0xffff, v21  }
0x25f: {  	[tilespmem:v36+s13+$0x0] =	vst.idx.add.f32.msk $0xffff, v21  }
0x260: {  	_ =	sdelay $0x3  }
0x261: {  	[tilespmem:v22+s13+$0x0] =	vst.idx.add.f32.msk $0xffff, v21  }
0x262: {  	v22 =	vld [tilespmem:$0x6100]  }
0x263: {  	v23 =	vld [tilespmem:$0x6110];
	_ =	sdelay $0x6  }
0x264: {  	[tilespmem:v22+s13+$0x0] =	vst.idx.add.f32.msk $0xffff, v21  }
0x265: {  	s0 =	rddreg [dreg:$0xf];
	[tilespmem:v23+s13+$0x0] =	vst.idx.add.f32.msk $0xffff, v21  }
0x266: {  	[hbm4b:s0+s9] =	stream.strided.scatter [tilespmem:s13], [sflag:$0x2], $0x2C00, s10, s9, $0x38;
	[tilespmem:$0x16280] =	vst v63  }
0x267: {  	s2 =	rddreg [dreg:$0x10]  }
0x268: {  	[hbm4b:s2+s9] =	stream.strided.scatter [tilespmem:s14], [sflag:$0x3], $0x2C00, s10, s9, $0x38;
	[tilespmem:$0x16280] =	vst v63  }
0x269: {  	s2 =	rddreg [dreg:$0x11]  }
0x26a: {  	[hbm4b:s2+s9] =	stream.strided.scatter [tilespmem:s15], [sflag:$0x4], $0x2C00, s10, s9, $0x38;
	[tilespmem:$0x16280] =	vst v63  }
0x26b: {  	s2 =	rddreg [dreg:$0x12]  }
0x26c: {  	[hbm4b:s2+s9] =	stream.strided.scatter [tilespmem:s16], [sflag:$0x5], $0x2C00, s10, s9, $0x38;
	[tilespmem:$0x16280] =	vst v63  }
0x26d: {  	s2 =	rddreg [dreg:$0x13]  }
0x26e: {  	[hbm4b:s2+s9] =	stream.strided.scatter [tilespmem:s17], [sflag:$0x6], $0x1C00, s10, s9, $0x38;
	[tilespmem:$0x16280] =	vst v63  }
0x26f: {  	s2 =	rddreg [dreg:$0x14]  }
0x270: {  	[hbm4b:s2+s9] =	stream.strided.scatter [tilespmem:s18], [sflag:$0x7], $0x1C00, s10, s9, $0x38;
	[tilespmem:$0x16280] =	vst v63  }
0x271: {  	s2 =	rddreg [dreg:$0x15]  }
0x272: {  	[hbm4b:s2+s9] =	stream.strided.scatter [tilespmem:s19], [sflag:$0x8], $0x1000, s10, s9, $0x38;
	[tilespmem:$0x16280] =	vst v63  }
0x273: {  	s2 =	rddreg [dreg:$0x16]  }
0x274: {  	[hbm4b:s2+s9] =	stream.strided.scatter [tilespmem:s20], [sflag:$0x9], $0x800, s10, s9, $0x38;
	[tilespmem:$0x16280] =	vst v63  }
0x275: {  	_ =	swait.ge [sflag:s11], $0x2000  }
0x276: {  	[sflag:s11] =	ssyncset.done $0x0  }
0x277: {  	s2 =	simm.s32 $0x0;
	[sflag:s11] =	ssyncadd.s32 $0xFFFFE000  }
0x278: {  	v22 =	vld.idx.msk [tilespmem:v0+s2+$0x0], $0xffff  }
0x279: {  	v23 =	vld.idx.msk [tilespmem:v3+s2+$0x0], $0xffff  }
0x27a: {  	v24 =	vld.idx.msk [tilespmem:v4+s2+$0x0], $0xffff  }
0x27b: {  	v25 =	vld.idx.msk [tilespmem:v5+s2+$0x0], $0xffff  }
0x27c: {  	v26 =	vld.idx.msk [tilespmem:v6+s2+$0x0], $0xffff  }
0x27d: {  	v27 =	vld.idx.msk [tilespmem:v7+s2+$0x0], $0xffff  }
0x27e: {  	v28 =	vld.idx.msk [tilespmem:v10+s2+$0x0], $0xffff  }
0x27f: {  	v29 =	vld.idx.msk [tilespmem:v11+s2+$0x0], $0xffff  }
0x280: {  	v30 =	vld.idx.msk [tilespmem:v8+s2+$0x0], $0xffff  }
0x281: {  	v31 =	vld.idx.msk [tilespmem:v13+s2+$0x0], $0xffff  }
0x282: {  	v32 =	vld.idx.msk [tilespmem:v12+s2+$0x0], $0xffff;
	v22 =	vshll.u32 v22, $0x6;
	v23 =	vshll.u32 v23, $0x4  }
0x283: {  	v60 =	vld.idx.msk [tilespmem:v15+s2+$0x0], $0xffff;
	v22 =	vadd.s32 v22, v23  }
0x284: {  	v22 =	vadd.s32 v25, v22;
	v25 =	vld.idx.msk [tilespmem:v14+s2+$0x0], $0xffff  }
0x285: {  	v61 =	vld.idx.msk [tilespmem:v17+s2+$0x0], $0xffff;
	v28 =	vshll.u32 v28, $0x6;
	v29 =	vshll.u32 v29, $0x4  }
0x286: {  	v24 =	vshll.u32 v24, $0xA;
	v23 =	vld.idx.msk [tilespmem:v9+s2+$0x0], $0xffff;
	v28 =	vadd.s32 v28, v29;
	v22 =	vshll.u32 v22, $0x8  }
0x287: {  	v26 =	vshll.u32 v26, $0x6;
	v28 =	vadd.s32 v31, v28;
	v22 =	vadd.s32 v22, v24;
	v24 =	vld.idx.msk [tilespmem:v16+s2+$0x0], $0xffff  }
0x288: {  	v32 =	vshll.u32 v32, $0xA;
	v27 =	vshll.u32 v27, $0x4;
	v28 =	vshll.u32 v28, $0x8  }
0x289: {  	v22 =	vadd.s32 v26, v22;
	v26 =	vadd.s32 v28, v32;
	v25 =	vshll.u32 v25, $0x6  }
0x28a: {  	v22 =	vadd.s32 v27, v22;
	v27 =	vshll.u32 v60, $0x4;
	v25 =	vadd.s32 v25, v26  }
0x28b: {  	v62 =	vshll.u32 v30, $0x2;
	v22 =	vadd.s32 v23, v22;
	v23 =	vadd.s32 v27, v25  }
0x28c: {  	v25 =	vadd.s32 s2, v20;
	v24 =	vshll.u32 v24, $0x2;
	v23 =	vadd.s32 v61, v23  }
0x28d: {  	v26 =	vmov s2;
	v23 =	vadd.s32 v24, v23;
	v24 =	vadd.s32 s2, v19  }
0x28e: {  	s31 =	simm.s32 $0x5110;
	v27 =	vadd.s32 v62, v22;
	vm0 =	vlt.u32 v26, v18  }
0x28f: {  	[tilespmem:s31+$0xFFFFEFF0] =	vst v27;
	v22 =	vnsel vm0, $0x10000, v23  }
0x290: {  	[tilespmem:s31+$0x0] =	vst v22  }
0x291: {  	v26 =	vld.idx.msk [tilespmem:v25+s1+$0x0], $0xffff  }
0x292: {  	v24 =	vld.idx.msk [tilespmem:v24+s1+$0x0], $0xffff;
	_ =	sdelay $0x1  }
0x293: {  	s0 =	simm.s32 $0x1  }
0x294: {  	v63 =	vshll.u32 v23, $0x2;
	v23 =	vadd.s32 s0, v20  }
0x295: {  	s2 =	simm.s32 $0x2;
	v22 =	vmov s0;
	v25 =	vshll.u32 v27, $0x2;
	v26 =	vadd.s32 v63, v26  }
.LBB2_28:
0x296: {  	p0 =	sne.s32 s2, $0x100;
	v27 =	vadd.s32 s0, v19;
	v24 =	vadd.s32 v25, v24;
	v25 =	vand.u32 $0xFFFF, v26;
	s0 =	smov.u32 s2  }
0x297: {  	vm0 =	vlt.u32 v22, v18;
	s31 =	sadd.s32 $0x10, s31;
	v26 =	vand.u32 $0xFFFF, v24  }
0x298: {  	v22 =	vnsel vm0, $0x10000, v25;
	[tilespmem:s31+$0xFFFFEFF0] =	vst v26  }
0x299: {  	[tilespmem:s31+$0x0] =	vst v22  }
0x29a: {  	v28 =	vld.idx.msk [tilespmem:v23+s1+$0x0], $0xffff  }
0x29b: {  	v24 =	vld.idx.msk [tilespmem:v27+s1+$0x0], $0xffff  }
.Ltmp13:
0x29c: {  	(pc) =	sbr.rel @p0 .LBB2_28-.Ltmp13, $3  }
0x29d: {  	_ =	sdelay $0x1  }
0x29e: {  	v22 =	vmov s2;
	v27 =	vshll.u32 v25, $0x2  }
0x29f: {  	s2 =	sadd.s32 $0x1, s2;
	v23 =	vadd.s32 s0, v20;
	v25 =	vshll.u32 v26, $0x2;
	v26 =	vadd.s32 v27, v28  }
0x2a0: {  	v23 =	vadd.s32 v25, v24  }
0x2a1: {  	v63 =	vand.u32 $0xFFFF, v26;
	vm0 =	vlt.u32 v22, v18;
	s0 =	sadd.s32 $0x10, s31;
	v22 =	vand.u32 $0xFFFF, v23  }
0x2a2: {  	[tilespmem:s0+$0xFFFFEFF0] =	vst v22;
	v22 =	vnsel vm0, $0x10000, v63  }
0x2a3: {  	s2 =	rddreg [dreg:$0xc];
	[tilespmem:s0+$0x0] =	vst v22  }
0x2a4: {  	[tilespmem:s12], [sflag:$0x1] =	stream.strided.gather [hbm4b:s2+s9], $0x2000, s10, s9, $0x38;
	[tilespmem:$0x16280] =	vst v63  }
0x2a5: {  	_ =	swait.ge [sflag:s21], $0x2C00  }
0x2a6: {  	[sflag:s21] =	ssyncset.done $0x0  }
0x2a7: {  	s31 =	simm.s32 $0x0;
	s0 =	simm.s32 $0x400;
	[sflag:s21] =	ssyncadd.s32 $0xFFFFD400  }
.LBB2_30:
0x2a8: {  	p0 =	sne.s32 s0, $0xAC00;
	[tilespmem:s31+$0x6270] =	vst v2  }
0x2a9: {  	[tilespmem:s31+$0x6180] =	vst v2  }
0x2aa: {  	[tilespmem:s31+$0x6190] =	vst v2  }
0x2ab: {  	[tilespmem:s31+$0x61A0] =	vst v2  }
0x2ac: {  	[tilespmem:s31+$0x61B0] =	vst v2  }
0x2ad: {  	[tilespmem:s31+$0x61C0] =	vst v2  }
0x2ae: {  	[tilespmem:s31+$0x61D0] =	vst v2  }
0x2af: {  	[tilespmem:s31+$0x61E0] =	vst v2  }
0x2b0: {  	[tilespmem:s31+$0x61F0] =	vst v2  }
0x2b1: {  	[tilespmem:s31+$0x6200] =	vst v2  }
0x2b2: {  	[tilespmem:s31+$0x6210] =	vst v2  }
.Ltmp14:
0x2b3: {  	[tilespmem:s31+$0x6220] =	vst v2;
	(pc) =	sbr.rel @p0 .LBB2_30-.Ltmp14, $4  }
0x2b4: {  	[tilespmem:s31+$0x6230] =	vst v2  }
0x2b5: {  	[tilespmem:s31+$0x6240] =	vst v2  }
0x2b6: {  	[tilespmem:s31+$0x6250] =	vst v2  }
0x2b7: {  	[tilespmem:s31+$0x6260] =	vst v2;
	s31 =	sshra.s32 s0, $0x2;
	s0 =	sadd.s32 $0x400, s0  }
0x2b8: {  	[tilespmem:s31+$0x6270] =	vst v2  }
0x2b9: {  	[tilespmem:s31+$0x6180] =	vst v2  }
0x2ba: {  	[tilespmem:s31+$0x6190] =	vst v2  }
0x2bb: {  	[tilespmem:s31+$0x61A0] =	vst v2  }
0x2bc: {  	[tilespmem:s31+$0x61B0] =	vst v2  }
0x2bd: {  	[tilespmem:s31+$0x61C0] =	vst v2  }
0x2be: {  	[tilespmem:s31+$0x61D0] =	vst v2  }
0x2bf: {  	[tilespmem:s31+$0x61E0] =	vst v2  }
0x2c0: {  	[tilespmem:s31+$0x61F0] =	vst v2  }
0x2c1: {  	[tilespmem:s31+$0x6200] =	vst v2  }
0x2c2: {  	[tilespmem:s31+$0x6210] =	vst v2  }
0x2c3: {  	[tilespmem:s31+$0x6220] =	vst v2  }
0x2c4: {  	[tilespmem:s31+$0x6230] =	vst v2  }
0x2c5: {  	[tilespmem:s31+$0x6240] =	vst v2  }
0x2c6: {  	[tilespmem:s31+$0x6250] =	vst v2  }
0x2c7: {  	[tilespmem:s31+$0x6260] =	vst v2  }
0x2c8: {  	_ =	swait.ge [sflag:s22], $0x2C00  }
0x2c9: {  	[sflag:s22] =	ssyncset.done $0x0  }
0x2ca: {  	s31 =	simm.s32 $0x0;
	s0 =	simm.s32 $0x400;
	[sflag:s22] =	ssyncadd.s32 $0xFFFFD400  }
.LBB2_32:
0x2cb: {  	p0 =	sne.s32 s0, $0xAC00;
	[tilespmem:s31+$0x8E70] =	vst v2  }
0x2cc: {  	[tilespmem:s31+$0x8D80] =	vst v2  }
0x2cd: {  	[tilespmem:s31+$0x8D90] =	vst v2  }
0x2ce: {  	[tilespmem:s31+$0x8DA0] =	vst v2  }
0x2cf: {  	[tilespmem:s31+$0x8DB0] =	vst v2  }
0x2d0: {  	[tilespmem:s31+$0x8DC0] =	vst v2  }
0x2d1: {  	[tilespmem:s31+$0x8DD0] =	vst v2  }
0x2d2: {  	[tilespmem:s31+$0x8DE0] =	vst v2  }
0x2d3: {  	[tilespmem:s31+$0x8DF0] =	vst v2  }
0x2d4: {  	[tilespmem:s31+$0x8E00] =	vst v2  }
0x2d5: {  	[tilespmem:s31+$0x8E10] =	vst v2  }
.Ltmp15:
0x2d6: {  	[tilespmem:s31+$0x8E20] =	vst v2;
	(pc) =	sbr.rel @p0 .LBB2_32-.Ltmp15, $4  }
0x2d7: {  	[tilespmem:s31+$0x8E30] =	vst v2  }
0x2d8: {  	[tilespmem:s31+$0x8E40] =	vst v2  }
0x2d9: {  	[tilespmem:s31+$0x8E50] =	vst v2  }
0x2da: {  	[tilespmem:s31+$0x8E60] =	vst v2;
	s31 =	sshra.s32 s0, $0x2;
	s0 =	sadd.s32 $0x400, s0  }
0x2db: {  	[tilespmem:s31+$0x8E70] =	vst v2  }
0x2dc: {  	[tilespmem:s31+$0x8D80] =	vst v2  }
0x2dd: {  	[tilespmem:s31+$0x8D90] =	vst v2  }
0x2de: {  	[tilespmem:s31+$0x8DA0] =	vst v2  }
0x2df: {  	[tilespmem:s31+$0x8DB0] =	vst v2  }
0x2e0: {  	[tilespmem:s31+$0x8DC0] =	vst v2  }
0x2e1: {  	[tilespmem:s31+$0x8DD0] =	vst v2  }
0x2e2: {  	[tilespmem:s31+$0x8DE0] =	vst v2  }
0x2e3: {  	[tilespmem:s31+$0x8DF0] =	vst v2  }
0x2e4: {  	[tilespmem:s31+$0x8E00] =	vst v2  }
0x2e5: {  	[tilespmem:s31+$0x8E10] =	vst v2  }
0x2e6: {  	[tilespmem:s31+$0x8E20] =	vst v2  }
0x2e7: {  	[tilespmem:s31+$0x8E30] =	vst v2  }
0x2e8: {  	[tilespmem:s31+$0x8E40] =	vst v2  }
0x2e9: {  	[tilespmem:s31+$0x8E50] =	vst v2  }
0x2ea: {  	[tilespmem:s31+$0x8E60] =	vst v2  }
0x2eb: {  	_ =	swait.ge [sflag:s23], $0x2C00  }
0x2ec: {  	[sflag:s23] =	ssyncset.done $0x0  }
0x2ed: {  	s31 =	simm.s32 $0x0;
	s0 =	simm.s32 $0x400;
	[sflag:s23] =	ssyncadd.s32 $0xFFFFD400  }
.LBB2_34:
0x2ee: {  	p0 =	sne.s32 s0, $0xAC00;
	[tilespmem:s31+$0xBA70] =	vst v2  }
0x2ef: {  	[tilespmem:s31+$0xB980] =	vst v2  }
0x2f0: {  	[tilespmem:s31+$0xB990] =	vst v2  }
0x2f1: {  	[tilespmem:s31+$0xB9A0] =	vst v2  }
0x2f2: {  	[tilespmem:s31+$0xB9B0] =	vst v2  }
0x2f3: {  	[tilespmem:s31+$0xB9C0] =	vst v2  }
0x2f4: {  	[tilespmem:s31+$0xB9D0] =	vst v2  }
0x2f5: {  	[tilespmem:s31+$0xB9E0] =	vst v2  }
0x2f6: {  	[tilespmem:s31+$0xB9F0] =	vst v2  }
0x2f7: {  	[tilespmem:s31+$0xBA00] =	vst v2  }
0x2f8: {  	[tilespmem:s31+$0xBA10] =	vst v2  }
.Ltmp16:
0x2f9: {  	[tilespmem:s31+$0xBA20] =	vst v2;
	(pc) =	sbr.rel @p0 .LBB2_34-.Ltmp16, $4  }
0x2fa: {  	[tilespmem:s31+$0xBA30] =	vst v2  }
0x2fb: {  	[tilespmem:s31+$0xBA40] =	vst v2  }
0x2fc: {  	[tilespmem:s31+$0xBA50] =	vst v2  }
0x2fd: {  	[tilespmem:s31+$0xBA60] =	vst v2;
	s31 =	sshra.s32 s0, $0x2;
	s0 =	sadd.s32 $0x400, s0  }
0x2fe: {  	[tilespmem:s31+$0xBA70] =	vst v2  }
0x2ff: {  	[tilespmem:s31+$0xB980] =	vst v2  }
0x300: {  	[tilespmem:s31+$0xB990] =	vst v2  }
0x301: {  	[tilespmem:s31+$0xB9A0] =	vst v2  }
0x302: {  	[tilespmem:s31+$0xB9B0] =	vst v2  }
0x303: {  	[tilespmem:s31+$0xB9C0] =	vst v2  }
0x304: {  	[tilespmem:s31+$0xB9D0] =	vst v2  }
0x305: {  	[tilespmem:s31+$0xB9E0] =	vst v2  }
0x306: {  	[tilespmem:s31+$0xB9F0] =	vst v2  }
0x307: {  	[tilespmem:s31+$0xBA00] =	vst v2  }
0x308: {  	[tilespmem:s31+$0xBA10] =	vst v2  }
0x309: {  	[tilespmem:s31+$0xBA20] =	vst v2  }
0x30a: {  	[tilespmem:s31+$0xBA30] =	vst v2  }
0x30b: {  	[tilespmem:s31+$0xBA40] =	vst v2  }
0x30c: {  	[tilespmem:s31+$0xBA50] =	vst v2  }
0x30d: {  	[tilespmem:s31+$0xBA60] =	vst v2  }
0x30e: {  	_ =	swait.ge [sflag:s24], $0x2C00  }
0x30f: {  	[sflag:s24] =	ssyncset.done $0x0  }
0x310: {  	s31 =	simm.s32 $0x0;
	s0 =	simm.s32 $0x400;
	[sflag:s24] =	ssyncadd.s32 $0xFFFFD400  }
.LBB2_36:
0x311: {  	p0 =	sne.s32 s0, $0xAC00;
	[tilespmem:s31+$0xE670] =	vst v2  }
0x312: {  	[tilespmem:s31+$0xE580] =	vst v2  }
0x313: {  	[tilespmem:s31+$0xE590] =	vst v2  }
0x314: {  	[tilespmem:s31+$0xE5A0] =	vst v2  }
0x315: {  	[tilespmem:s31+$0xE5B0] =	vst v2  }
0x316: {  	[tilespmem:s31+$0xE5C0] =	vst v2  }
0x317: {  	[tilespmem:s31+$0xE5D0] =	vst v2  }
0x318: {  	[tilespmem:s31+$0xE5E0] =	vst v2  }
0x319: {  	[tilespmem:s31+$0xE5F0] =	vst v2  }
0x31a: {  	[tilespmem:s31+$0xE600] =	vst v2  }
0x31b: {  	[tilespmem:s31+$0xE610] =	vst v2  }
.Ltmp17:
0x31c: {  	[tilespmem:s31+$0xE620] =	vst v2;
	(pc) =	sbr.rel @p0 .LBB2_36-.Ltmp17, $4  }
0x31d: {  	[tilespmem:s31+$0xE630] =	vst v2  }
0x31e: {  	[tilespmem:s31+$0xE640] =	vst v2  }
0x31f: {  	[tilespmem:s31+$0xE650] =	vst v2  }
0x320: {  	[tilespmem:s31+$0xE660] =	vst v2;
	s31 =	sshra.s32 s0, $0x2;
	s0 =	sadd.s32 $0x400, s0  }
0x321: {  	[tilespmem:s31+$0xE670] =	vst v2  }
0x322: {  	[tilespmem:s31+$0xE580] =	vst v2  }
0x323: {  	[tilespmem:s31+$0xE590] =	vst v2  }
0x324: {  	[tilespmem:s31+$0xE5A0] =	vst v2  }
0x325: {  	[tilespmem:s31+$0xE5B0] =	vst v2  }
0x326: {  	[tilespmem:s31+$0xE5C0] =	vst v2  }
0x327: {  	[tilespmem:s31+$0xE5D0] =	vst v2  }
0x328: {  	[tilespmem:s31+$0xE5E0] =	vst v2  }
0x329: {  	[tilespmem:s31+$0xE5F0] =	vst v2  }
0x32a: {  	[tilespmem:s31+$0xE600] =	vst v2  }
0x32b: {  	[tilespmem:s31+$0xE610] =	vst v2  }
0x32c: {  	[tilespmem:s31+$0xE620] =	vst v2  }
0x32d: {  	[tilespmem:s31+$0xE630] =	vst v2  }
0x32e: {  	[tilespmem:s31+$0xE640] =	vst v2  }
0x32f: {  	[tilespmem:s31+$0xE650] =	vst v2  }
0x330: {  	[tilespmem:s31+$0xE660] =	vst v2  }
0x331: {  	_ =	swait.ge [sflag:s25], $0x1C00  }
0x332: {  	[sflag:s25] =	ssyncset.done $0x0  }
0x333: {  	s31 =	simm.s32 $0x0;
	s0 =	simm.s32 $0x400;
	[sflag:s25] =	ssyncadd.s32 $0xFFFFE400  }
.LBB2_38:
0x334: {  	p0 =	sne.s32 s0, $0x6C00;
	[tilespmem:s31+$0x11270] =	vst v2  }
0x335: {  	[tilespmem:s31+$0x11180] =	vst v2  }
0x336: {  	[tilespmem:s31+$0x11190] =	vst v2  }
0x337: {  	[tilespmem:s31+$0x111A0] =	vst v2  }
0x338: {  	[tilespmem:s31+$0x111B0] =	vst v2  }
0x339: {  	[tilespmem:s31+$0x111C0] =	vst v2  }
0x33a: {  	[tilespmem:s31+$0x111D0] =	vst v2  }
0x33b: {  	[tilespmem:s31+$0x111E0] =	vst v2  }
0x33c: {  	[tilespmem:s31+$0x111F0] =	vst v2  }
0x33d: {  	[tilespmem:s31+$0x11200] =	vst v2  }
0x33e: {  	[tilespmem:s31+$0x11210] =	vst v2  }
.Ltmp18:
0x33f: {  	[tilespmem:s31+$0x11220] =	vst v2;
	(pc) =	sbr.rel @p0 .LBB2_38-.Ltmp18, $4  }
0x340: {  	[tilespmem:s31+$0x11230] =	vst v2  }
0x341: {  	[tilespmem:s31+$0x11240] =	vst v2  }
0x342: {  	[tilespmem:s31+$0x11250] =	vst v2  }
0x343: {  	[tilespmem:s31+$0x11260] =	vst v2;
	s31 =	sshra.s32 s0, $0x2;
	s0 =	sadd.s32 $0x400, s0  }
0x344: {  	[tilespmem:s31+$0x11270] =	vst v2  }
0x345: {  	[tilespmem:s31+$0x11180] =	vst v2  }
0x346: {  	[tilespmem:s31+$0x11190] =	vst v2  }
0x347: {  	[tilespmem:s31+$0x111A0] =	vst v2  }
0x348: {  	[tilespmem:s31+$0x111B0] =	vst v2  }
0x349: {  	[tilespmem:s31+$0x111C0] =	vst v2  }
0x34a: {  	[tilespmem:s31+$0x111D0] =	vst v2  }
0x34b: {  	[tilespmem:s31+$0x111E0] =	vst v2  }
0x34c: {  	[tilespmem:s31+$0x111F0] =	vst v2  }
0x34d: {  	[tilespmem:s31+$0x11200] =	vst v2  }
0x34e: {  	[tilespmem:s31+$0x11210] =	vst v2  }
0x34f: {  	[tilespmem:s31+$0x11220] =	vst v2  }
0x350: {  	[tilespmem:s31+$0x11230] =	vst v2  }
0x351: {  	[tilespmem:s31+$0x11240] =	vst v2  }
0x352: {  	[tilespmem:s31+$0x11250] =	vst v2  }
0x353: {  	[tilespmem:s31+$0x11260] =	vst v2  }
0x354: {  	_ =	swait.ge [sflag:s26], $0x1C00  }
0x355: {  	[sflag:s26] =	ssyncset.done $0x0  }
0x356: {  	s31 =	simm.s32 $0x0;
	s0 =	simm.s32 $0x400;
	[sflag:s26] =	ssyncadd.s32 $0xFFFFE400  }
.LBB2_40:
0x357: {  	p0 =	sne.s32 s0, $0x6C00;
	[tilespmem:s31+$0x12E70] =	vst v2  }
0x358: {  	[tilespmem:s31+$0x12D80] =	vst v2  }
0x359: {  	[tilespmem:s31+$0x12D90] =	vst v2  }
0x35a: {  	[tilespmem:s31+$0x12DA0] =	vst v2  }
0x35b: {  	[tilespmem:s31+$0x12DB0] =	vst v2  }
0x35c: {  	[tilespmem:s31+$0x12DC0] =	vst v2  }
0x35d: {  	[tilespmem:s31+$0x12DD0] =	vst v2  }
0x35e: {  	[tilespmem:s31+$0x12DE0] =	vst v2  }
0x35f: {  	[tilespmem:s31+$0x12DF0] =	vst v2  }
0x360: {  	[tilespmem:s31+$0x12E00] =	vst v2  }
0x361: {  	[tilespmem:s31+$0x12E10] =	vst v2  }
.Ltmp19:
0x362: {  	[tilespmem:s31+$0x12E20] =	vst v2;
	(pc) =	sbr.rel @p0 .LBB2_40-.Ltmp19, $4  }
0x363: {  	[tilespmem:s31+$0x12E30] =	vst v2  }
0x364: {  	[tilespmem:s31+$0x12E40] =	vst v2  }
0x365: {  	[tilespmem:s31+$0x12E50] =	vst v2  }
0x366: {  	[tilespmem:s31+$0x12E60] =	vst v2;
	s31 =	sshra.s32 s0, $0x2;
	s0 =	sadd.s32 $0x400, s0  }
0x367: {  	[tilespmem:s31+$0x12E70] =	vst v2  }
0x368: {  	[tilespmem:s31+$0x12D80] =	vst v2  }
0x369: {  	[tilespmem:s31+$0x12D90] =	vst v2  }
0x36a: {  	[tilespmem:s31+$0x12DA0] =	vst v2  }
0x36b: {  	[tilespmem:s31+$0x12DB0] =	vst v2  }
0x36c: {  	[tilespmem:s31+$0x12DC0] =	vst v2  }
0x36d: {  	[tilespmem:s31+$0x12DD0] =	vst v2  }
0x36e: {  	[tilespmem:s31+$0x12DE0] =	vst v2  }
0x36f: {  	[tilespmem:s31+$0x12DF0] =	vst v2  }
0x370: {  	[tilespmem:s31+$0x12E00] =	vst v2  }
0x371: {  	[tilespmem:s31+$0x12E10] =	vst v2  }
0x372: {  	[tilespmem:s31+$0x12E20] =	vst v2  }
0x373: {  	[tilespmem:s31+$0x12E30] =	vst v2  }
0x374: {  	[tilespmem:s31+$0x12E40] =	vst v2  }
0x375: {  	[tilespmem:s31+$0x12E50] =	vst v2  }
0x376: {  	[tilespmem:s31+$0x12E60] =	vst v2  }
0x377: {  	_ =	swait.ge [sflag:s28], $0x1000  }
0x378: {  	[sflag:s28] =	ssyncset.done $0x0  }
0x379: {  	s31 =	simm.s32 $0x0;
	s0 =	simm.s32 $0x400;
	[sflag:s28] =	ssyncadd.s32 $0xFFFFF000  }
.LBB2_42:
0x37a: {  	p0 =	sne.s32 s0, $0x3C00;
	[tilespmem:s31+$0x14A70] =	vst v2  }
0x37b: {  	[tilespmem:s31+$0x14980] =	vst v2  }
0x37c: {  	[tilespmem:s31+$0x14990] =	vst v2  }
0x37d: {  	[tilespmem:s31+$0x149A0] =	vst v2  }
0x37e: {  	[tilespmem:s31+$0x149B0] =	vst v2  }
0x37f: {  	[tilespmem:s31+$0x149C0] =	vst v2  }
0x380: {  	[tilespmem:s31+$0x149D0] =	vst v2  }
0x381: {  	[tilespmem:s31+$0x149E0] =	vst v2  }
0x382: {  	[tilespmem:s31+$0x149F0] =	vst v2  }
0x383: {  	[tilespmem:s31+$0x14A00] =	vst v2  }
0x384: {  	[tilespmem:s31+$0x14A10] =	vst v2  }
.Ltmp20:
0x385: {  	[tilespmem:s31+$0x14A20] =	vst v2;
	(pc) =	sbr.rel @p0 .LBB2_42-.Ltmp20, $4  }
0x386: {  	[tilespmem:s31+$0x14A30] =	vst v2  }
0x387: {  	[tilespmem:s31+$0x14A40] =	vst v2  }
0x388: {  	[tilespmem:s31+$0x14A50] =	vst v2  }
0x389: {  	[tilespmem:s31+$0x14A60] =	vst v2;
	s31 =	sshra.s32 s0, $0x2;
	s0 =	sadd.s32 $0x400, s0  }
0x38a: {  	[tilespmem:s31+$0x14A70] =	vst v2  }
0x38b: {  	[tilespmem:s31+$0x14980] =	vst v2  }
0x38c: {  	[tilespmem:s31+$0x14990] =	vst v2  }
0x38d: {  	[tilespmem:s31+$0x149A0] =	vst v2  }
0x38e: {  	[tilespmem:s31+$0x149B0] =	vst v2  }
0x38f: {  	[tilespmem:s31+$0x149C0] =	vst v2  }
0x390: {  	[tilespmem:s31+$0x149D0] =	vst v2  }
0x391: {  	[tilespmem:s31+$0x149E0] =	vst v2  }
0x392: {  	[tilespmem:s31+$0x149F0] =	vst v2  }
0x393: {  	[tilespmem:s31+$0x14A00] =	vst v2  }
0x394: {  	[tilespmem:s31+$0x14A10] =	vst v2  }
0x395: {  	[tilespmem:s31+$0x14A20] =	vst v2  }
0x396: {  	[tilespmem:s31+$0x14A30] =	vst v2  }
0x397: {  	[tilespmem:s31+$0x14A40] =	vst v2  }
0x398: {  	[tilespmem:s31+$0x14A50] =	vst v2  }
0x399: {  	[tilespmem:s31+$0x14A60] =	vst v2  }
0x39a: {  	_ =	swait.ge [sflag:s29], $0x800  }
0x39b: {  	[sflag:s29] =	ssyncset.done $0x0  }
0x39c: {  	s31 =	simm.s32 $0x0;
	s0 =	simm.s32 $0x400;
	[sflag:s29] =	ssyncadd.s32 $0xFFFFF800  }
.LBB2_44:
0x39d: {  	p0 =	sne.s32 s0, $0x2000;
	[tilespmem:s31+$0x15A70] =	vst v2  }
0x39e: {  	[tilespmem:s31+$0x15980] =	vst v2  }
0x39f: {  	[tilespmem:s31+$0x15990] =	vst v2  }
0x3a0: {  	[tilespmem:s31+$0x159A0] =	vst v2  }
0x3a1: {  	[tilespmem:s31+$0x159B0] =	vst v2  }
0x3a2: {  	[tilespmem:s31+$0x159C0] =	vst v2  }
0x3a3: {  	[tilespmem:s31+$0x159D0] =	vst v2  }
0x3a4: {  	[tilespmem:s31+$0x159E0] =	vst v2  }
0x3a5: {  	[tilespmem:s31+$0x159F0] =	vst v2  }
0x3a6: {  	[tilespmem:s31+$0x15A00] =	vst v2  }
0x3a7: {  	[tilespmem:s31+$0x15A10] =	vst v2  }
.Ltmp21:
0x3a8: {  	[tilespmem:s31+$0x15A20] =	vst v2;
	(pc) =	sbr.rel @p0 .LBB2_44-.Ltmp21, $4  }
0x3a9: {  	[tilespmem:s31+$0x15A30] =	vst v2  }
0x3aa: {  	[tilespmem:s31+$0x15A40] =	vst v2  }
0x3ab: {  	[tilespmem:s31+$0x15A50] =	vst v2  }
0x3ac: {  	[tilespmem:s31+$0x15A60] =	vst v2;
	s31 =	sshra.s32 s0, $0x2;
	s0 =	sadd.s32 $0x400, s0  }
0x3ad: {  	[tilespmem:s31+$0x15A70] =	vst v2  }
0x3ae: {  	[tilespmem:s31+$0x15980] =	vst v2  }
0x3af: {  	[tilespmem:s31+$0x15990] =	vst v2  }
0x3b0: {  	[tilespmem:s31+$0x159A0] =	vst v2  }
0x3b1: {  	[tilespmem:s31+$0x159B0] =	vst v2  }
0x3b2: {  	[tilespmem:s31+$0x159C0] =	vst v2  }
0x3b3: {  	[tilespmem:s31+$0x159D0] =	vst v2  }
0x3b4: {  	[tilespmem:s31+$0x159E0] =	vst v2  }
0x3b5: {  	[tilespmem:s31+$0x159F0] =	vst v2  }
0x3b6: {  	[tilespmem:s31+$0x15A00] =	vst v2  }
0x3b7: {  	[tilespmem:s31+$0x15A10] =	vst v2  }
0x3b8: {  	[tilespmem:s31+$0x15A20] =	vst v2  }
0x3b9: {  	[tilespmem:s31+$0x15A30] =	vst v2  }
0x3ba: {  	[tilespmem:s31+$0x15A40] =	vst v2  }
0x3bb: {  	[tilespmem:s31+$0x15A50] =	vst v2  }
0x3bc: {  	[tilespmem:s31+$0x15A60] =	vst v2;
	s0 =	simm.s32 $0x0  }
0x3bd: {  	v22 =	vld [tilespmem:s0+$0x41F0]  }
0x3be: {  	v23 =	vld [tilespmem:s0+$0x4150]  }
0x3bf: {  	v24 =	vld [tilespmem:s0+$0x41D0]  }
0x3c0: {  	v25 =	vld [tilespmem:s0+$0x41B0]  }
0x3c1: {  	v26 =	vld [tilespmem:s0+$0x4130]  }
0x3c2: {  	v27 =	vld [tilespmem:s0+$0x4140]  }
0x3c3: {  	v28 =	vld [tilespmem:s0+$0x4110]  }
0x3c4: {  	v29 =	vld [tilespmem:s0+$0x4120]  }
0x3c5: {  	v30 =	vld [tilespmem:s0+$0x4100]  }
0x3c6: {  	v31 =	vld [tilespmem:s0+$0x4190]  }
0x3c7: {  	v32 =	vld [tilespmem:s0+$0x4160]  }
0x3c8: {  	v33 =	vld [tilespmem:s0+$0x4170]  }
0x3c9: {  	v34 =	vld [tilespmem:s0+$0x41C0]  }
0x3ca: {  	v35 =	vld [tilespmem:s0+$0x4180]  }
0x3cb: {  	v36 =	vld [tilespmem:s0+$0x41E0]  }
0x3cc: {  	v37 =	vld [tilespmem:s0+$0x41A0]  }
0x3cd: {  	[tilespmem:v30+s13+$0x0] =	vst.idx.add.f32.msk $0xffff, v21  }
0x3ce: {  	[tilespmem:v28+s13+$0x0] =	vst.idx.add.f32.msk $0xffff, v21  }
0x3cf: {  	[tilespmem:v29+s13+$0x0] =	vst.idx.add.f32.msk $0xffff, v21  }
0x3d0: {  	[tilespmem:v26+s13+$0x0] =	vst.idx.add.f32.msk $0xffff, v21  }
0x3d1: {  	[tilespmem:v27+s13+$0x0] =	vst.idx.add.f32.msk $0xffff, v21  }
0x3d2: {  	[tilespmem:v23+s13+$0x0] =	vst.idx.add.f32.msk $0xffff, v21  }
0x3d3: {  	[tilespmem:v32+s13+$0x0] =	vst.idx.add.f32.msk $0xffff, v21  }
0x3d4: {  	[tilespmem:v33+s13+$0x0] =	vst.idx.add.f32.msk $0xffff, v21  }
0x3d5: {  	[tilespmem:v35+s13+$0x0] =	vst.idx.add.f32.msk $0xffff, v21  }
0x3d6: {  	[tilespmem:v31+s13+$0x0] =	vst.idx.add.f32.msk $0xffff, v21  }
0x3d7: {  	[tilespmem:v37+s13+$0x0] =	vst.idx.add.f32.msk $0xffff, v21  }
0x3d8: {  	[tilespmem:v25+s13+$0x0] =	vst.idx.add.f32.msk $0xffff, v21  }
0x3d9: {  	[tilespmem:v34+s13+$0x0] =	vst.idx.add.f32.msk $0xffff, v21  }
0x3da: {  	[tilespmem:v24+s13+$0x0] =	vst.idx.add.f32.msk $0xffff, v21  }
0x3db: {  	s31 =	simm.s32 $0x400;
	[tilespmem:v36+s13+$0x0] =	vst.idx.add.f32.msk $0xffff, v21  }
.LBB2_46:
0x3dc: {  	s0 =	sshra.s32 s31, $0x2;
	p0 =	sne.s32 s31, $0x7C00;
	s31 =	sadd.s32 $0x400, s31;
	[tilespmem:v22+s13+$0x0] =	vst.idx.add.f32.msk $0xffff, v21  }
0x3dd: {  	v22 =	vld [tilespmem:s0+$0x41F0]  }
0x3de: {  	v23 =	vld [tilespmem:s0+$0x4150]  }
0x3df: {  	v24 =	vld [tilespmem:s0+$0x41D0]  }
0x3e0: {  	v25 =	vld [tilespmem:s0+$0x41B0]  }
0x3e1: {  	v26 =	vld [tilespmem:s0+$0x4130]  }
0x3e2: {  	v27 =	vld [tilespmem:s0+$0x4140]  }
0x3e3: {  	v28 =	vld [tilespmem:s0+$0x4110]  }
0x3e4: {  	v29 =	vld [tilespmem:s0+$0x4120]  }
0x3e5: {  	v30 =	vld [tilespmem:s0+$0x4100]  }
0x3e6: {  	v31 =	vld [tilespmem:s0+$0x4190]  }
0x3e7: {  	v32 =	vld [tilespmem:s0+$0x4160]  }
0x3e8: {  	v33 =	vld [tilespmem:s0+$0x4170]  }
0x3e9: {  	v34 =	vld [tilespmem:s0+$0x41C0]  }
0x3ea: {  	v35 =	vld [tilespmem:s0+$0x4180]  }
0x3eb: {  	v36 =	vld [tilespmem:s0+$0x41E0]  }
0x3ec: {  	v37 =	vld [tilespmem:s0+$0x41A0]  }
0x3ed: {  	[tilespmem:v30+s13+$0x0] =	vst.idx.add.f32.msk $0xffff, v21  }
0x3ee: {  	[tilespmem:v28+s13+$0x0] =	vst.idx.add.f32.msk $0xffff, v21  }
0x3ef: {  	[tilespmem:v29+s13+$0x0] =	vst.idx.add.f32.msk $0xffff, v21  }
0x3f0: {  	[tilespmem:v26+s13+$0x0] =	vst.idx.add.f32.msk $0xffff, v21  }
0x3f1: {  	[tilespmem:v27+s13+$0x0] =	vst.idx.add.f32.msk $0xffff, v21  }
0x3f2: {  	[tilespmem:v23+s13+$0x0] =	vst.idx.add.f32.msk $0xffff, v21  }
0x3f3: {  	[tilespmem:v32+s13+$0x0] =	vst.idx.add.f32.msk $0xffff, v21  }
0x3f4: {  	[tilespmem:v33+s13+$0x0] =	vst.idx.add.f32.msk $0xffff, v21  }
0x3f5: {  	[tilespmem:v35+s13+$0x0] =	vst.idx.add.f32.msk $0xffff, v21  }
0x3f6: {  	[tilespmem:v31+s13+$0x0] =	vst.idx.add.f32.msk $0xffff, v21  }
.Ltmp22:
0x3f7: {  	[tilespmem:v37+s13+$0x0] =	vst.idx.add.f32.msk $0xffff, v21;
	(pc) =	sbr.rel @p0 .LBB2_46-.Ltmp22, $4  }
0x3f8: {  	[tilespmem:v25+s13+$0x0] =	vst.idx.add.f32.msk $0xffff, v21  }
0x3f9: {  	[tilespmem:v34+s13+$0x0] =	vst.idx.add.f32.msk $0xffff, v21  }
0x3fa: {  	[tilespmem:v24+s13+$0x0] =	vst.idx.add.f32.msk $0xffff, v21  }
0x3fb: {  	[tilespmem:v36+s13+$0x0] =	vst.idx.add.f32.msk $0xffff, v21  }
0x3fc: {  	_ =	sdelay $0x3  }
0x3fd: {  	[tilespmem:v22+s13+$0x0] =	vst.idx.add.f32.msk $0xffff, v21  }
0x3fe: {  	v22 =	vld [tilespmem:$0x6100]  }
0x3ff: {  	v23 =	vld [tilespmem:$0x6110];
	_ =	sdelay $0x6  }
0x400: {  	[tilespmem:v22+s13+$0x0] =	vst.idx.add.f32.msk $0xffff, v21  }
0x401: {  	s0 =	rddreg [dreg:$0x17];
	[tilespmem:v23+s13+$0x0] =	vst.idx.add.f32.msk $0xffff, v21  }
0x402: {  	[hbm4b:s0+s9] =	stream.strided.scatter [tilespmem:s13], [sflag:$0x2], $0x2C00, s10, s9, $0x38;
	[tilespmem:$0x16280] =	vst v63  }
0x403: {  	s2 =	rddreg [dreg:$0x18]  }
0x404: {  	[hbm4b:s2+s9] =	stream.strided.scatter [tilespmem:s14], [sflag:$0x3], $0x2C00, s10, s9, $0x38;
	[tilespmem:$0x16280] =	vst v63  }
0x405: {  	s2 =	rddreg [dreg:$0x19]  }
0x406: {  	[hbm4b:s2+s9] =	stream.strided.scatter [tilespmem:s15], [sflag:$0x4], $0x2C00, s10, s9, $0x38;
	[tilespmem:$0x16280] =	vst v63  }
0x407: {  	s2 =	rddreg [dreg:$0x1a]  }
0x408: {  	[hbm4b:s2+s9] =	stream.strided.scatter [tilespmem:s16], [sflag:$0x5], $0x2C00, s10, s9, $0x38;
	[tilespmem:$0x16280] =	vst v63  }
0x409: {  	s2 =	rddreg [dreg:$0x1b]  }
0x40a: {  	[hbm4b:s2+s9] =	stream.strided.scatter [tilespmem:s17], [sflag:$0x6], $0x1C00, s10, s9, $0x38;
	[tilespmem:$0x16280] =	vst v63  }
0x40b: {  	s2 =	rddreg [dreg:$0x1c]  }
0x40c: {  	[hbm4b:s2+s9] =	stream.strided.scatter [tilespmem:s18], [sflag:$0x7], $0x1C00, s10, s9, $0x38;
	[tilespmem:$0x16280] =	vst v63  }
0x40d: {  	s2 =	rddreg [dreg:$0x1d]  }
0x40e: {  	[hbm4b:s2+s9] =	stream.strided.scatter [tilespmem:s19], [sflag:$0x8], $0x1000, s10, s9, $0x38;
	[tilespmem:$0x16280] =	vst v63  }
0x40f: {  	s2 =	rddreg [dreg:$0x1e]  }
0x410: {  	[hbm4b:s2+s9] =	stream.strided.scatter [tilespmem:s20], [sflag:$0x9], $0x800, s10, s9, $0x38;
	[tilespmem:$0x16280] =	vst v63  }
0x411: {  	_ =	swait.ge [sflag:s11], $0x2000  }
0x412: {  	[sflag:s11] =	ssyncset.done $0x0  }
0x413: {  	[sflag:s11] =	ssyncadd.s32 $0xFFFFE000  }
0x414: {  	v22 =	vld.idx.msk [tilespmem:v0+s12+$0x0], $0xffff  }
0x415: {  	v23 =	vld.idx.msk [tilespmem:v3+s12+$0x0], $0xffff  }
0x416: {  	v24 =	vld.idx.msk [tilespmem:v4+s12+$0x0], $0xffff  }
0x417: {  	v25 =	vld.idx.msk [tilespmem:v5+s12+$0x0], $0xffff  }
0x418: {  	v26 =	vld.idx.msk [tilespmem:v6+s12+$0x0], $0xffff  }
0x419: {  	v27 =	vld.idx.msk [tilespmem:v7+s12+$0x0], $0xffff  }
0x41a: {  	v28 =	vld.idx.msk [tilespmem:v10+s12+$0x0], $0xffff  }
0x41b: {  	v29 =	vld.idx.msk [tilespmem:v11+s12+$0x0], $0xffff  }
0x41c: {  	v30 =	vld.idx.msk [tilespmem:v8+s12+$0x0], $0xffff  }
0x41d: {  	v31 =	vld.idx.msk [tilespmem:v13+s12+$0x0], $0xffff  }
0x41e: {  	v32 =	vld.idx.msk [tilespmem:v12+s12+$0x0], $0xffff;
	v22 =	vshll.u32 v22, $0x6;
	v23 =	vshll.u32 v23, $0x4  }
0x41f: {  	v60 =	vld.idx.msk [tilespmem:v15+s12+$0x0], $0xffff;
	v22 =	vadd.s32 v22, v23  }
0x420: {  	v22 =	vadd.s32 v25, v22;
	v25 =	vld.idx.msk [tilespmem:v14+s12+$0x0], $0xffff  }
0x421: {  	v61 =	vld.idx.msk [tilespmem:v17+s12+$0x0], $0xffff;
	v28 =	vshll.u32 v28, $0x6;
	v29 =	vshll.u32 v29, $0x4  }
0x422: {  	v24 =	vshll.u32 v24, $0xA;
	v23 =	vld.idx.msk [tilespmem:v9+s12+$0x0], $0xffff;
	v28 =	vadd.s32 v28, v29;
	v22 =	vshll.u32 v22, $0x8  }
0x423: {  	v26 =	vshll.u32 v26, $0x6;
	v28 =	vadd.s32 v31, v28;
	v22 =	vadd.s32 v22, v24;
	v24 =	vld.idx.msk [tilespmem:v16+s12+$0x0], $0xffff  }
0x424: {  	v32 =	vshll.u32 v32, $0xA;
	v27 =	vshll.u32 v27, $0x4;
	v28 =	vshll.u32 v28, $0x8  }
0x425: {  	v22 =	vadd.s32 v26, v22;
	v26 =	vadd.s32 v28, v32;
	v25 =	vshll.u32 v25, $0x6  }
0x426: {  	v22 =	vadd.s32 v27, v22;
	v27 =	vshll.u32 v60, $0x4;
	v25 =	vadd.s32 v25, v26  }
0x427: {  	s2 =	simm.s32 $0x0;
	v62 =	vshll.u32 v30, $0x2;
	v22 =	vadd.s32 v23, v22;
	v23 =	vadd.s32 v27, v25  }
0x428: {  	v25 =	vadd.s32 s2, v20;
	v24 =	vshll.u32 v24, $0x2;
	v23 =	vadd.s32 v61, v23  }
0x429: {  	v26 =	vmov s2;
	v23 =	vadd.s32 v24, v23;
	v24 =	vadd.s32 s2, v19  }
0x42a: {  	s31 =	simm.s32 $0x5110;
	v27 =	vadd.s32 v62, v22;
	vm0 =	vlt.u32 v26, v18  }
0x42b: {  	[tilespmem:s31+$0xFFFFEFF0] =	vst v27;
	v22 =	vnsel vm0, $0x10000, v23  }
0x42c: {  	[tilespmem:s31+$0x0] =	vst v22  }
0x42d: {  	v26 =	vld.idx.msk [tilespmem:v25+s12+$0x0], $0xffff  }
0x42e: {  	v24 =	vld.idx.msk [tilespmem:v24+s12+$0x0], $0xffff;
	_ =	sdelay $0x1  }
0x42f: {  	s0 =	simm.s32 $0x1  }
0x430: {  	v63 =	vshll.u32 v23, $0x2;
	v23 =	vadd.s32 s0, v20  }
0x431: {  	s2 =	simm.s32 $0x2;
	v22 =	vmov s0;
	v25 =	vshll.u32 v27, $0x2;
	v26 =	vadd.s32 v63, v26  }
.LBB2_48:
0x432: {  	p0 =	sne.s32 s2, $0x100;
	v27 =	vadd.s32 s0, v19;
	v24 =	vadd.s32 v25, v24;
	v25 =	vand.u32 $0xFFFF, v26;
	s0 =	smov.u32 s2  }
0x433: {  	vm0 =	vlt.u32 v22, v18;
	s31 =	sadd.s32 $0x10, s31;
	v26 =	vand.u32 $0xFFFF, v24  }
0x434: {  	v22 =	vnsel vm0, $0x10000, v25;
	[tilespmem:s31+$0xFFFFEFF0] =	vst v26  }
0x435: {  	[tilespmem:s31+$0x0] =	vst v22  }
0x436: {  	v28 =	vld.idx.msk [tilespmem:v23+s12+$0x0], $0xffff  }
0x437: {  	v24 =	vld.idx.msk [tilespmem:v27+s12+$0x0], $0xffff  }
.Ltmp23:
0x438: {  	(pc) =	sbr.rel @p0 .LBB2_48-.Ltmp23, $3  }
0x439: {  	_ =	sdelay $0x1  }
0x43a: {  	v22 =	vmov s2;
	v27 =	vshll.u32 v25, $0x2  }
0x43b: {  	s2 =	sadd.s32 $0x1, s2;
	v23 =	vadd.s32 s0, v20;
	v25 =	vshll.u32 v26, $0x2;
	v26 =	vadd.s32 v27, v28  }
0x43c: {  	v23 =	vadd.s32 v25, v24  }
0x43d: {  	v63 =	vand.u32 $0xFFFF, v26;
	vm0 =	vlt.u32 v22, v18;
	s0 =	sadd.s32 $0x10, s31;
	v22 =	vand.u32 $0xFFFF, v23  }
0x43e: {  	[tilespmem:s0+$0xFFFFEFF0] =	vst v22;
	v22 =	vnsel vm0, $0x10000, v63  }
0x43f: {  	[tilespmem:s0+$0x0] =	vst v22  }
0x440: {  	_ =	swait.ge [sflag:s21], $0x2C00  }
0x441: {  	[sflag:s21] =	ssyncset.done $0x0  }
0x442: {  	s31 =	simm.s32 $0x0;
	s0 =	simm.s32 $0x400;
	[sflag:s21] =	ssyncadd.s32 $0xFFFFD400  }
.LBB2_50:
0x443: {  	p0 =	sne.s32 s0, $0xAC00;
	[tilespmem:s31+$0x6270] =	vst v2  }
0x444: {  	[tilespmem:s31+$0x6180] =	vst v2  }
0x445: {  	[tilespmem:s31+$0x6190] =	vst v2  }
0x446: {  	[tilespmem:s31+$0x61A0] =	vst v2  }
0x447: {  	[tilespmem:s31+$0x61B0] =	vst v2  }
0x448: {  	[tilespmem:s31+$0x61C0] =	vst v2  }
0x449: {  	[tilespmem:s31+$0x61D0] =	vst v2  }
0x44a: {  	[tilespmem:s31+$0x61E0] =	vst v2  }
0x44b: {  	[tilespmem:s31+$0x61F0] =	vst v2  }
0x44c: {  	[tilespmem:s31+$0x6200] =	vst v2  }
0x44d: {  	[tilespmem:s31+$0x6210] =	vst v2  }
.Ltmp24:
0x44e: {  	[tilespmem:s31+$0x6220] =	vst v2;
	(pc) =	sbr.rel @p0 .LBB2_50-.Ltmp24, $4  }
0x44f: {  	[tilespmem:s31+$0x6230] =	vst v2  }
0x450: {  	[tilespmem:s31+$0x6240] =	vst v2  }
0x451: {  	[tilespmem:s31+$0x6250] =	vst v2  }
0x452: {  	[tilespmem:s31+$0x6260] =	vst v2;
	s31 =	sshra.s32 s0, $0x2;
	s0 =	sadd.s32 $0x400, s0  }
0x453: {  	[tilespmem:s31+$0x6270] =	vst v2  }
0x454: {  	[tilespmem:s31+$0x6180] =	vst v2  }
0x455: {  	[tilespmem:s31+$0x6190] =	vst v2  }
0x456: {  	[tilespmem:s31+$0x61A0] =	vst v2  }
0x457: {  	[tilespmem:s31+$0x61B0] =	vst v2  }
0x458: {  	[tilespmem:s31+$0x61C0] =	vst v2  }
0x459: {  	[tilespmem:s31+$0x61D0] =	vst v2  }
0x45a: {  	[tilespmem:s31+$0x61E0] =	vst v2  }
0x45b: {  	[tilespmem:s31+$0x61F0] =	vst v2  }
0x45c: {  	[tilespmem:s31+$0x6200] =	vst v2  }
0x45d: {  	[tilespmem:s31+$0x6210] =	vst v2  }
0x45e: {  	[tilespmem:s31+$0x6220] =	vst v2  }
0x45f: {  	[tilespmem:s31+$0x6230] =	vst v2  }
0x460: {  	[tilespmem:s31+$0x6240] =	vst v2  }
0x461: {  	[tilespmem:s31+$0x6250] =	vst v2  }
0x462: {  	[tilespmem:s31+$0x6260] =	vst v2  }
0x463: {  	_ =	swait.ge [sflag:s22], $0x2C00  }
0x464: {  	[sflag:s22] =	ssyncset.done $0x0  }
0x465: {  	s31 =	simm.s32 $0x0;
	s0 =	simm.s32 $0x400;
	[sflag:s22] =	ssyncadd.s32 $0xFFFFD400  }
.LBB2_52:
0x466: {  	p0 =	sne.s32 s0, $0xAC00;
	[tilespmem:s31+$0x8E70] =	vst v2  }
0x467: {  	[tilespmem:s31+$0x8D80] =	vst v2  }
0x468: {  	[tilespmem:s31+$0x8D90] =	vst v2  }
0x469: {  	[tilespmem:s31+$0x8DA0] =	vst v2  }
0x46a: {  	[tilespmem:s31+$0x8DB0] =	vst v2  }
0x46b: {  	[tilespmem:s31+$0x8DC0] =	vst v2  }
0x46c: {  	[tilespmem:s31+$0x8DD0] =	vst v2  }
0x46d: {  	[tilespmem:s31+$0x8DE0] =	vst v2  }
0x46e: {  	[tilespmem:s31+$0x8DF0] =	vst v2  }
0x46f: {  	[tilespmem:s31+$0x8E00] =	vst v2  }
0x470: {  	[tilespmem:s31+$0x8E10] =	vst v2  }
.Ltmp25:
0x471: {  	[tilespmem:s31+$0x8E20] =	vst v2;
	(pc) =	sbr.rel @p0 .LBB2_52-.Ltmp25, $4  }
0x472: {  	[tilespmem:s31+$0x8E30] =	vst v2  }
0x473: {  	[tilespmem:s31+$0x8E40] =	vst v2  }
0x474: {  	[tilespmem:s31+$0x8E50] =	vst v2  }
0x475: {  	[tilespmem:s31+$0x8E60] =	vst v2;
	s31 =	sshra.s32 s0, $0x2;
	s0 =	sadd.s32 $0x400, s0  }
0x476: {  	[tilespmem:s31+$0x8E70] =	vst v2  }
0x477: {  	[tilespmem:s31+$0x8D80] =	vst v2  }
0x478: {  	[tilespmem:s31+$0x8D90] =	vst v2  }
0x479: {  	[tilespmem:s31+$0x8DA0] =	vst v2  }
0x47a: {  	[tilespmem:s31+$0x8DB0] =	vst v2  }
0x47b: {  	[tilespmem:s31+$0x8DC0] =	vst v2  }
0x47c: {  	[tilespmem:s31+$0x8DD0] =	vst v2  }
0x47d: {  	[tilespmem:s31+$0x8DE0] =	vst v2  }
0x47e: {  	[tilespmem:s31+$0x8DF0] =	vst v2  }
0x47f: {  	[tilespmem:s31+$0x8E00] =	vst v2  }
0x480: {  	[tilespmem:s31+$0x8E10] =	vst v2  }
0x481: {  	[tilespmem:s31+$0x8E20] =	vst v2  }
0x482: {  	[tilespmem:s31+$0x8E30] =	vst v2  }
0x483: {  	[tilespmem:s31+$0x8E40] =	vst v2  }
0x484: {  	[tilespmem:s31+$0x8E50] =	vst v2  }
0x485: {  	[tilespmem:s31+$0x8E60] =	vst v2  }
0x486: {  	_ =	swait.ge [sflag:s23], $0x2C00  }
0x487: {  	[sflag:s23] =	ssyncset.done $0x0  }
0x488: {  	s31 =	simm.s32 $0x0;
	s0 =	simm.s32 $0x400;
	[sflag:s23] =	ssyncadd.s32 $0xFFFFD400  }
.LBB2_54:
0x489: {  	p0 =	sne.s32 s0, $0xAC00;
	[tilespmem:s31+$0xBA70] =	vst v2  }
0x48a: {  	[tilespmem:s31+$0xB980] =	vst v2  }
0x48b: {  	[tilespmem:s31+$0xB990] =	vst v2  }
0x48c: {  	[tilespmem:s31+$0xB9A0] =	vst v2  }
0x48d: {  	[tilespmem:s31+$0xB9B0] =	vst v2  }
0x48e: {  	[tilespmem:s31+$0xB9C0] =	vst v2  }
0x48f: {  	[tilespmem:s31+$0xB9D0] =	vst v2  }
0x490: {  	[tilespmem:s31+$0xB9E0] =	vst v2  }
0x491: {  	[tilespmem:s31+$0xB9F0] =	vst v2  }
0x492: {  	[tilespmem:s31+$0xBA00] =	vst v2  }
0x493: {  	[tilespmem:s31+$0xBA10] =	vst v2  }
.Ltmp26:
0x494: {  	[tilespmem:s31+$0xBA20] =	vst v2;
	(pc) =	sbr.rel @p0 .LBB2_54-.Ltmp26, $4  }
0x495: {  	[tilespmem:s31+$0xBA30] =	vst v2  }
0x496: {  	[tilespmem:s31+$0xBA40] =	vst v2  }
0x497: {  	[tilespmem:s31+$0xBA50] =	vst v2  }
0x498: {  	[tilespmem:s31+$0xBA60] =	vst v2;
	s31 =	sshra.s32 s0, $0x2;
	s0 =	sadd.s32 $0x400, s0  }
0x499: {  	[tilespmem:s31+$0xBA70] =	vst v2  }
0x49a: {  	[tilespmem:s31+$0xB980] =	vst v2  }
0x49b: {  	[tilespmem:s31+$0xB990] =	vst v2  }
0x49c: {  	[tilespmem:s31+$0xB9A0] =	vst v2  }
0x49d: {  	[tilespmem:s31+$0xB9B0] =	vst v2  }
0x49e: {  	[tilespmem:s31+$0xB9C0] =	vst v2  }
0x49f: {  	[tilespmem:s31+$0xB9D0] =	vst v2  }
0x4a0: {  	[tilespmem:s31+$0xB9E0] =	vst v2  }
0x4a1: {  	[tilespmem:s31+$0xB9F0] =	vst v2  }
0x4a2: {  	[tilespmem:s31+$0xBA00] =	vst v2  }
0x4a3: {  	[tilespmem:s31+$0xBA10] =	vst v2  }
0x4a4: {  	[tilespmem:s31+$0xBA20] =	vst v2  }
0x4a5: {  	[tilespmem:s31+$0xBA30] =	vst v2  }
0x4a6: {  	[tilespmem:s31+$0xBA40] =	vst v2  }
0x4a7: {  	[tilespmem:s31+$0xBA50] =	vst v2  }
0x4a8: {  	[tilespmem:s31+$0xBA60] =	vst v2  }
0x4a9: {  	_ =	swait.ge [sflag:s24], $0x2C00  }
0x4aa: {  	[sflag:s24] =	ssyncset.done $0x0  }
0x4ab: {  	s31 =	simm.s32 $0x0;
	s0 =	simm.s32 $0x400;
	[sflag:s24] =	ssyncadd.s32 $0xFFFFD400  }
.LBB2_56:
0x4ac: {  	p0 =	sne.s32 s0, $0xAC00;
	[tilespmem:s31+$0xE670] =	vst v2  }
0x4ad: {  	[tilespmem:s31+$0xE580] =	vst v2  }
0x4ae: {  	[tilespmem:s31+$0xE590] =	vst v2  }
0x4af: {  	[tilespmem:s31+$0xE5A0] =	vst v2  }
0x4b0: {  	[tilespmem:s31+$0xE5B0] =	vst v2  }
0x4b1: {  	[tilespmem:s31+$0xE5C0] =	vst v2  }
0x4b2: {  	[tilespmem:s31+$0xE5D0] =	vst v2  }
0x4b3: {  	[tilespmem:s31+$0xE5E0] =	vst v2  }
0x4b4: {  	[tilespmem:s31+$0xE5F0] =	vst v2  }
0x4b5: {  	[tilespmem:s31+$0xE600] =	vst v2  }
0x4b6: {  	[tilespmem:s31+$0xE610] =	vst v2  }
.Ltmp27:
0x4b7: {  	[tilespmem:s31+$0xE620] =	vst v2;
	(pc) =	sbr.rel @p0 .LBB2_56-.Ltmp27, $4  }
0x4b8: {  	[tilespmem:s31+$0xE630] =	vst v2  }
0x4b9: {  	[tilespmem:s31+$0xE640] =	vst v2  }
0x4ba: {  	[tilespmem:s31+$0xE650] =	vst v2  }
0x4bb: {  	[tilespmem:s31+$0xE660] =	vst v2;
	s31 =	sshra.s32 s0, $0x2;
	s0 =	sadd.s32 $0x400, s0  }
0x4bc: {  	[tilespmem:s31+$0xE670] =	vst v2  }
0x4bd: {  	[tilespmem:s31+$0xE580] =	vst v2  }
0x4be: {  	[tilespmem:s31+$0xE590] =	vst v2  }
0x4bf: {  	[tilespmem:s31+$0xE5A0] =	vst v2  }
0x4c0: {  	[tilespmem:s31+$0xE5B0] =	vst v2  }
0x4c1: {  	[tilespmem:s31+$0xE5C0] =	vst v2  }
0x4c2: {  	[tilespmem:s31+$0xE5D0] =	vst v2  }
0x4c3: {  	[tilespmem:s31+$0xE5E0] =	vst v2  }
0x4c4: {  	[tilespmem:s31+$0xE5F0] =	vst v2  }
0x4c5: {  	[tilespmem:s31+$0xE600] =	vst v2  }
0x4c6: {  	[tilespmem:s31+$0xE610] =	vst v2  }
0x4c7: {  	[tilespmem:s31+$0xE620] =	vst v2  }
0x4c8: {  	[tilespmem:s31+$0xE630] =	vst v2  }
0x4c9: {  	[tilespmem:s31+$0xE640] =	vst v2  }
0x4ca: {  	[tilespmem:s31+$0xE650] =	vst v2  }
0x4cb: {  	[tilespmem:s31+$0xE660] =	vst v2  }
0x4cc: {  	_ =	swait.ge [sflag:s25], $0x1C00  }
0x4cd: {  	[sflag:s25] =	ssyncset.done $0x0  }
0x4ce: {  	s31 =	simm.s32 $0x0;
	s0 =	simm.s32 $0x400;
	[sflag:s25] =	ssyncadd.s32 $0xFFFFE400  }
.LBB2_58:
0x4cf: {  	p0 =	sne.s32 s0, $0x6C00;
	[tilespmem:s31+$0x11270] =	vst v2  }
0x4d0: {  	[tilespmem:s31+$0x11180] =	vst v2  }
0x4d1: {  	[tilespmem:s31+$0x11190] =	vst v2  }
0x4d2: {  	[tilespmem:s31+$0x111A0] =	vst v2  }
0x4d3: {  	[tilespmem:s31+$0x111B0] =	vst v2  }
0x4d4: {  	[tilespmem:s31+$0x111C0] =	vst v2  }
0x4d5: {  	[tilespmem:s31+$0x111D0] =	vst v2  }
0x4d6: {  	[tilespmem:s31+$0x111E0] =	vst v2  }
0x4d7: {  	[tilespmem:s31+$0x111F0] =	vst v2  }
0x4d8: {  	[tilespmem:s31+$0x11200] =	vst v2  }
0x4d9: {  	[tilespmem:s31+$0x11210] =	vst v2  }
.Ltmp28:
0x4da: {  	[tilespmem:s31+$0x11220] =	vst v2;
	(pc) =	sbr.rel @p0 .LBB2_58-.Ltmp28, $4  }
0x4db: {  	[tilespmem:s31+$0x11230] =	vst v2  }
0x4dc: {  	[tilespmem:s31+$0x11240] =	vst v2  }
0x4dd: {  	[tilespmem:s31+$0x11250] =	vst v2  }
0x4de: {  	[tilespmem:s31+$0x11260] =	vst v2;
	s31 =	sshra.s32 s0, $0x2;
	s0 =	sadd.s32 $0x400, s0  }
0x4df: {  	[tilespmem:s31+$0x11270] =	vst v2  }
0x4e0: {  	[tilespmem:s31+$0x11180] =	vst v2  }
0x4e1: {  	[tilespmem:s31+$0x11190] =	vst v2  }
0x4e2: {  	[tilespmem:s31+$0x111A0] =	vst v2  }
0x4e3: {  	[tilespmem:s31+$0x111B0] =	vst v2  }
0x4e4: {  	[tilespmem:s31+$0x111C0] =	vst v2  }
0x4e5: {  	[tilespmem:s31+$0x111D0] =	vst v2  }
0x4e6: {  	[tilespmem:s31+$0x111E0] =	vst v2  }
0x4e7: {  	[tilespmem:s31+$0x111F0] =	vst v2  }
0x4e8: {  	[tilespmem:s31+$0x11200] =	vst v2  }
0x4e9: {  	[tilespmem:s31+$0x11210] =	vst v2  }
0x4ea: {  	[tilespmem:s31+$0x11220] =	vst v2  }
0x4eb: {  	[tilespmem:s31+$0x11230] =	vst v2  }
0x4ec: {  	[tilespmem:s31+$0x11240] =	vst v2  }
0x4ed: {  	[tilespmem:s31+$0x11250] =	vst v2  }
0x4ee: {  	[tilespmem:s31+$0x11260] =	vst v2  }
0x4ef: {  	_ =	swait.ge [sflag:s26], $0x1C00  }
0x4f0: {  	[sflag:s26] =	ssyncset.done $0x0  }
0x4f1: {  	s31 =	simm.s32 $0x0;
	s0 =	simm.s32 $0x400;
	[sflag:s26] =	ssyncadd.s32 $0xFFFFE400  }
.LBB2_60:
0x4f2: {  	p0 =	sne.s32 s0, $0x6C00;
	[tilespmem:s31+$0x12E70] =	vst v2  }
0x4f3: {  	[tilespmem:s31+$0x12D80] =	vst v2  }
0x4f4: {  	[tilespmem:s31+$0x12D90] =	vst v2  }
0x4f5: {  	[tilespmem:s31+$0x12DA0] =	vst v2  }
0x4f6: {  	[tilespmem:s31+$0x12DB0] =	vst v2  }
0x4f7: {  	[tilespmem:s31+$0x12DC0] =	vst v2  }
0x4f8: {  	[tilespmem:s31+$0x12DD0] =	vst v2  }
0x4f9: {  	[tilespmem:s31+$0x12DE0] =	vst v2  }
0x4fa: {  	[tilespmem:s31+$0x12DF0] =	vst v2  }
0x4fb: {  	[tilespmem:s31+$0x12E00] =	vst v2  }
0x4fc: {  	[tilespmem:s31+$0x12E10] =	vst v2  }
.Ltmp29:
0x4fd: {  	[tilespmem:s31+$0x12E20] =	vst v2;
	(pc) =	sbr.rel @p0 .LBB2_60-.Ltmp29, $4  }
0x4fe: {  	[tilespmem:s31+$0x12E30] =	vst v2  }
0x4ff: {  	[tilespmem:s31+$0x12E40] =	vst v2  }
0x500: {  	[tilespmem:s31+$0x12E50] =	vst v2  }
0x501: {  	[tilespmem:s31+$0x12E60] =	vst v2;
	s31 =	sshra.s32 s0, $0x2;
	s0 =	sadd.s32 $0x400, s0  }
0x502: {  	[tilespmem:s31+$0x12E70] =	vst v2  }
0x503: {  	[tilespmem:s31+$0x12D80] =	vst v2  }
0x504: {  	[tilespmem:s31+$0x12D90] =	vst v2  }
0x505: {  	[tilespmem:s31+$0x12DA0] =	vst v2  }
0x506: {  	[tilespmem:s31+$0x12DB0] =	vst v2  }
0x507: {  	[tilespmem:s31+$0x12DC0] =	vst v2  }
0x508: {  	[tilespmem:s31+$0x12DD0] =	vst v2  }
0x509: {  	[tilespmem:s31+$0x12DE0] =	vst v2  }
0x50a: {  	[tilespmem:s31+$0x12DF0] =	vst v2  }
0x50b: {  	[tilespmem:s31+$0x12E00] =	vst v2  }
0x50c: {  	[tilespmem:s31+$0x12E10] =	vst v2  }
0x50d: {  	[tilespmem:s31+$0x12E20] =	vst v2  }
0x50e: {  	[tilespmem:s31+$0x12E30] =	vst v2  }
0x50f: {  	[tilespmem:s31+$0x12E40] =	vst v2  }
0x510: {  	[tilespmem:s31+$0x12E50] =	vst v2  }
0x511: {  	[tilespmem:s31+$0x12E60] =	vst v2  }
0x512: {  	_ =	swait.ge [sflag:s28], $0x1000  }
0x513: {  	[sflag:s28] =	ssyncset.done $0x0  }
0x514: {  	s31 =	simm.s32 $0x0;
	s0 =	simm.s32 $0x400;
	[sflag:s28] =	ssyncadd.s32 $0xFFFFF000  }
.LBB2_62:
0x515: {  	p0 =	sne.s32 s0, $0x3C00;
	[tilespmem:s31+$0x14A70] =	vst v2  }
0x516: {  	[tilespmem:s31+$0x14980] =	vst v2  }
0x517: {  	[tilespmem:s31+$0x14990] =	vst v2  }
0x518: {  	[tilespmem:s31+$0x149A0] =	vst v2  }
0x519: {  	[tilespmem:s31+$0x149B0] =	vst v2  }
0x51a: {  	[tilespmem:s31+$0x149C0] =	vst v2  }
0x51b: {  	[tilespmem:s31+$0x149D0] =	vst v2  }
0x51c: {  	[tilespmem:s31+$0x149E0] =	vst v2  }
0x51d: {  	[tilespmem:s31+$0x149F0] =	vst v2  }
0x51e: {  	[tilespmem:s31+$0x14A00] =	vst v2  }
0x51f: {  	[tilespmem:s31+$0x14A10] =	vst v2  }
.Ltmp30:
0x520: {  	[tilespmem:s31+$0x14A20] =	vst v2;
	(pc) =	sbr.rel @p0 .LBB2_62-.Ltmp30, $4  }
0x521: {  	[tilespmem:s31+$0x14A30] =	vst v2  }
0x522: {  	[tilespmem:s31+$0x14A40] =	vst v2  }
0x523: {  	[tilespmem:s31+$0x14A50] =	vst v2  }
0x524: {  	[tilespmem:s31+$0x14A60] =	vst v2;
	s31 =	sshra.s32 s0, $0x2;
	s0 =	sadd.s32 $0x400, s0  }
0x525: {  	[tilespmem:s31+$0x14A70] =	vst v2  }
0x526: {  	[tilespmem:s31+$0x14980] =	vst v2  }
0x527: {  	[tilespmem:s31+$0x14990] =	vst v2  }
0x528: {  	[tilespmem:s31+$0x149A0] =	vst v2  }
0x529: {  	[tilespmem:s31+$0x149B0] =	vst v2  }
0x52a: {  	[tilespmem:s31+$0x149C0] =	vst v2  }
0x52b: {  	[tilespmem:s31+$0x149D0] =	vst v2  }
0x52c: {  	[tilespmem:s31+$0x149E0] =	vst v2  }
0x52d: {  	[tilespmem:s31+$0x149F0] =	vst v2  }
0x52e: {  	[tilespmem:s31+$0x14A00] =	vst v2  }
0x52f: {  	[tilespmem:s31+$0x14A10] =	vst v2  }
0x530: {  	[tilespmem:s31+$0x14A20] =	vst v2  }
0x531: {  	[tilespmem:s31+$0x14A30] =	vst v2  }
0x532: {  	[tilespmem:s31+$0x14A40] =	vst v2  }
0x533: {  	[tilespmem:s31+$0x14A50] =	vst v2  }
0x534: {  	[tilespmem:s31+$0x14A60] =	vst v2  }
0x535: {  	_ =	swait.ge [sflag:s29], $0x800  }
0x536: {  	[sflag:s29] =	ssyncset.done $0x0  }
0x537: {  	s31 =	simm.s32 $0x0;
	s0 =	simm.s32 $0x400;
	[sflag:s29] =	ssyncadd.s32 $0xFFFFF800  }
.LBB2_64:
0x538: {  	p0 =	sne.s32 s0, $0x2000;
	[tilespmem:s31+$0x15A70] =	vst v2  }
0x539: {  	[tilespmem:s31+$0x15980] =	vst v2  }
0x53a: {  	[tilespmem:s31+$0x15990] =	vst v2  }
0x53b: {  	[tilespmem:s31+$0x159A0] =	vst v2  }
0x53c: {  	[tilespmem:s31+$0x159B0] =	vst v2  }
0x53d: {  	[tilespmem:s31+$0x159C0] =	vst v2  }
0x53e: {  	[tilespmem:s31+$0x159D0] =	vst v2  }
0x53f: {  	[tilespmem:s31+$0x159E0] =	vst v2  }
0x540: {  	[tilespmem:s31+$0x159F0] =	vst v2  }
0x541: {  	[tilespmem:s31+$0x15A00] =	vst v2  }
0x542: {  	[tilespmem:s31+$0x15A10] =	vst v2  }
.Ltmp31:
0x543: {  	[tilespmem:s31+$0x15A20] =	vst v2;
	(pc) =	sbr.rel @p0 .LBB2_64-.Ltmp31, $4  }
0x544: {  	[tilespmem:s31+$0x15A30] =	vst v2  }
0x545: {  	[tilespmem:s31+$0x15A40] =	vst v2  }
0x546: {  	[tilespmem:s31+$0x15A50] =	vst v2  }
0x547: {  	[tilespmem:s31+$0x15A60] =	vst v2;
	s31 =	sshra.s32 s0, $0x2;
	s0 =	sadd.s32 $0x400, s0  }
0x548: {  	[tilespmem:s31+$0x15A70] =	vst v2  }
0x549: {  	[tilespmem:s31+$0x15980] =	vst v2  }
0x54a: {  	[tilespmem:s31+$0x15990] =	vst v2  }
0x54b: {  	[tilespmem:s31+$0x159A0] =	vst v2  }
0x54c: {  	[tilespmem:s31+$0x159B0] =	vst v2  }
0x54d: {  	[tilespmem:s31+$0x159C0] =	vst v2  }
0x54e: {  	[tilespmem:s31+$0x159D0] =	vst v2  }
0x54f: {  	[tilespmem:s31+$0x159E0] =	vst v2  }
0x550: {  	[tilespmem:s31+$0x159F0] =	vst v2  }
0x551: {  	[tilespmem:s31+$0x15A00] =	vst v2  }
0x552: {  	[tilespmem:s31+$0x15A10] =	vst v2  }
0x553: {  	[tilespmem:s31+$0x15A20] =	vst v2  }
0x554: {  	[tilespmem:s31+$0x15A30] =	vst v2  }
0x555: {  	[tilespmem:s31+$0x15A40] =	vst v2  }
0x556: {  	[tilespmem:s31+$0x15A50] =	vst v2  }
0x557: {  	[tilespmem:s31+$0x15A60] =	vst v2;
	s0 =	simm.s32 $0x0  }
0x558: {  	v22 =	vld [tilespmem:s0+$0x41F0]  }
0x559: {  	v23 =	vld [tilespmem:s0+$0x4150]  }
0x55a: {  	v24 =	vld [tilespmem:s0+$0x41D0]  }
0x55b: {  	v25 =	vld [tilespmem:s0+$0x41B0]  }
0x55c: {  	v26 =	vld [tilespmem:s0+$0x4130]  }
0x55d: {  	v27 =	vld [tilespmem:s0+$0x4140]  }
0x55e: {  	v28 =	vld [tilespmem:s0+$0x4110]  }
0x55f: {  	v29 =	vld [tilespmem:s0+$0x4120]  }
0x560: {  	v30 =	vld [tilespmem:s0+$0x4100]  }
0x561: {  	v31 =	vld [tilespmem:s0+$0x4190]  }
0x562: {  	v32 =	vld [tilespmem:s0+$0x4160]  }
0x563: {  	v33 =	vld [tilespmem:s0+$0x4170]  }
0x564: {  	v34 =	vld [tilespmem:s0+$0x41C0]  }
0x565: {  	v35 =	vld [tilespmem:s0+$0x4180]  }
0x566: {  	v36 =	vld [tilespmem:s0+$0x41E0]  }
0x567: {  	v37 =	vld [tilespmem:s0+$0x41A0]  }
0x568: {  	[tilespmem:v30+s13+$0x0] =	vst.idx.add.f32.msk $0xffff, v21  }
0x569: {  	[tilespmem:v28+s13+$0x0] =	vst.idx.add.f32.msk $0xffff, v21  }
0x56a: {  	[tilespmem:v29+s13+$0x0] =	vst.idx.add.f32.msk $0xffff, v21  }
0x56b: {  	[tilespmem:v26+s13+$0x0] =	vst.idx.add.f32.msk $0xffff, v21  }
0x56c: {  	[tilespmem:v27+s13+$0x0] =	vst.idx.add.f32.msk $0xffff, v21  }
0x56d: {  	[tilespmem:v23+s13+$0x0] =	vst.idx.add.f32.msk $0xffff, v21  }
0x56e: {  	[tilespmem:v32+s13+$0x0] =	vst.idx.add.f32.msk $0xffff, v21  }
0x56f: {  	[tilespmem:v33+s13+$0x0] =	vst.idx.add.f32.msk $0xffff, v21  }
0x570: {  	[tilespmem:v35+s13+$0x0] =	vst.idx.add.f32.msk $0xffff, v21  }
0x571: {  	[tilespmem:v31+s13+$0x0] =	vst.idx.add.f32.msk $0xffff, v21  }
0x572: {  	[tilespmem:v37+s13+$0x0] =	vst.idx.add.f32.msk $0xffff, v21  }
0x573: {  	[tilespmem:v25+s13+$0x0] =	vst.idx.add.f32.msk $0xffff, v21  }
0x574: {  	[tilespmem:v34+s13+$0x0] =	vst.idx.add.f32.msk $0xffff, v21  }
0x575: {  	[tilespmem:v24+s13+$0x0] =	vst.idx.add.f32.msk $0xffff, v21  }
0x576: {  	s31 =	simm.s32 $0x400;
	[tilespmem:v36+s13+$0x0] =	vst.idx.add.f32.msk $0xffff, v21  }
.LBB2_66:
0x577: {  	s0 =	sshra.s32 s31, $0x2;
	p0 =	sne.s32 s31, $0x7C00;
	s31 =	sadd.s32 $0x400, s31;
	[tilespmem:v22+s13+$0x0] =	vst.idx.add.f32.msk $0xffff, v21  }
0x578: {  	v22 =	vld [tilespmem:s0+$0x41F0]  }
0x579: {  	v23 =	vld [tilespmem:s0+$0x4150]  }
0x57a: {  	v24 =	vld [tilespmem:s0+$0x41D0]  }
0x57b: {  	v25 =	vld [tilespmem:s0+$0x41B0]  }
0x57c: {  	v26 =	vld [tilespmem:s0+$0x4130]  }
0x57d: {  	v27 =	vld [tilespmem:s0+$0x4140]  }
0x57e: {  	v28 =	vld [tilespmem:s0+$0x4110]  }
0x57f: {  	v29 =	vld [tilespmem:s0+$0x4120]  }
0x580: {  	v30 =	vld [tilespmem:s0+$0x4100]  }
0x581: {  	v31 =	vld [tilespmem:s0+$0x4190]  }
0x582: {  	v32 =	vld [tilespmem:s0+$0x4160]  }
0x583: {  	v33 =	vld [tilespmem:s0+$0x4170]  }
0x584: {  	v34 =	vld [tilespmem:s0+$0x41C0]  }
0x585: {  	v35 =	vld [tilespmem:s0+$0x4180]  }
0x586: {  	v36 =	vld [tilespmem:s0+$0x41E0]  }
0x587: {  	v37 =	vld [tilespmem:s0+$0x41A0]  }
0x588: {  	[tilespmem:v30+s13+$0x0] =	vst.idx.add.f32.msk $0xffff, v21  }
0x589: {  	[tilespmem:v28+s13+$0x0] =	vst.idx.add.f32.msk $0xffff, v21  }
0x58a: {  	[tilespmem:v29+s13+$0x0] =	vst.idx.add.f32.msk $0xffff, v21  }
0x58b: {  	[tilespmem:v26+s13+$0x0] =	vst.idx.add.f32.msk $0xffff, v21  }
0x58c: {  	[tilespmem:v27+s13+$0x0] =	vst.idx.add.f32.msk $0xffff, v21  }
0x58d: {  	[tilespmem:v23+s13+$0x0] =	vst.idx.add.f32.msk $0xffff, v21  }
0x58e: {  	[tilespmem:v32+s13+$0x0] =	vst.idx.add.f32.msk $0xffff, v21  }
0x58f: {  	[tilespmem:v33+s13+$0x0] =	vst.idx.add.f32.msk $0xffff, v21  }
0x590: {  	[tilespmem:v35+s13+$0x0] =	vst.idx.add.f32.msk $0xffff, v21  }
0x591: {  	[tilespmem:v31+s13+$0x0] =	vst.idx.add.f32.msk $0xffff, v21  }
.Ltmp32:
0x592: {  	[tilespmem:v37+s13+$0x0] =	vst.idx.add.f32.msk $0xffff, v21;
	(pc) =	sbr.rel @p0 .LBB2_66-.Ltmp32, $4  }
0x593: {  	[tilespmem:v25+s13+$0x0] =	vst.idx.add.f32.msk $0xffff, v21  }
0x594: {  	[tilespmem:v34+s13+$0x0] =	vst.idx.add.f32.msk $0xffff, v21  }
0x595: {  	[tilespmem:v24+s13+$0x0] =	vst.idx.add.f32.msk $0xffff, v21  }
0x596: {  	[tilespmem:v36+s13+$0x0] =	vst.idx.add.f32.msk $0xffff, v21  }
0x597: {  	_ =	sdelay $0x3  }
0x598: {  	[tilespmem:v22+s13+$0x0] =	vst.idx.add.f32.msk $0xffff, v21  }
0x599: {  	v22 =	vld [tilespmem:$0x6100]  }
0x59a: {  	v23 =	vld [tilespmem:$0x6110];
	_ =	sdelay $0x6  }
0x59b: {  	s0 =	rddreg [dreg:$0x1f];
	[tilespmem:v22+s13+$0x0] =	vst.idx.add.f32.msk $0xffff, v21  }
0x59c: {  	s2 =	sld [smem:$0x7FC];
	[tilespmem:v23+s13+$0x0] =	vst.idx.add.f32.msk $0xffff, v21  }
0x59d: {  	[hbm4b:s0+s9] =	stream.strided.scatter [tilespmem:s13], [sflag:$0x2], $0x2C00, s10, s9, $0x38;
	[tilespmem:$0x16280] =	vst v63  }
0x59e: {  	s31 =	sld [smem:$0x7FD]  }
0x59f: {  	[hbm4b:s2+s9] =	stream.strided.scatter [tilespmem:s14], [sflag:$0x3], $0x2C00, s10, s9, $0x38;
	[tilespmem:$0x16280] =	vst v63  }
0x5a0: {  	_ = 	snop  }
0x5a1: {  	[hbm4b:s31+s9] =	stream.strided.scatter [tilespmem:s15], [sflag:$0x4], $0x2C00, s10, s9, $0x38;
	[tilespmem:$0x16280] =	vst v63  }
0x5a2: {  	_ = 	snop  }
0x5a3: {  	[hbm4b:s3+s9] =	stream.strided.scatter [tilespmem:s16], [sflag:$0x5], $0x2C00, s10, s9, $0x38;
	[tilespmem:$0x16280] =	vst v63  }
0x5a4: {  	_ = 	snop  }
0x5a5: {  	[hbm4b:s4+s9] =	stream.strided.scatter [tilespmem:s17], [sflag:$0x6], $0x1C00, s10, s9, $0x38;
	[tilespmem:$0x16280] =	vst v63  }
0x5a6: {  	_ = 	snop  }
0x5a7: {  	[hbm4b:s5+s9] =	stream.strided.scatter [tilespmem:s18], [sflag:$0x7], $0x1C00, s10, s9, $0x38;
	[tilespmem:$0x16280] =	vst v63  }
0x5a8: {  	_ = 	snop  }
0x5a9: {  	[hbm4b:s6+s9] =	stream.strided.scatter [tilespmem:s19], [sflag:$0x8], $0x1000, s10, s9, $0x38;
	[tilespmem:$0x16280] =	vst v63  }
0x5aa: {  	_ = 	snop  }
0x5ab: {  	[hbm4b:s7+s9] =	stream.strided.scatter [tilespmem:s20], [sflag:$0x9], $0x800, s10, s9, $0x38;
	[tilespmem:$0x16280] =	vst v63  }
0x5ac: {  	_ =	swait.ge [sflag:s21], $0x2C00  }
0x5ad: {  	[sflag:s21] =	ssyncset.done $0x0  }
0x5ae: {  	[sflag:s21] =	ssyncadd.s32 $0xFFFFD400  }
0x5af: {  	_ =	swait.ge [sflag:s22], $0x2C00  }
0x5b0: {  	[sflag:s22] =	ssyncset.done $0x0  }
0x5b1: {  	[sflag:s22] =	ssyncadd.s32 $0xFFFFD400  }
0x5b2: {  	_ =	swait.ge [sflag:s23], $0x2C00  }
0x5b3: {  	[sflag:s23] =	ssyncset.done $0x0  }
0x5b4: {  	[sflag:s23] =	ssyncadd.s32 $0xFFFFD400  }
0x5b5: {  	_ =	swait.ge [sflag:s24], $0x2C00  }
0x5b6: {  	[sflag:s24] =	ssyncset.done $0x0  }
0x5b7: {  	[sflag:s24] =	ssyncadd.s32 $0xFFFFD400  }
0x5b8: {  	_ =	swait.ge [sflag:s25], $0x1C00  }
0x5b9: {  	[sflag:s25] =	ssyncset.done $0x0  }
0x5ba: {  	[sflag:s25] =	ssyncadd.s32 $0xFFFFE400  }
0x5bb: {  	_ =	swait.ge [sflag:s26], $0x1C00  }
0x5bc: {  	[sflag:s26] =	ssyncset.done $0x0  }
0x5bd: {  	s30 =	sadd.s32 $0x1, s30;
	[sflag:s26] =	ssyncadd.s32 $0xFFFFE400  }
0x5be: {  	p0 =	sne.s32 s30, s8;
	_ =	swait.ge [sflag:s28], $0x1000  }
.Ltmp33:
0x5bf: {  	[sflag:s28] =	ssyncset.done $0x0;
	(pc) =	sbr.rel @p0 .LBB2_1-.Ltmp33, $4  }
0x5c0: {  	[sflag:s28] =	ssyncadd.s32 $0xFFFFF000  }
0x5c1: {  	_ =	swait.ge [sflag:s29], $0x800  }
0x5c2: {  	[sflag:s29] =	ssyncset.done $0x0  }
0x5c3: {  	[sflag:s29] =	ssyncadd.s32 $0xFFFFF800  }
0x5c4: {  	_ =	sfence.sel $0x180000  }
0x5c5: {  	[bflag:$0x0] =	sbarrier.arrive $0xFFFF  }
0x5c6: {  	_ =	strace $0x90000047  }
0x5c7: {  	s0 =	stileid.u32;
	[bflag:$0x2] =	sbarrier.arrive $0xFFFF  }
0x5c8: {  	p0 =	sne.s32 s0, $0x0;
	s0 =	rddreg [dreg:$0x2]  }
0x5c9: {  	s0 =	sadd.s32 @!p0 $0x100000, s0  }
0x5ca: {  	[sflag:s0] =	ssyncadd.tile.s32 @!p0 $0x1;
	_ =	shalt  }
.Lfunc_end2:
_tile_overlayer_lowered:
.L_overlay_start_2:
0x5cb: {  	(tag) =	ssettag $0x2  }
0x5cc: {  	s0 =	rddreg [dreg:$0x0];
	s2 =	stileid.u32  }
0x5cd: {  	s1 =	rddreg [dreg:$0x1];
	p0 =	sne.s32 s2, $0x0  }
0x5ce: {  	s3 =	rddreg [dreg:$0x2];
	[bflag:$0x3] =	sbarrier.arrive $0xFFFF;
	s2 =	simm.s32 @!p0 $0x1C0A  }
0x5cf: {  	[timem:s3], [sflag:s2] =	dma.local @!p0 [hbm:s0], s1  }
0x5d0: {  	s0 =	simm.s32 @!p0 $0xA  }
0x5d1: {  	_ =	swait.ge @!p0 [sflag:s0], s1  }
0x5d2: {  	s1 =	ssub.s32 @!p0 $0x0, s1;
	[sflag:s0] =	ssyncset.done @!p0 $0x0  }
0x5d3: {  	[sflag:s0] =	ssyncadd.s32 @!p0 s1  }
0x5d4: {  	[bflag:$0x3] =	sbarrier.arrive $0xFFFF  }
0x5d5: {  	_ =	shalt  }

</sc_bundles>
